<compile_context>
chip_gen: v7x
topology: tpu7x:2x2x1
jax: 0.10.2.dev20260603
libtpu: 0.0.44.dev20260713+nightly
codegen_flags: <defaults>
</compile_context>

<pallas_src>
import functools

import jax
import jax.numpy as jnp
from jax import lax
from jax.experimental import pallas as pl
from jax.experimental.pallas import tpu as pltpu
from jax.experimental.pallas import tpu_sc as plsc

F32 = jnp.float32
EPS = 1e-5

NC, NS = 2, 16
NW = NC * NS



def _node_proj_body(x_ref, w_ref, wf1_ref, v_ref, o_ref):
    h = jnp.dot(x_ref[...], w_ref[...], preferred_element_type=F32)
    h = h + v_ref[0:1, :]
    m = jnp.mean(h, axis=-1, keepdims=True)
    hc = h - m
    var = jnp.mean(hc * hc, axis=-1, keepdims=True)
    y = hc * lax.rsqrt(var + EPS) * v_ref[1:2, :] + v_ref[2:3, :]
    o_ref[...] = jnp.dot(y, wf1_ref[...], preferred_element_type=F32)


def _node_proj(node_feats, W_np, Wf1, b_np, g_np, be_np):
    n, k = node_feats.shape
    blk = 2000
    grid = n // blk
    vecs = jnp.concatenate(
        [b_np[None], g_np[None], be_np[None], jnp.zeros((5, 128), F32)], axis=0
    )
    return pl.pallas_call(
        _node_proj_body,
        grid=(grid,),
        in_specs=[
            pl.BlockSpec((blk, k), lambda i: (i, 0)),
            pl.BlockSpec((k, 128), lambda i: (0, 0)),
            pl.BlockSpec((128, 128), lambda i: (0, 0)),
            pl.BlockSpec((8, 128), lambda i: (0, 0)),
        ],
        out_specs=pl.BlockSpec((blk, 128), lambda i: (i, 0)),
        out_shape=jax.ShapeDtypeStruct((n, 128), F32),
    )(node_feats, W_np, Wf1, vecs)




def _cond_proj_body(c_ref, w1_ref, w2_ref, v_ref, b2_ref, o_ref):
    h = jnp.dot(c_ref[...], w1_ref[...], preferred_element_type=F32)
    h = h + v_ref[0:1, :]
    m = jnp.mean(h, axis=-1, keepdims=True)
    hc = h - m
    var = jnp.mean(hc * hc, axis=-1, keepdims=True)
    y = hc * lax.rsqrt(var + EPS) * v_ref[1:2, :] + v_ref[2:3, :]
    gb = jnp.dot(y, w2_ref[...], preferred_element_type=F32) + b2_ref[0:1, :]
    lane = lax.broadcasted_iota(jnp.int32, gb.shape, 1)
    o_ref[...] = gb + (lane < 128).astype(F32)


def _cond_proj(cond, Wc1, bc1, g_c, be_c, Wc2, bc2):
    vecs = jnp.concatenate(
        [bc1[None], g_c[None], be_c[None], jnp.zeros((5, 128), F32)], axis=0
    )
    b2 = jnp.concatenate([bc2[None], jnp.zeros((7, 256), F32)], axis=0)
    return pl.pallas_call(
        _cond_proj_body,
        grid=(1,),
        in_specs=[
            pl.BlockSpec((16, 128), lambda i: (0, 0)),
            pl.BlockSpec((128, 128), lambda i: (0, 0)),
            pl.BlockSpec((128, 256), lambda i: (0, 0)),
            pl.BlockSpec((8, 128), lambda i: (0, 0)),
            pl.BlockSpec((8, 256), lambda i: (0, 0)),
        ],
        out_specs=pl.BlockSpec((16, 256), lambda i: (0, 0)),
        out_shape=jax.ShapeDtypeStruct((16, 256), F32),
    )(cond, Wc1, Wc2, vecs, b2)




def _sc_gather_sum(nf2, src, dst, n_edges):
    C = 128
    n_groups = n_edges // C
    base_g = n_groups // NW
    extra = n_groups - base_g * NW
    per_w = base_g * C
    half = base_g // 2
    odd = base_g - 2 * half

    mesh = plsc.VectorSubcoreMesh(
        core_axis_name="c", subcore_axis_name="s", num_cores=NC, num_subcores=NS
    )

    @functools.partial(
        pl.kernel,
        out_type=jax.ShapeDtypeStruct((n_edges, 128), F32),
        mesh=mesh,
        scratch_types=[
            pltpu.VMEM((per_w,), jnp.int32),
            pltpu.VMEM((per_w,), jnp.int32),
            pltpu.VMEM((C, 128), F32),
            pltpu.VMEM((C, 128), F32),
            pltpu.VMEM((C, 128), F32),
            pltpu.VMEM((C, 128), F32),
            pltpu.VMEM((C, 128), F32),
            pltpu.VMEM((C, 128), F32),
            pltpu.VMEM((C,), jnp.int32),
            pltpu.VMEM((C,), jnp.int32),
            pltpu.SemaphoreType.DMA,
            pltpu.SemaphoreType.DMA,
            pltpu.SemaphoreType.DMA,
            pltpu.SemaphoreType.DMA,
            pltpu.SemaphoreType.DMA,
            pltpu.SemaphoreType.DMA,
        ],
    )
    def sc_kernel(nf2_hbm, src_hbm, dst_hbm, out_hbm,
                  ixs, ixd, ra0, rb0, ra1, rb1, rc0, rc1, xis, xid,
                  sga0, sgb0, sga1, sgb1, swb0, swb1):
        wid = lax.axis_index("s") * NC + lax.axis_index("c")
        e0 = wid * per_w
        pltpu.sync_copy(src_hbm.at[pl.ds(e0, per_w)], ixs)
        pltpu.sync_copy(dst_hbm.at[pl.ds(e0, per_w)], ixd)

        def start_gathers(i, ra, rb, sga, sgb):
            sl = pl.ds(i * C, C)
            pltpu.async_copy(nf2_hbm.at[ixs.at[sl]], ra, sga)
            pltpu.async_copy(nf2_hbm.at[ixd.at[sl]], rb, sgb)

        def wait_gathers(ra, rb, sga, sgb):
            pltpu.make_async_copy(nf2_hbm.at[ixs.at[pl.ds(0, C)]], ra, sga).wait()
            pltpu.make_async_copy(nf2_hbm.at[ixd.at[pl.ds(0, C)]], rb, sgb).wait()

        def add_rows(ra, rb, rc):
            def add_body(r, c2):
                for cc in range(8):
                    sl = pl.ds(cc * 16, 16)
                    rc[r, sl] = ra[r, sl] + rb[r, sl]
                return c2
            lax.fori_loop(0, C, add_body, 0)

        def start_wb(i, rc, swb):
            pltpu.async_copy(rc, out_hbm.at[pl.ds(e0 + i * C, C)], swb)

        def wait_wb(rc, swb):
            pltpu.make_async_copy(rc, out_hbm.at[pl.ds(e0, C)], swb).wait()

        def phase(g, j, last_issue, ra, rb, rc, sga, sgb, swb):
            wait_gathers(ra, rb, sga, sgb)

            @pl.when(j > 0)
            def _():
                wait_wb(rc, swb)
            add_rows(ra, rb, rc)
            start_wb(g, rc, swb)

            @pl.when(last_issue)
            def _():
                start_gathers(g + 2, ra, rb, sga, sgb)

        start_gathers(0, ra0, rb0, sga0, sgb0)
        if base_g > 1:
            start_gathers(1, ra1, rb1, sga1, sgb1)

        def body(j, carry):
            g0 = 2 * j
            phase(g0, j, g0 + 2 < base_g, ra0, rb0, rc0, sga0, sgb0, swb0)
            phase(g0 + 1, j, g0 + 3 < base_g, ra1, rb1, rc1, sga1, sgb1,
                  swb1)
            return carry

        if half > 0:
            lax.fori_loop(0, half, body, 0)
        if odd:
            wait_gathers(ra0, rb0, sga0, sgb0)
            if half > 0:
                wait_wb(rc0, swb0)
            add_rows(ra0, rb0, rc0)
            start_wb(base_g - 1, rc0, swb0)
        wait_wb(rc0, swb0)
        if base_g > 1:
            wait_wb(rc1, swb1)

        @pl.when(wid < extra)
        def _():
            base = (NW * base_g + wid) * C
            pltpu.sync_copy(src_hbm.at[pl.ds(base, C)], xis)
            pltpu.sync_copy(dst_hbm.at[pl.ds(base, C)], xid)
            cpa = pltpu.async_copy(nf2_hbm.at[xis], ra0, sga0)
            cpb = pltpu.async_copy(nf2_hbm.at[xid], rb0, sgb0)
            cpa.wait()
            cpb.wait()
            add_rows(ra0, rb0, rc0)
            pltpu.sync_copy(rc0, out_hbm.at[pl.ds(base, C)])

    return sc_kernel(nf2, src, dst)




def _edge_body(prev_ref, s_ref, xt_ref, ab_ref, sm_ref, bnd_ref, gbt_ref,
               o_ref, *, blk, blk_off):
    del prev_ref
    xt = xt_ref[...]
    lt = sm_ref[0:8, :]
    m8r = sm_ref[8:9, :]
    ucr = sm_ref[9:10, :]
    bbar = sm_ref[10, 0]
    ccst = sm_ref[10, 1]

    q_t = jnp.dot(lt, xt, preferred_element_type=F32)
    varg_t = (jnp.sum(q_t * q_t, axis=0, keepdims=True)
              + 2.0 * jnp.dot(ucr, xt, preferred_element_type=F32) + ccst)
    inv_t = lax.rsqrt(varg_t + EPS)
    musg_t = (jnp.dot(m8r, xt, preferred_element_type=F32) + bbar) * inv_t
    xs = xt * inv_t
    ones_r = jnp.full((1, blk), 1.0, F32)
    xa = jnp.concatenate([xs, inv_t, musg_t, ones_r], axis=0)

    y0 = s_ref[...] + lax.dot_general(
        xa, ab_ref[0:11, :], (((0,), (0,)), ((), ())),
        preferred_element_type=F32)

    ones128 = jnp.full((128, 1), 1.0 / 128.0, F32)
    m = jnp.dot(y0, ones128, preferred_element_type=F32)
    sq = jnp.dot(y0 * y0, ones128, preferred_element_type=F32)
    rstd = lax.rsqrt(sq - m * m + EPS)

    i = pl.program_id(0) + blk_off
    gidx = i * blk + lax.broadcasted_iota(jnp.int32, (blk, 1), 0)
    starts = bnd_ref[0:1, :]
    ends = bnd_ref[1:2, :]
    oh = jnp.logical_and(gidx >= starts, gidx < ends).astype(F32)
    gb = jnp.dot(oh, gbt_ref[...], preferred_element_type=F32)
    o_ref[...] = jnp.maximum((y0 - m) * (rstd * gb[:, :128]) + gb[:, 128:],
                             0.0)


def _edge_fuse_chunk(prev, S, geo_t, abr, sm, bounds, gbt, *, n_edges,
                     blk, blk_off, first):
    grid = S.shape[0] // blk
    return pl.pallas_call(
        functools.partial(_edge_body, blk=blk, blk_off=blk_off),
        grid=(grid,),
        in_specs=[
            pl.BlockSpec(memory_space=pl.ANY),
            pl.BlockSpec((blk, 128), lambda i: (i, 0)),
            pl.BlockSpec((8, blk), lambda i: (0, i + blk_off)),
            pl.BlockSpec((16, 128), lambda i: (0, 0)),
            pl.BlockSpec((16, 8), lambda i: (0, 0)),
            pl.BlockSpec((8, 16), lambda i: (0, 0)),
            pl.BlockSpec((16, 256), lambda i: (0, 0)),
        ],
        out_specs=pl.BlockSpec((blk, 128), lambda i: (i + blk_off, 0)),
        out_shape=jax.ShapeDtypeStruct((n_edges, 128), F32),
        input_output_aliases=({} if first else {0: 0}),
    )(prev, S, geo_t, abr, sm, bounds, gbt)




def kernel(node_feats, edge_index, edge_geo, cond, batch_ids,
           W_np, b_np, g_np, be_np,
           W_geo, b_geo, g_geo, be_geo,
           Wc1, bc1, g_c, be_c, Wc2, bc2,
           Wf, bf):
    n_edges = edge_index.shape[1]
    src = edge_index[0].astype(jnp.int32)
    dst = edge_index[1].astype(jnp.int32)
    geo_t = edge_geo.T
    bids = batch_ids.astype(jnp.int32)
    starts = jnp.searchsorted(bids, jnp.arange(16, dtype=jnp.int32)).astype(jnp.int32)
    ends = jnp.concatenate([starts[1:], jnp.array([n_edges], jnp.int32)])
    bounds = jnp.concatenate(
        [starts[None], ends[None], jnp.zeros((6, 16), jnp.int32)], axis=0)

    Wf1 = Wf[:128]
    Wf2 = Wf[128:]

    Wgsum = W_geo.reshape(8, 8, 128).sum(axis=0)
    A = Wgsum @ (g_geo[:, None] * Wf2)
    c1 = (b_geo * g_geo) @ Wf2
    vrow = g_geo @ Wf2
    crow = be_geo @ Wf2 + bf
    m8 = Wgsum.mean(axis=1)
    bbar = b_geo.mean()
    acen = Wgsum - m8[:, None]
    bcen = b_geo - bbar
    Mc = (acen @ acen.T) / 128.0
    uc = (acen @ bcen) / 128.0
    ccst = jnp.dot(bcen, bcen) / 128.0
    L = jnp.linalg.cholesky(Mc + 1e-12 * jnp.eye(8, dtype=F32))

    abr = jnp.concatenate(
        [A, c1[None], -vrow[None], crow[None], jnp.zeros((4, 128), F32)],
        axis=0)
    misc8 = jnp.zeros((8,), F32).at[0].set(bbar).at[1].set(ccst)
    sm = jnp.concatenate(
        [L.T, m8[None], uc[None], misc8[None], jnp.zeros((5, 8), F32)],
        axis=0)

    nf2 = _node_proj(node_feats, W_np, Wf1, b_np, g_np, be_np)
    gbt = _cond_proj(cond, Wc1, bc1, g_c, be_c, Wc2, bc2)

    nch = 4
    blk = 3200
    ch = n_edges // nch
    out = jnp.zeros((8, 128), F32)
    for k in range(nch):
        s_k = _sc_gather_sum(nf2, src[k * ch:(k + 1) * ch],
                             dst[k * ch:(k + 1) * ch], ch)
        out = _edge_fuse_chunk(out, s_k, geo_t, abr, sm, bounds, gbt,
                               n_edges=n_edges, blk=blk,
                               blk_off=k * (ch // blk), first=(k == 0))
    return out

# --- scband reference (transcript-rebuilt; emitter-appended) ---
"""Pipeline reference for scband-edge-feat-6090263625942 (READ-ONLY COPY).

The authoritative reference and input builder live on the scoring server;
editing this copy changes nothing except your own understanding.
"""

import jax, jax.numpy as jnp
import numpy as np


def layer_norm(x, gamma=None, beta=None, eps=1e-5):
    mean = jnp.mean(x, axis=-1, keepdims=True)
    var = jnp.mean((x - mean) ** 2, axis=-1, keepdims=True)
    y = (x - mean) / jnp.sqrt(var + eps)
    if gamma is not None:
        y = y * gamma + beta
    return y


def setup_inputs(seed: int = 0) -> dict:
    key = jax.random.key(seed)
    N, E, B = 10000, 320000, 16
    node_dim, cond_dim, edge_dim = 128, 128, 128
    join_dim = edge_dim + 128  # n2n == 'sum'
    ks = jax.random.split(key, 16)
    inp = {}
    inp["node_feats"] = jax.random.normal(ks[0], (N, node_dim + 64), dtype=jnp.float32)
    inp["edge_index"] = jax.random.randint(ks[1], (2, E), 0, N, dtype=jnp.int64)
    inp["edge_geo"] = jax.random.normal(ks[2], (E, 8), dtype=jnp.float32)
    inp["cond"] = jax.random.normal(ks[3], (B, cond_dim), dtype=jnp.float32)
    inp["batch_ids"] = jnp.sort(jax.random.randint(ks[4], (E,), 0, B, dtype=jnp.int64))
    # n_proj: Linear(node_dim+64, edge_dim) -> Dropout -> LayerNorm(edge_dim)
    inp["W_np"] = jax.random.normal(ks[5], (node_dim + 64, edge_dim), dtype=jnp.float32) * 0.05
    inp["b_np"] = jnp.zeros((edge_dim,), dtype=jnp.float32)
    inp["g_np"] = jnp.ones((edge_dim,), dtype=jnp.float32)
    inp["be_np"] = jnp.zeros((edge_dim,), dtype=jnp.float32)
    # e_geo_linear: Linear(64, 128) -> LayerNorm(128)
    inp["W_geo"] = jax.random.normal(ks[6], (64, 128), dtype=jnp.float32) * 0.1
    inp["b_geo"] = jnp.zeros((128,), dtype=jnp.float32)
    inp["g_geo"] = jnp.ones((128,), dtype=jnp.float32)
    inp["be_geo"] = jnp.zeros((128,), dtype=jnp.float32)
    # FilmFusion cond_proj_l: Linear(cond_dim, edge_dim) -> LayerNorm(edge_dim) -> Linear(edge_dim, 2*edge_dim)
    inp["Wc1"] = jax.random.normal(ks[7], (cond_dim, edge_dim), dtype=jnp.float32) * 0.05
    inp["bc1"] = jnp.zeros((edge_dim,), dtype=jnp.float32)
    inp["g_c"] = jnp.ones((edge_dim,), dtype=jnp.float32)
    inp["be_c"] = jnp.zeros((edge_dim,), dtype=jnp.float32)
    inp["Wc2"] = jax.random.normal(ks[8], (edge_dim, 2 * edge_dim), dtype=jnp.float32) * 0.05
    inp["bc2"] = jnp.zeros((2 * edge_dim,), dtype=jnp.float32)
    # FilmFusion film_l: Linear(join_dim, edge_dim) -> LayerNorm(no affine) -> FiLM cond
    inp["Wf"] = jax.random.normal(ks[9], (join_dim, edge_dim), dtype=jnp.float32) * 0.05
    inp["bf"] = jnp.zeros((edge_dim,), dtype=jnp.float32)
    return inp


def reference(node_feats, edge_index, edge_geo, cond, batch_ids,
              W_np, b_np, g_np, be_np,
              W_geo, b_geo, g_geo, be_geo,
              Wc1, bc1, g_c, be_c, Wc2, bc2,
              Wf, bf):
    # n_proj on concatenated node features (Dropout is identity, p=0)
    nf = layer_norm(node_feats @ W_np + b_np, g_np, be_np)
    # combine_node_attr with n2n='sum': gather src/dst node feats per edge and add
    src = edge_index[0]
    dst = edge_index[1]
    n_join_feats = jnp.take(nf, src, axis=0) + jnp.take(nf, dst, axis=0)
    # geo features: repeat(1, 8) then Linear(64,128) + LayerNorm
    geo_in = jnp.tile(edge_geo, (1, 8))
    e_geo_feats = layer_norm(geo_in @ W_geo + b_geo, g_geo, be_geo)
    join_feats = jnp.concatenate([n_join_feats, e_geo_feats], axis=-1)
    # FilmFusion: cond_proj_l -> gamma/beta, indexed by per-edge batch_ids
    h = layer_norm(cond @ Wc1 + bc1, g_c, be_c)
    gb = h @ Wc2 + bc2
    gamma, beta = jnp.split(gb, 2, axis=-1)
    gamma = gamma + 1.0
    gamma = jnp.take(gamma, batch_ids, axis=0)
    beta = jnp.take(beta, batch_ids, axis=0)
    # film_l: linear -> layernorm (no affine) -> x*gamma + beta, then relu
    y = layer_norm(join_feats @ Wf + bf)
    y = y * gamma + beta
    e_feats = jax.nn.relu(y)
    return e_feats

if __name__ == "__main__":
    import jax
    _d = setup_inputs()
    print(jax.jit(kernel)(*tuple(_d.values())))

</pallas_src>

<mosaic_0001>
#map = affine_map<(d0, d1) -> (0, 0)>
#map1 = affine_map<(d0, d1) -> (0)>
module attributes {stable_mosaic.version = 14 : i64} {
  func.func @sc_kernel(%arg0: i32, %arg1: i32, %arg2: memref<10000x128xf32, #tpu.memory_space<hbm>>, %arg3: memref<80000xi32, #tpu.memory_space<hbm>>, %arg4: memref<80000xi32, #tpu.memory_space<hbm>>, %arg5: memref<80000x128xf32, #tpu.memory_space<hbm>>, %arg6: memref<2432xi32, #tpu.memory_space<vmem>>, %arg7: memref<2432xi32, #tpu.memory_space<vmem>>, %arg8: memref<128x128xf32, #tpu.memory_space<vmem>>, %arg9: memref<128x128xf32, #tpu.memory_space<vmem>>, %arg10: memref<128x128xf32, #tpu.memory_space<vmem>>, %arg11: memref<128x128xf32, #tpu.memory_space<vmem>>, %arg12: memref<128x128xf32, #tpu.memory_space<vmem>>, %arg13: memref<128x128xf32, #tpu.memory_space<vmem>>, %arg14: memref<128xi32, #tpu.memory_space<vmem>>, %arg15: memref<128xi32, #tpu.memory_space<vmem>>, %arg16: memref<!tpu.dma_semaphore, #tpu.memory_space<semaphore_mem>>, %arg17: memref<!tpu.dma_semaphore, #tpu.memory_space<semaphore_mem>>, %arg18: memref<!tpu.dma_semaphore, #tpu.memory_space<semaphore_mem>>, %arg19: memref<!tpu.dma_semaphore, #tpu.memory_space<semaphore_mem>>, %arg20: memref<!tpu.dma_semaphore, #tpu.memory_space<semaphore_mem>>, %arg21: memref<!tpu.dma_semaphore, #tpu.memory_space<semaphore_mem>>) attributes {dimension_semantics = [#tpu.dimension_semantics<core_parallel>, #tpu.dimension_semantics<subcore_parallel>], iteration_bounds = array<i64: 2, 16>, scalar_prefetch = 0 : i64, scratch_operands = 16 : i64, tpu.core_type = #tpu.core_type<sc_vector_subcore>, window_params = [{transform_indices = #map}, {transform_indices = #map1}, {transform_indices = #map1}, {transform_indices = #map}]} {
    %mul3A = arith.constant 2 : i32
    %mul3A_0 = arith.muli %arg1, %mul3A : i32
    %add3A = arith.addi %mul3A_0, %arg0 : i32
    %mul3A_1 = arith.constant 2432 : i32
    %mul3A_2 = arith.muli %add3A, %mul3A_1 : i32
    "tpu.region"() ({
      %run_scoped3A = tpu.sem_alloc : memref<!tpu.dma_semaphore, #tpu.memory_space<semaphore_mem>>
      %dma_start3A_62 = tpu.memref_slice %arg3[%mul3A_2] : memref<80000xi32, #tpu.memory_space<hbm>> -> memref<2432xi32, #tpu.memory_space<hbm>>
      %dma_start3A_63 = tpu.memref_slice %arg3[%mul3A_2] : memref<80000xi32, #tpu.memory_space<hbm>> -> memref<2432xi32, #tpu.memory_space<hbm>>
      tpu.enqueue_dma source(%dma_start3A_63 : memref<2432xi32, #tpu.memory_space<hbm>>) target(%arg6 : memref<2432xi32, #tpu.memory_space<vmem>>) target_semaphore(%run_scoped3A : memref<!tpu.dma_semaphore, #tpu.memory_space<semaphore_mem>>)
      %dma_wait3A_64 = tpu.memref_slice %arg3[%mul3A_2] : memref<80000xi32, #tpu.memory_space<hbm>> -> memref<2432xi32, #tpu.memory_space<hbm>>
      %dma_wait3A_65 = tpu.memref_slice %arg3[%mul3A_2] : memref<80000xi32, #tpu.memory_space<hbm>> -> memref<2432xi32, #tpu.memory_space<hbm>>
      tpu.wait_dma2 semaphore(%run_scoped3A : memref<!tpu.dma_semaphore, #tpu.memory_space<semaphore_mem>>) src(%dma_wait3A_65 : memref<2432xi32, #tpu.memory_space<hbm>>) dst(%arg6 : memref<2432xi32, #tpu.memory_space<vmem>>)
      tpu.yield
    }) : () -> ()
    "tpu.region"() ({
      %run_scoped3A = tpu.sem_alloc : memref<!tpu.dma_semaphore, #tpu.memory_space<semaphore_mem>>
      %dma_start3A_62 = tpu.memref_slice %arg4[%mul3A_2] : memref<80000xi32, #tpu.memory_space<hbm>> -> memref<2432xi32, #tpu.memory_space<hbm>>
      %dma_start3A_63 = tpu.memref_slice %arg4[%mul3A_2] : memref<80000xi32, #tpu.memory_space<hbm>> -> memref<2432xi32, #tpu.memory_space<hbm>>
      tpu.enqueue_dma source(%dma_start3A_63 : memref<2432xi32, #tpu.memory_space<hbm>>) target(%arg7 : memref<2432xi32, #tpu.memory_space<vmem>>) target_semaphore(%run_scoped3A : memref<!tpu.dma_semaphore, #tpu.memory_space<semaphore_mem>>)
      %dma_wait3A_64 = tpu.memref_slice %arg4[%mul3A_2] : memref<80000xi32, #tpu.memory_space<hbm>> -> memref<2432xi32, #tpu.memory_space<hbm>>
      %dma_wait3A_65 = tpu.memref_slice %arg4[%mul3A_2] : memref<80000xi32, #tpu.memory_space<hbm>> -> memref<2432xi32, #tpu.memory_space<hbm>>
      tpu.wait_dma2 semaphore(%run_scoped3A : memref<!tpu.dma_semaphore, #tpu.memory_space<semaphore_mem>>) src(%dma_wait3A_65 : memref<2432xi32, #tpu.memory_space<hbm>>) dst(%arg7 : memref<2432xi32, #tpu.memory_space<vmem>>)
      tpu.yield
    }) : () -> ()
    %dma_start3A = arith.constant 0 : i32
    %dma_start3A_3 = tpu.memref_slice %arg6[%dma_start3A] : memref<2432xi32, #tpu.memory_space<vmem>> -> memref<128xi32, #tpu.memory_space<vmem>>
    %dma_start3A_4 = arith.constant 0 : i32
    %dma_start3A_5 = arith.constant 0 : i32
    %dma_start3A_6 = tpu.memref_slice %arg2[%dma_start3A_4, %dma_start3A_5] : memref<10000x128xf32, #tpu.memory_space<hbm>> -> memref<10000x128xf32, #tpu.memory_space<hbm>>
    tpu.enqueue_indirect_dma source(%dma_start3A_6 : memref<10000x128xf32, #tpu.memory_space<hbm>>) target(%arg8 : memref<128x128xf32, #tpu.memory_space<vmem>>) offsets(%dma_start3A_3 : memref<128xi32, #tpu.memory_space<vmem>>) semaphore(%arg16 : memref<!tpu.dma_semaphore, #tpu.memory_space<semaphore_mem>>)
    %dma_start3A_7 = arith.constant 0 : i32
    %dma_start3A_8 = tpu.memref_slice %arg7[%dma_start3A_7] : memref<2432xi32, #tpu.memory_space<vmem>> -> memref<128xi32, #tpu.memory_space<vmem>>
    %dma_start3A_9 = arith.constant 0 : i32
    %dma_start3A_10 = arith.constant 0 : i32
    %dma_start3A_11 = tpu.memref_slice %arg2[%dma_start3A_9, %dma_start3A_10] : memref<10000x128xf32, #tpu.memory_space<hbm>> -> memref<10000x128xf32, #tpu.memory_space<hbm>>
    tpu.enqueue_indirect_dma source(%dma_start3A_11 : memref<10000x128xf32, #tpu.memory_space<hbm>>) target(%arg9 : memref<128x128xf32, #tpu.memory_space<vmem>>) offsets(%dma_start3A_8 : memref<128xi32, #tpu.memory_space<vmem>>) semaphore(%arg17 : memref<!tpu.dma_semaphore, #tpu.memory_space<semaphore_mem>>)
    %dma_start3A_12 = arith.constant 128 : i32
    %dma_start3A_13 = tpu.memref_slice %arg6[%dma_start3A_12] : memref<2432xi32, #tpu.memory_space<vmem>> -> memref<128xi32, #tpu.memory_space<vmem>>
    %dma_start3A_14 = arith.constant 0 : i32
    %dma_start3A_15 = arith.constant 0 : i32
    %dma_start3A_16 = tpu.memref_slice %arg2[%dma_start3A_14, %dma_start3A_15] : memref<10000x128xf32, #tpu.memory_space<hbm>> -> memref<10000x128xf32, #tpu.memory_space<hbm>>
    tpu.enqueue_indirect_dma source(%dma_start3A_16 : memref<10000x128xf32, #tpu.memory_space<hbm>>) target(%arg10 : memref<128x128xf32, #tpu.memory_space<vmem>>) offsets(%dma_start3A_13 : memref<128xi32, #tpu.memory_space<vmem>>) semaphore(%arg18 : memref<!tpu.dma_semaphore, #tpu.memory_space<semaphore_mem>>)
    %dma_start3A_17 = arith.constant 128 : i32
    %dma_start3A_18 = tpu.memref_slice %arg7[%dma_start3A_17] : memref<2432xi32, #tpu.memory_space<vmem>> -> memref<128xi32, #tpu.memory_space<vmem>>
    %dma_start3A_19 = arith.constant 0 : i32
    %dma_start3A_20 = arith.constant 0 : i32
    %dma_start3A_21 = tpu.memref_slice %arg2[%dma_start3A_19, %dma_start3A_20] : memref<10000x128xf32, #tpu.memory_space<hbm>> -> memref<10000x128xf32, #tpu.memory_space<hbm>>
    tpu.enqueue_indirect_dma source(%dma_start3A_21 : memref<10000x128xf32, #tpu.memory_space<hbm>>) target(%arg11 : memref<128x128xf32, #tpu.memory_space<vmem>>) offsets(%dma_start3A_18 : memref<128xi32, #tpu.memory_space<vmem>>) semaphore(%arg19 : memref<!tpu.dma_semaphore, #tpu.memory_space<semaphore_mem>>)
    %scan3A = arith.constant 0 : i32
    %scan3A_22 = arith.constant 0 : i32
    %scan3A_23 = arith.constant 9 : i32
    %scan3A_24 = arith.addi %scan3A_22, %scan3A_23 : i32
    %scan3A_25 = arith.constant 1 : i32
    scf.for %scan3A_62 = %scan3A_22 to %scan3A_24 step %scan3A_25  : i32 {
      %mul3A_63 = arith.constant 2 : i32
      %mul3A_64 = arith.muli %mul3A_63, %scan3A_62 : i32
      %add3A_65 = arith.constant 2 : i32
      %add3A_66 = arith.addi %mul3A_64, %add3A_65 : i32
      %lt3A_67 = arith.constant 19 : i32
      %lt3A_68 = arith.cmpi slt, %add3A_66, %lt3A_67 : i32
      %dma_wait3A_69 = arith.constant 0 : i32
      %dma_wait3A_70 = tpu.memref_slice %arg6[%dma_wait3A_69] : memref<2432xi32, #tpu.memory_space<vmem>> -> memref<128xi32, #tpu.memory_space<vmem>>
      %dma_wait3A_71 = arith.constant 0 : i32
      %dma_wait3A_72 = arith.constant 0 : i32
      %dma_wait3A_73 = tpu.memref_slice %arg2[%dma_wait3A_71, %dma_wait3A_72] : memref<10000x128xf32, #tpu.memory_space<hbm>> -> memref<10000x128xf32, #tpu.memory_space<hbm>>
      tpu.wait_indirect_dma semaphore(%arg16 : memref<!tpu.dma_semaphore, #tpu.memory_space<semaphore_mem>>) src(%dma_wait3A_73 : memref<10000x128xf32, #tpu.memory_space<hbm>>) dst(%arg8 : memref<128x128xf32, #tpu.memory_space<vmem>>)
      %dma_wait3A_74 = arith.constant 0 : i32
      %dma_wait3A_75 = tpu.memref_slice %arg7[%dma_wait3A_74] : memref<2432xi32, #tpu.memory_space<vmem>> -> memref<128xi32, #tpu.memory_space<vmem>>
      %dma_wait3A_76 = arith.constant 0 : i32
      %dma_wait3A_77 = arith.constant 0 : i32
      %dma_wait3A_78 = tpu.memref_slice %arg2[%dma_wait3A_76, %dma_wait3A_77] : memref<10000x128xf32, #tpu.memory_space<hbm>> -> memref<10000x128xf32, #tpu.memory_space<hbm>>
      tpu.wait_indirect_dma semaphore(%arg17 : memref<!tpu.dma_semaphore, #tpu.memory_space<semaphore_mem>>) src(%dma_wait3A_78 : memref<10000x128xf32, #tpu.memory_space<hbm>>) dst(%arg9 : memref<128x128xf32, #tpu.memory_space<vmem>>)
      %gt3A = arith.constant 0 : i32
      %gt3A_79 = arith.cmpi sgt, %scan3A_62, %gt3A : i32
      %convert_element_type3A_80 = arith.extui %gt3A_79 : i1 to i32
      %cond3A_81 = arith.constant 0 : i32
      %cond3A_82 = arith.cmpi ne, %convert_element_type3A_80, %cond3A_81 : i32
      scf.if %cond3A_82 {
        %dma_wait3A_136 = arith.constant 0 : i32
        %dma_wait3A_137 = tpu.memref_slice %arg5[%mul3A_2, %dma_wait3A_136] : memref<80000x128xf32, #tpu.memory_space<hbm>> -> memref<128x128xf32, #tpu.memory_space<hbm>>
        %dma_wait3A_138 = arith.constant 0 : i32
        %dma_wait3A_139 = tpu.memref_slice %arg5[%mul3A_2, %dma_wait3A_138] : memref<80000x128xf32, #tpu.memory_space<hbm>> -> memref<128x128xf32, #tpu.memory_space<hbm>>
        tpu.wait_dma2 semaphore(%arg20 : memref<!tpu.dma_semaphore, #tpu.memory_space<semaphore_mem>>) src(%arg12 : memref<128x128xf32, #tpu.memory_space<vmem>>) dst(%dma_wait3A_139 : memref<128x128xf32, #tpu.memory_space<hbm>>)
      } else {
      }
      %scan3A_83 = arith.constant 0 : i32
      %scan3A_84 = arith.constant 0 : i32
      %scan3A_85 = arith.constant 128 : i32
      %scan3A_86 = arith.addi %scan3A_84, %scan3A_85 : i32
      %scan3A_87 = arith.constant 1 : i32
      scf.for %scan3A_136 = %scan3A_84 to %scan3A_86 step %scan3A_87  : i32 {
        %get3A = arith.index_cast %scan3A_136 : i32 to index
        %get3A_137 = arith.constant 0 : index
        %get3A_138 = tpu.vector_load %arg8[%get3A, %get3A_137] {strides = array<i32>} : memref<128x128xf32, #tpu.memory_space<vmem>>, vector<1x16xf32>,
        %get3A_139 = vector.shape_cast %get3A_138 : vector<1x16xf32> to vector<16xf32>
        %get3A_140 = arith.index_cast %scan3A_136 : i32 to index
        %get3A_141 = arith.constant 0 : index
        %get3A_142 = tpu.vector_load %arg9[%get3A_140, %get3A_141] {strides = array<i32>} : memref<128x128xf32, #tpu.memory_space<vmem>>, vector<1x16xf32>,
        %get3A_143 = vector.shape_cast %get3A_142 : vector<1x16xf32> to vector<16xf32>
        %add3A_144 = arith.addf %get3A_139, %get3A_143 : vector<16xf32>
        %swap3A = arith.index_cast %scan3A_136 : i32 to index
        %swap3A_145 = arith.constant 0 : index
        %swap3A_146 = tpu.vector_load %arg12[%swap3A, %swap3A_145] {strides = array<i32>} : memref<128x128xf32, #tpu.memory_space<vmem>>, vector<1x16xf32>,
        %swap3A_147 = vector.shape_cast %swap3A_146 : vector<1x16xf32> to vector<16xf32>
        %swap3A_148 = vector.shape_cast %add3A_144 : vector<16xf32> to vector<1x16xf32>
        tpu.vector_store %arg12[%swap3A, %swap3A_145], %swap3A_148 {strides = array<i32>} : memref<128x128xf32, #tpu.memory_space<vmem>>, vector<1x16xf32>,
        %get3A_149 = arith.index_cast %scan3A_136 : i32 to index
        %get3A_150 = arith.constant 16 : index
        %get3A_151 = tpu.vector_load %arg8[%get3A_149, %get3A_150] {strides = array<i32>} : memref<128x128xf32, #tpu.memory_space<vmem>>, vector<1x16xf32>,
        %get3A_152 = vector.shape_cast %get3A_151 : vector<1x16xf32> to vector<16xf32>
        %get3A_153 = arith.index_cast %scan3A_136 : i32 to index
        %get3A_154 = arith.constant 16 : index
        %get3A_155 = tpu.vector_load %arg9[%get3A_153, %get3A_154] {strides = array<i32>} : memref<128x128xf32, #tpu.memory_space<vmem>>, vector<1x16xf32>,
        %get3A_156 = vector.shape_cast %get3A_155 : vector<1x16xf32> to vector<16xf32>
        %add3A_157 = arith.addf %get3A_152, %get3A_156 : vector<16xf32>
        %swap3A_158 = arith.index_cast %scan3A_136 : i32 to index
        %swap3A_159 = arith.constant 16 : index
        %swap3A_160 = tpu.vector_load %arg12[%swap3A_158, %swap3A_159] {strides = array<i32>} : memref<128x128xf32, #tpu.memory_space<vmem>>, vector<1x16xf32>,
        %swap3A_161 = vector.shape_cast %swap3A_160 : vector<1x16xf32> to vector<16xf32>
        %swap3A_162 = vector.shape_cast %add3A_157 : vector<16xf32> to vector<1x16xf32>
        tpu.vector_store %arg12[%swap3A_158, %swap3A_159], %swap3A_162 {strides = array<i32>} : memref<128x128xf32, #tpu.memory_space<vmem>>, vector<1x16xf32>,
        %get3A_163 = arith.index_cast %scan3A_136 : i32 to index
        %get3A_164 = arith.constant 32 : index
        %get3A_165 = tpu.vector_load %arg8[%get3A_163, %get3A_164] {strides = array<i32>} : memref<128x128xf32, #tpu.memory_space<vmem>>, vector<1x16xf32>,
        %get3A_166 = vector.shape_cast %get3A_165 : vector<1x16xf32> to vector<16xf32>
        %get3A_167 = arith.index_cast %scan3A_136 : i32 to index
        %get3A_168 = arith.constant 32 : index
        %get3A_169 = tpu.vector_load %arg9[%get3A_167, %get3A_168] {strides = array<i32>} : memref<128x128xf32, #tpu.memory_space<vmem>>, vector<1x16xf32>,
        %get3A_170 = vector.shape_cast %get3A_169 : vector<1x16xf32> to vector<16xf32>
        %add3A_171 = arith.addf %get3A_166, %get3A_170 : vector<16xf32>
        %swap3A_172 = arith.index_cast %scan3A_136 : i32 to index
        %swap3A_173 = arith.constant 32 : index
        %swap3A_174 = tpu.vector_load %arg12[%swap3A_172, %swap3A_173] {strides = array<i32>} : memref<128x128xf32, #tpu.memory_space<vmem>>, vector<1x16xf32>,
        %swap3A_175 = vector.shape_cast %swap3A_174 : vector<1x16xf32> to vector<16xf32>
        %swap3A_176 = vector.shape_cast %add3A_171 : vector<16xf32> to vector<1x16xf32>
        tpu.vector_store %arg12[%swap3A_172, %swap3A_173], %swap3A_176 {strides = array<i32>} : memref<128x128xf32, #tpu.memory_space<vmem>>, vector<1x16xf32>,
        %get3A_177 = arith.index_cast %scan3A_136 : i32 to index
        %get3A_178 = arith.constant 48 : index
        %get3A_179 = tpu.vector_load %arg8[%get3A_177, %get3A_178] {strides = array<i32>} : memref<128x128xf32, #tpu.memory_space<vmem>>, vector<1x16xf32>,
        %get3A_180 = vector.shape_cast %get3A_179 : vector<1x16xf32> to vector<16xf32>
        %get3A_181 = arith.index_cast %scan3A_136 : i32 to index
        %get3A_182 = arith.constant 48 : index
        %get3A_183 = tpu.vector_load %arg9[%get3A_181, %get3A_182] {strides = array<i32>} : memref<128x128xf32, #tpu.memory_space<vmem>>, vector<1x16xf32>,
        %get3A_184 = vector.shape_cast %get3A_183 : vector<1x16xf32> to vector<16xf32>
        %add3A_185 = arith.addf %get3A_180, %get3A_184 : vector<16xf32>
        %swap3A_186 = arith.index_cast %scan3A_136 : i32 to index
        %swap3A_187 = arith.constant 48 : index
        %swap3A_188 = tpu.vector_load %arg12[%swap3A_186, %swap3A_187] {strides = array<i32>} : memref<128x128xf32, #tpu.memory_space<vmem>>, vector<1x16xf32>,
        %swap3A_189 = vector.shape_cast %swap3A_188 : vector<1x16xf32> to vector<16xf32>
        %swap3A_190 = vector.shape_cast %add3A_185 : vector<16xf32> to vector<1x16xf32>
        tpu.vector_store %arg12[%swap3A_186, %swap3A_187], %swap3A_190 {strides = array<i32>} : memref<128x128xf32, #tpu.memory_space<vmem>>, vector<1x16xf32>,
        %get3A_191 = arith.index_cast %scan3A_136 : i32 to index
        %get3A_192 = arith.constant 64 : index
        %get3A_193 = tpu.vector_load %arg8[%get3A_191, %get3A_192] {strides = array<i32>} : memref<128x128xf32, #tpu.memory_space<vmem>>, vector<1x16xf32>,
        %get3A_194 = vector.shape_cast %get3A_193 : vector<1x16xf32> to vector<16xf32>
        %get3A_195 = arith.index_cast %scan3A_136 : i32 to index
        %get3A_196 = arith.constant 64 : index
        %get3A_197 = tpu.vector_load %arg9[%get3A_195, %get3A_196] {strides = array<i32>} : memref<128x128xf32, #tpu.memory_space<vmem>>, vector<1x16xf32>,
        %get3A_198 = vector.shape_cast %get3A_197 : vector<1x16xf32> to vector<16xf32>
        %add3A_199 = arith.addf %get3A_194, %get3A_198 : vector<16xf32>
        %swap3A_200 = arith.index_cast %scan3A_136 : i32 to index
        %swap3A_201 = arith.constant 64 : index
        %swap3A_202 = tpu.vector_load %arg12[%swap3A_200, %swap3A_201] {strides = array<i32>} : memref<128x128xf32, #tpu.memory_space<vmem>>, vector<1x16xf32>,
        %swap3A_203 = vector.shape_cast %swap3A_202 : vector<1x16xf32> to vector<16xf32>
        %swap3A_204 = vector.shape_cast %add3A_199 : vector<16xf32> to vector<1x16xf32>
        tpu.vector_store %arg12[%swap3A_200, %swap3A_201], %swap3A_204 {strides = array<i32>} : memref<128x128xf32, #tpu.memory_space<vmem>>, vector<1x16xf32>,
        %get3A_205 = arith.index_cast %scan3A_136 : i32 to index
        %get3A_206 = arith.constant 80 : index
        %get3A_207 = tpu.vector_load %arg8[%get3A_205, %get3A_206] {strides = array<i32>} : memref<128x128xf32, #tpu.memory_space<vmem>>, vector<1x16xf32>,
        %get3A_208 = vector.shape_cast %get3A_207 : vector<1x16xf32> to vector<16xf32>
        %get3A_209 = arith.index_cast %scan3A_136 : i32 to index
        %get3A_210 = arith.constant 80 : index
        %get3A_211 = tpu.vector_load %arg9[%get3A_209, %get3A_210] {strides = array<i32>} : memref<128x128xf32, #tpu.memory_space<vmem>>, vector<1x16xf32>,
        %get3A_212 = vector.shape_cast %get3A_211 : vector<1x16xf32> to vector<16xf32>
        %add3A_213 = arith.addf %get3A_208, %get3A_212 : vector<16xf32>
        %swap3A_214 = arith.index_cast %scan3A_136 : i32 to index
        %swap3A_215 = arith.constant 80 : index
        %swap3A_216 = tpu.vector_load %arg12[%swap3A_214, %swap3A_215] {strides = array<i32>} : memref<128x128xf32, #tpu.memory_space<vmem>>, vector<1x16xf32>,
        %swap3A_217 = vector.shape_cast %swap3A_216 : vector<1x16xf32> to vector<16xf32>
        %swap3A_218 = vector.shape_cast %add3A_213 : vector<16xf32> to vector<1x16xf32>
        tpu.vector_store %arg12[%swap3A_214, %swap3A_215], %swap3A_218 {strides = array<i32>} : memref<128x128xf32, #tpu.memory_space<vmem>>, vector<1x16xf32>,
        %get3A_219 = arith.index_cast %scan3A_136 : i32 to index
        %get3A_220 = arith.constant 96 : index
        %get3A_221 = tpu.vector_load %arg8[%get3A_219, %get3A_220] {strides = array<i32>} : memref<128x128xf32, #tpu.memory_space<vmem>>, vector<1x16xf32>,
        %get3A_222 = vector.shape_cast %get3A_221 : vector<1x16xf32> to vector<16xf32>
        %get3A_223 = arith.index_cast %scan3A_136 : i32 to index
        %get3A_224 = arith.constant 96 : index
        %get3A_225 = tpu.vector_load %arg9[%get3A_223, %get3A_224] {strides = array<i32>} : memref<128x128xf32, #tpu.memory_space<vmem>>, vector<1x16xf32>,
        %get3A_226 = vector.shape_cast %get3A_225 : vector<1x16xf32> to vector<16xf32>
        %add3A_227 = arith.addf %get3A_222, %get3A_226 : vector<16xf32>
        %swap3A_228 = arith.index_cast %scan3A_136 : i32 to index
        %swap3A_229 = arith.constant 96 : index
        %swap3A_230 = tpu.vector_load %arg12[%swap3A_228, %swap3A_229] {strides = array<i32>} : memref<128x128xf32, #tpu.memory_space<vmem>>, vector<1x16xf32>,
        %swap3A_231 = vector.shape_cast %swap3A_230 : vector<1x16xf32> to vector<16xf32>
        %swap3A_232 = vector.shape_cast %add3A_227 : vector<16xf32> to vector<1x16xf32>
        tpu.vector_store %arg12[%swap3A_228, %swap3A_229], %swap3A_232 {strides = array<i32>} : memref<128x128xf32, #tpu.memory_space<vmem>>, vector<1x16xf32>,
        %get3A_233 = arith.index_cast %scan3A_136 : i32 to index
        %get3A_234 = arith.constant 112 : index
        %get3A_235 = tpu.vector_load %arg8[%get3A_233, %get3A_234] {strides = array<i32>} : memref<128x128xf32, #tpu.memory_space<vmem>>, vector<1x16xf32>,
        %get3A_236 = vector.shape_cast %get3A_235 : vector<1x16xf32> to vector<16xf32>
        %get3A_237 = arith.index_cast %scan3A_136 : i32 to index
        %get3A_238 = arith.constant 112 : index
        %get3A_239 = tpu.vector_load %arg9[%get3A_237, %get3A_238] {strides = array<i32>} : memref<128x128xf32, #tpu.memory_space<vmem>>, vector<1x16xf32>,
        %get3A_240 = vector.shape_cast %get3A_239 : vector<1x16xf32> to vector<16xf32>
        %add3A_241 = arith.addf %get3A_236, %get3A_240 : vector<16xf32>
        %swap3A_242 = arith.index_cast %scan3A_136 : i32 to index
        %swap3A_243 = arith.constant 112 : index
        %swap3A_244 = tpu.vector_load %arg12[%swap3A_242, %swap3A_243] {strides = array<i32>} : memref<128x128xf32, #tpu.memory_space<vmem>>, vector<1x16xf32>,
        %swap3A_245 = vector.shape_cast %swap3A_244 : vector<1x16xf32> to vector<16xf32>
        %swap3A_246 = vector.shape_cast %add3A_241 : vector<16xf32> to vector<1x16xf32>
        tpu.vector_store %arg12[%swap3A_242, %swap3A_243], %swap3A_246 {strides = array<i32>} : memref<128x128xf32, #tpu.memory_space<vmem>>, vector<1x16xf32>,
      }
      %scan3A_88 = arith.constant 128 : i32
      %mul3A_89 = arith.constant 128 : i32
      %mul3A_90 = arith.muli %mul3A_64, %mul3A_89 : i32
      %add3A_91 = arith.addi %mul3A_2, %mul3A_90 : i32
      %dma_start3A_92 = arith.constant 0 : i32
      %dma_start3A_93 = tpu.memref_slice %arg5[%add3A_91, %dma_start3A_92] : memref<80000x128xf32, #tpu.memory_space<hbm>> -> memref<128x128xf32, #tpu.memory_space<hbm>>
      %dma_start3A_94 = arith.constant 0 : i32
      %dma_start3A_95 = tpu.memref_slice %arg5[%add3A_91, %dma_start3A_94] : memref<80000x128xf32, #tpu.memory_space<hbm>> -> memref<128x128xf32, #tpu.memory_space<hbm>>
      tpu.enqueue_dma source(%arg12 : memref<128x128xf32, #tpu.memory_space<vmem>>) target(%dma_start3A_95 : memref<128x128xf32, #tpu.memory_space<hbm>>) target_semaphore(%arg20 : memref<!tpu.dma_semaphore, #tpu.memory_space<semaphore_mem>>)
      %convert_element_type3A_96 = arith.extui %lt3A_68 : i1 to i32
      %cond3A_97 = arith.constant 0 : i32
      %cond3A_98 = arith.cmpi ne, %convert_element_type3A_96, %cond3A_97 : i32
      scf.if %cond3A_98 {
        %add3A_136 = arith.constant 2 : i32
        %add3A_137 = arith.addi %mul3A_64, %add3A_136 : i32
        %mul3A_138 = arith.constant 128 : i32
        %mul3A_139 = arith.muli %add3A_137, %mul3A_138 : i32
        %dma_start3A_140 = tpu.memref_slice %arg6[%mul3A_139] : memref<2432xi32, #tpu.memory_space<vmem>> -> memref<128xi32, #tpu.memory_space<vmem>>
        %dma_start3A_141 = arith.constant 0 : i32
        %dma_start3A_142 = arith.constant 0 : i32
        %dma_start3A_143 = tpu.memref_slice %arg2[%dma_start3A_141, %dma_start3A_142] : memref<10000x128xf32, #tpu.memory_space<hbm>> -> memref<10000x128xf32, #tpu.memory_space<hbm>>
        tpu.enqueue_indirect_dma source(%dma_start3A_143 : memref<10000x128xf32, #tpu.memory_space<hbm>>) target(%arg8 : memref<128x128xf32, #tpu.memory_space<vmem>>) offsets(%dma_start3A_140 : memref<128xi32, #tpu.memory_space<vmem>>) semaphore(%arg16 : memref<!tpu.dma_semaphore, #tpu.memory_space<semaphore_mem>>)
        %dma_start3A_144 = tpu.memref_slice %arg7[%mul3A_139] : memref<2432xi32, #tpu.memory_space<vmem>> -> memref<128xi32, #tpu.memory_space<vmem>>
        %dma_start3A_145 = arith.constant 0 : i32
        %dma_start3A_146 = arith.constant 0 : i32
        %dma_start3A_147 = tpu.memref_slice %arg2[%dma_start3A_145, %dma_start3A_146] : memref<10000x128xf32, #tpu.memory_space<hbm>> -> memref<10000x128xf32, #tpu.memory_space<hbm>>
        tpu.enqueue_indirect_dma source(%dma_start3A_147 : memref<10000x128xf32, #tpu.memory_space<hbm>>) target(%arg9 : memref<128x128xf32, #tpu.memory_space<vmem>>) offsets(%dma_start3A_144 : memref<128xi32, #tpu.memory_space<vmem>>) semaphore(%arg17 : memref<!tpu.dma_semaphore, #tpu.memory_space<semaphore_mem>>)
      } else {
      }
      %add3A_99 = arith.constant 1 : i32
      %add3A_100 = arith.addi %mul3A_64, %add3A_99 : i32
      %add3A_101 = arith.constant 3 : i32
      %add3A_102 = arith.addi %mul3A_64, %add3A_101 : i32
      %lt3A_103 = arith.constant 19 : i32
      %lt3A_104 = arith.cmpi slt, %add3A_102, %lt3A_103 : i32
      %dma_wait3A_105 = arith.constant 0 : i32
      %dma_wait3A_106 = tpu.memref_slice %arg6[%dma_wait3A_105] : memref<2432xi32, #tpu.memory_space<vmem>> -> memref<128xi32, #tpu.memory_space<vmem>>
      %dma_wait3A_107 = arith.constant 0 : i32
      %dma_wait3A_108 = arith.constant 0 : i32
      %dma_wait3A_109 = tpu.memref_slice %arg2[%dma_wait3A_107, %dma_wait3A_108] : memref<10000x128xf32, #tpu.memory_space<hbm>> -> memref<10000x128xf32, #tpu.memory_space<hbm>>
      tpu.wait_indirect_dma semaphore(%arg18 : memref<!tpu.dma_semaphore, #tpu.memory_space<semaphore_mem>>) src(%dma_wait3A_109 : memref<10000x128xf32, #tpu.memory_space<hbm>>) dst(%arg10 : memref<128x128xf32, #tpu.memory_space<vmem>>)
      %dma_wait3A_110 = arith.constant 0 : i32
      %dma_wait3A_111 = tpu.memref_slice %arg7[%dma_wait3A_110] : memref<2432xi32, #tpu.memory_space<vmem>> -> memref<128xi32, #tpu.memory_space<vmem>>
      %dma_wait3A_112 = arith.constant 0 : i32
      %dma_wait3A_113 = arith.constant 0 : i32
      %dma_wait3A_114 = tpu.memref_slice %arg2[%dma_wait3A_112, %dma_wait3A_113] : memref<10000x128xf32, #tpu.memory_space<hbm>> -> memref<10000x128xf32, #tpu.memory_space<hbm>>
      tpu.wait_indirect_dma semaphore(%arg19 : memref<!tpu.dma_semaphore, #tpu.memory_space<semaphore_mem>>) src(%dma_wait3A_114 : memref<10000x128xf32, #tpu.memory_space<hbm>>) dst(%arg11 : memref<128x128xf32, #tpu.memory_space<vmem>>)
      %gt3A_115 = arith.constant 0 : i32
      %gt3A_116 = arith.cmpi sgt, %scan3A_62, %gt3A_115 : i32
      %convert_element_type3A_117 = arith.extui %gt3A_116 : i1 to i32
      %cond3A_118 = arith.constant 0 : i32
      %cond3A_119 = arith.cmpi ne, %convert_element_type3A_117, %cond3A_118 : i32
      scf.if %cond3A_119 {
        %dma_wait3A_136 = arith.constant 0 : i32
        %dma_wait3A_137 = tpu.memref_slice %arg5[%mul3A_2, %dma_wait3A_136] : memref<80000x128xf32, #tpu.memory_space<hbm>> -> memref<128x128xf32, #tpu.memory_space<hbm>>
        %dma_wait3A_138 = arith.constant 0 : i32
        %dma_wait3A_139 = tpu.memref_slice %arg5[%mul3A_2, %dma_wait3A_138] : memref<80000x128xf32, #tpu.memory_space<hbm>> -> memref<128x128xf32, #tpu.memory_space<hbm>>
        tpu.wait_dma2 semaphore(%arg21 : memref<!tpu.dma_semaphore, #tpu.memory_space<semaphore_mem>>) src(%arg13 : memref<128x128xf32, #tpu.memory_space<vmem>>) dst(%dma_wait3A_139 : memref<128x128xf32, #tpu.memory_space<hbm>>)
      } else {
      }
      %scan3A_120 = arith.constant 0 : i32
      %scan3A_121 = arith.constant 0 : i32
      %scan3A_122 = arith.constant 128 : i32
      %scan3A_123 = arith.addi %scan3A_121, %scan3A_122 : i32
      %scan3A_124 = arith.constant 1 : i32
      scf.for %scan3A_136 = %scan3A_121 to %scan3A_123 step %scan3A_124  : i32 {
        %get3A = arith.index_cast %scan3A_136 : i32 to index
        %get3A_137 = arith.constant 0 : index
        %get3A_138 = tpu.vector_load %arg10[%get3A, %get3A_137] {strides = array<i32>} : memref<128x128xf32, #tpu.memory_space<vmem>>, vector<1x16xf32>,
        %get3A_139 = vector.shape_cast %get3A_138 : vector<1x16xf32> to vector<16xf32>
        %get3A_140 = arith.index_cast %scan3A_136 : i32 to index
        %get3A_141 = arith.constant 0 : index
        %get3A_142 = tpu.vector_load %arg11[%get3A_140, %get3A_141] {strides = array<i32>} : memref<128x128xf32, #tpu.memory_space<vmem>>, vector<1x16xf32>,
        %get3A_143 = vector.shape_cast %get3A_142 : vector<1x16xf32> to vector<16xf32>
        %add3A_144 = arith.addf %get3A_139, %get3A_143 : vector<16xf32>
        %swap3A = arith.index_cast %scan3A_136 : i32 to index
        %swap3A_145 = arith.constant 0 : index
        %swap3A_146 = tpu.vector_load %arg13[%swap3A, %swap3A_145] {strides = array<i32>} : memref<128x128xf32, #tpu.memory_space<vmem>>, vector<1x16xf32>,
        %swap3A_147 = vector.shape_cast %swap3A_146 : vector<1x16xf32> to vector<16xf32>
        %swap3A_148 = vector.shape_cast %add3A_144 : vector<16xf32> to vector<1x16xf32>
        tpu.vector_store %arg13[%swap3A, %swap3A_145], %swap3A_148 {strides = array<i32>} : memref<128x128xf32, #tpu.memory_space<vmem>>, vector<1x16xf32>,
        %get3A_149 = arith.index_cast %scan3A_136 : i32 to index
        %get3A_150 = arith.constant 16 : index
        %get3A_151 = tpu.vector_load %arg10[%get3A_149, %get3A_150] {strides = array<i32>} : memref<128x128xf32, #tpu.memory_space<vmem>>, vector<1x16xf32>,
        %get3A_152 = vector.shape_cast %get3A_151 : vector<1x16xf32> to vector<16xf32>
        %get3A_153 = arith.index_cast %scan3A_136 : i32 to index
        %get3A_154 = arith.constant 16 : index
        %get3A_155 = tpu.vector_load %arg11[%get3A_153, %get3A_154] {strides = array<i32>} : memref<128x128xf32, #tpu.memory_space<vmem>>, vector<1x16xf32>,
        %get3A_156 = vector.shape_cast %get3A_155 : vector<1x16xf32> to vector<16xf32>
        %add3A_157 = arith.addf %get3A_152, %get3A_156 : vector<16xf32>
        %swap3A_158 = arith.index_cast %scan3A_136 : i32 to index
        %swap3A_159 = arith.constant 16 : index
        %swap3A_160 = tpu.vector_load %arg13[%swap3A_158, %swap3A_159] {strides = array<i32>} : memref<128x128xf32, #tpu.memory_space<vmem>>, vector<1x16xf32>,
        %swap3A_161 = vector.shape_cast %swap3A_160 : vector<1x16xf32> to vector<16xf32>
        %swap3A_162 = vector.shape_cast %add3A_157 : vector<16xf32> to vector<1x16xf32>
        tpu.vector_store %arg13[%swap3A_158, %swap3A_159], %swap3A_162 {strides = array<i32>} : memref<128x128xf32, #tpu.memory_space<vmem>>, vector<1x16xf32>,
        %get3A_163 = arith.index_cast %scan3A_136 : i32 to index
        %get3A_164 = arith.constant 32 : index
        %get3A_165 = tpu.vector_load %arg10[%get3A_163, %get3A_164] {strides = array<i32>} : memref<128x128xf32, #tpu.memory_space<vmem>>, vector<1x16xf32>,
        %get3A_166 = vector.shape_cast %get3A_165 : vector<1x16xf32> to vector<16xf32>
        %get3A_167 = arith.index_cast %scan3A_136 : i32 to index
        %get3A_168 = arith.constant 32 : index
        %get3A_169 = tpu.vector_load %arg11[%get3A_167, %get3A_168] {strides = array<i32>} : memref<128x128xf32, #tpu.memory_space<vmem>>, vector<1x16xf32>,
        %get3A_170 = vector.shape_cast %get3A_169 : vector<1x16xf32> to vector<16xf32>
        %add3A_171 = arith.addf %get3A_166, %get3A_170 : vector<16xf32>
        %swap3A_172 = arith.index_cast %scan3A_136 : i32 to index
        %swap3A_173 = arith.constant 32 : index
        %swap3A_174 = tpu.vector_load %arg13[%swap3A_172, %swap3A_173] {strides = array<i32>} : memref<128x128xf32, #tpu.memory_space<vmem>>, vector<1x16xf32>,
        %swap3A_175 = vector.shape_cast %swap3A_174 : vector<1x16xf32> to vector<16xf32>
        %swap3A_176 = vector.shape_cast %add3A_171 : vector<16xf32> to vector<1x16xf32>
        tpu.vector_store %arg13[%swap3A_172, %swap3A_173], %swap3A_176 {strides = array<i32>} : memref<128x128xf32, #tpu.memory_space<vmem>>, vector<1x16xf32>,
        %get3A_177 = arith.index_cast %scan3A_136 : i32 to index
        %get3A_178 = arith.constant 48 : index
        %get3A_179 = tpu.vector_load %arg10[%get3A_177, %get3A_178] {strides = array<i32>} : memref<128x128xf32, #tpu.memory_space<vmem>>, vector<1x16xf32>,
        %get3A_180 = vector.shape_cast %get3A_179 : vector<1x16xf32> to vector<16xf32>
        %get3A_181 = arith.index_cast %scan3A_136 : i32 to index
        %get3A_182 = arith.constant 48 : index
        %get3A_183 = tpu.vector_load %arg11[%get3A_181, %get3A_182] {strides = array<i32>} : memref<128x128xf32, #tpu.memory_space<vmem>>, vector<1x16xf32>,
        %get3A_184 = vector.shape_cast %get3A_183 : vector<1x16xf32> to vector<16xf32>
        %add3A_185 = arith.addf %get3A_180, %get3A_184 : vector<16xf32>
        %swap3A_186 = arith.index_cast %scan3A_136 : i32 to index
        %swap3A_187 = arith.constant 48 : index
        %swap3A_188 = tpu.vector_load %arg13[%swap3A_186, %swap3A_187] {strides = array<i32>} : memref<128x128xf32, #tpu.memory_space<vmem>>, vector<1x16xf32>,
        %swap3A_189 = vector.shape_cast %swap3A_188 : vector<1x16xf32> to vector<16xf32>
        %swap3A_190 = vector.shape_cast %add3A_185 : vector<16xf32> to vector<1x16xf32>
        tpu.vector_store %arg13[%swap3A_186, %swap3A_187], %swap3A_190 {strides = array<i32>} : memref<128x128xf32, #tpu.memory_space<vmem>>, vector<1x16xf32>,
        %get3A_191 = arith.index_cast %scan3A_136 : i32 to index
        %get3A_192 = arith.constant 64 : index
        %get3A_193 = tpu.vector_load %arg10[%get3A_191, %get3A_192] {strides = array<i32>} : memref<128x128xf32, #tpu.memory_space<vmem>>, vector<1x16xf32>,
        %get3A_194 = vector.shape_cast %get3A_193 : vector<1x16xf32> to vector<16xf32>
        %get3A_195 = arith.index_cast %scan3A_136 : i32 to index
        %get3A_196 = arith.constant 64 : index
        %get3A_197 = tpu.vector_load %arg11[%get3A_195, %get3A_196] {strides = array<i32>} : memref<128x128xf32, #tpu.memory_space<vmem>>, vector<1x16xf32>,
        %get3A_198 = vector.shape_cast %get3A_197 : vector<1x16xf32> to vector<16xf32>
        %add3A_199 = arith.addf %get3A_194, %get3A_198 : vector<16xf32>
        %swap3A_200 = arith.index_cast %scan3A_136 : i32 to index
        %swap3A_201 = arith.constant 64 : index
        %swap3A_202 = tpu.vector_load %arg13[%swap3A_200, %swap3A_201] {strides = array<i32>} : memref<128x128xf32, #tpu.memory_space<vmem>>, vector<1x16xf32>,
        %swap3A_203 = vector.shape_cast %swap3A_202 : vector<1x16xf32> to vector<16xf32>
        %swap3A_204 = vector.shape_cast %add3A_199 : vector<16xf32> to vector<1x16xf32>
        tpu.vector_store %arg13[%swap3A_200, %swap3A_201], %swap3A_204 {strides = array<i32>} : memref<128x128xf32, #tpu.memory_space<vmem>>, vector<1x16xf32>,
        %get3A_205 = arith.index_cast %scan3A_136 : i32 to index
        %get3A_206 = arith.constant 80 : index
        %get3A_207 = tpu.vector_load %arg10[%get3A_205, %get3A_206] {strides = array<i32>} : memref<128x128xf32, #tpu.memory_space<vmem>>, vector<1x16xf32>,
        %get3A_208 = vector.shape_cast %get3A_207 : vector<1x16xf32> to vector<16xf32>
        %get3A_209 = arith.index_cast %scan3A_136 : i32 to index
        %get3A_210 = arith.constant 80 : index
        %get3A_211 = tpu.vector_load %arg11[%get3A_209, %get3A_210] {strides = array<i32>} : memref<128x128xf32, #tpu.memory_space<vmem>>, vector<1x16xf32>,
        %get3A_212 = vector.shape_cast %get3A_211 : vector<1x16xf32> to vector<16xf32>
        %add3A_213 = arith.addf %get3A_208, %get3A_212 : vector<16xf32>
        %swap3A_214 = arith.index_cast %scan3A_136 : i32 to index
        %swap3A_215 = arith.constant 80 : index
        %swap3A_216 = tpu.vector_load %arg13[%swap3A_214, %swap3A_215] {strides = array<i32>} : memref<128x128xf32, #tpu.memory_space<vmem>>, vector<1x16xf32>,
        %swap3A_217 = vector.shape_cast %swap3A_216 : vector<1x16xf32> to vector<16xf32>
        %swap3A_218 = vector.shape_cast %add3A_213 : vector<16xf32> to vector<1x16xf32>
        tpu.vector_store %arg13[%swap3A_214, %swap3A_215], %swap3A_218 {strides = array<i32>} : memref<128x128xf32, #tpu.memory_space<vmem>>, vector<1x16xf32>,
        %get3A_219 = arith.index_cast %scan3A_136 : i32 to index
        %get3A_220 = arith.constant 96 : index
        %get3A_221 = tpu.vector_load %arg10[%get3A_219, %get3A_220] {strides = array<i32>} : memref<128x128xf32, #tpu.memory_space<vmem>>, vector<1x16xf32>,
        %get3A_222 = vector.shape_cast %get3A_221 : vector<1x16xf32> to vector<16xf32>
        %get3A_223 = arith.index_cast %scan3A_136 : i32 to index
        %get3A_224 = arith.constant 96 : index
        %get3A_225 = tpu.vector_load %arg11[%get3A_223, %get3A_224] {strides = array<i32>} : memref<128x128xf32, #tpu.memory_space<vmem>>, vector<1x16xf32>,
        %get3A_226 = vector.shape_cast %get3A_225 : vector<1x16xf32> to vector<16xf32>
        %add3A_227 = arith.addf %get3A_222, %get3A_226 : vector<16xf32>
        %swap3A_228 = arith.index_cast %scan3A_136 : i32 to index
        %swap3A_229 = arith.constant 96 : index
        %swap3A_230 = tpu.vector_load %arg13[%swap3A_228, %swap3A_229] {strides = array<i32>} : memref<128x128xf32, #tpu.memory_space<vmem>>, vector<1x16xf32>,
        %swap3A_231 = vector.shape_cast %swap3A_230 : vector<1x16xf32> to vector<16xf32>
        %swap3A_232 = vector.shape_cast %add3A_227 : vector<16xf32> to vector<1x16xf32>
        tpu.vector_store %arg13[%swap3A_228, %swap3A_229], %swap3A_232 {strides = array<i32>} : memref<128x128xf32, #tpu.memory_space<vmem>>, vector<1x16xf32>,
        %get3A_233 = arith.index_cast %scan3A_136 : i32 to index
        %get3A_234 = arith.constant 112 : index
        %get3A_235 = tpu.vector_load %arg10[%get3A_233, %get3A_234] {strides = array<i32>} : memref<128x128xf32, #tpu.memory_space<vmem>>, vector<1x16xf32>,
        %get3A_236 = vector.shape_cast %get3A_235 : vector<1x16xf32> to vector<16xf32>
        %get3A_237 = arith.index_cast %scan3A_136 : i32 to index
        %get3A_238 = arith.constant 112 : index
        %get3A_239 = tpu.vector_load %arg11[%get3A_237, %get3A_238] {strides = array<i32>} : memref<128x128xf32, #tpu.memory_space<vmem>>, vector<1x16xf32>,
        %get3A_240 = vector.shape_cast %get3A_239 : vector<1x16xf32> to vector<16xf32>
        %add3A_241 = arith.addf %get3A_236, %get3A_240 : vector<16xf32>
        %swap3A_242 = arith.index_cast %scan3A_136 : i32 to index
        %swap3A_243 = arith.constant 112 : index
        %swap3A_244 = tpu.vector_load %arg13[%swap3A_242, %swap3A_243] {strides = array<i32>} : memref<128x128xf32, #tpu.memory_space<vmem>>, vector<1x16xf32>,
        %swap3A_245 = vector.shape_cast %swap3A_244 : vector<1x16xf32> to vector<16xf32>
        %swap3A_246 = vector.shape_cast %add3A_241 : vector<16xf32> to vector<1x16xf32>
        tpu.vector_store %arg13[%swap3A_242, %swap3A_243], %swap3A_246 {strides = array<i32>} : memref<128x128xf32, #tpu.memory_space<vmem>>, vector<1x16xf32>,
      }
      %scan3A_125 = arith.constant 128 : i32
      %mul3A_126 = arith.constant 128 : i32
      %mul3A_127 = arith.muli %add3A_100, %mul3A_126 : i32
      %add3A_128 = arith.addi %mul3A_2, %mul3A_127 : i32
      %dma_start3A_129 = arith.constant 0 : i32
      %dma_start3A_130 = tpu.memref_slice %arg5[%add3A_128, %dma_start3A_129] : memref<80000x128xf32, #tpu.memory_space<hbm>> -> memref<128x128xf32, #tpu.memory_space<hbm>>
      %dma_start3A_131 = arith.constant 0 : i32
      %dma_start3A_132 = tpu.memref_slice %arg5[%add3A_128, %dma_start3A_131] : memref<80000x128xf32, #tpu.memory_space<hbm>> -> memref<128x128xf32, #tpu.memory_space<hbm>>
      tpu.enqueue_dma source(%arg13 : memref<128x128xf32, #tpu.memory_space<vmem>>) target(%dma_start3A_132 : memref<128x128xf32, #tpu.memory_space<hbm>>) target_semaphore(%arg21 : memref<!tpu.dma_semaphore, #tpu.memory_space<semaphore_mem>>)
      %convert_element_type3A_133 = arith.extui %lt3A_104 : i1 to i32
      %cond3A_134 = arith.constant 0 : i32
      %cond3A_135 = arith.cmpi ne, %convert_element_type3A_133, %cond3A_134 : i32
      scf.if %cond3A_135 {
        %add3A_136 = arith.constant 2 : i32
        %add3A_137 = arith.addi %add3A_100, %add3A_136 : i32
        %mul3A_138 = arith.constant 128 : i32
        %mul3A_139 = arith.muli %add3A_137, %mul3A_138 : i32
        %dma_start3A_140 = tpu.memref_slice %arg6[%mul3A_139] : memref<2432xi32, #tpu.memory_space<vmem>> -> memref<128xi32, #tpu.memory_space<vmem>>
        %dma_start3A_141 = arith.constant 0 : i32
        %dma_start3A_142 = arith.constant 0 : i32
        %dma_start3A_143 = tpu.memref_slice %arg2[%dma_start3A_141, %dma_start3A_142] : memref<10000x128xf32, #tpu.memory_space<hbm>> -> memref<10000x128xf32, #tpu.memory_space<hbm>>
        tpu.enqueue_indirect_dma source(%dma_start3A_143 : memref<10000x128xf32, #tpu.memory_space<hbm>>) target(%arg10 : memref<128x128xf32, #tpu.memory_space<vmem>>) offsets(%dma_start3A_140 : memref<128xi32, #tpu.memory_space<vmem>>) semaphore(%arg18 : memref<!tpu.dma_semaphore, #tpu.memory_space<semaphore_mem>>)
        %dma_start3A_144 = tpu.memref_slice %arg7[%mul3A_139] : memref<2432xi32, #tpu.memory_space<vmem>> -> memref<128xi32, #tpu.memory_space<vmem>>
        %dma_start3A_145 = arith.constant 0 : i32
        %dma_start3A_146 = arith.constant 0 : i32
        %dma_start3A_147 = tpu.memref_slice %arg2[%dma_start3A_145, %dma_start3A_146] : memref<10000x128xf32, #tpu.memory_space<hbm>> -> memref<10000x128xf32, #tpu.memory_space<hbm>>
        tpu.enqueue_indirect_dma source(%dma_start3A_147 : memref<10000x128xf32, #tpu.memory_space<hbm>>) target(%arg11 : memref<128x128xf32, #tpu.memory_space<vmem>>) offsets(%dma_start3A_144 : memref<128xi32, #tpu.memory_space<vmem>>) semaphore(%arg19 : memref<!tpu.dma_semaphore, #tpu.memory_space<semaphore_mem>>)
      } else {
      }
    }
    %scan3A_26 = arith.constant 9 : i32
    %dma_wait3A = arith.constant 0 : i32
    %dma_wait3A_27 = tpu.memref_slice %arg6[%dma_wait3A] : memref<2432xi32, #tpu.memory_space<vmem>> -> memref<128xi32, #tpu.memory_space<vmem>>
    %dma_wait3A_28 = arith.constant 0 : i32
    %dma_wait3A_29 = arith.constant 0 : i32
    %dma_wait3A_30 = tpu.memref_slice %arg2[%dma_wait3A_28, %dma_wait3A_29] : memref<10000x128xf32, #tpu.memory_space<hbm>> -> memref<10000x128xf32, #tpu.memory_space<hbm>>
    tpu.wait_indirect_dma semaphore(%arg16 : memref<!tpu.dma_semaphore, #tpu.memory_space<semaphore_mem>>) src(%dma_wait3A_30 : memref<10000x128xf32, #tpu.memory_space<hbm>>) dst(%arg8 : memref<128x128xf32, #tpu.memory_space<vmem>>)
    %dma_wait3A_31 = arith.constant 0 : i32
    %dma_wait3A_32 = tpu.memref_slice %arg7[%dma_wait3A_31] : memref<2432xi32, #tpu.memory_space<vmem>> -> memref<128xi32, #tpu.memory_space<vmem>>
    %dma_wait3A_33 = arith.constant 0 : i32
    %dma_wait3A_34 = arith.constant 0 : i32
    %dma_wait3A_35 = tpu.memref_slice %arg2[%dma_wait3A_33, %dma_wait3A_34] : memref<10000x128xf32, #tpu.memory_space<hbm>> -> memref<10000x128xf32, #tpu.memory_space<hbm>>
    tpu.wait_indirect_dma semaphore(%arg17 : memref<!tpu.dma_semaphore, #tpu.memory_space<semaphore_mem>>) src(%dma_wait3A_35 : memref<10000x128xf32, #tpu.memory_space<hbm>>) dst(%arg9 : memref<128x128xf32, #tpu.memory_space<vmem>>)
    %dma_wait3A_36 = arith.constant 0 : i32
    %dma_wait3A_37 = tpu.memref_slice %arg5[%mul3A_2, %dma_wait3A_36] : memref<80000x128xf32, #tpu.memory_space<hbm>> -> memref<128x128xf32, #tpu.memory_space<hbm>>
    %dma_wait3A_38 = arith.constant 0 : i32
    %dma_wait3A_39 = tpu.memref_slice %arg5[%mul3A_2, %dma_wait3A_38] : memref<80000x128xf32, #tpu.memory_space<hbm>> -> memref<128x128xf32, #tpu.memory_space<hbm>>
    tpu.wait_dma2 semaphore(%arg20 : memref<!tpu.dma_semaphore, #tpu.memory_space<semaphore_mem>>) src(%arg12 : memref<128x128xf32, #tpu.memory_space<vmem>>) dst(%dma_wait3A_39 : memref<128x128xf32, #tpu.memory_space<hbm>>)
    %scan3A_40 = arith.constant 0 : i32
    %scan3A_41 = arith.constant 0 : i32
    %scan3A_42 = arith.constant 128 : i32
    %scan3A_43 = arith.addi %scan3A_41, %scan3A_42 : i32
    %scan3A_44 = arith.constant 1 : i32
    scf.for %scan3A_62 = %scan3A_41 to %scan3A_43 step %scan3A_44  : i32 {
      %get3A = arith.index_cast %scan3A_62 : i32 to index
      %get3A_63 = arith.constant 0 : index
      %get3A_64 = tpu.vector_load %arg8[%get3A, %get3A_63] {strides = array<i32>} : memref<128x128xf32, #tpu.memory_space<vmem>>, vector<1x16xf32>,
      %get3A_65 = vector.shape_cast %get3A_64 : vector<1x16xf32> to vector<16xf32>
      %get3A_66 = arith.index_cast %scan3A_62 : i32 to index
      %get3A_67 = arith.constant 0 : index
      %get3A_68 = tpu.vector_load %arg9[%get3A_66, %get3A_67] {strides = array<i32>} : memref<128x128xf32, #tpu.memory_space<vmem>>, vector<1x16xf32>,
      %get3A_69 = vector.shape_cast %get3A_68 : vector<1x16xf32> to vector<16xf32>
      %add3A_70 = arith.addf %get3A_65, %get3A_69 : vector<16xf32>
      %swap3A = arith.index_cast %scan3A_62 : i32 to index
      %swap3A_71 = arith.constant 0 : index
      %swap3A_72 = tpu.vector_load %arg12[%swap3A, %swap3A_71] {strides = array<i32>} : memref<128x128xf32, #tpu.memory_space<vmem>>, vector<1x16xf32>,
      %swap3A_73 = vector.shape_cast %swap3A_72 : vector<1x16xf32> to vector<16xf32>
      %swap3A_74 = vector.shape_cast %add3A_70 : vector<16xf32> to vector<1x16xf32>
      tpu.vector_store %arg12[%swap3A, %swap3A_71], %swap3A_74 {strides = array<i32>} : memref<128x128xf32, #tpu.memory_space<vmem>>, vector<1x16xf32>,
      %get3A_75 = arith.index_cast %scan3A_62 : i32 to index
      %get3A_76 = arith.constant 16 : index
      %get3A_77 = tpu.vector_load %arg8[%get3A_75, %get3A_76] {strides = array<i32>} : memref<128x128xf32, #tpu.memory_space<vmem>>, vector<1x16xf32>,
      %get3A_78 = vector.shape_cast %get3A_77 : vector<1x16xf32> to vector<16xf32>
      %get3A_79 = arith.index_cast %scan3A_62 : i32 to index
      %get3A_80 = arith.constant 16 : index
      %get3A_81 = tpu.vector_load %arg9[%get3A_79, %get3A_80] {strides = array<i32>} : memref<128x128xf32, #tpu.memory_space<vmem>>, vector<1x16xf32>,
      %get3A_82 = vector.shape_cast %get3A_81 : vector<1x16xf32> to vector<16xf32>
      %add3A_83 = arith.addf %get3A_78, %get3A_82 : vector<16xf32>
      %swap3A_84 = arith.index_cast %scan3A_62 : i32 to index
      %swap3A_85 = arith.constant 16 : index
      %swap3A_86 = tpu.vector_load %arg12[%swap3A_84, %swap3A_85] {strides = array<i32>} : memref<128x128xf32, #tpu.memory_space<vmem>>, vector<1x16xf32>,
      %swap3A_87 = vector.shape_cast %swap3A_86 : vector<1x16xf32> to vector<16xf32>
      %swap3A_88 = vector.shape_cast %add3A_83 : vector<16xf32> to vector<1x16xf32>
      tpu.vector_store %arg12[%swap3A_84, %swap3A_85], %swap3A_88 {strides = array<i32>} : memref<128x128xf32, #tpu.memory_space<vmem>>, vector<1x16xf32>,
      %get3A_89 = arith.index_cast %scan3A_62 : i32 to index
      %get3A_90 = arith.constant 32 : index
      %get3A_91 = tpu.vector_load %arg8[%get3A_89, %get3A_90] {strides = array<i32>} : memref<128x128xf32, #tpu.memory_space<vmem>>, vector<1x16xf32>,
      %get3A_92 = vector.shape_cast %get3A_91 : vector<1x16xf32> to vector<16xf32>
      %get3A_93 = arith.index_cast %scan3A_62 : i32 to index
      %get3A_94 = arith.constant 32 : index
      %get3A_95 = tpu.vector_load %arg9[%get3A_93, %get3A_94] {strides = array<i32>} : memref<128x128xf32, #tpu.memory_space<vmem>>, vector<1x16xf32>,
      %get3A_96 = vector.shape_cast %get3A_95 : vector<1x16xf32> to vector<16xf32>
      %add3A_97 = arith.addf %get3A_92, %get3A_96 : vector<16xf32>
      %swap3A_98 = arith.index_cast %scan3A_62 : i32 to index
      %swap3A_99 = arith.constant 32 : index
      %swap3A_100 = tpu.vector_load %arg12[%swap3A_98, %swap3A_99] {strides = array<i32>} : memref<128x128xf32, #tpu.memory_space<vmem>>, vector<1x16xf32>,
      %swap3A_101 = vector.shape_cast %swap3A_100 : vector<1x16xf32> to vector<16xf32>
      %swap3A_102 = vector.shape_cast %add3A_97 : vector<16xf32> to vector<1x16xf32>
      tpu.vector_store %arg12[%swap3A_98, %swap3A_99], %swap3A_102 {strides = array<i32>} : memref<128x128xf32, #tpu.memory_space<vmem>>, vector<1x16xf32>,
      %get3A_103 = arith.index_cast %scan3A_62 : i32 to index
      %get3A_104 = arith.constant 48 : index
      %get3A_105 = tpu.vector_load %arg8[%get3A_103, %get3A_104] {strides = array<i32>} : memref<128x128xf32, #tpu.memory_space<vmem>>, vector<1x16xf32>,
      %get3A_106 = vector.shape_cast %get3A_105 : vector<1x16xf32> to vector<16xf32>
      %get3A_107 = arith.index_cast %scan3A_62 : i32 to index
      %get3A_108 = arith.constant 48 : index
      %get3A_109 = tpu.vector_load %arg9[%get3A_107, %get3A_108] {strides = array<i32>} : memref<128x128xf32, #tpu.memory_space<vmem>>, vector<1x16xf32>,
      %get3A_110 = vector.shape_cast %get3A_109 : vector<1x16xf32> to vector<16xf32>
      %add3A_111 = arith.addf %get3A_106, %get3A_110 : vector<16xf32>
      %swap3A_112 = arith.index_cast %scan3A_62 : i32 to index
      %swap3A_113 = arith.constant 48 : index
      %swap3A_114 = tpu.vector_load %arg12[%swap3A_112, %swap3A_113] {strides = array<i32>} : memref<128x128xf32, #tpu.memory_space<vmem>>, vector<1x16xf32>,
      %swap3A_115 = vector.shape_cast %swap3A_114 : vector<1x16xf32> to vector<16xf32>
      %swap3A_116 = vector.shape_cast %add3A_111 : vector<16xf32> to vector<1x16xf32>
      tpu.vector_store %arg12[%swap3A_112, %swap3A_113], %swap3A_116 {strides = array<i32>} : memref<128x128xf32, #tpu.memory_space<vmem>>, vector<1x16xf32>,
      %get3A_117 = arith.index_cast %scan3A_62 : i32 to index
      %get3A_118 = arith.constant 64 : index
      %get3A_119 = tpu.vector_load %arg8[%get3A_117, %get3A_118] {strides = array<i32>} : memref<128x128xf32, #tpu.memory_space<vmem>>, vector<1x16xf32>,
      %get3A_120 = vector.shape_cast %get3A_119 : vector<1x16xf32> to vector<16xf32>
      %get3A_121 = arith.index_cast %scan3A_62 : i32 to index
      %get3A_122 = arith.constant 64 : index
      %get3A_123 = tpu.vector_load %arg9[%get3A_121, %get3A_122] {strides = array<i32>} : memref<128x128xf32, #tpu.memory_space<vmem>>, vector<1x16xf32>,
      %get3A_124 = vector.shape_cast %get3A_123 : vector<1x16xf32> to vector<16xf32>
      %add3A_125 = arith.addf %get3A_120, %get3A_124 : vector<16xf32>
      %swap3A_126 = arith.index_cast %scan3A_62 : i32 to index
      %swap3A_127 = arith.constant 64 : index
      %swap3A_128 = tpu.vector_load %arg12[%swap3A_126, %swap3A_127] {strides = array<i32>} : memref<128x128xf32, #tpu.memory_space<vmem>>, vector<1x16xf32>,
      %swap3A_129 = vector.shape_cast %swap3A_128 : vector<1x16xf32> to vector<16xf32>
      %swap3A_130 = vector.shape_cast %add3A_125 : vector<16xf32> to vector<1x16xf32>
      tpu.vector_store %arg12[%swap3A_126, %swap3A_127], %swap3A_130 {strides = array<i32>} : memref<128x128xf32, #tpu.memory_space<vmem>>, vector<1x16xf32>,
      %get3A_131 = arith.index_cast %scan3A_62 : i32 to index
      %get3A_132 = arith.constant 80 : index
      %get3A_133 = tpu.vector_load %arg8[%get3A_131, %get3A_132] {strides = array<i32>} : memref<128x128xf32, #tpu.memory_space<vmem>>, vector<1x16xf32>,
      %get3A_134 = vector.shape_cast %get3A_133 : vector<1x16xf32> to vector<16xf32>
      %get3A_135 = arith.index_cast %scan3A_62 : i32 to index
      %get3A_136 = arith.constant 80 : index
      %get3A_137 = tpu.vector_load %arg9[%get3A_135, %get3A_136] {strides = array<i32>} : memref<128x128xf32, #tpu.memory_space<vmem>>, vector<1x16xf32>,
      %get3A_138 = vector.shape_cast %get3A_137 : vector<1x16xf32> to vector<16xf32>
      %add3A_139 = arith.addf %get3A_134, %get3A_138 : vector<16xf32>
      %swap3A_140 = arith.index_cast %scan3A_62 : i32 to index
      %swap3A_141 = arith.constant 80 : index
      %swap3A_142 = tpu.vector_load %arg12[%swap3A_140, %swap3A_141] {strides = array<i32>} : memref<128x128xf32, #tpu.memory_space<vmem>>, vector<1x16xf32>,
      %swap3A_143 = vector.shape_cast %swap3A_142 : vector<1x16xf32> to vector<16xf32>
      %swap3A_144 = vector.shape_cast %add3A_139 : vector<16xf32> to vector<1x16xf32>
      tpu.vector_store %arg12[%swap3A_140, %swap3A_141], %swap3A_144 {strides = array<i32>} : memref<128x128xf32, #tpu.memory_space<vmem>>, vector<1x16xf32>,
      %get3A_145 = arith.index_cast %scan3A_62 : i32 to index
      %get3A_146 = arith.constant 96 : index
      %get3A_147 = tpu.vector_load %arg8[%get3A_145, %get3A_146] {strides = array<i32>} : memref<128x128xf32, #tpu.memory_space<vmem>>, vector<1x16xf32>,
      %get3A_148 = vector.shape_cast %get3A_147 : vector<1x16xf32> to vector<16xf32>
      %get3A_149 = arith.index_cast %scan3A_62 : i32 to index
      %get3A_150 = arith.constant 96 : index
      %get3A_151 = tpu.vector_load %arg9[%get3A_149, %get3A_150] {strides = array<i32>} : memref<128x128xf32, #tpu.memory_space<vmem>>, vector<1x16xf32>,
      %get3A_152 = vector.shape_cast %get3A_151 : vector<1x16xf32> to vector<16xf32>
      %add3A_153 = arith.addf %get3A_148, %get3A_152 : vector<16xf32>
      %swap3A_154 = arith.index_cast %scan3A_62 : i32 to index
      %swap3A_155 = arith.constant 96 : index
      %swap3A_156 = tpu.vector_load %arg12[%swap3A_154, %swap3A_155] {strides = array<i32>} : memref<128x128xf32, #tpu.memory_space<vmem>>, vector<1x16xf32>,
      %swap3A_157 = vector.shape_cast %swap3A_156 : vector<1x16xf32> to vector<16xf32>
      %swap3A_158 = vector.shape_cast %add3A_153 : vector<16xf32> to vector<1x16xf32>
      tpu.vector_store %arg12[%swap3A_154, %swap3A_155], %swap3A_158 {strides = array<i32>} : memref<128x128xf32, #tpu.memory_space<vmem>>, vector<1x16xf32>,
      %get3A_159 = arith.index_cast %scan3A_62 : i32 to index
      %get3A_160 = arith.constant 112 : index
      %get3A_161 = tpu.vector_load %arg8[%get3A_159, %get3A_160] {strides = array<i32>} : memref<128x128xf32, #tpu.memory_space<vmem>>, vector<1x16xf32>,
      %get3A_162 = vector.shape_cast %get3A_161 : vector<1x16xf32> to vector<16xf32>
      %get3A_163 = arith.index_cast %scan3A_62 : i32 to index
      %get3A_164 = arith.constant 112 : index
      %get3A_165 = tpu.vector_load %arg9[%get3A_163, %get3A_164] {strides = array<i32>} : memref<128x128xf32, #tpu.memory_space<vmem>>, vector<1x16xf32>,
      %get3A_166 = vector.shape_cast %get3A_165 : vector<1x16xf32> to vector<16xf32>
      %add3A_167 = arith.addf %get3A_162, %get3A_166 : vector<16xf32>
      %swap3A_168 = arith.index_cast %scan3A_62 : i32 to index
      %swap3A_169 = arith.constant 112 : index
      %swap3A_170 = tpu.vector_load %arg12[%swap3A_168, %swap3A_169] {strides = array<i32>} : memref<128x128xf32, #tpu.memory_space<vmem>>, vector<1x16xf32>,
      %swap3A_171 = vector.shape_cast %swap3A_170 : vector<1x16xf32> to vector<16xf32>
      %swap3A_172 = vector.shape_cast %add3A_167 : vector<16xf32> to vector<1x16xf32>
      tpu.vector_store %arg12[%swap3A_168, %swap3A_169], %swap3A_172 {strides = array<i32>} : memref<128x128xf32, #tpu.memory_space<vmem>>, vector<1x16xf32>,
    }
    %scan3A_45 = arith.constant 128 : i32
    %add3A_46 = arith.constant 2304 : i32
    %add3A_47 = arith.addi %mul3A_2, %add3A_46 : i32
    %dma_start3A_48 = arith.constant 0 : i32
    %dma_start3A_49 = tpu.memref_slice %arg5[%add3A_47, %dma_start3A_48] : memref<80000x128xf32, #tpu.memory_space<hbm>> -> memref<128x128xf32, #tpu.memory_space<hbm>>
    %dma_start3A_50 = arith.constant 0 : i32
    %dma_start3A_51 = tpu.memref_slice %arg5[%add3A_47, %dma_start3A_50] : memref<80000x128xf32, #tpu.memory_space<hbm>> -> memref<128x128xf32, #tpu.memory_space<hbm>>
    tpu.enqueue_dma source(%arg12 : memref<128x128xf32, #tpu.memory_space<vmem>>) target(%dma_start3A_51 : memref<128x128xf32, #tpu.memory_space<hbm>>) target_semaphore(%arg20 : memref<!tpu.dma_semaphore, #tpu.memory_space<semaphore_mem>>)
    %dma_wait3A_52 = arith.constant 0 : i32
    %dma_wait3A_53 = tpu.memref_slice %arg5[%mul3A_2, %dma_wait3A_52] : memref<80000x128xf32, #tpu.memory_space<hbm>> -> memref<128x128xf32, #tpu.memory_space<hbm>>
    %dma_wait3A_54 = arith.constant 0 : i32
    %dma_wait3A_55 = tpu.memref_slice %arg5[%mul3A_2, %dma_wait3A_54] : memref<80000x128xf32, #tpu.memory_space<hbm>> -> memref<128x128xf32, #tpu.memory_space<hbm>>
    tpu.wait_dma2 semaphore(%arg20 : memref<!tpu.dma_semaphore, #tpu.memory_space<semaphore_mem>>) src(%arg12 : memref<128x128xf32, #tpu.memory_space<vmem>>) dst(%dma_wait3A_55 : memref<128x128xf32, #tpu.memory_space<hbm>>)
    %dma_wait3A_56 = arith.constant 0 : i32
    %dma_wait3A_57 = tpu.memref_slice %arg5[%mul3A_2, %dma_wait3A_56] : memref<80000x128xf32, #tpu.memory_space<hbm>> -> memref<128x128xf32, #tpu.memory_space<hbm>>
    %dma_wait3A_58 = arith.constant 0 : i32
    %dma_wait3A_59 = tpu.memref_slice %arg5[%mul3A_2, %dma_wait3A_58] : memref<80000x128xf32, #tpu.memory_space<hbm>> -> memref<128x128xf32, #tpu.memory_space<hbm>>
    tpu.wait_dma2 semaphore(%arg21 : memref<!tpu.dma_semaphore, #tpu.memory_space<semaphore_mem>>) src(%arg13 : memref<128x128xf32, #tpu.memory_space<vmem>>) dst(%dma_wait3A_59 : memref<128x128xf32, #tpu.memory_space<hbm>>)
    %lt3A = arith.constant 17 : i32
    %lt3A_60 = arith.cmpi slt, %add3A, %lt3A : i32
    %convert_element_type3A = arith.extui %lt3A_60 : i1 to i32
    %cond3A = arith.constant 0 : i32
    %cond3A_61 = arith.cmpi ne, %convert_element_type3A, %cond3A : i32
    scf.if %cond3A_61 {
      %add3A_62 = arith.constant 608 : i32
      %add3A_63 = arith.addi %add3A_62, %add3A : i32
      %mul3A_64 = arith.constant 128 : i32
      %mul3A_65 = arith.muli %add3A_63, %mul3A_64 : i32
      "tpu.region"() ({
        %run_scoped3A = tpu.sem_alloc : memref<!tpu.dma_semaphore, #tpu.memory_space<semaphore_mem>>
        %dma_start3A_84 = tpu.memref_slice %arg3[%mul3A_65] : memref<80000xi32, #tpu.memory_space<hbm>> -> memref<128xi32, #tpu.memory_space<hbm>>
        %dma_start3A_85 = tpu.memref_slice %arg3[%mul3A_65] : memref<80000xi32, #tpu.memory_space<hbm>> -> memref<128xi32, #tpu.memory_space<hbm>>
        tpu.enqueue_dma source(%dma_start3A_85 : memref<128xi32, #tpu.memory_space<hbm>>) target(%arg14 : memref<128xi32, #tpu.memory_space<vmem>>) target_semaphore(%run_scoped3A : memref<!tpu.dma_semaphore, #tpu.memory_space<semaphore_mem>>)
        %dma_wait3A_86 = tpu.memref_slice %arg3[%mul3A_65] : memref<80000xi32, #tpu.memory_space<hbm>> -> memref<128xi32, #tpu.memory_space<hbm>>
        %dma_wait3A_87 = tpu.memref_slice %arg3[%mul3A_65] : memref<80000xi32, #tpu.memory_space<hbm>> -> memref<128xi32, #tpu.memory_space<hbm>>
        tpu.wait_dma2 semaphore(%run_scoped3A : memref<!tpu.dma_semaphore, #tpu.memory_space<semaphore_mem>>) src(%dma_wait3A_87 : memref<128xi32, #tpu.memory_space<hbm>>) dst(%arg14 : memref<128xi32, #tpu.memory_space<vmem>>)
        tpu.yield
      }) : () -> ()
      "tpu.region"() ({
        %run_scoped3A = tpu.sem_alloc : memref<!tpu.dma_semaphore, #tpu.memory_space<semaphore_mem>>
        %dma_start3A_84 = tpu.memref_slice %arg4[%mul3A_65] : memref<80000xi32, #tpu.memory_space<hbm>> -> memref<128xi32, #tpu.memory_space<hbm>>
        %dma_start3A_85 = tpu.memref_slice %arg4[%mul3A_65] : memref<80000xi32, #tpu.memory_space<hbm>> -> memref<128xi32, #tpu.memory_space<hbm>>
        tpu.enqueue_dma source(%dma_start3A_85 : memref<128xi32, #tpu.memory_space<hbm>>) target(%arg15 : memref<128xi32, #tpu.memory_space<vmem>>) target_semaphore(%run_scoped3A : memref<!tpu.dma_semaphore, #tpu.memory_space<semaphore_mem>>)
        %dma_wait3A_86 = tpu.memref_slice %arg4[%mul3A_65] : memref<80000xi32, #tpu.memory_space<hbm>> -> memref<128xi32, #tpu.memory_space<hbm>>
        %dma_wait3A_87 = tpu.memref_slice %arg4[%mul3A_65] : memref<80000xi32, #tpu.memory_space<hbm>> -> memref<128xi32, #tpu.memory_space<hbm>>
        tpu.wait_dma2 semaphore(%run_scoped3A : memref<!tpu.dma_semaphore, #tpu.memory_space<semaphore_mem>>) src(%dma_wait3A_87 : memref<128xi32, #tpu.memory_space<hbm>>) dst(%arg15 : memref<128xi32, #tpu.memory_space<vmem>>)
        tpu.yield
      }) : () -> ()
      %dma_start3A_66 = arith.constant 0 : i32
      %dma_start3A_67 = arith.constant 0 : i32
      %dma_start3A_68 = tpu.memref_slice %arg2[%dma_start3A_66, %dma_start3A_67] : memref<10000x128xf32, #tpu.memory_space<hbm>> -> memref<10000x128xf32, #tpu.memory_space<hbm>>
      tpu.enqueue_indirect_dma source(%dma_start3A_68 : memref<10000x128xf32, #tpu.memory_space<hbm>>) target(%arg8 : memref<128x128xf32, #tpu.memory_space<vmem>>) offsets(%arg14 : memref<128xi32, #tpu.memory_space<vmem>>) semaphore(%arg16 : memref<!tpu.dma_semaphore, #tpu.memory_space<semaphore_mem>>)
      %dma_start3A_69 = arith.constant 0 : i32
      %dma_start3A_70 = arith.constant 0 : i32
      %dma_start3A_71 = tpu.memref_slice %arg2[%dma_start3A_69, %dma_start3A_70] : memref<10000x128xf32, #tpu.memory_space<hbm>> -> memref<10000x128xf32, #tpu.memory_space<hbm>>
      tpu.enqueue_indirect_dma source(%dma_start3A_71 : memref<10000x128xf32, #tpu.memory_space<hbm>>) target(%arg9 : memref<128x128xf32, #tpu.memory_space<vmem>>) offsets(%arg15 : memref<128xi32, #tpu.memory_space<vmem>>) semaphore(%arg17 : memref<!tpu.dma_semaphore, #tpu.memory_space<semaphore_mem>>)
      %dma_wait3A_72 = arith.constant 0 : i32
      %dma_wait3A_73 = arith.constant 0 : i32
      %dma_wait3A_74 = tpu.memref_slice %arg2[%dma_wait3A_72, %dma_wait3A_73] : memref<10000x128xf32, #tpu.memory_space<hbm>> -> memref<10000x128xf32, #tpu.memory_space<hbm>>
      tpu.wait_indirect_dma semaphore(%arg16 : memref<!tpu.dma_semaphore, #tpu.memory_space<semaphore_mem>>) src(%dma_wait3A_74 : memref<10000x128xf32, #tpu.memory_space<hbm>>) dst(%arg8 : memref<128x128xf32, #tpu.memory_space<vmem>>)
      %dma_wait3A_75 = arith.constant 0 : i32
      %dma_wait3A_76 = arith.constant 0 : i32
      %dma_wait3A_77 = tpu.memref_slice %arg2[%dma_wait3A_75, %dma_wait3A_76] : memref<10000x128xf32, #tpu.memory_space<hbm>> -> memref<10000x128xf32, #tpu.memory_space<hbm>>
      tpu.wait_indirect_dma semaphore(%arg17 : memref<!tpu.dma_semaphore, #tpu.memory_space<semaphore_mem>>) src(%dma_wait3A_77 : memref<10000x128xf32, #tpu.memory_space<hbm>>) dst(%arg9 : memref<128x128xf32, #tpu.memory_space<vmem>>)
      %scan3A_78 = arith.constant 0 : i32
      %scan3A_79 = arith.constant 0 : i32
      %scan3A_80 = arith.constant 128 : i32
      %scan3A_81 = arith.addi %scan3A_79, %scan3A_80 : i32
      %scan3A_82 = arith.constant 1 : i32
      scf.for %scan3A_84 = %scan3A_79 to %scan3A_81 step %scan3A_82  : i32 {
        %get3A = arith.index_cast %scan3A_84 : i32 to index
        %get3A_85 = arith.constant 0 : index
        %get3A_86 = tpu.vector_load %arg8[%get3A, %get3A_85] {strides = array<i32>} : memref<128x128xf32, #tpu.memory_space<vmem>>, vector<1x16xf32>,
        %get3A_87 = vector.shape_cast %get3A_86 : vector<1x16xf32> to vector<16xf32>
        %get3A_88 = arith.index_cast %scan3A_84 : i32 to index
        %get3A_89 = arith.constant 0 : index
        %get3A_90 = tpu.vector_load %arg9[%get3A_88, %get3A_89] {strides = array<i32>} : memref<128x128xf32, #tpu.memory_space<vmem>>, vector<1x16xf32>,
        %get3A_91 = vector.shape_cast %get3A_90 : vector<1x16xf32> to vector<16xf32>
        %add3A_92 = arith.addf %get3A_87, %get3A_91 : vector<16xf32>
        %swap3A = arith.index_cast %scan3A_84 : i32 to index
        %swap3A_93 = arith.constant 0 : index
        %swap3A_94 = tpu.vector_load %arg12[%swap3A, %swap3A_93] {strides = array<i32>} : memref<128x128xf32, #tpu.memory_space<vmem>>, vector<1x16xf32>,
        %swap3A_95 = vector.shape_cast %swap3A_94 : vector<1x16xf32> to vector<16xf32>
        %swap3A_96 = vector.shape_cast %add3A_92 : vector<16xf32> to vector<1x16xf32>
        tpu.vector_store %arg12[%swap3A, %swap3A_93], %swap3A_96 {strides = array<i32>} : memref<128x128xf32, #tpu.memory_space<vmem>>, vector<1x16xf32>,
        %get3A_97 = arith.index_cast %scan3A_84 : i32 to index
        %get3A_98 = arith.constant 16 : index
        %get3A_99 = tpu.vector_load %arg8[%get3A_97, %get3A_98] {strides = array<i32>} : memref<128x128xf32, #tpu.memory_space<vmem>>, vector<1x16xf32>,
        %get3A_100 = vector.shape_cast %get3A_99 : vector<1x16xf32> to vector<16xf32>
        %get3A_101 = arith.index_cast %scan3A_84 : i32 to index
        %get3A_102 = arith.constant 16 : index
        %get3A_103 = tpu.vector_load %arg9[%get3A_101, %get3A_102] {strides = array<i32>} : memref<128x128xf32, #tpu.memory_space<vmem>>, vector<1x16xf32>,
        %get3A_104 = vector.shape_cast %get3A_103 : vector<1x16xf32> to vector<16xf32>
        %add3A_105 = arith.addf %get3A_100, %get3A_104 : vector<16xf32>
        %swap3A_106 = arith.index_cast %scan3A_84 : i32 to index
        %swap3A_107 = arith.constant 16 : index
        %swap3A_108 = tpu.vector_load %arg12[%swap3A_106, %swap3A_107] {strides = array<i32>} : memref<128x128xf32, #tpu.memory_space<vmem>>, vector<1x16xf32>,
        %swap3A_109 = vector.shape_cast %swap3A_108 : vector<1x16xf32> to vector<16xf32>
        %swap3A_110 = vector.shape_cast %add3A_105 : vector<16xf32> to vector<1x16xf32>
        tpu.vector_store %arg12[%swap3A_106, %swap3A_107], %swap3A_110 {strides = array<i32>} : memref<128x128xf32, #tpu.memory_space<vmem>>, vector<1x16xf32>,
        %get3A_111 = arith.index_cast %scan3A_84 : i32 to index
        %get3A_112 = arith.constant 32 : index
        %get3A_113 = tpu.vector_load %arg8[%get3A_111, %get3A_112] {strides = array<i32>} : memref<128x128xf32, #tpu.memory_space<vmem>>, vector<1x16xf32>,
        %get3A_114 = vector.shape_cast %get3A_113 : vector<1x16xf32> to vector<16xf32>
        %get3A_115 = arith.index_cast %scan3A_84 : i32 to index
        %get3A_116 = arith.constant 32 : index
        %get3A_117 = tpu.vector_load %arg9[%get3A_115, %get3A_116] {strides = array<i32>} : memref<128x128xf32, #tpu.memory_space<vmem>>, vector<1x16xf32>,
        %get3A_118 = vector.shape_cast %get3A_117 : vector<1x16xf32> to vector<16xf32>
        %add3A_119 = arith.addf %get3A_114, %get3A_118 : vector<16xf32>
        %swap3A_120 = arith.index_cast %scan3A_84 : i32 to index
        %swap3A_121 = arith.constant 32 : index
        %swap3A_122 = tpu.vector_load %arg12[%swap3A_120, %swap3A_121] {strides = array<i32>} : memref<128x128xf32, #tpu.memory_space<vmem>>, vector<1x16xf32>,
        %swap3A_123 = vector.shape_cast %swap3A_122 : vector<1x16xf32> to vector<16xf32>
        %swap3A_124 = vector.shape_cast %add3A_119 : vector<16xf32> to vector<1x16xf32>
        tpu.vector_store %arg12[%swap3A_120, %swap3A_121], %swap3A_124 {strides = array<i32>} : memref<128x128xf32, #tpu.memory_space<vmem>>, vector<1x16xf32>,
        %get3A_125 = arith.index_cast %scan3A_84 : i32 to index
        %get3A_126 = arith.constant 48 : index
        %get3A_127 = tpu.vector_load %arg8[%get3A_125, %get3A_126] {strides = array<i32>} : memref<128x128xf32, #tpu.memory_space<vmem>>, vector<1x16xf32>,
        %get3A_128 = vector.shape_cast %get3A_127 : vector<1x16xf32> to vector<16xf32>
        %get3A_129 = arith.index_cast %scan3A_84 : i32 to index
        %get3A_130 = arith.constant 48 : index
        %get3A_131 = tpu.vector_load %arg9[%get3A_129, %get3A_130] {strides = array<i32>} : memref<128x128xf32, #tpu.memory_space<vmem>>, vector<1x16xf32>,
        %get3A_132 = vector.shape_cast %get3A_131 : vector<1x16xf32> to vector<16xf32>
        %add3A_133 = arith.addf %get3A_128, %get3A_132 : vector<16xf32>
        %swap3A_134 = arith.index_cast %scan3A_84 : i32 to index
        %swap3A_135 = arith.constant 48 : index
        %swap3A_136 = tpu.vector_load %arg12[%swap3A_134, %swap3A_135] {strides = array<i32>} : memref<128x128xf32, #tpu.memory_space<vmem>>, vector<1x16xf32>,
        %swap3A_137 = vector.shape_cast %swap3A_136 : vector<1x16xf32> to vector<16xf32>
        %swap3A_138 = vector.shape_cast %add3A_133 : vector<16xf32> to vector<1x16xf32>
        tpu.vector_store %arg12[%swap3A_134, %swap3A_135], %swap3A_138 {strides = array<i32>} : memref<128x128xf32, #tpu.memory_space<vmem>>, vector<1x16xf32>,
        %get3A_139 = arith.index_cast %scan3A_84 : i32 to index
        %get3A_140 = arith.constant 64 : index
        %get3A_141 = tpu.vector_load %arg8[%get3A_139, %get3A_140] {strides = array<i32>} : memref<128x128xf32, #tpu.memory_space<vmem>>, vector<1x16xf32>,
        %get3A_142 = vector.shape_cast %get3A_141 : vector<1x16xf32> to vector<16xf32>
        %get3A_143 = arith.index_cast %scan3A_84 : i32 to index
        %get3A_144 = arith.constant 64 : index
        %get3A_145 = tpu.vector_load %arg9[%get3A_143, %get3A_144] {strides = array<i32>} : memref<128x128xf32, #tpu.memory_space<vmem>>, vector<1x16xf32>,
        %get3A_146 = vector.shape_cast %get3A_145 : vector<1x16xf32> to vector<16xf32>
        %add3A_147 = arith.addf %get3A_142, %get3A_146 : vector<16xf32>
        %swap3A_148 = arith.index_cast %scan3A_84 : i32 to index
        %swap3A_149 = arith.constant 64 : index
        %swap3A_150 = tpu.vector_load %arg12[%swap3A_148, %swap3A_149] {strides = array<i32>} : memref<128x128xf32, #tpu.memory_space<vmem>>, vector<1x16xf32>,
        %swap3A_151 = vector.shape_cast %swap3A_150 : vector<1x16xf32> to vector<16xf32>
        %swap3A_152 = vector.shape_cast %add3A_147 : vector<16xf32> to vector<1x16xf32>
        tpu.vector_store %arg12[%swap3A_148, %swap3A_149], %swap3A_152 {strides = array<i32>} : memref<128x128xf32, #tpu.memory_space<vmem>>, vector<1x16xf32>,
        %get3A_153 = arith.index_cast %scan3A_84 : i32 to index
        %get3A_154 = arith.constant 80 : index
        %get3A_155 = tpu.vector_load %arg8[%get3A_153, %get3A_154] {strides = array<i32>} : memref<128x128xf32, #tpu.memory_space<vmem>>, vector<1x16xf32>,
        %get3A_156 = vector.shape_cast %get3A_155 : vector<1x16xf32> to vector<16xf32>
        %get3A_157 = arith.index_cast %scan3A_84 : i32 to index
        %get3A_158 = arith.constant 80 : index
        %get3A_159 = tpu.vector_load %arg9[%get3A_157, %get3A_158] {strides = array<i32>} : memref<128x128xf32, #tpu.memory_space<vmem>>, vector<1x16xf32>,
        %get3A_160 = vector.shape_cast %get3A_159 : vector<1x16xf32> to vector<16xf32>
        %add3A_161 = arith.addf %get3A_156, %get3A_160 : vector<16xf32>
        %swap3A_162 = arith.index_cast %scan3A_84 : i32 to index
        %swap3A_163 = arith.constant 80 : index
        %swap3A_164 = tpu.vector_load %arg12[%swap3A_162, %swap3A_163] {strides = array<i32>} : memref<128x128xf32, #tpu.memory_space<vmem>>, vector<1x16xf32>,
        %swap3A_165 = vector.shape_cast %swap3A_164 : vector<1x16xf32> to vector<16xf32>
        %swap3A_166 = vector.shape_cast %add3A_161 : vector<16xf32> to vector<1x16xf32>
        tpu.vector_store %arg12[%swap3A_162, %swap3A_163], %swap3A_166 {strides = array<i32>} : memref<128x128xf32, #tpu.memory_space<vmem>>, vector<1x16xf32>,
        %get3A_167 = arith.index_cast %scan3A_84 : i32 to index
        %get3A_168 = arith.constant 96 : index
        %get3A_169 = tpu.vector_load %arg8[%get3A_167, %get3A_168] {strides = array<i32>} : memref<128x128xf32, #tpu.memory_space<vmem>>, vector<1x16xf32>,
        %get3A_170 = vector.shape_cast %get3A_169 : vector<1x16xf32> to vector<16xf32>
        %get3A_171 = arith.index_cast %scan3A_84 : i32 to index
        %get3A_172 = arith.constant 96 : index
        %get3A_173 = tpu.vector_load %arg9[%get3A_171, %get3A_172] {strides = array<i32>} : memref<128x128xf32, #tpu.memory_space<vmem>>, vector<1x16xf32>,
        %get3A_174 = vector.shape_cast %get3A_173 : vector<1x16xf32> to vector<16xf32>
        %add3A_175 = arith.addf %get3A_170, %get3A_174 : vector<16xf32>
        %swap3A_176 = arith.index_cast %scan3A_84 : i32 to index
        %swap3A_177 = arith.constant 96 : index
        %swap3A_178 = tpu.vector_load %arg12[%swap3A_176, %swap3A_177] {strides = array<i32>} : memref<128x128xf32, #tpu.memory_space<vmem>>, vector<1x16xf32>,
        %swap3A_179 = vector.shape_cast %swap3A_178 : vector<1x16xf32> to vector<16xf32>
        %swap3A_180 = vector.shape_cast %add3A_175 : vector<16xf32> to vector<1x16xf32>
        tpu.vector_store %arg12[%swap3A_176, %swap3A_177], %swap3A_180 {strides = array<i32>} : memref<128x128xf32, #tpu.memory_space<vmem>>, vector<1x16xf32>,
        %get3A_181 = arith.index_cast %scan3A_84 : i32 to index
        %get3A_182 = arith.constant 112 : index
        %get3A_183 = tpu.vector_load %arg8[%get3A_181, %get3A_182] {strides = array<i32>} : memref<128x128xf32, #tpu.memory_space<vmem>>, vector<1x16xf32>,
        %get3A_184 = vector.shape_cast %get3A_183 : vector<1x16xf32> to vector<16xf32>
        %get3A_185 = arith.index_cast %scan3A_84 : i32 to index
        %get3A_186 = arith.constant 112 : index
        %get3A_187 = tpu.vector_load %arg9[%get3A_185, %get3A_186] {strides = array<i32>} : memref<128x128xf32, #tpu.memory_space<vmem>>, vector<1x16xf32>,
        %get3A_188 = vector.shape_cast %get3A_187 : vector<1x16xf32> to vector<16xf32>
        %add3A_189 = arith.addf %get3A_184, %get3A_188 : vector<16xf32>
        %swap3A_190 = arith.index_cast %scan3A_84 : i32 to index
        %swap3A_191 = arith.constant 112 : index
        %swap3A_192 = tpu.vector_load %arg12[%swap3A_190, %swap3A_191] {strides = array<i32>} : memref<128x128xf32, #tpu.memory_space<vmem>>, vector<1x16xf32>,
        %swap3A_193 = vector.shape_cast %swap3A_192 : vector<1x16xf32> to vector<16xf32>
        %swap3A_194 = vector.shape_cast %add3A_189 : vector<16xf32> to vector<1x16xf32>
        tpu.vector_store %arg12[%swap3A_190, %swap3A_191], %swap3A_194 {strides = array<i32>} : memref<128x128xf32, #tpu.memory_space<vmem>>, vector<1x16xf32>,
      }
      %scan3A_83 = arith.constant 128 : i32
      "tpu.region"() ({
        %run_scoped3A = tpu.sem_alloc : memref<!tpu.dma_semaphore, #tpu.memory_space<semaphore_mem>>
        %dma_start3A_84 = arith.constant 0 : i32
        %dma_start3A_85 = tpu.memref_slice %arg5[%mul3A_65, %dma_start3A_84] : memref<80000x128xf32, #tpu.memory_space<hbm>> -> memref<128x128xf32, #tpu.memory_space<hbm>>
        %dma_start3A_86 = arith.constant 0 : i32
        %dma_start3A_87 = tpu.memref_slice %arg5[%mul3A_65, %dma_start3A_86] : memref<80000x128xf32, #tpu.memory_space<hbm>> -> memref<128x128xf32, #tpu.memory_space<hbm>>
        tpu.enqueue_dma source(%arg12 : memref<128x128xf32, #tpu.memory_space<vmem>>) target(%dma_start3A_87 : memref<128x128xf32, #tpu.memory_space<hbm>>) target_semaphore(%run_scoped3A : memref<!tpu.dma_semaphore, #tpu.memory_space<semaphore_mem>>)
        %dma_wait3A_88 = arith.constant 0 : i32
        %dma_wait3A_89 = tpu.memref_slice %arg5[%mul3A_65, %dma_wait3A_88] : memref<80000x128xf32, #tpu.memory_space<hbm>> -> memref<128x128xf32, #tpu.memory_space<hbm>>
        %dma_wait3A_90 = arith.constant 0 : i32
        %dma_wait3A_91 = tpu.memref_slice %arg5[%mul3A_65, %dma_wait3A_90] : memref<80000x128xf32, #tpu.memory_space<hbm>> -> memref<128x128xf32, #tpu.memory_space<hbm>>
        tpu.wait_dma2 semaphore(%run_scoped3A : memref<!tpu.dma_semaphore, #tpu.memory_space<semaphore_mem>>) src(%arg12 : memref<128x128xf32, #tpu.memory_space<vmem>>) dst(%dma_wait3A_91 : memref<128x128xf32, #tpu.memory_space<hbm>>)
        tpu.yield
      }) : () -> ()
    } else {
    }
    return
  }
}

#map = affine_map<(d0, d1) -> (0, 0)>
#map1 = affine_map<(d0, d1) -> (0)>
module attributes {stable_mosaic.version = 14 : i64} {
  func.func @sc_kernel(%arg0: i32, %arg1: i32, %arg2: memref<10000x128xf32, #tpu.memory_space<hbm>>, %arg3: memref<80000xi32, #tpu.memory_space<hbm>>, %arg4: memref<80000xi32, #tpu.memory_space<hbm>>, %arg5: memref<80000x128xf32, #tpu.memory_space<hbm>>, %arg6: memref<2432xi32, #tpu.memory_space<vmem>>, %arg7: memref<2432xi32, #tpu.memory_space<vmem>>, %arg8: memref<128x128xf32, #tpu.memory_space<vmem>>, %arg9: memref<128x128xf32, #tpu.memory_space<vmem>>, %arg10: memref<128x128xf32, #tpu.memory_space<vmem>>, %arg11: memref<128x128xf32, #tpu.memory_space<vmem>>, %arg12: memref<128x128xf32, #tpu.memory_space<vmem>>, %arg13: memref<128x128xf32, #tpu.memory_space<vmem>>, %arg14: memref<128xi32, #tpu.memory_space<vmem>>, %arg15: memref<128xi32, #tpu.memory_space<vmem>>, %arg16: memref<!tpu.dma_semaphore, #tpu.memory_space<semaphore_mem>>, %arg17: memref<!tpu.dma_semaphore, #tpu.memory_space<semaphore_mem>>, %arg18: memref<!tpu.dma_semaphore, #tpu.memory_space<semaphore_mem>>, %arg19: memref<!tpu.dma_semaphore, #tpu.memory_space<semaphore_mem>>, %arg20: memref<!tpu.dma_semaphore, #tpu.memory_space<semaphore_mem>>, %arg21: memref<!tpu.dma_semaphore, #tpu.memory_space<semaphore_mem>>) attributes {dimension_semantics = [#tpu.dimension_semantics<core_parallel>, #tpu.dimension_semantics<subcore_parallel>], iteration_bounds = array<i64: 2, 16>, scalar_prefetch = 0 : i64, scratch_operands = 16 : i64, tpu.core_type = #tpu.core_type<sc_vector_subcore>, window_params = [{transform_indices = #map}, {transform_indices = #map1}, {transform_indices = #map1}, {transform_indices = #map}]} {
    %mul3A = arith.constant 2 : i32
    %mul3A_0 = arith.muli %arg1, %mul3A : i32
    %add3A = arith.addi %mul3A_0, %arg0 : i32
    %mul3A_1 = arith.constant 2432 : i32
    %mul3A_2 = arith.muli %add3A, %mul3A_1 : i32
    "tpu.region"() ({
      %run_scoped3A = tpu.sem_alloc : memref<!tpu.dma_semaphore, #tpu.memory_space<semaphore_mem>>
      %dma_start3A_62 = tpu.memref_slice %arg3[%mul3A_2] : memref<80000xi32, #tpu.memory_space<hbm>> -> memref<2432xi32, #tpu.memory_space<hbm>>
      %dma_start3A_63 = tpu.memref_slice %arg3[%mul3A_2] : memref<80000xi32, #tpu.memory_space<hbm>> -> memref<2432xi32, #tpu.memory_space<hbm>>
      tpu.enqueue_dma source(%dma_start3A_63 : memref<2432xi32, #tpu.memory_space<hbm>>) target(%arg6 : memref<2432xi32, #tpu.memory_space<vmem>>) target_semaphore(%run_scoped3A : memref<!tpu.dma_semaphore, #tpu.memory_space<semaphore_mem>>)
      %dma_wait3A_64 = tpu.memref_slice %arg3[%mul3A_2] : memref<80000xi32, #tpu.memory_space<hbm>> -> memref<2432xi32, #tpu.memory_space<hbm>>
      %dma_wait3A_65 = tpu.memref_slice %arg3[%mul3A_2] : memref<80000xi32, #tpu.memory_space<hbm>> -> memref<2432xi32, #tpu.memory_space<hbm>>
      tpu.wait_dma2 semaphore(%run_scoped3A : memref<!tpu.dma_semaphore, #tpu.memory_space<semaphore_mem>>) src(%dma_wait3A_65 : memref<2432xi32, #tpu.memory_space<hbm>>) dst(%arg6 : memref<2432xi32, #tpu.memory_space<vmem>>)
      tpu.yield
    }) : () -> ()
    "tpu.region"() ({
      %run_scoped3A = tpu.sem_alloc : memref<!tpu.dma_semaphore, #tpu.memory_space<semaphore_mem>>
      %dma_start3A_62 = tpu.memref_slice %arg4[%mul3A_2] : memref<80000xi32, #tpu.memory_space<hbm>> -> memref<2432xi32, #tpu.memory_space<hbm>>
      %dma_start3A_63 = tpu.memref_slice %arg4[%mul3A_2] : memref<80000xi32, #tpu.memory_space<hbm>> -> memref<2432xi32, #tpu.memory_space<hbm>>
      tpu.enqueue_dma source(%dma_start3A_63 : memref<2432xi32, #tpu.memory_space<hbm>>) target(%arg7 : memref<2432xi32, #tpu.memory_space<vmem>>) target_semaphore(%run_scoped3A : memref<!tpu.dma_semaphore, #tpu.memory_space<semaphore_mem>>)
      %dma_wait3A_64 = tpu.memref_slice %arg4[%mul3A_2] : memref<80000xi32, #tpu.memory_space<hbm>> -> memref<2432xi32, #tpu.memory_space<hbm>>
      %dma_wait3A_65 = tpu.memref_slice %arg4[%mul3A_2] : memref<80000xi32, #tpu.memory_space<hbm>> -> memref<2432xi32, #tpu.memory_space<hbm>>
      tpu.wait_dma2 semaphore(%run_scoped3A : memref<!tpu.dma_semaphore, #tpu.memory_space<semaphore_mem>>) src(%dma_wait3A_65 : memref<2432xi32, #tpu.memory_space<hbm>>) dst(%arg7 : memref<2432xi32, #tpu.memory_space<vmem>>)
      tpu.yield
    }) : () -> ()
    %dma_start3A = arith.constant 0 : i32
    %dma_start3A_3 = tpu.memref_slice %arg6[%dma_start3A] : memref<2432xi32, #tpu.memory_space<vmem>> -> memref<128xi32, #tpu.memory_space<vmem>>
    %dma_start3A_4 = arith.constant 0 : i32
    %dma_start3A_5 = arith.constant 0 : i32
    %dma_start3A_6 = tpu.memref_slice %arg2[%dma_start3A_4, %dma_start3A_5] : memref<10000x128xf32, #tpu.memory_space<hbm>> -> memref<10000x128xf32, #tpu.memory_space<hbm>>
    tpu.enqueue_indirect_dma source(%dma_start3A_6 : memref<10000x128xf32, #tpu.memory_space<hbm>>) target(%arg8 : memref<128x128xf32, #tpu.memory_space<vmem>>) offsets(%dma_start3A_3 : memref<128xi32, #tpu.memory_space<vmem>>) semaphore(%arg16 : memref<!tpu.dma_semaphore, #tpu.memory_space<semaphore_mem>>)
    %dma_start3A_7 = arith.constant 0 : i32
    %dma_start3A_8 = tpu.memref_slice %arg7[%dma_start3A_7] : memref<2432xi32, #tpu.memory_space<vmem>> -> memref<128xi32, #tpu.memory_space<vmem>>
    %dma_start3A_9 = arith.constant 0 : i32
    %dma_start3A_10 = arith.constant 0 : i32
    %dma_start3A_11 = tpu.memref_slice %arg2[%dma_start3A_9, %dma_start3A_10] : memref<10000x128xf32, #tpu.memory_space<hbm>> -> memref<10000x128xf32, #tpu.memory_space<hbm>>
    tpu.enqueue_indirect_dma source(%dma_start3A_11 : memref<10000x128xf32, #tpu.memory_space<hbm>>) target(%arg9 : memref<128x128xf32, #tpu.memory_space<vmem>>) offsets(%dma_start3A_8 : memref<128xi32, #tpu.memory_space<vmem>>) semaphore(%arg17 : memref<!tpu.dma_semaphore, #tpu.memory_space<semaphore_mem>>)
    %dma_start3A_12 = arith.constant 128 : i32
    %dma_start3A_13 = tpu.memref_slice %arg6[%dma_start3A_12] : memref<2432xi32, #tpu.memory_space<vmem>> -> memref<128xi32, #tpu.memory_space<vmem>>
    %dma_start3A_14 = arith.constant 0 : i32
    %dma_start3A_15 = arith.constant 0 : i32
    %dma_start3A_16 = tpu.memref_slice %arg2[%dma_start3A_14, %dma_start3A_15] : memref<10000x128xf32, #tpu.memory_space<hbm>> -> memref<10000x128xf32, #tpu.memory_space<hbm>>
    tpu.enqueue_indirect_dma source(%dma_start3A_16 : memref<10000x128xf32, #tpu.memory_space<hbm>>) target(%arg10 : memref<128x128xf32, #tpu.memory_space<vmem>>) offsets(%dma_start3A_13 : memref<128xi32, #tpu.memory_space<vmem>>) semaphore(%arg18 : memref<!tpu.dma_semaphore, #tpu.memory_space<semaphore_mem>>)
    %dma_start3A_17 = arith.constant 128 : i32
    %dma_start3A_18 = tpu.memref_slice %arg7[%dma_start3A_17] : memref<2432xi32, #tpu.memory_space<vmem>> -> memref<128xi32, #tpu.memory_space<vmem>>
    %dma_start3A_19 = arith.constant 0 : i32
    %dma_start3A_20 = arith.constant 0 : i32
    %dma_start3A_21 = tpu.memref_slice %arg2[%dma_start3A_19, %dma_start3A_20] : memref<10000x128xf32, #tpu.memory_space<hbm>> -> memref<10000x128xf32, #tpu.memory_space<hbm>>
    tpu.enqueue_indirect_dma source(%dma_start3A_21 : memref<10000x128xf32, #tpu.memory_space<hbm>>) target(%arg11 : memref<128x128xf32, #tpu.memory_space<vmem>>) offsets(%dma_start3A_18 : memref<128xi32, #tpu.memory_space<vmem>>) semaphore(%arg19 : memref<!tpu.dma_semaphore, #tpu.memory_space<semaphore_mem>>)
    %scan3A = arith.constant 0 : i32
    %scan3A_22 = arith.constant 0 : i32
    %scan3A_23 = arith.constant 9 : i32
    %scan3A_24 = arith.addi %scan3A_22, %scan3A_23 : i32
    %scan3A_25 = arith.constant 1 : i32
    scf.for %scan3A_62 = %scan3A_22 to %scan3A_24 step %scan3A_25  : i32 {
      %mul3A_63 = arith.constant 2 : i32
      %mul3A_64 = arith.muli %mul3A_63, %scan3A_62 : i32
      %add3A_65 = arith.constant 2 : i32
      %add3A_66 = arith.addi %mul3A_64, %add3A_65 : i32
      %lt3A_67 = arith.constant 19 : i32
      %lt3A_68 = arith.cmpi slt, %add3A_66, %lt3A_67 : i32
      %dma_wait3A_69 = arith.constant 0 : i32
      %dma_wait3A_70 = tpu.memref_slice %arg6[%dma_wait3A_69] : memref<2432xi32, #tpu.memory_space<vmem>> -> memref<128xi32, #tpu.memory_space<vmem>>
      %dma_wait3A_71 = arith.constant 0 : i32
      %dma_wait3A_72 = arith.constant 0 : i32
      %dma_wait3A_73 = tpu.memref_slice %arg2[%dma_wait3A_71, %dma_wait3A_72] : memref<10000x128xf32, #tpu.memory_space<hbm>> -> memref<10000x128xf32, #tpu.memory_space<hbm>>
      tpu.wait_indirect_dma semaphore(%arg16 : memref<!tpu.dma_semaphore, #tpu.memory_space<semaphore_mem>>) src(%dma_wait3A_73 : memref<10000x128xf32, #tpu.memory_space<hbm>>) dst(%arg8 : memref<128x128xf32, #tpu.memory_space<vmem>>)
      %dma_wait3A_74 = arith.constant 0 : i32
      %dma_wait3A_75 = tpu.memref_slice %arg7[%dma_wait3A_74] : memref<2432xi32, #tpu.memory_space<vmem>> -> memref<128xi32, #tpu.memory_space<vmem>>
      %dma_wait3A_76 = arith.constant 0 : i32
      %dma_wait3A_77 = arith.constant 0 : i32
      %dma_wait3A_78 = tpu.memref_slice %arg2[%dma_wait3A_76, %dma_wait3A_77] : memref<10000x128xf32, #tpu.memory_space<hbm>> -> memref<10000x128xf32, #tpu.memory_space<hbm>>
      tpu.wait_indirect_dma semaphore(%arg17 : memref<!tpu.dma_semaphore, #tpu.memory_space<semaphore_mem>>) src(%dma_wait3A_78 : memref<10000x128xf32, #tpu.memory_space<hbm>>) dst(%arg9 : memref<128x128xf32, #tpu.memory_space<vmem>>)
      %gt3A = arith.constant 0 : i32
      %gt3A_79 = arith.cmpi sgt, %scan3A_62, %gt3A : i32
      %convert_element_type3A_80 = arith.extui %gt3A_79 : i1 to i32
      %cond3A_81 = arith.constant 0 : i32
      %cond3A_82 = arith.cmpi ne, %convert_element_type3A_80, %cond3A_81 : i32
      scf.if %cond3A_82 {
        %dma_wait3A_136 = arith.constant 0 : i32
        %dma_wait3A_137 = tpu.memref_slice %arg5[%mul3A_2, %dma_wait3A_136] : memref<80000x128xf32, #tpu.memory_space<hbm>> -> memref<128x128xf32, #tpu.memory_space<hbm>>
        %dma_wait3A_138 = arith.constant 0 : i32
        %dma_wait3A_139 = tpu.memref_slice %arg5[%mul3A_2, %dma_wait3A_138] : memref<80000x128xf32, #tpu.memory_space<hbm>> -> memref<128x128xf32, #tpu.memory_space<hbm>>
        tpu.wait_dma2 semaphore(%arg20 : memref<!tpu.dma_semaphore, #tpu.memory_space<semaphore_mem>>) src(%arg12 : memref<128x128xf32, #tpu.memory_space<vmem>>) dst(%dma_wait3A_139 : memref<128x128xf32, #tpu.memory_space<hbm>>)
      } else {
      }
      %scan3A_83 = arith.constant 0 : i32
      %scan3A_84 = arith.constant 0 : i32
      %scan3A_85 = arith.constant 128 : i32
      %scan3A_86 = arith.addi %scan3A_84, %scan3A_85 : i32
      %scan3A_87 = arith.constant 1 : i32
      scf.for %scan3A_136 = %scan3A_84 to %scan3A_86 step %scan3A_87  : i32 {
        %get3A = arith.index_cast %scan3A_136 : i32 to index
        %get3A_137 = arith.constant 0 : index
        %get3A_138 = tpu.vector_load %arg8[%get3A, %get3A_137] {strides = array<i32>} : memref<128x128xf32, #tpu.memory_space<vmem>>, vector<1x16xf32>,
        %get3A_139 = vector.shape_cast %get3A_138 : vector<1x16xf32> to vector<16xf32>
        %get3A_140 = arith.index_cast %scan3A_136 : i32 to index
        %get3A_141 = arith.constant 0 : index
        %get3A_142 = tpu.vector_load %arg9[%get3A_140, %get3A_141] {strides = array<i32>} : memref<128x128xf32, #tpu.memory_space<vmem>>, vector<1x16xf32>,
        %get3A_143 = vector.shape_cast %get3A_142 : vector<1x16xf32> to vector<16xf32>
        %add3A_144 = arith.addf %get3A_139, %get3A_143 : vector<16xf32>
        %swap3A = arith.index_cast %scan3A_136 : i32 to index
        %swap3A_145 = arith.constant 0 : index
        %swap3A_146 = tpu.vector_load %arg12[%swap3A, %swap3A_145] {strides = array<i32>} : memref<128x128xf32, #tpu.memory_space<vmem>>, vector<1x16xf32>,
        %swap3A_147 = vector.shape_cast %swap3A_146 : vector<1x16xf32> to vector<16xf32>
        %swap3A_148 = vector.shape_cast %add3A_144 : vector<16xf32> to vector<1x16xf32>
        tpu.vector_store %arg12[%swap3A, %swap3A_145], %swap3A_148 {strides = array<i32>} : memref<128x128xf32, #tpu.memory_space<vmem>>, vector<1x16xf32>,
        %get3A_149 = arith.index_cast %scan3A_136 : i32 to index
        %get3A_150 = arith.constant 16 : index
        %get3A_151 = tpu.vector_load %arg8[%get3A_149, %get3A_150] {strides = array<i32>} : memref<128x128xf32, #tpu.memory_space<vmem>>, vector<1x16xf32>,
        %get3A_152 = vector.shape_cast %get3A_151 : vector<1x16xf32> to vector<16xf32>
        %get3A_153 = arith.index_cast %scan3A_136 : i32 to index
        %get3A_154 = arith.constant 16 : index
        %get3A_155 = tpu.vector_load %arg9[%get3A_153, %get3A_154] {strides = array<i32>} : memref<128x128xf32, #tpu.memory_space<vmem>>, vector<1x16xf32>,
        %get3A_156 = vector.shape_cast %get3A_155 : vector<1x16xf32> to vector<16xf32>
        %add3A_157 = arith.addf %get3A_152, %get3A_156 : vector<16xf32>
        %swap3A_158 = arith.index_cast %scan3A_136 : i32 to index
        %swap3A_159 = arith.constant 16 : index
        %swap3A_160 = tpu.vector_load %arg12[%swap3A_158, %swap3A_159] {strides = array<i32>} : memref<128x128xf32, #tpu.memory_space<vmem>>, vector<1x16xf32>,
        %swap3A_161 = vector.shape_cast %swap3A_160 : vector<1x16xf32> to vector<16xf32>
        %swap3A_162 = vector.shape_cast %add3A_157 : vector<16xf32> to vector<1x16xf32>
        tpu.vector_store %arg12[%swap3A_158, %swap3A_159], %swap3A_162 {strides = array<i32>} : memref<128x128xf32, #tpu.memory_space<vmem>>, vector<1x16xf32>,
        %get3A_163 = arith.index_cast %scan3A_136 : i32 to index
        %get3A_164 = arith.constant 32 : index
        %get3A_165 = tpu.vector_load %arg8[%get3A_163, %get3A_164] {strides = array<i32>} : memref<128x128xf32, #tpu.memory_space<vmem>>, vector<1x16xf32>,
        %get3A_166 = vector.shape_cast %get3A_165 : vector<1x16xf32> to vector<16xf32>
        %get3A_167 = arith.index_cast %scan3A_136 : i32 to index
        %get3A_168 = arith.constant 32 : index
        %get3A_169 = tpu.vector_load %arg9[%get3A_167, %get3A_168] {strides = array<i32>} : memref<128x128xf32, #tpu.memory_space<vmem>>, vector<1x16xf32>,
        %get3A_170 = vector.shape_cast %get3A_169 : vector<1x16xf32> to vector<16xf32>
        %add3A_171 = arith.addf %get3A_166, %get3A_170 : vector<16xf32>
        %swap3A_172 = arith.index_cast %scan3A_136 : i32 to index
        %swap3A_173 = arith.constant 32 : index
        %swap3A_174 = tpu.vector_load %arg12[%swap3A_172, %swap3A_173] {strides = array<i32>} : memref<128x128xf32, #tpu.memory_space<vmem>>, vector<1x16xf32>,
        %swap3A_175 = vector.shape_cast %swap3A_174 : vector<1x16xf32> to vector<16xf32>
        %swap3A_176 = vector.shape_cast %add3A_171 : vector<16xf32> to vector<1x16xf32>
        tpu.vector_store %arg12[%swap3A_172, %swap3A_173], %swap3A_176 {strides = array<i32>} : memref<128x128xf32, #tpu.memory_space<vmem>>, vector<1x16xf32>,
        %get3A_177 = arith.index_cast %scan3A_136 : i32 to index
        %get3A_178 = arith.constant 48 : index
        %get3A_179 = tpu.vector_load %arg8[%get3A_177, %get3A_178] {strides = array<i32>} : memref<128x128xf32, #tpu.memory_space<vmem>>, vector<1x16xf32>,
        %get3A_180 = vector.shape_cast %get3A_179 : vector<1x16xf32> to vector<16xf32>
        %get3A_181 = arith.index_cast %scan3A_136 : i32 to index
        %get3A_182 = arith.constant 48 : index
        %get3A_183 = tpu.vector_load %arg9[%get3A_181, %get3A_182] {strides = array<i32>} : memref<128x128xf32, #tpu.memory_space<vmem>>, vector<1x16xf32>,
        %get3A_184 = vector.shape_cast %get3A_183 : vector<1x16xf32> to vector<16xf32>
        %add3A_185 = arith.addf %get3A_180, %get3A_184 : vector<16xf32>
        %swap3A_186 = arith.index_cast %scan3A_136 : i32 to index
        %swap3A_187 = arith.constant 48 : index
        %swap3A_188 = tpu.vector_load %arg12[%swap3A_186, %swap3A_187] {strides = array<i32>} : memref<128x128xf32, #tpu.memory_space<vmem>>, vector<1x16xf32>,
        %swap3A_189 = vector.shape_cast %swap3A_188 : vector<1x16xf32> to vector<16xf32>
        %swap3A_190 = vector.shape_cast %add3A_185 : vector<16xf32> to vector<1x16xf32>
        tpu.vector_store %arg12[%swap3A_186, %swap3A_187], %swap3A_190 {strides = array<i32>} : memref<128x128xf32, #tpu.memory_space<vmem>>, vector<1x16xf32>,
        %get3A_191 = arith.index_cast %scan3A_136 : i32 to index
        %get3A_192 = arith.constant 64 : index
        %get3A_193 = tpu.vector_load %arg8[%get3A_191, %get3A_192] {strides = array<i32>} : memref<128x128xf32, #tpu.memory_space<vmem>>, vector<1x16xf32>,
        %get3A_194 = vector.shape_cast %get3A_193 : vector<1x16xf32> to vector<16xf32>
        %get3A_195 = arith.index_cast %scan3A_136 : i32 to index
        %get3A_196 = arith.constant 64 : index
        %get3A_197 = tpu.vector_load %arg9[%get3A_195, %get3A_196] {strides = array<i32>} : memref<128x128xf32, #tpu.memory_space<vmem>>, vector<1x16xf32>,
        %get3A_198 = vector.shape_cast %get3A_197 : vector<1x16xf32> to vector<16xf32>
        %add3A_199 = arith.addf %get3A_194, %get3A_198 : vector<16xf32>
        %swap3A_200 = arith.index_cast %scan3A_136 : i32 to index
        %swap3A_201 = arith.constant 64 : index
        %swap3A_202 = tpu.vector_load %arg12[%swap3A_200, %swap3A_201] {strides = array<i32>} : memref<128x128xf32, #tpu.memory_space<vmem>>, vector<1x16xf32>,
        %swap3A_203 = vector.shape_cast %swap3A_202 : vector<1x16xf32> to vector<16xf32>
        %swap3A_204 = vector.shape_cast %add3A_199 : vector<16xf32> to vector<1x16xf32>
        tpu.vector_store %arg12[%swap3A_200, %swap3A_201], %swap3A_204 {strides = array<i32>} : memref<128x128xf32, #tpu.memory_space<vmem>>, vector<1x16xf32>,
        %get3A_205 = arith.index_cast %scan3A_136 : i32 to index
        %get3A_206 = arith.constant 80 : index
        %get3A_207 = tpu.vector_load %arg8[%get3A_205, %get3A_206] {strides = array<i32>} : memref<128x128xf32, #tpu.memory_space<vmem>>, vector<1x16xf32>,
        %get3A_208 = vector.shape_cast %get3A_207 : vector<1x16xf32> to vector<16xf32>
        %get3A_209 = arith.index_cast %scan3A_136 : i32 to index
        %get3A_210 = arith.constant 80 : index
        %get3A_211 = tpu.vector_load %arg9[%get3A_209, %get3A_210] {strides = array<i32>} : memref<128x128xf32, #tpu.memory_space<vmem>>, vector<1x16xf32>,
        %get3A_212 = vector.shape_cast %get3A_211 : vector<1x16xf32> to vector<16xf32>
        %add3A_213 = arith.addf %get3A_208, %get3A_212 : vector<16xf32>
        %swap3A_214 = arith.index_cast %scan3A_136 : i32 to index
        %swap3A_215 = arith.constant 80 : index
        %swap3A_216 = tpu.vector_load %arg12[%swap3A_214, %swap3A_215] {strides = array<i32>} : memref<128x128xf32, #tpu.memory_space<vmem>>, vector<1x16xf32>,
        %swap3A_217 = vector.shape_cast %swap3A_216 : vector<1x16xf32> to vector<16xf32>
        %swap3A_218 = vector.shape_cast %add3A_213 : vector<16xf32> to vector<1x16xf32>
        tpu.vector_store %arg12[%swap3A_214, %swap3A_215], %swap3A_218 {strides = array<i32>} : memref<128x128xf32, #tpu.memory_space<vmem>>, vector<1x16xf32>,
        %get3A_219 = arith.index_cast %scan3A_136 : i32 to index
        %get3A_220 = arith.constant 96 : index
        %get3A_221 = tpu.vector_load %arg8[%get3A_219, %get3A_220] {strides = array<i32>} : memref<128x128xf32, #tpu.memory_space<vmem>>, vector<1x16xf32>,
        %get3A_222 = vector.shape_cast %get3A_221 : vector<1x16xf32> to vector<16xf32>
        %get3A_223 = arith.index_cast %scan3A_136 : i32 to index
        %get3A_224 = arith.constant 96 : index
        %get3A_225 = tpu.vector_load %arg9[%get3A_223, %get3A_224] {strides = array<i32>} : memref<128x128xf32, #tpu.memory_space<vmem>>, vector<1x16xf32>,
        %get3A_226 = vector.shape_cast %get3A_225 : vector<1x16xf32> to vector<16xf32>
        %add3A_227 = arith.addf %get3A_222, %get3A_226 : vector<16xf32>
        %swap3A_228 = arith.index_cast %scan3A_136 : i32 to index
        %swap3A_229 = arith.constant 96 : index
        %swap3A_230 = tpu.vector_load %arg12[%swap3A_228, %swap3A_229] {strides = array<i32>} : memref<128x128xf32, #tpu.memory_space<vmem>>, vector<1x16xf32>,
        %swap3A_231 = vector.shape_cast %swap3A_230 : vector<1x16xf32> to vector<16xf32>
        %swap3A_232 = vector.shape_cast %add3A_227 : vector<16xf32> to vector<1x16xf32>
        tpu.vector_store %arg12[%swap3A_228, %swap3A_229], %swap3A_232 {strides = array<i32>} : memref<128x128xf32, #tpu.memory_space<vmem>>, vector<1x16xf32>,
        %get3A_233 = arith.index_cast %scan3A_136 : i32 to index
        %get3A_234 = arith.constant 112 : index
        %get3A_235 = tpu.vector_load %arg8[%get3A_233, %get3A_234] {strides = array<i32>} : memref<128x128xf32, #tpu.memory_space<vmem>>, vector<1x16xf32>,
        %get3A_236 = vector.shape_cast %get3A_235 : vector<1x16xf32> to vector<16xf32>
        %get3A_237 = arith.index_cast %scan3A_136 : i32 to index
        %get3A_238 = arith.constant 112 : index
        %get3A_239 = tpu.vector_load %arg9[%get3A_237, %get3A_238] {strides = array<i32>} : memref<128x128xf32, #tpu.memory_space<vmem>>, vector<1x16xf32>,
        %get3A_240 = vector.shape_cast %get3A_239 : vector<1x16xf32> to vector<16xf32>
        %add3A_241 = arith.addf %get3A_236, %get3A_240 : vector<16xf32>
        %swap3A_242 = arith.index_cast %scan3A_136 : i32 to index
        %swap3A_243 = arith.constant 112 : index
        %swap3A_244 = tpu.vector_load %arg12[%swap3A_242, %swap3A_243] {strides = array<i32>} : memref<128x128xf32, #tpu.memory_space<vmem>>, vector<1x16xf32>,
        %swap3A_245 = vector.shape_cast %swap3A_244 : vector<1x16xf32> to vector<16xf32>
        %swap3A_246 = vector.shape_cast %add3A_241 : vector<16xf32> to vector<1x16xf32>
        tpu.vector_store %arg12[%swap3A_242, %swap3A_243], %swap3A_246 {strides = array<i32>} : memref<128x128xf32, #tpu.memory_space<vmem>>, vector<1x16xf32>,
      }
      %scan3A_88 = arith.constant 128 : i32
      %mul3A_89 = arith.constant 128 : i32
      %mul3A_90 = arith.muli %mul3A_64, %mul3A_89 : i32
      %add3A_91 = arith.addi %mul3A_2, %mul3A_90 : i32
      %dma_start3A_92 = arith.constant 0 : i32
      %dma_start3A_93 = tpu.memref_slice %arg5[%add3A_91, %dma_start3A_92] : memref<80000x128xf32, #tpu.memory_space<hbm>> -> memref<128x128xf32, #tpu.memory_space<hbm>>
      %dma_start3A_94 = arith.constant 0 : i32
      %dma_start3A_95 = tpu.memref_slice %arg5[%add3A_91, %dma_start3A_94] : memref<80000x128xf32, #tpu.memory_space<hbm>> -> memref<128x128xf32, #tpu.memory_space<hbm>>
      tpu.enqueue_dma source(%arg12 : memref<128x128xf32, #tpu.memory_space<vmem>>) target(%dma_start3A_95 : memref<128x128xf32, #tpu.memory_space<hbm>>) target_semaphore(%arg20 : memref<!tpu.dma_semaphore, #tpu.memory_space<semaphore_mem>>)
      %convert_element_type3A_96 = arith.extui %lt3A_68 : i1 to i32
      %cond3A_97 = arith.constant 0 : i32
      %cond3A_98 = arith.cmpi ne, %convert_element_type3A_96, %cond3A_97 : i32
      scf.if %cond3A_98 {
        %add3A_136 = arith.constant 2 : i32
        %add3A_137 = arith.addi %mul3A_64, %add3A_136 : i32
        %mul3A_138 = arith.constant 128 : i32
        %mul3A_139 = arith.muli %add3A_137, %mul3A_138 : i32
        %dma_start3A_140 = tpu.memref_slice %arg6[%mul3A_139] : memref<2432xi32, #tpu.memory_space<vmem>> -> memref<128xi32, #tpu.memory_space<vmem>>
        %dma_start3A_141 = arith.constant 0 : i32
        %dma_start3A_142 = arith.constant 0 : i32
        %dma_start3A_143 = tpu.memref_slice %arg2[%dma_start3A_141, %dma_start3A_142] : memref<10000x128xf32, #tpu.memory_space<hbm>> -> memref<10000x128xf32, #tpu.memory_space<hbm>>
        tpu.enqueue_indirect_dma source(%dma_start3A_143 : memref<10000x128xf32, #tpu.memory_space<hbm>>) target(%arg8 : memref<128x128xf32, #tpu.memory_space<vmem>>) offsets(%dma_start3A_140 : memref<128xi32, #tpu.memory_space<vmem>>) semaphore(%arg16 : memref<!tpu.dma_semaphore, #tpu.memory_space<semaphore_mem>>)
        %dma_start3A_144 = tpu.memref_slice %arg7[%mul3A_139] : memref<2432xi32, #tpu.memory_space<vmem>> -> memref<128xi32, #tpu.memory_space<vmem>>
        %dma_start3A_145 = arith.constant 0 : i32
        %dma_start3A_146 = arith.constant 0 : i32
        %dma_start3A_147 = tpu.memref_slice %arg2[%dma_start3A_145, %dma_start3A_146] : memref<10000x128xf32, #tpu.memory_space<hbm>> -> memref<10000x128xf32, #tpu.memory_space<hbm>>
        tpu.enqueue_indirect_dma source(%dma_start3A_147 : memref<10000x128xf32, #tpu.memory_space<hbm>>) target(%arg9 : memref<128x128xf32, #tpu.memory_space<vmem>>) offsets(%dma_start3A_144 : memref<128xi32, #tpu.memory_space<vmem>>) semaphore(%arg17 : memref<!tpu.dma_semaphore, #tpu.memory_space<semaphore_mem>>)
      } else {
      }
      %add3A_99 = arith.constant 1 : i32
      %add3A_100 = arith.addi %mul3A_64, %add3A_99 : i32
      %add3A_101 = arith.constant 3 : i32
      %add3A_102 = arith.addi %mul3A_64, %add3A_101 : i32
      %lt3A_103 = arith.constant 19 : i32
      %lt3A_104 = arith.cmpi slt, %add3A_102, %lt3A_103 : i32
      %dma_wait3A_105 = arith.constant 0 : i32
      %dma_wait3A_106 = tpu.memref_slice %arg6[%dma_wait3A_105] : memref<2432xi32, #tpu.memory_space<vmem>> -> memref<128xi32, #tpu.memory_space<vmem>>
      %dma_wait3A_107 = arith.constant 0 : i32
      %dma_wait3A_108 = arith.constant 0 : i32
      %dma_wait3A_109 = tpu.memref_slice %arg2[%dma_wait3A_107, %dma_wait3A_108] : memref<10000x128xf32, #tpu.memory_space<hbm>> -> memref<10000x128xf32, #tpu.memory_space<hbm>>
      tpu.wait_indirect_dma semaphore(%arg18 : memref<!tpu.dma_semaphore, #tpu.memory_space<semaphore_mem>>) src(%dma_wait3A_109 : memref<10000x128xf32, #tpu.memory_space<hbm>>) dst(%arg10 : memref<128x128xf32, #tpu.memory_space<vmem>>)
      %dma_wait3A_110 = arith.constant 0 : i32
      %dma_wait3A_111 = tpu.memref_slice %arg7[%dma_wait3A_110] : memref<2432xi32, #tpu.memory_space<vmem>> -> memref<128xi32, #tpu.memory_space<vmem>>
      %dma_wait3A_112 = arith.constant 0 : i32
      %dma_wait3A_113 = arith.constant 0 : i32
      %dma_wait3A_114 = tpu.memref_slice %arg2[%dma_wait3A_112, %dma_wait3A_113] : memref<10000x128xf32, #tpu.memory_space<hbm>> -> memref<10000x128xf32, #tpu.memory_space<hbm>>
      tpu.wait_indirect_dma semaphore(%arg19 : memref<!tpu.dma_semaphore, #tpu.memory_space<semaphore_mem>>) src(%dma_wait3A_114 : memref<10000x128xf32, #tpu.memory_space<hbm>>) dst(%arg11 : memref<128x128xf32, #tpu.memory_space<vmem>>)
      %gt3A_115 = arith.constant 0 : i32
      %gt3A_116 = arith.cmpi sgt, %scan3A_62, %gt3A_115 : i32
      %convert_element_type3A_117 = arith.extui %gt3A_116 : i1 to i32
      %cond3A_118 = arith.constant 0 : i32
      %cond3A_119 = arith.cmpi ne, %convert_element_type3A_117, %cond3A_118 : i32
      scf.if %cond3A_119 {
        %dma_wait3A_136 = arith.constant 0 : i32
        %dma_wait3A_137 = tpu.memref_slice %arg5[%mul3A_2, %dma_wait3A_136] : memref<80000x128xf32, #tpu.memory_space<hbm>> -> memref<128x128xf32, #tpu.memory_space<hbm>>
        %dma_wait3A_138 = arith.constant 0 : i32
        %dma_wait3A_139 = tpu.memref_slice %arg5[%mul3A_2, %dma_wait3A_138] : memref<80000x128xf32, #tpu.memory_space<hbm>> -> memref<128x128xf32, #tpu.memory_space<hbm>>
        tpu.wait_dma2 semaphore(%arg21 : memref<!tpu.dma_semaphore, #tpu.memory_space<semaphore_mem>>) src(%arg13 : memref<128x128xf32, #tpu.memory_space<vmem>>) dst(%dma_wait3A_139 : memref<128x128xf32, #tpu.memory_space<hbm>>)
      } else {
      }
      %scan3A_120 = arith.constant 0 : i32
      %scan3A_121 = arith.constant 0 : i32
      %scan3A_122 = arith.constant 128 : i32
      %scan3A_123 = arith.addi %scan3A_121, %scan3A_122 : i32
      %scan3A_124 = arith.constant 1 : i32
      scf.for %scan3A_136 = %scan3A_121 to %scan3A_123 step %scan3A_124  : i32 {
        %get3A = arith.index_cast %scan3A_136 : i32 to index
        %get3A_137 = arith.constant 0 : index
        %get3A_138 = tpu.vector_load %arg10[%get3A, %get3A_137] {strides = array<i32>} : memref<128x128xf32, #tpu.memory_space<vmem>>, vector<1x16xf32>,
        %get3A_139 = vector.shape_cast %get3A_138 : vector<1x16xf32> to vector<16xf32>
        %get3A_140 = arith.index_cast %scan3A_136 : i32 to index
        %get3A_141 = arith.constant 0 : index
        %get3A_142 = tpu.vector_load %arg11[%get3A_140, %get3A_141] {strides = array<i32>} : memref<128x128xf32, #tpu.memory_space<vmem>>, vector<1x16xf32>,
        %get3A_143 = vector.shape_cast %get3A_142 : vector<1x16xf32> to vector<16xf32>
        %add3A_144 = arith.addf %get3A_139, %get3A_143 : vector<16xf32>
        %swap3A = arith.index_cast %scan3A_136 : i32 to index
        %swap3A_145 = arith.constant 0 : index
        %swap3A_146 = tpu.vector_load %arg13[%swap3A, %swap3A_145] {strides = array<i32>} : memref<128x128xf32, #tpu.memory_space<vmem>>, vector<1x16xf32>,
        %swap3A_147 = vector.shape_cast %swap3A_146 : vector<1x16xf32> to vector<16xf32>
        %swap3A_148 = vector.shape_cast %add3A_144 : vector<16xf32> to vector<1x16xf32>
        tpu.vector_store %arg13[%swap3A, %swap3A_145], %swap3A_148 {strides = array<i32>} : memref<128x128xf32, #tpu.memory_space<vmem>>, vector<1x16xf32>,
        %get3A_149 = arith.index_cast %scan3A_136 : i32 to index
        %get3A_150 = arith.constant 16 : index
        %get3A_151 = tpu.vector_load %arg10[%get3A_149, %get3A_150] {strides = array<i32>} : memref<128x128xf32, #tpu.memory_space<vmem>>, vector<1x16xf32>,
        %get3A_152 = vector.shape_cast %get3A_151 : vector<1x16xf32> to vector<16xf32>
        %get3A_153 = arith.index_cast %scan3A_136 : i32 to index
        %get3A_154 = arith.constant 16 : index
        %get3A_155 = tpu.vector_load %arg11[%get3A_153, %get3A_154] {strides = array<i32>} : memref<128x128xf32, #tpu.memory_space<vmem>>, vector<1x16xf32>,
        %get3A_156 = vector.shape_cast %get3A_155 : vector<1x16xf32> to vector<16xf32>
        %add3A_157 = arith.addf %get3A_152, %get3A_156 : vector<16xf32>
        %swap3A_158 = arith.index_cast %scan3A_136 : i32 to index
        %swap3A_159 = arith.constant 16 : index
        %swap3A_160 = tpu.vector_load %arg13[%swap3A_158, %swap3A_159] {strides = array<i32>} : memref<128x128xf32, #tpu.memory_space<vmem>>, vector<1x16xf32>,
        %swap3A_161 = vector.shape_cast %swap3A_160 : vector<1x16xf32> to vector<16xf32>
        %swap3A_162 = vector.shape_cast %add3A_157 : vector<16xf32> to vector<1x16xf32>
        tpu.vector_store %arg13[%swap3A_158, %swap3A_159], %swap3A_162 {strides = array<i32>} : memref<128x128xf32, #tpu.memory_space<vmem>>, vector<1x16xf32>,
        %get3A_163 = arith.index_cast %scan3A_136 : i32 to index
        %get3A_164 = arith.constant 32 : index
        %get3A_165 = tpu.vector_load %arg10[%get3A_163, %get3A_164] {strides = array<i32>} : memref<128x128xf32, #tpu.memory_space<vmem>>, vector<1x16xf32>,
        %get3A_166 = vector.shape_cast %get3A_165 : vector<1x16xf32> to vector<16xf32>
        %get3A_167 = arith.index_cast %scan3A_136 : i32 to index
        %get3A_168 = arith.constant 32 : index
        %get3A_169 = tpu.vector_load %arg11[%get3A_167, %get3A_168] {strides = array<i32>} : memref<128x128xf32, #tpu.memory_space<vmem>>, vector<1x16xf32>,
        %get3A_170 = vector.shape_cast %get3A_169 : vector<1x16xf32> to vector<16xf32>
        %add3A_171 = arith.addf %get3A_166, %get3A_170 : vector<16xf32>
        %swap3A_172 = arith.index_cast %scan3A_136 : i32 to index
        %swap3A_173 = arith.constant 32 : index
        %swap3A_174 = tpu.vector_load %arg13[%swap3A_172, %swap3A_173] {strides = array<i32>} : memref<128x128xf32, #tpu.memory_space<vmem>>, vector<1x16xf32>,
        %swap3A_175 = vector.shape_cast %swap3A_174 : vector<1x16xf32> to vector<16xf32>
        %swap3A_176 = vector.shape_cast %add3A_171 : vector<16xf32> to vector<1x16xf32>
        tpu.vector_store %arg13[%swap3A_172, %swap3A_173], %swap3A_176 {strides = array<i32>} : memref<128x128xf32, #tpu.memory_space<vmem>>, vector<1x16xf32>,
        %get3A_177 = arith.index_cast %scan3A_136 : i32 to index
        %get3A_178 = arith.constant 48 : index
        %get3A_179 = tpu.vector_load %arg10[%get3A_177, %get3A_178] {strides = array<i32>} : memref<128x128xf32, #tpu.memory_space<vmem>>, vector<1x16xf32>,
        %get3A_180 = vector.shape_cast %get3A_179 : vector<1x16xf32> to vector<16xf32>
        %get3A_181 = arith.index_cast %scan3A_136 : i32 to index
        %get3A_182 = arith.constant 48 : index
        %get3A_183 = tpu.vector_load %arg11[%get3A_181, %get3A_182] {strides = array<i32>} : memref<128x128xf32, #tpu.memory_space<vmem>>, vector<1x16xf32>,
        %get3A_184 = vector.shape_cast %get3A_183 : vector<1x16xf32> to vector<16xf32>
        %add3A_185 = arith.addf %get3A_180, %get3A_184 : vector<16xf32>
        %swap3A_186 = arith.index_cast %scan3A_136 : i32 to index
        %swap3A_187 = arith.constant 48 : index
        %swap3A_188 = tpu.vector_load %arg13[%swap3A_186, %swap3A_187] {strides = array<i32>} : memref<128x128xf32, #tpu.memory_space<vmem>>, vector<1x16xf32>,
        %swap3A_189 = vector.shape_cast %swap3A_188 : vector<1x16xf32> to vector<16xf32>
        %swap3A_190 = vector.shape_cast %add3A_185 : vector<16xf32> to vector<1x16xf32>
        tpu.vector_store %arg13[%swap3A_186, %swap3A_187], %swap3A_190 {strides = array<i32>} : memref<128x128xf32, #tpu.memory_space<vmem>>, vector<1x16xf32>,
        %get3A_191 = arith.index_cast %scan3A_136 : i32 to index
        %get3A_192 = arith.constant 64 : index
        %get3A_193 = tpu.vector_load %arg10[%get3A_191, %get3A_192] {strides = array<i32>} : memref<128x128xf32, #tpu.memory_space<vmem>>, vector<1x16xf32>,
        %get3A_194 = vector.shape_cast %get3A_193 : vector<1x16xf32> to vector<16xf32>
        %get3A_195 = arith.index_cast %scan3A_136 : i32 to index
        %get3A_196 = arith.constant 64 : index
        %get3A_197 = tpu.vector_load %arg11[%get3A_195, %get3A_196] {strides = array<i32>} : memref<128x128xf32, #tpu.memory_space<vmem>>, vector<1x16xf32>,
        %get3A_198 = vector.shape_cast %get3A_197 : vector<1x16xf32> to vector<16xf32>
        %add3A_199 = arith.addf %get3A_194, %get3A_198 : vector<16xf32>
        %swap3A_200 = arith.index_cast %scan3A_136 : i32 to index
        %swap3A_201 = arith.constant 64 : index
        %swap3A_202 = tpu.vector_load %arg13[%swap3A_200, %swap3A_201] {strides = array<i32>} : memref<128x128xf32, #tpu.memory_space<vmem>>, vector<1x16xf32>,
        %swap3A_203 = vector.shape_cast %swap3A_202 : vector<1x16xf32> to vector<16xf32>
        %swap3A_204 = vector.shape_cast %add3A_199 : vector<16xf32> to vector<1x16xf32>
        tpu.vector_store %arg13[%swap3A_200, %swap3A_201], %swap3A_204 {strides = array<i32>} : memref<128x128xf32, #tpu.memory_space<vmem>>, vector<1x16xf32>,
        %get3A_205 = arith.index_cast %scan3A_136 : i32 to index
        %get3A_206 = arith.constant 80 : index
        %get3A_207 = tpu.vector_load %arg10[%get3A_205, %get3A_206] {strides = array<i32>} : memref<128x128xf32, #tpu.memory_space<vmem>>, vector<1x16xf32>,
        %get3A_208 = vector.shape_cast %get3A_207 : vector<1x16xf32> to vector<16xf32>
        %get3A_209 = arith.index_cast %scan3A_136 : i32 to index
        %get3A_210 = arith.constant 80 : index
        %get3A_211 = tpu.vector_load %arg11[%get3A_209, %get3A_210] {strides = array<i32>} : memref<128x128xf32, #tpu.memory_space<vmem>>, vector<1x16xf32>,
        %get3A_212 = vector.shape_cast %get3A_211 : vector<1x16xf32> to vector<16xf32>
        %add3A_213 = arith.addf %get3A_208, %get3A_212 : vector<16xf32>
        %swap3A_214 = arith.index_cast %scan3A_136 : i32 to index
        %swap3A_215 = arith.constant 80 : index
        %swap3A_216 = tpu.vector_load %arg13[%swap3A_214, %swap3A_215] {strides = array<i32>} : memref<128x128xf32, #tpu.memory_space<vmem>>, vector<1x16xf32>,
        %swap3A_217 = vector.shape_cast %swap3A_216 : vector<1x16xf32> to vector<16xf32>
        %swap3A_218 = vector.shape_cast %add3A_213 : vector<16xf32> to vector<1x16xf32>
        tpu.vector_store %arg13[%swap3A_214, %swap3A_215], %swap3A_218 {strides = array<i32>} : memref<128x128xf32, #tpu.memory_space<vmem>>, vector<1x16xf32>,
        %get3A_219 = arith.index_cast %scan3A_136 : i32 to index
        %get3A_220 = arith.constant 96 : index
        %get3A_221 = tpu.vector_load %arg10[%get3A_219, %get3A_220] {strides = array<i32>} : memref<128x128xf32, #tpu.memory_space<vmem>>, vector<1x16xf32>,
        %get3A_222 = vector.shape_cast %get3A_221 : vector<1x16xf32> to vector<16xf32>
        %get3A_223 = arith.index_cast %scan3A_136 : i32 to index
        %get3A_224 = arith.constant 96 : index
        %get3A_225 = tpu.vector_load %arg11[%get3A_223, %get3A_224] {strides = array<i32>} : memref<128x128xf32, #tpu.memory_space<vmem>>, vector<1x16xf32>,
        %get3A_226 = vector.shape_cast %get3A_225 : vector<1x16xf32> to vector<16xf32>
        %add3A_227 = arith.addf %get3A_222, %get3A_226 : vector<16xf32>
        %swap3A_228 = arith.index_cast %scan3A_136 : i32 to index
        %swap3A_229 = arith.constant 96 : index
        %swap3A_230 = tpu.vector_load %arg13[%swap3A_228, %swap3A_229] {strides = array<i32>} : memref<128x128xf32, #tpu.memory_space<vmem>>, vector<1x16xf32>,
        %swap3A_231 = vector.shape_cast %swap3A_230 : vector<1x16xf32> to vector<16xf32>
        %swap3A_232 = vector.shape_cast %add3A_227 : vector<16xf32> to vector<1x16xf32>
        tpu.vector_store %arg13[%swap3A_228, %swap3A_229], %swap3A_232 {strides = array<i32>} : memref<128x128xf32, #tpu.memory_space<vmem>>, vector<1x16xf32>,
        %get3A_233 = arith.index_cast %scan3A_136 : i32 to index
        %get3A_234 = arith.constant 112 : index
        %get3A_235 = tpu.vector_load %arg10[%get3A_233, %get3A_234] {strides = array<i32>} : memref<128x128xf32, #tpu.memory_space<vmem>>, vector<1x16xf32>,
        %get3A_236 = vector.shape_cast %get3A_235 : vector<1x16xf32> to vector<16xf32>
        %get3A_237 = arith.index_cast %scan3A_136 : i32 to index
        %get3A_238 = arith.constant 112 : index
        %get3A_239 = tpu.vector_load %arg11[%get3A_237, %get3A_238] {strides = array<i32>} : memref<128x128xf32, #tpu.memory_space<vmem>>, vector<1x16xf32>,
        %get3A_240 = vector.shape_cast %get3A_239 : vector<1x16xf32> to vector<16xf32>
        %add3A_241 = arith.addf %get3A_236, %get3A_240 : vector<16xf32>
        %swap3A_242 = arith.index_cast %scan3A_136 : i32 to index
        %swap3A_243 = arith.constant 112 : index
        %swap3A_244 = tpu.vector_load %arg13[%swap3A_242, %swap3A_243] {strides = array<i32>} : memref<128x128xf32, #tpu.memory_space<vmem>>, vector<1x16xf32>,
        %swap3A_245 = vector.shape_cast %swap3A_244 : vector<1x16xf32> to vector<16xf32>
        %swap3A_246 = vector.shape_cast %add3A_241 : vector<16xf32> to vector<1x16xf32>
        tpu.vector_store %arg13[%swap3A_242, %swap3A_243], %swap3A_246 {strides = array<i32>} : memref<128x128xf32, #tpu.memory_space<vmem>>, vector<1x16xf32>,
      }
      %scan3A_125 = arith.constant 128 : i32
      %mul3A_126 = arith.constant 128 : i32
      %mul3A_127 = arith.muli %add3A_100, %mul3A_126 : i32
      %add3A_128 = arith.addi %mul3A_2, %mul3A_127 : i32
      %dma_start3A_129 = arith.constant 0 : i32
      %dma_start3A_130 = tpu.memref_slice %arg5[%add3A_128, %dma_start3A_129] : memref<80000x128xf32, #tpu.memory_space<hbm>> -> memref<128x128xf32, #tpu.memory_space<hbm>>
      %dma_start3A_131 = arith.constant 0 : i32
      %dma_start3A_132 = tpu.memref_slice %arg5[%add3A_128, %dma_start3A_131] : memref<80000x128xf32, #tpu.memory_space<hbm>> -> memref<128x128xf32, #tpu.memory_space<hbm>>
      tpu.enqueue_dma source(%arg13 : memref<128x128xf32, #tpu.memory_space<vmem>>) target(%dma_start3A_132 : memref<128x128xf32, #tpu.memory_space<hbm>>) target_semaphore(%arg21 : memref<!tpu.dma_semaphore, #tpu.memory_space<semaphore_mem>>)
      %convert_element_type3A_133 = arith.extui %lt3A_104 : i1 to i32
      %cond3A_134 = arith.constant 0 : i32
      %cond3A_135 = arith.cmpi ne, %convert_element_type3A_133, %cond3A_134 : i32
      scf.if %cond3A_135 {
        %add3A_136 = arith.constant 2 : i32
        %add3A_137 = arith.addi %add3A_100, %add3A_136 : i32
        %mul3A_138 = arith.constant 128 : i32
        %mul3A_139 = arith.muli %add3A_137, %mul3A_138 : i32
        %dma_start3A_140 = tpu.memref_slice %arg6[%mul3A_139] : memref<2432xi32, #tpu.memory_space<vmem>> -> memref<128xi32, #tpu.memory_space<vmem>>
        %dma_start3A_141 = arith.constant 0 : i32
        %dma_start3A_142 = arith.constant 0 : i32
        %dma_start3A_143 = tpu.memref_slice %arg2[%dma_start3A_141, %dma_start3A_142] : memref<10000x128xf32, #tpu.memory_space<hbm>> -> memref<10000x128xf32, #tpu.memory_space<hbm>>
        tpu.enqueue_indirect_dma source(%dma_start3A_143 : memref<10000x128xf32, #tpu.memory_space<hbm>>) target(%arg10 : memref<128x128xf32, #tpu.memory_space<vmem>>) offsets(%dma_start3A_140 : memref<128xi32, #tpu.memory_space<vmem>>) semaphore(%arg18 : memref<!tpu.dma_semaphore, #tpu.memory_space<semaphore_mem>>)
        %dma_start3A_144 = tpu.memref_slice %arg7[%mul3A_139] : memref<2432xi32, #tpu.memory_space<vmem>> -> memref<128xi32, #tpu.memory_space<vmem>>
        %dma_start3A_145 = arith.constant 0 : i32
        %dma_start3A_146 = arith.constant 0 : i32
        %dma_start3A_147 = tpu.memref_slice %arg2[%dma_start3A_145, %dma_start3A_146] : memref<10000x128xf32, #tpu.memory_space<hbm>> -> memref<10000x128xf32, #tpu.memory_space<hbm>>
        tpu.enqueue_indirect_dma source(%dma_start3A_147 : memref<10000x128xf32, #tpu.memory_space<hbm>>) target(%arg11 : memref<128x128xf32, #tpu.memory_space<vmem>>) offsets(%dma_start3A_144 : memref<128xi32, #tpu.memory_space<vmem>>) semaphore(%arg19 : memref<!tpu.dma_semaphore, #tpu.memory_space<semaphore_mem>>)
      } else {
      }
    }
    %scan3A_26 = arith.constant 9 : i32
    %dma_wait3A = arith.constant 0 : i32
    %dma_wait3A_27 = tpu.memref_slice %arg6[%dma_wait3A] : memref<2432xi32, #tpu.memory_space<vmem>> -> memref<128xi32, #tpu.memory_space<vmem>>
    %dma_wait3A_28 = arith.constant 0 : i32
    %dma_wait3A_29 = arith.constant 0 : i32
    %dma_wait3A_30 = tpu.memref_slice %arg2[%dma_wait3A_28, %dma_wait3A_29] : memref<10000x128xf32, #tpu.memory_space<hbm>> -> memref<10000x128xf32, #tpu.memory_space<hbm>>
    tpu.wait_indirect_dma semaphore(%arg16 : memref<!tpu.dma_semaphore, #tpu.memory_space<semaphore_mem>>) src(%dma_wait3A_30 : memref<10000x128xf32, #tpu.memory_space<hbm>>) dst(%arg8 : memref<128x128xf32, #tpu.memory_space<vmem>>)
    %dma_wait3A_31 = arith.constant 0 : i32
    %dma_wait3A_32 = tpu.memref_slice %arg7[%dma_wait3A_31] : memref<2432xi32, #tpu.memory_space<vmem>> -> memref<128xi32, #tpu.memory_space<vmem>>
    %dma_wait3A_33 = arith.constant 0 : i32
    %dma_wait3A_34 = arith.constant 0 : i32
    %dma_wait3A_35 = tpu.memref_slice %arg2[%dma_wait3A_33, %dma_wait3A_34] : memref<10000x128xf32, #tpu.memory_space<hbm>> -> memref<10000x128xf32, #tpu.memory_space<hbm>>
    tpu.wait_indirect_dma semaphore(%arg17 : memref<!tpu.dma_semaphore, #tpu.memory_space<semaphore_mem>>) src(%dma_wait3A_35 : memref<10000x128xf32, #tpu.memory_space<hbm>>) dst(%arg9 : memref<128x128xf32, #tpu.memory_space<vmem>>)
    %dma_wait3A_36 = arith.constant 0 : i32
    %dma_wait3A_37 = tpu.memref_slice %arg5[%mul3A_2, %dma_wait3A_36] : memref<80000x128xf32, #tpu.memory_space<hbm>> -> memref<128x128xf32, #tpu.memory_space<hbm>>
    %dma_wait3A_38 = arith.constant 0 : i32
    %dma_wait3A_39 = tpu.memref_slice %arg5[%mul3A_2, %dma_wait3A_38] : memref<80000x128xf32, #tpu.memory_space<hbm>> -> memref<128x128xf32, #tpu.memory_space<hbm>>
    tpu.wait_dma2 semaphore(%arg20 : memref<!tpu.dma_semaphore, #tpu.memory_space<semaphore_mem>>) src(%arg12 : memref<128x128xf32, #tpu.memory_space<vmem>>) dst(%dma_wait3A_39 : memref<128x128xf32, #tpu.memory_space<hbm>>)
    %scan3A_40 = arith.constant 0 : i32
    %scan3A_41 = arith.constant 0 : i32
    %scan3A_42 = arith.constant 128 : i32
    %scan3A_43 = arith.addi %scan3A_41, %scan3A_42 : i32
    %scan3A_44 = arith.constant 1 : i32
    scf.for %scan3A_62 = %scan3A_41 to %scan3A_43 step %scan3A_44  : i32 {
      %get3A = arith.index_cast %scan3A_62 : i32 to index
      %get3A_63 = arith.constant 0 : index
      %get3A_64 = tpu.vector_load %arg8[%get3A, %get3A_63] {strides = array<i32>} : memref<128x128xf32, #tpu.memory_space<vmem>>, vector<1x16xf32>,
      %get3A_65 = vector.shape_cast %get3A_64 : vector<1x16xf32> to vector<16xf32>
      %get3A_66 = arith.index_cast %scan3A_62 : i32 to index
      %get3A_67 = arith.constant 0 : index
      %get3A_68 = tpu.vector_load %arg9[%get3A_66, %get3A_67] {strides = array<i32>} : memref<128x128xf32, #tpu.memory_space<vmem>>, vector<1x16xf32>,
      %get3A_69 = vector.shape_cast %get3A_68 : vector<1x16xf32> to vector<16xf32>
      %add3A_70 = arith.addf %get3A_65, %get3A_69 : vector<16xf32>
      %swap3A = arith.index_cast %scan3A_62 : i32 to index
      %swap3A_71 = arith.constant 0 : index
      %swap3A_72 = tpu.vector_load %arg12[%swap3A, %swap3A_71] {strides = array<i32>} : memref<128x128xf32, #tpu.memory_space<vmem>>, vector<1x16xf32>,
      %swap3A_73 = vector.shape_cast %swap3A_72 : vector<1x16xf32> to vector<16xf32>
      %swap3A_74 = vector.shape_cast %add3A_70 : vector<16xf32> to vector<1x16xf32>
      tpu.vector_store %arg12[%swap3A, %swap3A_71], %swap3A_74 {strides = array<i32>} : memref<128x128xf32, #tpu.memory_space<vmem>>, vector<1x16xf32>,
      %get3A_75 = arith.index_cast %scan3A_62 : i32 to index
      %get3A_76 = arith.constant 16 : index
      %get3A_77 = tpu.vector_load %arg8[%get3A_75, %get3A_76] {strides = array<i32>} : memref<128x128xf32, #tpu.memory_space<vmem>>, vector<1x16xf32>,
      %get3A_78 = vector.shape_cast %get3A_77 : vector<1x16xf32> to vector<16xf32>
      %get3A_79 = arith.index_cast %scan3A_62 : i32 to index
      %get3A_80 = arith.constant 16 : index
      %get3A_81 = tpu.vector_load %arg9[%get3A_79, %get3A_80] {strides = array<i32>} : memref<128x128xf32, #tpu.memory_space<vmem>>, vector<1x16xf32>,
      %get3A_82 = vector.shape_cast %get3A_81 : vector<1x16xf32> to vector<16xf32>
      %add3A_83 = arith.addf %get3A_78, %get3A_82 : vector<16xf32>
      %swap3A_84 = arith.index_cast %scan3A_62 : i32 to index
      %swap3A_85 = arith.constant 16 : index
      %swap3A_86 = tpu.vector_load %arg12[%swap3A_84, %swap3A_85] {strides = array<i32>} : memref<128x128xf32, #tpu.memory_space<vmem>>, vector<1x16xf32>,
      %swap3A_87 = vector.shape_cast %swap3A_86 : vector<1x16xf32> to vector<16xf32>
      %swap3A_88 = vector.shape_cast %add3A_83 : vector<16xf32> to vector<1x16xf32>
      tpu.vector_store %arg12[%swap3A_84, %swap3A_85], %swap3A_88 {strides = array<i32>} : memref<128x128xf32, #tpu.memory_space<vmem>>, vector<1x16xf32>,
      %get3A_89 = arith.index_cast %scan3A_62 : i32 to index
      %get3A_90 = arith.constant 32 : index
      %get3A_91 = tpu.vector_load %arg8[%get3A_89, %get3A_90] {strides = array<i32>} : memref<128x128xf32, #tpu.memory_space<vmem>>, vector<1x16xf32>,
      %get3A_92 = vector.shape_cast %get3A_91 : vector<1x16xf32> to vector<16xf32>
      %get3A_93 = arith.index_cast %scan3A_62 : i32 to index
      %get3A_94 = arith.constant 32 : index
      %get3A_95 = tpu.vector_load %arg9[%get3A_93, %get3A_94] {strides = array<i32>} : memref<128x128xf32, #tpu.memory_space<vmem>>, vector<1x16xf32>,
      %get3A_96 = vector.shape_cast %get3A_95 : vector<1x16xf32> to vector<16xf32>
      %add3A_97 = arith.addf %get3A_92, %get3A_96 : vector<16xf32>
      %swap3A_98 = arith.index_cast %scan3A_62 : i32 to index
      %swap3A_99 = arith.constant 32 : index
      %swap3A_100 = tpu.vector_load %arg12[%swap3A_98, %swap3A_99] {strides = array<i32>} : memref<128x128xf32, #tpu.memory_space<vmem>>, vector<1x16xf32>,
      %swap3A_101 = vector.shape_cast %swap3A_100 : vector<1x16xf32> to vector<16xf32>
      %swap3A_102 = vector.shape_cast %add3A_97 : vector<16xf32> to vector<1x16xf32>
      tpu.vector_store %arg12[%swap3A_98, %swap3A_99], %swap3A_102 {strides = array<i32>} : memref<128x128xf32, #tpu.memory_space<vmem>>, vector<1x16xf32>,
      %get3A_103 = arith.index_cast %scan3A_62 : i32 to index
      %get3A_104 = arith.constant 48 : index
      %get3A_105 = tpu.vector_load %arg8[%get3A_103, %get3A_104] {strides = array<i32>} : memref<128x128xf32, #tpu.memory_space<vmem>>, vector<1x16xf32>,
      %get3A_106 = vector.shape_cast %get3A_105 : vector<1x16xf32> to vector<16xf32>
      %get3A_107 = arith.index_cast %scan3A_62 : i32 to index
      %get3A_108 = arith.constant 48 : index
      %get3A_109 = tpu.vector_load %arg9[%get3A_107, %get3A_108] {strides = array<i32>} : memref<128x128xf32, #tpu.memory_space<vmem>>, vector<1x16xf32>,
      %get3A_110 = vector.shape_cast %get3A_109 : vector<1x16xf32> to vector<16xf32>
      %add3A_111 = arith.addf %get3A_106, %get3A_110 : vector<16xf32>
      %swap3A_112 = arith.index_cast %scan3A_62 : i32 to index
      %swap3A_113 = arith.constant 48 : index
      %swap3A_114 = tpu.vector_load %arg12[%swap3A_112, %swap3A_113] {strides = array<i32>} : memref<128x128xf32, #tpu.memory_space<vmem>>, vector<1x16xf32>,
      %swap3A_115 = vector.shape_cast %swap3A_114 : vector<1x16xf32> to vector<16xf32>
      %swap3A_116 = vector.shape_cast %add3A_111 : vector<16xf32> to vector<1x16xf32>
      tpu.vector_store %arg12[%swap3A_112, %swap3A_113], %swap3A_116 {strides = array<i32>} : memref<128x128xf32, #tpu.memory_space<vmem>>, vector<1x16xf32>,
      %get3A_117 = arith.index_cast %scan3A_62 : i32 to index
      %get3A_118 = arith.constant 64 : index
      %get3A_119 = tpu.vector_load %arg8[%get3A_117, %get3A_118] {strides = array<i32>} : memref<128x128xf32, #tpu.memory_space<vmem>>, vector<1x16xf32>,
      %get3A_120 = vector.shape_cast %get3A_119 : vector<1x16xf32> to vector<16xf32>
      %get3A_121 = arith.index_cast %scan3A_62 : i32 to index
      %get3A_122 = arith.constant 64 : index
      %get3A_123 = tpu.vector_load %arg9[%get3A_121, %get3A_122] {strides = array<i32>} : memref<128x128xf32, #tpu.memory_space<vmem>>, vector<1x16xf32>,
      %get3A_124 = vector.shape_cast %get3A_123 : vector<1x16xf32> to vector<16xf32>
      %add3A_125 = arith.addf %get3A_120, %get3A_124 : vector<16xf32>
      %swap3A_126 = arith.index_cast %scan3A_62 : i32 to index
      %swap3A_127 = arith.constant 64 : index
      %swap3A_128 = tpu.vector_load %arg12[%swap3A_126, %swap3A_127] {strides = array<i32>} : memref<128x128xf32, #tpu.memory_space<vmem>>, vector<1x16xf32>,
      %swap3A_129 = vector.shape_cast %swap3A_128 : vector<1x16xf32> to vector<16xf32>
      %swap3A_130 = vector.shape_cast %add3A_125 : vector<16xf32> to vector<1x16xf32>
      tpu.vector_store %arg12[%swap3A_126, %swap3A_127], %swap3A_130 {strides = array<i32>} : memref<128x128xf32, #tpu.memory_space<vmem>>, vector<1x16xf32>,
      %get3A_131 = arith.index_cast %scan3A_62 : i32 to index
      %get3A_132 = arith.constant 80 : index
      %get3A_133 = tpu.vector_load %arg8[%get3A_131, %get3A_132] {strides = array<i32>} : memref<128x128xf32, #tpu.memory_space<vmem>>, vector<1x16xf32>,
      %get3A_134 = vector.shape_cast %get3A_133 : vector<1x16xf32> to vector<16xf32>
      %get3A_135 = arith.index_cast %scan3A_62 : i32 to index
      %get3A_136 = arith.constant 80 : index
      %get3A_137 = tpu.vector_load %arg9[%get3A_135, %get3A_136] {strides = array<i32>} : memref<128x128xf32, #tpu.memory_space<vmem>>, vector<1x16xf32>,
      %get3A_138 = vector.shape_cast %get3A_137 : vector<1x16xf32> to vector<16xf32>
      %add3A_139 = arith.addf %get3A_134, %get3A_138 : vector<16xf32>
      %swap3A_140 = arith.index_cast %scan3A_62 : i32 to index
      %swap3A_141 = arith.constant 80 : index
      %swap3A_142 = tpu.vector_load %arg12[%swap3A_140, %swap3A_141] {strides = array<i32>} : memref<128x128xf32, #tpu.memory_space<vmem>>, vector<1x16xf32>,
      %swap3A_143 = vector.shape_cast %swap3A_142 : vector<1x16xf32> to vector<16xf32>
      %swap3A_144 = vector.shape_cast %add3A_139 : vector<16xf32> to vector<1x16xf32>
      tpu.vector_store %arg12[%swap3A_140, %swap3A_141], %swap3A_144 {strides = array<i32>} : memref<128x128xf32, #tpu.memory_space<vmem>>, vector<1x16xf32>,
      %get3A_145 = arith.index_cast %scan3A_62 : i32 to index
      %get3A_146 = arith.constant 96 : index
      %get3A_147 = tpu.vector_load %arg8[%get3A_145, %get3A_146] {strides = array<i32>} : memref<128x128xf32, #tpu.memory_space<vmem>>, vector<1x16xf32>,
      %get3A_148 = vector.shape_cast %get3A_147 : vector<1x16xf32> to vector<16xf32>
      %get3A_149 = arith.index_cast %scan3A_62 : i32 to index
      %get3A_150 = arith.constant 96 : index
      %get3A_151 = tpu.vector_load %arg9[%get3A_149, %get3A_150] {strides = array<i32>} : memref<128x128xf32, #tpu.memory_space<vmem>>, vector<1x16xf32>,
      %get3A_152 = vector.shape_cast %get3A_151 : vector<1x16xf32> to vector<16xf32>
      %add3A_153 = arith.addf %get3A_148, %get3A_152 : vector<16xf32>
      %swap3A_154 = arith.index_cast %scan3A_62 : i32 to index
      %swap3A_155 = arith.constant 96 : index
      %swap3A_156 = tpu.vector_load %arg12[%swap3A_154, %swap3A_155] {strides = array<i32>} : memref<128x128xf32, #tpu.memory_space<vmem>>, vector<1x16xf32>,
      %swap3A_157 = vector.shape_cast %swap3A_156 : vector<1x16xf32> to vector<16xf32>
      %swap3A_158 = vector.shape_cast %add3A_153 : vector<16xf32> to vector<1x16xf32>
      tpu.vector_store %arg12[%swap3A_154, %swap3A_155], %swap3A_158 {strides = array<i32>} : memref<128x128xf32, #tpu.memory_space<vmem>>, vector<1x16xf32>,
      %get3A_159 = arith.index_cast %scan3A_62 : i32 to index
      %get3A_160 = arith.constant 112 : index
      %get3A_161 = tpu.vector_load %arg8[%get3A_159, %get3A_160] {strides = array<i32>} : memref<128x128xf32, #tpu.memory_space<vmem>>, vector<1x16xf32>,
      %get3A_162 = vector.shape_cast %get3A_161 : vector<1x16xf32> to vector<16xf32>
      %get3A_163 = arith.index_cast %scan3A_62 : i32 to index
      %get3A_164 = arith.constant 112 : index
      %get3A_165 = tpu.vector_load %arg9[%get3A_163, %get3A_164] {strides = array<i32>} : memref<128x128xf32, #tpu.memory_space<vmem>>, vector<1x16xf32>,
      %get3A_166 = vector.shape_cast %get3A_165 : vector<1x16xf32> to vector<16xf32>
      %add3A_167 = arith.addf %get3A_162, %get3A_166 : vector<16xf32>
      %swap3A_168 = arith.index_cast %scan3A_62 : i32 to index
      %swap3A_169 = arith.constant 112 : index
      %swap3A_170 = tpu.vector_load %arg12[%swap3A_168, %swap3A_169] {strides = array<i32>} : memref<128x128xf32, #tpu.memory_space<vmem>>, vector<1x16xf32>,
      %swap3A_171 = vector.shape_cast %swap3A_170 : vector<1x16xf32> to vector<16xf32>
      %swap3A_172 = vector.shape_cast %add3A_167 : vector<16xf32> to vector<1x16xf32>
      tpu.vector_store %arg12[%swap3A_168, %swap3A_169], %swap3A_172 {strides = array<i32>} : memref<128x128xf32, #tpu.memory_space<vmem>>, vector<1x16xf32>,
    }
    %scan3A_45 = arith.constant 128 : i32
    %add3A_46 = arith.constant 2304 : i32
    %add3A_47 = arith.addi %mul3A_2, %add3A_46 : i32
    %dma_start3A_48 = arith.constant 0 : i32
    %dma_start3A_49 = tpu.memref_slice %arg5[%add3A_47, %dma_start3A_48] : memref<80000x128xf32, #tpu.memory_space<hbm>> -> memref<128x128xf32, #tpu.memory_space<hbm>>
    %dma_start3A_50 = arith.constant 0 : i32
    %dma_start3A_51 = tpu.memref_slice %arg5[%add3A_47, %dma_start3A_50] : memref<80000x128xf32, #tpu.memory_space<hbm>> -> memref<128x128xf32, #tpu.memory_space<hbm>>
    tpu.enqueue_dma source(%arg12 : memref<128x128xf32, #tpu.memory_space<vmem>>) target(%dma_start3A_51 : memref<128x128xf32, #tpu.memory_space<hbm>>) target_semaphore(%arg20 : memref<!tpu.dma_semaphore, #tpu.memory_space<semaphore_mem>>)
    %dma_wait3A_52 = arith.constant 0 : i32
    %dma_wait3A_53 = tpu.memref_slice %arg5[%mul3A_2, %dma_wait3A_52] : memref<80000x128xf32, #tpu.memory_space<hbm>> -> memref<128x128xf32, #tpu.memory_space<hbm>>
    %dma_wait3A_54 = arith.constant 0 : i32
    %dma_wait3A_55 = tpu.memref_slice %arg5[%mul3A_2, %dma_wait3A_54] : memref<80000x128xf32, #tpu.memory_space<hbm>> -> memref<128x128xf32, #tpu.memory_space<hbm>>
    tpu.wait_dma2 semaphore(%arg20 : memref<!tpu.dma_semaphore, #tpu.memory_space<semaphore_mem>>) src(%arg12 : memref<128x128xf32, #tpu.memory_space<vmem>>) dst(%dma_wait3A_55 : memref<128x128xf32, #tpu.memory_space<hbm>>)
    %dma_wait3A_56 = arith.constant 0 : i32
    %dma_wait3A_57 = tpu.memref_slice %arg5[%mul3A_2, %dma_wait3A_56] : memref<80000x128xf32, #tpu.memory_space<hbm>> -> memref<128x128xf32, #tpu.memory_space<hbm>>
    %dma_wait3A_58 = arith.constant 0 : i32
    %dma_wait3A_59 = tpu.memref_slice %arg5[%mul3A_2, %dma_wait3A_58] : memref<80000x128xf32, #tpu.memory_space<hbm>> -> memref<128x128xf32, #tpu.memory_space<hbm>>
    tpu.wait_dma2 semaphore(%arg21 : memref<!tpu.dma_semaphore, #tpu.memory_space<semaphore_mem>>) src(%arg13 : memref<128x128xf32, #tpu.memory_space<vmem>>) dst(%dma_wait3A_59 : memref<128x128xf32, #tpu.memory_space<hbm>>)
    %lt3A = arith.constant 17 : i32
    %lt3A_60 = arith.cmpi slt, %add3A, %lt3A : i32
    %convert_element_type3A = arith.extui %lt3A_60 : i1 to i32
    %cond3A = arith.constant 0 : i32
    %cond3A_61 = arith.cmpi ne, %convert_element_type3A, %cond3A : i32
    scf.if %cond3A_61 {
      %add3A_62 = arith.constant 608 : i32
      %add3A_63 = arith.addi %add3A_62, %add3A : i32
      %mul3A_64 = arith.constant 128 : i32
      %mul3A_65 = arith.muli %add3A_63, %mul3A_64 : i32
      "tpu.region"() ({
        %run_scoped3A = tpu.sem_alloc : memref<!tpu.dma_semaphore, #tpu.memory_space<semaphore_mem>>
        %dma_start3A_84 = tpu.memref_slice %arg3[%mul3A_65] : memref<80000xi32, #tpu.memory_space<hbm>> -> memref<128xi32, #tpu.memory_space<hbm>>
        %dma_start3A_85 = tpu.memref_slice %arg3[%mul3A_65] : memref<80000xi32, #tpu.memory_space<hbm>> -> memref<128xi32, #tpu.memory_space<hbm>>
        tpu.enqueue_dma source(%dma_start3A_85 : memref<128xi32, #tpu.memory_space<hbm>>) target(%arg14 : memref<128xi32, #tpu.memory_space<vmem>>) target_semaphore(%run_scoped3A : memref<!tpu.dma_semaphore, #tpu.memory_space<semaphore_mem>>)
        %dma_wait3A_86 = tpu.memref_slice %arg3[%mul3A_65] : memref<80000xi32, #tpu.memory_space<hbm>> -> memref<128xi32, #tpu.memory_space<hbm>>
        %dma_wait3A_87 = tpu.memref_slice %arg3[%mul3A_65] : memref<80000xi32, #tpu.memory_space<hbm>> -> memref<128xi32, #tpu.memory_space<hbm>>
        tpu.wait_dma2 semaphore(%run_scoped3A : memref<!tpu.dma_semaphore, #tpu.memory_space<semaphore_mem>>) src(%dma_wait3A_87 : memref<128xi32, #tpu.memory_space<hbm>>) dst(%arg14 : memref<128xi32, #tpu.memory_space<vmem>>)
        tpu.yield
      }) : () -> ()
      "tpu.region"() ({
        %run_scoped3A = tpu.sem_alloc : memref<!tpu.dma_semaphore, #tpu.memory_space<semaphore_mem>>
        %dma_start3A_84 = tpu.memref_slice %arg4[%mul3A_65] : memref<80000xi32, #tpu.memory_space<hbm>> -> memref<128xi32, #tpu.memory_space<hbm>>
        %dma_start3A_85 = tpu.memref_slice %arg4[%mul3A_65] : memref<80000xi32, #tpu.memory_space<hbm>> -> memref<128xi32, #tpu.memory_space<hbm>>
        tpu.enqueue_dma source(%dma_start3A_85 : memref<128xi32, #tpu.memory_space<hbm>>) target(%arg15 : memref<128xi32, #tpu.memory_space<vmem>>) target_semaphore(%run_scoped3A : memref<!tpu.dma_semaphore, #tpu.memory_space<semaphore_mem>>)
        %dma_wait3A_86 = tpu.memref_slice %arg4[%mul3A_65] : memref<80000xi32, #tpu.memory_space<hbm>> -> memref<128xi32, #tpu.memory_space<hbm>>
        %dma_wait3A_87 = tpu.memref_slice %arg4[%mul3A_65] : memref<80000xi32, #tpu.memory_space<hbm>> -> memref<128xi32, #tpu.memory_space<hbm>>
        tpu.wait_dma2 semaphore(%run_scoped3A : memref<!tpu.dma_semaphore, #tpu.memory_space<semaphore_mem>>) src(%dma_wait3A_87 : memref<128xi32, #tpu.memory_space<hbm>>) dst(%arg15 : memref<128xi32, #tpu.memory_space<vmem>>)
        tpu.yield
      }) : () -> ()
      %dma_start3A_66 = arith.constant 0 : i32
      %dma_start3A_67 = arith.constant 0 : i32
      %dma_start3A_68 = tpu.memref_slice %arg2[%dma_start3A_66, %dma_start3A_67] : memref<10000x128xf32, #tpu.memory_space<hbm>> -> memref<10000x128xf32, #tpu.memory_space<hbm>>
      tpu.enqueue_indirect_dma source(%dma_start3A_68 : memref<10000x128xf32, #tpu.memory_space<hbm>>) target(%arg8 : memref<128x128xf32, #tpu.memory_space<vmem>>) offsets(%arg14 : memref<128xi32, #tpu.memory_space<vmem>>) semaphore(%arg16 : memref<!tpu.dma_semaphore, #tpu.memory_space<semaphore_mem>>)
      %dma_start3A_69 = arith.constant 0 : i32
      %dma_start3A_70 = arith.constant 0 : i32
      %dma_start3A_71 = tpu.memref_slice %arg2[%dma_start3A_69, %dma_start3A_70] : memref<10000x128xf32, #tpu.memory_space<hbm>> -> memref<10000x128xf32, #tpu.memory_space<hbm>>
      tpu.enqueue_indirect_dma source(%dma_start3A_71 : memref<10000x128xf32, #tpu.memory_space<hbm>>) target(%arg9 : memref<128x128xf32, #tpu.memory_space<vmem>>) offsets(%arg15 : memref<128xi32, #tpu.memory_space<vmem>>) semaphore(%arg17 : memref<!tpu.dma_semaphore, #tpu.memory_space<semaphore_mem>>)
      %dma_wait3A_72 = arith.constant 0 : i32
      %dma_wait3A_73 = arith.constant 0 : i32
      %dma_wait3A_74 = tpu.memref_slice %arg2[%dma_wait3A_72, %dma_wait3A_73] : memref<10000x128xf32, #tpu.memory_space<hbm>> -> memref<10000x128xf32, #tpu.memory_space<hbm>>
      tpu.wait_indirect_dma semaphore(%arg16 : memref<!tpu.dma_semaphore, #tpu.memory_space<semaphore_mem>>) src(%dma_wait3A_74 : memref<10000x128xf32, #tpu.memory_space<hbm>>) dst(%arg8 : memref<128x128xf32, #tpu.memory_space<vmem>>)
      %dma_wait3A_75 = arith.constant 0 : i32
      %dma_wait3A_76 = arith.constant 0 : i32
      %dma_wait3A_77 = tpu.memref_slice %arg2[%dma_wait3A_75, %dma_wait3A_76] : memref<10000x128xf32, #tpu.memory_space<hbm>> -> memref<10000x128xf32, #tpu.memory_space<hbm>>
      tpu.wait_indirect_dma semaphore(%arg17 : memref<!tpu.dma_semaphore, #tpu.memory_space<semaphore_mem>>) src(%dma_wait3A_77 : memref<10000x128xf32, #tpu.memory_space<hbm>>) dst(%arg9 : memref<128x128xf32, #tpu.memory_space<vmem>>)
      %scan3A_78 = arith.constant 0 : i32
      %scan3A_79 = arith.constant 0 : i32
      %scan3A_80 = arith.constant 128 : i32
      %scan3A_81 = arith.addi %scan3A_79, %scan3A_80 : i32
      %scan3A_82 = arith.constant 1 : i32
      scf.for %scan3A_84 = %scan3A_79 to %scan3A_81 step %scan3A_82  : i32 {
        %get3A = arith.index_cast %scan3A_84 : i32 to index
        %get3A_85 = arith.constant 0 : index
        %get3A_86 = tpu.vector_load %arg8[%get3A, %get3A_85] {strides = array<i32>} : memref<128x128xf32, #tpu.memory_space<vmem>>, vector<1x16xf32>,
        %get3A_87 = vector.shape_cast %get3A_86 : vector<1x16xf32> to vector<16xf32>
        %get3A_88 = arith.index_cast %scan3A_84 : i32 to index
        %get3A_89 = arith.constant 0 : index
        %get3A_90 = tpu.vector_load %arg9[%get3A_88, %get3A_89] {strides = array<i32>} : memref<128x128xf32, #tpu.memory_space<vmem>>, vector<1x16xf32>,
        %get3A_91 = vector.shape_cast %get3A_90 : vector<1x16xf32> to vector<16xf32>
        %add3A_92 = arith.addf %get3A_87, %get3A_91 : vector<16xf32>
        %swap3A = arith.index_cast %scan3A_84 : i32 to index
        %swap3A_93 = arith.constant 0 : index
        %swap3A_94 = tpu.vector_load %arg12[%swap3A, %swap3A_93] {strides = array<i32>} : memref<128x128xf32, #tpu.memory_space<vmem>>, vector<1x16xf32>,
        %swap3A_95 = vector.shape_cast %swap3A_94 : vector<1x16xf32> to vector<16xf32>
        %swap3A_96 = vector.shape_cast %add3A_92 : vector<16xf32> to vector<1x16xf32>
        tpu.vector_store %arg12[%swap3A, %swap3A_93], %swap3A_96 {strides = array<i32>} : memref<128x128xf32, #tpu.memory_space<vmem>>, vector<1x16xf32>,
        %get3A_97 = arith.index_cast %scan3A_84 : i32 to index
        %get3A_98 = arith.constant 16 : index
        %get3A_99 = tpu.vector_load %arg8[%get3A_97, %get3A_98] {strides = array<i32>} : memref<128x128xf32, #tpu.memory_space<vmem>>, vector<1x16xf32>,
        %get3A_100 = vector.shape_cast %get3A_99 : vector<1x16xf32> to vector<16xf32>
        %get3A_101 = arith.index_cast %scan3A_84 : i32 to index
        %get3A_102 = arith.constant 16 : index
        %get3A_103 = tpu.vector_load %arg9[%get3A_101, %get3A_102] {strides = array<i32>} : memref<128x128xf32, #tpu.memory_space<vmem>>, vector<1x16xf32>,
        %get3A_104 = vector.shape_cast %get3A_103 : vector<1x16xf32> to vector<16xf32>
        %add3A_105 = arith.addf %get3A_100, %get3A_104 : vector<16xf32>
        %swap3A_106 = arith.index_cast %scan3A_84 : i32 to index
        %swap3A_107 = arith.constant 16 : index
        %swap3A_108 = tpu.vector_load %arg12[%swap3A_106, %swap3A_107] {strides = array<i32>} : memref<128x128xf32, #tpu.memory_space<vmem>>, vector<1x16xf32>,
        %swap3A_109 = vector.shape_cast %swap3A_108 : vector<1x16xf32> to vector<16xf32>
        %swap3A_110 = vector.shape_cast %add3A_105 : vector<16xf32> to vector<1x16xf32>
        tpu.vector_store %arg12[%swap3A_106, %swap3A_107], %swap3A_110 {strides = array<i32>} : memref<128x128xf32, #tpu.memory_space<vmem>>, vector<1x16xf32>,
        %get3A_111 = arith.index_cast %scan3A_84 : i32 to index
        %get3A_112 = arith.constant 32 : index
        %get3A_113 = tpu.vector_load %arg8[%get3A_111, %get3A_112] {strides = array<i32>} : memref<128x128xf32, #tpu.memory_space<vmem>>, vector<1x16xf32>,
        %get3A_114 = vector.shape_cast %get3A_113 : vector<1x16xf32> to vector<16xf32>
        %get3A_115 = arith.index_cast %scan3A_84 : i32 to index
        %get3A_116 = arith.constant 32 : index
        %get3A_117 = tpu.vector_load %arg9[%get3A_115, %get3A_116] {strides = array<i32>} : memref<128x128xf32, #tpu.memory_space<vmem>>, vector<1x16xf32>,
        %get3A_118 = vector.shape_cast %get3A_117 : vector<1x16xf32> to vector<16xf32>
        %add3A_119 = arith.addf %get3A_114, %get3A_118 : vector<16xf32>
        %swap3A_120 = arith.index_cast %scan3A_84 : i32 to index
        %swap3A_121 = arith.constant 32 : index
        %swap3A_122 = tpu.vector_load %arg12[%swap3A_120, %swap3A_121] {strides = array<i32>} : memref<128x128xf32, #tpu.memory_space<vmem>>, vector<1x16xf32>,
        %swap3A_123 = vector.shape_cast %swap3A_122 : vector<1x16xf32> to vector<16xf32>
        %swap3A_124 = vector.shape_cast %add3A_119 : vector<16xf32> to vector<1x16xf32>
        tpu.vector_store %arg12[%swap3A_120, %swap3A_121], %swap3A_124 {strides = array<i32>} : memref<128x128xf32, #tpu.memory_space<vmem>>, vector<1x16xf32>,
        %get3A_125 = arith.index_cast %scan3A_84 : i32 to index
        %get3A_126 = arith.constant 48 : index
        %get3A_127 = tpu.vector_load %arg8[%get3A_125, %get3A_126] {strides = array<i32>} : memref<128x128xf32, #tpu.memory_space<vmem>>, vector<1x16xf32>,
        %get3A_128 = vector.shape_cast %get3A_127 : vector<1x16xf32> to vector<16xf32>
        %get3A_129 = arith.index_cast %scan3A_84 : i32 to index
        %get3A_130 = arith.constant 48 : index
        %get3A_131 = tpu.vector_load %arg9[%get3A_129, %get3A_130] {strides = array<i32>} : memref<128x128xf32, #tpu.memory_space<vmem>>, vector<1x16xf32>,
        %get3A_132 = vector.shape_cast %get3A_131 : vector<1x16xf32> to vector<16xf32>
        %add3A_133 = arith.addf %get3A_128, %get3A_132 : vector<16xf32>
        %swap3A_134 = arith.index_cast %scan3A_84 : i32 to index
        %swap3A_135 = arith.constant 48 : index
        %swap3A_136 = tpu.vector_load %arg12[%swap3A_134, %swap3A_135] {strides = array<i32>} : memref<128x128xf32, #tpu.memory_space<vmem>>, vector<1x16xf32>,
        %swap3A_137 = vector.shape_cast %swap3A_136 : vector<1x16xf32> to vector<16xf32>
        %swap3A_138 = vector.shape_cast %add3A_133 : vector<16xf32> to vector<1x16xf32>
        tpu.vector_store %arg12[%swap3A_134, %swap3A_135], %swap3A_138 {strides = array<i32>} : memref<128x128xf32, #tpu.memory_space<vmem>>, vector<1x16xf32>,
        %get3A_139 = arith.index_cast %scan3A_84 : i32 to index
        %get3A_140 = arith.constant 64 : index
        %get3A_141 = tpu.vector_load %arg8[%get3A_139, %get3A_140] {strides = array<i32>} : memref<128x128xf32, #tpu.memory_space<vmem>>, vector<1x16xf32>,
        %get3A_142 = vector.shape_cast %get3A_141 : vector<1x16xf32> to vector<16xf32>
        %get3A_143 = arith.index_cast %scan3A_84 : i32 to index
        %get3A_144 = arith.constant 64 : index
        %get3A_145 = tpu.vector_load %arg9[%get3A_143, %get3A_144] {strides = array<i32>} : memref<128x128xf32, #tpu.memory_space<vmem>>, vector<1x16xf32>,
        %get3A_146 = vector.shape_cast %get3A_145 : vector<1x16xf32> to vector<16xf32>
        %add3A_147 = arith.addf %get3A_142, %get3A_146 : vector<16xf32>
        %swap3A_148 = arith.index_cast %scan3A_84 : i32 to index
        %swap3A_149 = arith.constant 64 : index
        %swap3A_150 = tpu.vector_load %arg12[%swap3A_148, %swap3A_149] {strides = array<i32>} : memref<128x128xf32, #tpu.memory_space<vmem>>, vector<1x16xf32>,
        %swap3A_151 = vector.shape_cast %swap3A_150 : vector<1x16xf32> to vector<16xf32>
        %swap3A_152 = vector.shape_cast %add3A_147 : vector<16xf32> to vector<1x16xf32>
        tpu.vector_store %arg12[%swap3A_148, %swap3A_149], %swap3A_152 {strides = array<i32>} : memref<128x128xf32, #tpu.memory_space<vmem>>, vector<1x16xf32>,
        %get3A_153 = arith.index_cast %scan3A_84 : i32 to index
        %get3A_154 = arith.constant 80 : index
        %get3A_155 = tpu.vector_load %arg8[%get3A_153, %get3A_154] {strides = array<i32>} : memref<128x128xf32, #tpu.memory_space<vmem>>, vector<1x16xf32>,
        %get3A_156 = vector.shape_cast %get3A_155 : vector<1x16xf32> to vector<16xf32>
        %get3A_157 = arith.index_cast %scan3A_84 : i32 to index
        %get3A_158 = arith.constant 80 : index
        %get3A_159 = tpu.vector_load %arg9[%get3A_157, %get3A_158] {strides = array<i32>} : memref<128x128xf32, #tpu.memory_space<vmem>>, vector<1x16xf32>,
        %get3A_160 = vector.shape_cast %get3A_159 : vector<1x16xf32> to vector<16xf32>
        %add3A_161 = arith.addf %get3A_156, %get3A_160 : vector<16xf32>
        %swap3A_162 = arith.index_cast %scan3A_84 : i32 to index
        %swap3A_163 = arith.constant 80 : index
        %swap3A_164 = tpu.vector_load %arg12[%swap3A_162, %swap3A_163] {strides = array<i32>} : memref<128x128xf32, #tpu.memory_space<vmem>>, vector<1x16xf32>,
        %swap3A_165 = vector.shape_cast %swap3A_164 : vector<1x16xf32> to vector<16xf32>
        %swap3A_166 = vector.shape_cast %add3A_161 : vector<16xf32> to vector<1x16xf32>
        tpu.vector_store %arg12[%swap3A_162, %swap3A_163], %swap3A_166 {strides = array<i32>} : memref<128x128xf32, #tpu.memory_space<vmem>>, vector<1x16xf32>,
        %get3A_167 = arith.index_cast %scan3A_84 : i32 to index
        %get3A_168 = arith.constant 96 : index
        %get3A_169 = tpu.vector_load %arg8[%get3A_167, %get3A_168] {strides = array<i32>} : memref<128x128xf32, #tpu.memory_space<vmem>>, vector<1x16xf32>,
        %get3A_170 = vector.shape_cast %get3A_169 : vector<1x16xf32> to vector<16xf32>
        %get3A_171 = arith.index_cast %scan3A_84 : i32 to index
        %get3A_172 = arith.constant 96 : index
        %get3A_173 = tpu.vector_load %arg9[%get3A_171, %get3A_172] {strides = array<i32>} : memref<128x128xf32, #tpu.memory_space<vmem>>, vector<1x16xf32>,
        %get3A_174 = vector.shape_cast %get3A_173 : vector<1x16xf32> to vector<16xf32>
        %add3A_175 = arith.addf %get3A_170, %get3A_174 : vector<16xf32>
        %swap3A_176 = arith.index_cast %scan3A_84 : i32 to index
        %swap3A_177 = arith.constant 96 : index
        %swap3A_178 = tpu.vector_load %arg12[%swap3A_176, %swap3A_177] {strides = array<i32>} : memref<128x128xf32, #tpu.memory_space<vmem>>, vector<1x16xf32>,
        %swap3A_179 = vector.shape_cast %swap3A_178 : vector<1x16xf32> to vector<16xf32>
        %swap3A_180 = vector.shape_cast %add3A_175 : vector<16xf32> to vector<1x16xf32>
        tpu.vector_store %arg12[%swap3A_176, %swap3A_177], %swap3A_180 {strides = array<i32>} : memref<128x128xf32, #tpu.memory_space<vmem>>, vector<1x16xf32>,
        %get3A_181 = arith.index_cast %scan3A_84 : i32 to index
        %get3A_182 = arith.constant 112 : index
        %get3A_183 = tpu.vector_load %arg8[%get3A_181, %get3A_182] {strides = array<i32>} : memref<128x128xf32, #tpu.memory_space<vmem>>, vector<1x16xf32>,
        %get3A_184 = vector.shape_cast %get3A_183 : vector<1x16xf32> to vector<16xf32>
        %get3A_185 = arith.index_cast %scan3A_84 : i32 to index
        %get3A_186 = arith.constant 112 : index
        %get3A_187 = tpu.vector_load %arg9[%get3A_185, %get3A_186] {strides = array<i32>} : memref<128x128xf32, #tpu.memory_space<vmem>>, vector<1x16xf32>,
        %get3A_188 = vector.shape_cast %get3A_187 : vector<1x16xf32> to vector<16xf32>
        %add3A_189 = arith.addf %get3A_184, %get3A_188 : vector<16xf32>
        %swap3A_190 = arith.index_cast %scan3A_84 : i32 to index
        %swap3A_191 = arith.constant 112 : index
        %swap3A_192 = tpu.vector_load %arg12[%swap3A_190, %swap3A_191] {strides = array<i32>} : memref<128x128xf32, #tpu.memory_space<vmem>>, vector<1x16xf32>,
        %swap3A_193 = vector.shape_cast %swap3A_192 : vector<1x16xf32> to vector<16xf32>
        %swap3A_194 = vector.shape_cast %add3A_189 : vector<16xf32> to vector<1x16xf32>
        tpu.vector_store %arg12[%swap3A_190, %swap3A_191], %swap3A_194 {strides = array<i32>} : memref<128x128xf32, #tpu.memory_space<vmem>>, vector<1x16xf32>,
      }
      %scan3A_83 = arith.constant 128 : i32
      "tpu.region"() ({
        %run_scoped3A = tpu.sem_alloc : memref<!tpu.dma_semaphore, #tpu.memory_space<semaphore_mem>>
        %dma_start3A_84 = arith.constant 0 : i32
        %dma_start3A_85 = tpu.memref_slice %arg5[%mul3A_65, %dma_start3A_84] : memref<80000x128xf32, #tpu.memory_space<hbm>> -> memref<128x128xf32, #tpu.memory_space<hbm>>
        %dma_start3A_86 = arith.constant 0 : i32
        %dma_start3A_87 = tpu.memref_slice %arg5[%mul3A_65, %dma_start3A_86] : memref<80000x128xf32, #tpu.memory_space<hbm>> -> memref<128x128xf32, #tpu.memory_space<hbm>>
        tpu.enqueue_dma source(%arg12 : memref<128x128xf32, #tpu.memory_space<vmem>>) target(%dma_start3A_87 : memref<128x128xf32, #tpu.memory_space<hbm>>) target_semaphore(%run_scoped3A : memref<!tpu.dma_semaphore, #tpu.memory_space<semaphore_mem>>)
        %dma_wait3A_88 = arith.constant 0 : i32
        %dma_wait3A_89 = tpu.memref_slice %arg5[%mul3A_65, %dma_wait3A_88] : memref<80000x128xf32, #tpu.memory_space<hbm>> -> memref<128x128xf32, #tpu.memory_space<hbm>>
        %dma_wait3A_90 = arith.constant 0 : i32
        %dma_wait3A_91 = tpu.memref_slice %arg5[%mul3A_65, %dma_wait3A_90] : memref<80000x128xf32, #tpu.memory_space<hbm>> -> memref<128x128xf32, #tpu.memory_space<hbm>>
        tpu.wait_dma2 semaphore(%run_scoped3A : memref<!tpu.dma_semaphore, #tpu.memory_space<semaphore_mem>>) src(%arg12 : memref<128x128xf32, #tpu.memory_space<vmem>>) dst(%dma_wait3A_91 : memref<128x128xf32, #tpu.memory_space<hbm>>)
        tpu.yield
      }) : () -> ()
    } else {
    }
    return
  }
}

#map = affine_map<(d0, d1) -> (0, 0)>
#map1 = affine_map<(d0, d1) -> (0)>
module attributes {stable_mosaic.version = 14 : i64} {
  func.func @sc_kernel(%arg0: i32, %arg1: i32, %arg2: memref<10000x128xf32, #tpu.memory_space<hbm>>, %arg3: memref<80000xi32, #tpu.memory_space<hbm>>, %arg4: memref<80000xi32, #tpu.memory_space<hbm>>, %arg5: memref<80000x128xf32, #tpu.memory_space<hbm>>, %arg6: memref<2432xi32, #tpu.memory_space<vmem>>, %arg7: memref<2432xi32, #tpu.memory_space<vmem>>, %arg8: memref<128x128xf32, #tpu.memory_space<vmem>>, %arg9: memref<128x128xf32, #tpu.memory_space<vmem>>, %arg10: memref<128x128xf32, #tpu.memory_space<vmem>>, %arg11: memref<128x128xf32, #tpu.memory_space<vmem>>, %arg12: memref<128x128xf32, #tpu.memory_space<vmem>>, %arg13: memref<128x128xf32, #tpu.memory_space<vmem>>, %arg14: memref<128xi32, #tpu.memory_space<vmem>>, %arg15: memref<128xi32, #tpu.memory_space<vmem>>, %arg16: memref<!tpu.dma_semaphore, #tpu.memory_space<semaphore_mem>>, %arg17: memref<!tpu.dma_semaphore, #tpu.memory_space<semaphore_mem>>, %arg18: memref<!tpu.dma_semaphore, #tpu.memory_space<semaphore_mem>>, %arg19: memref<!tpu.dma_semaphore, #tpu.memory_space<semaphore_mem>>, %arg20: memref<!tpu.dma_semaphore, #tpu.memory_space<semaphore_mem>>, %arg21: memref<!tpu.dma_semaphore, #tpu.memory_space<semaphore_mem>>) attributes {dimension_semantics = [#tpu.dimension_semantics<core_parallel>, #tpu.dimension_semantics<subcore_parallel>], iteration_bounds = array<i64: 2, 16>, scalar_prefetch = 0 : i64, scratch_operands = 16 : i64, tpu.core_type = #tpu.core_type<sc_vector_subcore>, window_params = [{transform_indices = #map}, {transform_indices = #map1}, {transform_indices = #map1}, {transform_indices = #map}]} {
    %mul3A = arith.constant 2 : i32
    %mul3A_0 = arith.muli %arg1, %mul3A : i32
    %add3A = arith.addi %mul3A_0, %arg0 : i32
    %mul3A_1 = arith.constant 2432 : i32
    %mul3A_2 = arith.muli %add3A, %mul3A_1 : i32
    "tpu.region"() ({
      %run_scoped3A = tpu.sem_alloc : memref<!tpu.dma_semaphore, #tpu.memory_space<semaphore_mem>>
      %dma_start3A_62 = tpu.memref_slice %arg3[%mul3A_2] : memref<80000xi32, #tpu.memory_space<hbm>> -> memref<2432xi32, #tpu.memory_space<hbm>>
      %dma_start3A_63 = tpu.memref_slice %arg3[%mul3A_2] : memref<80000xi32, #tpu.memory_space<hbm>> -> memref<2432xi32, #tpu.memory_space<hbm>>
      tpu.enqueue_dma source(%dma_start3A_63 : memref<2432xi32, #tpu.memory_space<hbm>>) target(%arg6 : memref<2432xi32, #tpu.memory_space<vmem>>) target_semaphore(%run_scoped3A : memref<!tpu.dma_semaphore, #tpu.memory_space<semaphore_mem>>)
      %dma_wait3A_64 = tpu.memref_slice %arg3[%mul3A_2] : memref<80000xi32, #tpu.memory_space<hbm>> -> memref<2432xi32, #tpu.memory_space<hbm>>
      %dma_wait3A_65 = tpu.memref_slice %arg3[%mul3A_2] : memref<80000xi32, #tpu.memory_space<hbm>> -> memref<2432xi32, #tpu.memory_space<hbm>>
      tpu.wait_dma2 semaphore(%run_scoped3A : memref<!tpu.dma_semaphore, #tpu.memory_space<semaphore_mem>>) src(%dma_wait3A_65 : memref<2432xi32, #tpu.memory_space<hbm>>) dst(%arg6 : memref<2432xi32, #tpu.memory_space<vmem>>)
      tpu.yield
    }) : () -> ()
    "tpu.region"() ({
      %run_scoped3A = tpu.sem_alloc : memref<!tpu.dma_semaphore, #tpu.memory_space<semaphore_mem>>
      %dma_start3A_62 = tpu.memref_slice %arg4[%mul3A_2] : memref<80000xi32, #tpu.memory_space<hbm>> -> memref<2432xi32, #tpu.memory_space<hbm>>
      %dma_start3A_63 = tpu.memref_slice %arg4[%mul3A_2] : memref<80000xi32, #tpu.memory_space<hbm>> -> memref<2432xi32, #tpu.memory_space<hbm>>
      tpu.enqueue_dma source(%dma_start3A_63 : memref<2432xi32, #tpu.memory_space<hbm>>) target(%arg7 : memref<2432xi32, #tpu.memory_space<vmem>>) target_semaphore(%run_scoped3A : memref<!tpu.dma_semaphore, #tpu.memory_space<semaphore_mem>>)
      %dma_wait3A_64 = tpu.memref_slice %arg4[%mul3A_2] : memref<80000xi32, #tpu.memory_space<hbm>> -> memref<2432xi32, #tpu.memory_space<hbm>>
      %dma_wait3A_65 = tpu.memref_slice %arg4[%mul3A_2] : memref<80000xi32, #tpu.memory_space<hbm>> -> memref<2432xi32, #tpu.memory_space<hbm>>
      tpu.wait_dma2 semaphore(%run_scoped3A : memref<!tpu.dma_semaphore, #tpu.memory_space<semaphore_mem>>) src(%dma_wait3A_65 : memref<2432xi32, #tpu.memory_space<hbm>>) dst(%arg7 : memref<2432xi32, #tpu.memory_space<vmem>>)
      tpu.yield
    }) : () -> ()
    %dma_start3A = arith.constant 0 : i32
    %dma_start3A_3 = tpu.memref_slice %arg6[%dma_start3A] : memref<2432xi32, #tpu.memory_space<vmem>> -> memref<128xi32, #tpu.memory_space<vmem>>
    %dma_start3A_4 = arith.constant 0 : i32
    %dma_start3A_5 = arith.constant 0 : i32
    %dma_start3A_6 = tpu.memref_slice %arg2[%dma_start3A_4, %dma_start3A_5] : memref<10000x128xf32, #tpu.memory_space<hbm>> -> memref<10000x128xf32, #tpu.memory_space<hbm>>
    tpu.enqueue_indirect_dma source(%dma_start3A_6 : memref<10000x128xf32, #tpu.memory_space<hbm>>) target(%arg8 : memref<128x128xf32, #tpu.memory_space<vmem>>) offsets(%dma_start3A_3 : memref<128xi32, #tpu.memory_space<vmem>>) semaphore(%arg16 : memref<!tpu.dma_semaphore, #tpu.memory_space<semaphore_mem>>)
    %dma_start3A_7 = arith.constant 0 : i32
    %dma_start3A_8 = tpu.memref_slice %arg7[%dma_start3A_7] : memref<2432xi32, #tpu.memory_space<vmem>> -> memref<128xi32, #tpu.memory_space<vmem>>
    %dma_start3A_9 = arith.constant 0 : i32
    %dma_start3A_10 = arith.constant 0 : i32
    %dma_start3A_11 = tpu.memref_slice %arg2[%dma_start3A_9, %dma_start3A_10] : memref<10000x128xf32, #tpu.memory_space<hbm>> -> memref<10000x128xf32, #tpu.memory_space<hbm>>
    tpu.enqueue_indirect_dma source(%dma_start3A_11 : memref<10000x128xf32, #tpu.memory_space<hbm>>) target(%arg9 : memref<128x128xf32, #tpu.memory_space<vmem>>) offsets(%dma_start3A_8 : memref<128xi32, #tpu.memory_space<vmem>>) semaphore(%arg17 : memref<!tpu.dma_semaphore, #tpu.memory_space<semaphore_mem>>)
    %dma_start3A_12 = arith.constant 128 : i32
    %dma_start3A_13 = tpu.memref_slice %arg6[%dma_start3A_12] : memref<2432xi32, #tpu.memory_space<vmem>> -> memref<128xi32, #tpu.memory_space<vmem>>
    %dma_start3A_14 = arith.constant 0 : i32
    %dma_start3A_15 = arith.constant 0 : i32
    %dma_start3A_16 = tpu.memref_slice %arg2[%dma_start3A_14, %dma_start3A_15] : memref<10000x128xf32, #tpu.memory_space<hbm>> -> memref<10000x128xf32, #tpu.memory_space<hbm>>
    tpu.enqueue_indirect_dma source(%dma_start3A_16 : memref<10000x128xf32, #tpu.memory_space<hbm>>) target(%arg10 : memref<128x128xf32, #tpu.memory_space<vmem>>) offsets(%dma_start3A_13 : memref<128xi32, #tpu.memory_space<vmem>>) semaphore(%arg18 : memref<!tpu.dma_semaphore, #tpu.memory_space<semaphore_mem>>)
    %dma_start3A_17 = arith.constant 128 : i32
    %dma_start3A_18 = tpu.memref_slice %arg7[%dma_start3A_17] : memref<2432xi32, #tpu.memory_space<vmem>> -> memref<128xi32, #tpu.memory_space<vmem>>
    %dma_start3A_19 = arith.constant 0 : i32
    %dma_start3A_20 = arith.constant 0 : i32
    %dma_start3A_21 = tpu.memref_slice %arg2[%dma_start3A_19, %dma_start3A_20] : memref<10000x128xf32, #tpu.memory_space<hbm>> -> memref<10000x128xf32, #tpu.memory_space<hbm>>
    tpu.enqueue_indirect_dma source(%dma_start3A_21 : memref<10000x128xf32, #tpu.memory_space<hbm>>) target(%arg11 : memref<128x128xf32, #tpu.memory_space<vmem>>) offsets(%dma_start3A_18 : memref<128xi32, #tpu.memory_space<vmem>>) semaphore(%arg19 : memref<!tpu.dma_semaphore, #tpu.memory_space<semaphore_mem>>)
    %scan3A = arith.constant 0 : i32
    %scan3A_22 = arith.constant 0 : i32
    %scan3A_23 = arith.constant 9 : i32
    %scan3A_24 = arith.addi %scan3A_22, %scan3A_23 : i32
    %scan3A_25 = arith.constant 1 : i32
    scf.for %scan3A_62 = %scan3A_22 to %scan3A_24 step %scan3A_25  : i32 {
      %mul3A_63 = arith.constant 2 : i32
      %mul3A_64 = arith.muli %mul3A_63, %scan3A_62 : i32
      %add3A_65 = arith.constant 2 : i32
      %add3A_66 = arith.addi %mul3A_64, %add3A_65 : i32
      %lt3A_67 = arith.constant 19 : i32
      %lt3A_68 = arith.cmpi slt, %add3A_66, %lt3A_67 : i32
      %dma_wait3A_69 = arith.constant 0 : i32
      %dma_wait3A_70 = tpu.memref_slice %arg6[%dma_wait3A_69] : memref<2432xi32, #tpu.memory_space<vmem>> -> memref<128xi32, #tpu.memory_space<vmem>>
      %dma_wait3A_71 = arith.constant 0 : i32
      %dma_wait3A_72 = arith.constant 0 : i32
      %dma_wait3A_73 = tpu.memref_slice %arg2[%dma_wait3A_71, %dma_wait3A_72] : memref<10000x128xf32, #tpu.memory_space<hbm>> -> memref<10000x128xf32, #tpu.memory_space<hbm>>
      tpu.wait_indirect_dma semaphore(%arg16 : memref<!tpu.dma_semaphore, #tpu.memory_space<semaphore_mem>>) src(%dma_wait3A_73 : memref<10000x128xf32, #tpu.memory_space<hbm>>) dst(%arg8 : memref<128x128xf32, #tpu.memory_space<vmem>>)
      %dma_wait3A_74 = arith.constant 0 : i32
      %dma_wait3A_75 = tpu.memref_slice %arg7[%dma_wait3A_74] : memref<2432xi32, #tpu.memory_space<vmem>> -> memref<128xi32, #tpu.memory_space<vmem>>
      %dma_wait3A_76 = arith.constant 0 : i32
      %dma_wait3A_77 = arith.constant 0 : i32
      %dma_wait3A_78 = tpu.memref_slice %arg2[%dma_wait3A_76, %dma_wait3A_77] : memref<10000x128xf32, #tpu.memory_space<hbm>> -> memref<10000x128xf32, #tpu.memory_space<hbm>>
      tpu.wait_indirect_dma semaphore(%arg17 : memref<!tpu.dma_semaphore, #tpu.memory_space<semaphore_mem>>) src(%dma_wait3A_78 : memref<10000x128xf32, #tpu.memory_space<hbm>>) dst(%arg9 : memref<128x128xf32, #tpu.memory_space<vmem>>)
      %gt3A = arith.constant 0 : i32
      %gt3A_79 = arith.cmpi sgt, %scan3A_62, %gt3A : i32
      %convert_element_type3A_80 = arith.extui %gt3A_79 : i1 to i32
      %cond3A_81 = arith.constant 0 : i32
      %cond3A_82 = arith.cmpi ne, %convert_element_type3A_80, %cond3A_81 : i32
      scf.if %cond3A_82 {
        %dma_wait3A_136 = arith.constant 0 : i32
        %dma_wait3A_137 = tpu.memref_slice %arg5[%mul3A_2, %dma_wait3A_136] : memref<80000x128xf32, #tpu.memory_space<hbm>> -> memref<128x128xf32, #tpu.memory_space<hbm>>
        %dma_wait3A_138 = arith.constant 0 : i32
        %dma_wait3A_139 = tpu.memref_slice %arg5[%mul3A_2, %dma_wait3A_138] : memref<80000x128xf32, #tpu.memory_space<hbm>> -> memref<128x128xf32, #tpu.memory_space<hbm>>
        tpu.wait_dma2 semaphore(%arg20 : memref<!tpu.dma_semaphore, #tpu.memory_space<semaphore_mem>>) src(%arg12 : memref<128x128xf32, #tpu.memory_space<vmem>>) dst(%dma_wait3A_139 : memref<128x128xf32, #tpu.memory_space<hbm>>)
      } else {
      }
      %scan3A_83 = arith.constant 0 : i32
      %scan3A_84 = arith.constant 0 : i32
      %scan3A_85 = arith.constant 128 : i32
      %scan3A_86 = arith.addi %scan3A_84, %scan3A_85 : i32
      %scan3A_87 = arith.constant 1 : i32
      scf.for %scan3A_136 = %scan3A_84 to %scan3A_86 step %scan3A_87  : i32 {
        %get3A = arith.index_cast %scan3A_136 : i32 to index
        %get3A_137 = arith.constant 0 : index
        %get3A_138 = tpu.vector_load %arg8[%get3A, %get3A_137] {strides = array<i32>} : memref<128x128xf32, #tpu.memory_space<vmem>>, vector<1x16xf32>,
        %get3A_139 = vector.shape_cast %get3A_138 : vector<1x16xf32> to vector<16xf32>
        %get3A_140 = arith.index_cast %scan3A_136 : i32 to index
        %get3A_141 = arith.constant 0 : index
        %get3A_142 = tpu.vector_load %arg9[%get3A_140, %get3A_141] {strides = array<i32>} : memref<128x128xf32, #tpu.memory_space<vmem>>, vector<1x16xf32>,
        %get3A_143 = vector.shape_cast %get3A_142 : vector<1x16xf32> to vector<16xf32>
        %add3A_144 = arith.addf %get3A_139, %get3A_143 : vector<16xf32>
        %swap3A = arith.index_cast %scan3A_136 : i32 to index
        %swap3A_145 = arith.constant 0 : index
        %swap3A_146 = tpu.vector_load %arg12[%swap3A, %swap3A_145] {strides = array<i32>} : memref<128x128xf32, #tpu.memory_space<vmem>>, vector<1x16xf32>,
        %swap3A_147 = vector.shape_cast %swap3A_146 : vector<1x16xf32> to vector<16xf32>
        %swap3A_148 = vector.shape_cast %add3A_144 : vector<16xf32> to vector<1x16xf32>
        tpu.vector_store %arg12[%swap3A, %swap3A_145], %swap3A_148 {strides = array<i32>} : memref<128x128xf32, #tpu.memory_space<vmem>>, vector<1x16xf32>,
        %get3A_149 = arith.index_cast %scan3A_136 : i32 to index
        %get3A_150 = arith.constant 16 : index
        %get3A_151 = tpu.vector_load %arg8[%get3A_149, %get3A_150] {strides = array<i32>} : memref<128x128xf32, #tpu.memory_space<vmem>>, vector<1x16xf32>,
        %get3A_152 = vector.shape_cast %get3A_151 : vector<1x16xf32> to vector<16xf32>
        %get3A_153 = arith.index_cast %scan3A_136 : i32 to index
        %get3A_154 = arith.constant 16 : index
        %get3A_155 = tpu.vector_load %arg9[%get3A_153, %get3A_154] {strides = array<i32>} : memref<128x128xf32, #tpu.memory_space<vmem>>, vector<1x16xf32>,
        %get3A_156 = vector.shape_cast %get3A_155 : vector<1x16xf32> to vector<16xf32>
        %add3A_157 = arith.addf %get3A_152, %get3A_156 : vector<16xf32>
        %swap3A_158 = arith.index_cast %scan3A_136 : i32 to index
        %swap3A_159 = arith.constant 16 : index
        %swap3A_160 = tpu.vector_load %arg12[%swap3A_158, %swap3A_159] {strides = array<i32>} : memref<128x128xf32, #tpu.memory_space<vmem>>, vector<1x16xf32>,
        %swap3A_161 = vector.shape_cast %swap3A_160 : vector<1x16xf32> to vector<16xf32>
        %swap3A_162 = vector.shape_cast %add3A_157 : vector<16xf32> to vector<1x16xf32>
        tpu.vector_store %arg12[%swap3A_158, %swap3A_159], %swap3A_162 {strides = array<i32>} : memref<128x128xf32, #tpu.memory_space<vmem>>, vector<1x16xf32>,
        %get3A_163 = arith.index_cast %scan3A_136 : i32 to index
        %get3A_164 = arith.constant 32 : index
        %get3A_165 = tpu.vector_load %arg8[%get3A_163, %get3A_164] {strides = array<i32>} : memref<128x128xf32, #tpu.memory_space<vmem>>, vector<1x16xf32>,
        %get3A_166 = vector.shape_cast %get3A_165 : vector<1x16xf32> to vector<16xf32>
        %get3A_167 = arith.index_cast %scan3A_136 : i32 to index
        %get3A_168 = arith.constant 32 : index
        %get3A_169 = tpu.vector_load %arg9[%get3A_167, %get3A_168] {strides = array<i32>} : memref<128x128xf32, #tpu.memory_space<vmem>>, vector<1x16xf32>,
        %get3A_170 = vector.shape_cast %get3A_169 : vector<1x16xf32> to vector<16xf32>
        %add3A_171 = arith.addf %get3A_166, %get3A_170 : vector<16xf32>
        %swap3A_172 = arith.index_cast %scan3A_136 : i32 to index
        %swap3A_173 = arith.constant 32 : index
        %swap3A_174 = tpu.vector_load %arg12[%swap3A_172, %swap3A_173] {strides = array<i32>} : memref<128x128xf32, #tpu.memory_space<vmem>>, vector<1x16xf32>,
        %swap3A_175 = vector.shape_cast %swap3A_174 : vector<1x16xf32> to vector<16xf32>
        %swap3A_176 = vector.shape_cast %add3A_171 : vector<16xf32> to vector<1x16xf32>
        tpu.vector_store %arg12[%swap3A_172, %swap3A_173], %swap3A_176 {strides = array<i32>} : memref<128x128xf32, #tpu.memory_space<vmem>>, vector<1x16xf32>,
        %get3A_177 = arith.index_cast %scan3A_136 : i32 to index
        %get3A_178 = arith.constant 48 : index
        %get3A_179 = tpu.vector_load %arg8[%get3A_177, %get3A_178] {strides = array<i32>} : memref<128x128xf32, #tpu.memory_space<vmem>>, vector<1x16xf32>,
        %get3A_180 = vector.shape_cast %get3A_179 : vector<1x16xf32> to vector<16xf32>
        %get3A_181 = arith.index_cast %scan3A_136 : i32 to index
        %get3A_182 = arith.constant 48 : index
        %get3A_183 = tpu.vector_load %arg9[%get3A_181, %get3A_182] {strides = array<i32>} : memref<128x128xf32, #tpu.memory_space<vmem>>, vector<1x16xf32>,
        %get3A_184 = vector.shape_cast %get3A_183 : vector<1x16xf32> to vector<16xf32>
        %add3A_185 = arith.addf %get3A_180, %get3A_184 : vector<16xf32>
        %swap3A_186 = arith.index_cast %scan3A_136 : i32 to index
        %swap3A_187 = arith.constant 48 : index
        %swap3A_188 = tpu.vector_load %arg12[%swap3A_186, %swap3A_187] {strides = array<i32>} : memref<128x128xf32, #tpu.memory_space<vmem>>, vector<1x16xf32>,
        %swap3A_189 = vector.shape_cast %swap3A_188 : vector<1x16xf32> to vector<16xf32>
        %swap3A_190 = vector.shape_cast %add3A_185 : vector<16xf32> to vector<1x16xf32>
        tpu.vector_store %arg12[%swap3A_186, %swap3A_187], %swap3A_190 {strides = array<i32>} : memref<128x128xf32, #tpu.memory_space<vmem>>, vector<1x16xf32>,
        %get3A_191 = arith.index_cast %scan3A_136 : i32 to index
        %get3A_192 = arith.constant 64 : index
        %get3A_193 = tpu.vector_load %arg8[%get3A_191, %get3A_192] {strides = array<i32>} : memref<128x128xf32, #tpu.memory_space<vmem>>, vector<1x16xf32>,
        %get3A_194 = vector.shape_cast %get3A_193 : vector<1x16xf32> to vector<16xf32>
        %get3A_195 = arith.index_cast %scan3A_136 : i32 to index
        %get3A_196 = arith.constant 64 : index
        %get3A_197 = tpu.vector_load %arg9[%get3A_195, %get3A_196] {strides = array<i32>} : memref<128x128xf32, #tpu.memory_space<vmem>>, vector<1x16xf32>,
        %get3A_198 = vector.shape_cast %get3A_197 : vector<1x16xf32> to vector<16xf32>
        %add3A_199 = arith.addf %get3A_194, %get3A_198 : vector<16xf32>
        %swap3A_200 = arith.index_cast %scan3A_136 : i32 to index
        %swap3A_201 = arith.constant 64 : index
        %swap3A_202 = tpu.vector_load %arg12[%swap3A_200, %swap3A_201] {strides = array<i32>} : memref<128x128xf32, #tpu.memory_space<vmem>>, vector<1x16xf32>,
        %swap3A_203 = vector.shape_cast %swap3A_202 : vector<1x16xf32> to vector<16xf32>
        %swap3A_204 = vector.shape_cast %add3A_199 : vector<16xf32> to vector<1x16xf32>
        tpu.vector_store %arg12[%swap3A_200, %swap3A_201], %swap3A_204 {strides = array<i32>} : memref<128x128xf32, #tpu.memory_space<vmem>>, vector<1x16xf32>,
        %get3A_205 = arith.index_cast %scan3A_136 : i32 to index
        %get3A_206 = arith.constant 80 : index
        %get3A_207 = tpu.vector_load %arg8[%get3A_205, %get3A_206] {strides = array<i32>} : memref<128x128xf32, #tpu.memory_space<vmem>>, vector<1x16xf32>,
        %get3A_208 = vector.shape_cast %get3A_207 : vector<1x16xf32> to vector<16xf32>
        %get3A_209 = arith.index_cast %scan3A_136 : i32 to index
        %get3A_210 = arith.constant 80 : index
        %get3A_211 = tpu.vector_load %arg9[%get3A_209, %get3A_210] {strides = array<i32>} : memref<128x128xf32, #tpu.memory_space<vmem>>, vector<1x16xf32>,
        %get3A_212 = vector.shape_cast %get3A_211 : vector<1x16xf32> to vector<16xf32>
        %add3A_213 = arith.addf %get3A_208, %get3A_212 : vector<16xf32>
        %swap3A_214 = arith.index_cast %scan3A_136 : i32 to index
        %swap3A_215 = arith.constant 80 : index
        %swap3A_216 = tpu.vector_load %arg12[%swap3A_214, %swap3A_215] {strides = array<i32>} : memref<128x128xf32, #tpu.memory_space<vmem>>, vector<1x16xf32>,
        %swap3A_217 = vector.shape_cast %swap3A_216 : vector<1x16xf32> to vector<16xf32>
        %swap3A_218 = vector.shape_cast %add3A_213 : vector<16xf32> to vector<1x16xf32>
        tpu.vector_store %arg12[%swap3A_214, %swap3A_215], %swap3A_218 {strides = array<i32>} : memref<128x128xf32, #tpu.memory_space<vmem>>, vector<1x16xf32>,
        %get3A_219 = arith.index_cast %scan3A_136 : i32 to index
        %get3A_220 = arith.constant 96 : index
        %get3A_221 = tpu.vector_load %arg8[%get3A_219, %get3A_220] {strides = array<i32>} : memref<128x128xf32, #tpu.memory_space<vmem>>, vector<1x16xf32>,
        %get3A_222 = vector.shape_cast %get3A_221 : vector<1x16xf32> to vector<16xf32>
        %get3A_223 = arith.index_cast %scan3A_136 : i32 to index
        %get3A_224 = arith.constant 96 : index
        %get3A_225 = tpu.vector_load %arg9[%get3A_223, %get3A_224] {strides = array<i32>} : memref<128x128xf32, #tpu.memory_space<vmem>>, vector<1x16xf32>,
        %get3A_226 = vector.shape_cast %get3A_225 : vector<1x16xf32> to vector<16xf32>
        %add3A_227 = arith.addf %get3A_222, %get3A_226 : vector<16xf32>
        %swap3A_228 = arith.index_cast %scan3A_136 : i32 to index
        %swap3A_229 = arith.constant 96 : index
        %swap3A_230 = tpu.vector_load %arg12[%swap3A_228, %swap3A_229] {strides = array<i32>} : memref<128x128xf32, #tpu.memory_space<vmem>>, vector<1x16xf32>,
        %swap3A_231 = vector.shape_cast %swap3A_230 : vector<1x16xf32> to vector<16xf32>
        %swap3A_232 = vector.shape_cast %add3A_227 : vector<16xf32> to vector<1x16xf32>
        tpu.vector_store %arg12[%swap3A_228, %swap3A_229], %swap3A_232 {strides = array<i32>} : memref<128x128xf32, #tpu.memory_space<vmem>>, vector<1x16xf32>,
        %get3A_233 = arith.index_cast %scan3A_136 : i32 to index
        %get3A_234 = arith.constant 112 : index
        %get3A_235 = tpu.vector_load %arg8[%get3A_233, %get3A_234] {strides = array<i32>} : memref<128x128xf32, #tpu.memory_space<vmem>>, vector<1x16xf32>,
        %get3A_236 = vector.shape_cast %get3A_235 : vector<1x16xf32> to vector<16xf32>
        %get3A_237 = arith.index_cast %scan3A_136 : i32 to index
        %get3A_238 = arith.constant 112 : index
        %get3A_239 = tpu.vector_load %arg9[%get3A_237, %get3A_238] {strides = array<i32>} : memref<128x128xf32, #tpu.memory_space<vmem>>, vector<1x16xf32>,
        %get3A_240 = vector.shape_cast %get3A_239 : vector<1x16xf32> to vector<16xf32>
        %add3A_241 = arith.addf %get3A_236, %get3A_240 : vector<16xf32>
        %swap3A_242 = arith.index_cast %scan3A_136 : i32 to index
        %swap3A_243 = arith.constant 112 : index
        %swap3A_244 = tpu.vector_load %arg12[%swap3A_242, %swap3A_243] {strides = array<i32>} : memref<128x128xf32, #tpu.memory_space<vmem>>, vector<1x16xf32>,
        %swap3A_245 = vector.shape_cast %swap3A_244 : vector<1x16xf32> to vector<16xf32>
        %swap3A_246 = vector.shape_cast %add3A_241 : vector<16xf32> to vector<1x16xf32>
        tpu.vector_store %arg12[%swap3A_242, %swap3A_243], %swap3A_246 {strides = array<i32>} : memref<128x128xf32, #tpu.memory_space<vmem>>, vector<1x16xf32>,
      }
      %scan3A_88 = arith.constant 128 : i32
      %mul3A_89 = arith.constant 128 : i32
      %mul3A_90 = arith.muli %mul3A_64, %mul3A_89 : i32
      %add3A_91 = arith.addi %mul3A_2, %mul3A_90 : i32
      %dma_start3A_92 = arith.constant 0 : i32
      %dma_start3A_93 = tpu.memref_slice %arg5[%add3A_91, %dma_start3A_92] : memref<80000x128xf32, #tpu.memory_space<hbm>> -> memref<128x128xf32, #tpu.memory_space<hbm>>
      %dma_start3A_94 = arith.constant 0 : i32
      %dma_start3A_95 = tpu.memref_slice %arg5[%add3A_91, %dma_start3A_94] : memref<80000x128xf32, #tpu.memory_space<hbm>> -> memref<128x128xf32, #tpu.memory_space<hbm>>
      tpu.enqueue_dma source(%arg12 : memref<128x128xf32, #tpu.memory_space<vmem>>) target(%dma_start3A_95 : memref<128x128xf32, #tpu.memory_space<hbm>>) target_semaphore(%arg20 : memref<!tpu.dma_semaphore, #tpu.memory_space<semaphore_mem>>)
      %convert_element_type3A_96 = arith.extui %lt3A_68 : i1 to i32
      %cond3A_97 = arith.constant 0 : i32
      %cond3A_98 = arith.cmpi ne, %convert_element_type3A_96, %cond3A_97 : i32
      scf.if %cond3A_98 {
        %add3A_136 = arith.constant 2 : i32
        %add3A_137 = arith.addi %mul3A_64, %add3A_136 : i32
        %mul3A_138 = arith.constant 128 : i32
        %mul3A_139 = arith.muli %add3A_137, %mul3A_138 : i32
        %dma_start3A_140 = tpu.memref_slice %arg6[%mul3A_139] : memref<2432xi32, #tpu.memory_space<vmem>> -> memref<128xi32, #tpu.memory_space<vmem>>
        %dma_start3A_141 = arith.constant 0 : i32
        %dma_start3A_142 = arith.constant 0 : i32
        %dma_start3A_143 = tpu.memref_slice %arg2[%dma_start3A_141, %dma_start3A_142] : memref<10000x128xf32, #tpu.memory_space<hbm>> -> memref<10000x128xf32, #tpu.memory_space<hbm>>
        tpu.enqueue_indirect_dma source(%dma_start3A_143 : memref<10000x128xf32, #tpu.memory_space<hbm>>) target(%arg8 : memref<128x128xf32, #tpu.memory_space<vmem>>) offsets(%dma_start3A_140 : memref<128xi32, #tpu.memory_space<vmem>>) semaphore(%arg16 : memref<!tpu.dma_semaphore, #tpu.memory_space<semaphore_mem>>)
        %dma_start3A_144 = tpu.memref_slice %arg7[%mul3A_139] : memref<2432xi32, #tpu.memory_space<vmem>> -> memref<128xi32, #tpu.memory_space<vmem>>
        %dma_start3A_145 = arith.constant 0 : i32
        %dma_start3A_146 = arith.constant 0 : i32
        %dma_start3A_147 = tpu.memref_slice %arg2[%dma_start3A_145, %dma_start3A_146] : memref<10000x128xf32, #tpu.memory_space<hbm>> -> memref<10000x128xf32, #tpu.memory_space<hbm>>
        tpu.enqueue_indirect_dma source(%dma_start3A_147 : memref<10000x128xf32, #tpu.memory_space<hbm>>) target(%arg9 : memref<128x128xf32, #tpu.memory_space<vmem>>) offsets(%dma_start3A_144 : memref<128xi32, #tpu.memory_space<vmem>>) semaphore(%arg17 : memref<!tpu.dma_semaphore, #tpu.memory_space<semaphore_mem>>)
      } else {
      }
      %add3A_99 = arith.constant 1 : i32
      %add3A_100 = arith.addi %mul3A_64, %add3A_99 : i32
      %add3A_101 = arith.constant 3 : i32
      %add3A_102 = arith.addi %mul3A_64, %add3A_101 : i32
      %lt3A_103 = arith.constant 19 : i32
      %lt3A_104 = arith.cmpi slt, %add3A_102, %lt3A_103 : i32
      %dma_wait3A_105 = arith.constant 0 : i32
      %dma_wait3A_106 = tpu.memref_slice %arg6[%dma_wait3A_105] : memref<2432xi32, #tpu.memory_space<vmem>> -> memref<128xi32, #tpu.memory_space<vmem>>
      %dma_wait3A_107 = arith.constant 0 : i32
      %dma_wait3A_108 = arith.constant 0 : i32
      %dma_wait3A_109 = tpu.memref_slice %arg2[%dma_wait3A_107, %dma_wait3A_108] : memref<10000x128xf32, #tpu.memory_space<hbm>> -> memref<10000x128xf32, #tpu.memory_space<hbm>>
      tpu.wait_indirect_dma semaphore(%arg18 : memref<!tpu.dma_semaphore, #tpu.memory_space<semaphore_mem>>) src(%dma_wait3A_109 : memref<10000x128xf32, #tpu.memory_space<hbm>>) dst(%arg10 : memref<128x128xf32, #tpu.memory_space<vmem>>)
      %dma_wait3A_110 = arith.constant 0 : i32
      %dma_wait3A_111 = tpu.memref_slice %arg7[%dma_wait3A_110] : memref<2432xi32, #tpu.memory_space<vmem>> -> memref<128xi32, #tpu.memory_space<vmem>>
      %dma_wait3A_112 = arith.constant 0 : i32
      %dma_wait3A_113 = arith.constant 0 : i32
      %dma_wait3A_114 = tpu.memref_slice %arg2[%dma_wait3A_112, %dma_wait3A_113] : memref<10000x128xf32, #tpu.memory_space<hbm>> -> memref<10000x128xf32, #tpu.memory_space<hbm>>
      tpu.wait_indirect_dma semaphore(%arg19 : memref<!tpu.dma_semaphore, #tpu.memory_space<semaphore_mem>>) src(%dma_wait3A_114 : memref<10000x128xf32, #tpu.memory_space<hbm>>) dst(%arg11 : memref<128x128xf32, #tpu.memory_space<vmem>>)
      %gt3A_115 = arith.constant 0 : i32
      %gt3A_116 = arith.cmpi sgt, %scan3A_62, %gt3A_115 : i32
      %convert_element_type3A_117 = arith.extui %gt3A_116 : i1 to i32
      %cond3A_118 = arith.constant 0 : i32
      %cond3A_119 = arith.cmpi ne, %convert_element_type3A_117, %cond3A_118 : i32
      scf.if %cond3A_119 {
        %dma_wait3A_136 = arith.constant 0 : i32
        %dma_wait3A_137 = tpu.memref_slice %arg5[%mul3A_2, %dma_wait3A_136] : memref<80000x128xf32, #tpu.memory_space<hbm>> -> memref<128x128xf32, #tpu.memory_space<hbm>>
        %dma_wait3A_138 = arith.constant 0 : i32
        %dma_wait3A_139 = tpu.memref_slice %arg5[%mul3A_2, %dma_wait3A_138] : memref<80000x128xf32, #tpu.memory_space<hbm>> -> memref<128x128xf32, #tpu.memory_space<hbm>>
        tpu.wait_dma2 semaphore(%arg21 : memref<!tpu.dma_semaphore, #tpu.memory_space<semaphore_mem>>) src(%arg13 : memref<128x128xf32, #tpu.memory_space<vmem>>) dst(%dma_wait3A_139 : memref<128x128xf32, #tpu.memory_space<hbm>>)
      } else {
      }
      %scan3A_120 = arith.constant 0 : i32
      %scan3A_121 = arith.constant 0 : i32
      %scan3A_122 = arith.constant 128 : i32
      %scan3A_123 = arith.addi %scan3A_121, %scan3A_122 : i32
      %scan3A_124 = arith.constant 1 : i32
      scf.for %scan3A_136 = %scan3A_121 to %scan3A_123 step %scan3A_124  : i32 {
        %get3A = arith.index_cast %scan3A_136 : i32 to index
        %get3A_137 = arith.constant 0 : index
        %get3A_138 = tpu.vector_load %arg10[%get3A, %get3A_137] {strides = array<i32>} : memref<128x128xf32, #tpu.memory_space<vmem>>, vector<1x16xf32>,
        %get3A_139 = vector.shape_cast %get3A_138 : vector<1x16xf32> to vector<16xf32>
        %get3A_140 = arith.index_cast %scan3A_136 : i32 to index
        %get3A_141 = arith.constant 0 : index
        %get3A_142 = tpu.vector_load %arg11[%get3A_140, %get3A_141] {strides = array<i32>} : memref<128x128xf32, #tpu.memory_space<vmem>>, vector<1x16xf32>,
        %get3A_143 = vector.shape_cast %get3A_142 : vector<1x16xf32> to vector<16xf32>
        %add3A_144 = arith.addf %get3A_139, %get3A_143 : vector<16xf32>
        %swap3A = arith.index_cast %scan3A_136 : i32 to index
        %swap3A_145 = arith.constant 0 : index
        %swap3A_146 = tpu.vector_load %arg13[%swap3A, %swap3A_145] {strides = array<i32>} : memref<128x128xf32, #tpu.memory_space<vmem>>, vector<1x16xf32>,
        %swap3A_147 = vector.shape_cast %swap3A_146 : vector<1x16xf32> to vector<16xf32>
        %swap3A_148 = vector.shape_cast %add3A_144 : vector<16xf32> to vector<1x16xf32>
        tpu.vector_store %arg13[%swap3A, %swap3A_145], %swap3A_148 {strides = array<i32>} : memref<128x128xf32, #tpu.memory_space<vmem>>, vector<1x16xf32>,
        %get3A_149 = arith.index_cast %scan3A_136 : i32 to index
        %get3A_150 = arith.constant 16 : index
        %get3A_151 = tpu.vector_load %arg10[%get3A_149, %get3A_150] {strides = array<i32>} : memref<128x128xf32, #tpu.memory_space<vmem>>, vector<1x16xf32>,
        %get3A_152 = vector.shape_cast %get3A_151 : vector<1x16xf32> to vector<16xf32>
        %get3A_153 = arith.index_cast %scan3A_136 : i32 to index
        %get3A_154 = arith.constant 16 : index
        %get3A_155 = tpu.vector_load %arg11[%get3A_153, %get3A_154] {strides = array<i32>} : memref<128x128xf32, #tpu.memory_space<vmem>>, vector<1x16xf32>,
        %get3A_156 = vector.shape_cast %get3A_155 : vector<1x16xf32> to vector<16xf32>
        %add3A_157 = arith.addf %get3A_152, %get3A_156 : vector<16xf32>
        %swap3A_158 = arith.index_cast %scan3A_136 : i32 to index
        %swap3A_159 = arith.constant 16 : index
        %swap3A_160 = tpu.vector_load %arg13[%swap3A_158, %swap3A_159] {strides = array<i32>} : memref<128x128xf32, #tpu.memory_space<vmem>>, vector<1x16xf32>,
        %swap3A_161 = vector.shape_cast %swap3A_160 : vector<1x16xf32> to vector<16xf32>
        %swap3A_162 = vector.shape_cast %add3A_157 : vector<16xf32> to vector<1x16xf32>
        tpu.vector_store %arg13[%swap3A_158, %swap3A_159], %swap3A_162 {strides = array<i32>} : memref<128x128xf32, #tpu.memory_space<vmem>>, vector<1x16xf32>,
        %get3A_163 = arith.index_cast %scan3A_136 : i32 to index
        %get3A_164 = arith.constant 32 : index
        %get3A_165 = tpu.vector_load %arg10[%get3A_163, %get3A_164] {strides = array<i32>} : memref<128x128xf32, #tpu.memory_space<vmem>>, vector<1x16xf32>,
        %get3A_166 = vector.shape_cast %get3A_165 : vector<1x16xf32> to vector<16xf32>
        %get3A_167 = arith.index_cast %scan3A_136 : i32 to index
        %get3A_168 = arith.constant 32 : index
        %get3A_169 = tpu.vector_load %arg11[%get3A_167, %get3A_168] {strides = array<i32>} : memref<128x128xf32, #tpu.memory_space<vmem>>, vector<1x16xf32>,
        %get3A_170 = vector.shape_cast %get3A_169 : vector<1x16xf32> to vector<16xf32>
        %add3A_171 = arith.addf %get3A_166, %get3A_170 : vector<16xf32>
        %swap3A_172 = arith.index_cast %scan3A_136 : i32 to index
        %swap3A_173 = arith.constant 32 : index
        %swap3A_174 = tpu.vector_load %arg13[%swap3A_172, %swap3A_173] {strides = array<i32>} : memref<128x128xf32, #tpu.memory_space<vmem>>, vector<1x16xf32>,
        %swap3A_175 = vector.shape_cast %swap3A_174 : vector<1x16xf32> to vector<16xf32>
        %swap3A_176 = vector.shape_cast %add3A_171 : vector<16xf32> to vector<1x16xf32>
        tpu.vector_store %arg13[%swap3A_172, %swap3A_173], %swap3A_176 {strides = array<i32>} : memref<128x128xf32, #tpu.memory_space<vmem>>, vector<1x16xf32>,
        %get3A_177 = arith.index_cast %scan3A_136 : i32 to index
        %get3A_178 = arith.constant 48 : index
        %get3A_179 = tpu.vector_load %arg10[%get3A_177, %get3A_178] {strides = array<i32>} : memref<128x128xf32, #tpu.memory_space<vmem>>, vector<1x16xf32>,
        %get3A_180 = vector.shape_cast %get3A_179 : vector<1x16xf32> to vector<16xf32>
        %get3A_181 = arith.index_cast %scan3A_136 : i32 to index
        %get3A_182 = arith.constant 48 : index
        %get3A_183 = tpu.vector_load %arg11[%get3A_181, %get3A_182] {strides = array<i32>} : memref<128x128xf32, #tpu.memory_space<vmem>>, vector<1x16xf32>,
        %get3A_184 = vector.shape_cast %get3A_183 : vector<1x16xf32> to vector<16xf32>
        %add3A_185 = arith.addf %get3A_180, %get3A_184 : vector<16xf32>
        %swap3A_186 = arith.index_cast %scan3A_136 : i32 to index
        %swap3A_187 = arith.constant 48 : index
        %swap3A_188 = tpu.vector_load %arg13[%swap3A_186, %swap3A_187] {strides = array<i32>} : memref<128x128xf32, #tpu.memory_space<vmem>>, vector<1x16xf32>,
        %swap3A_189 = vector.shape_cast %swap3A_188 : vector<1x16xf32> to vector<16xf32>
        %swap3A_190 = vector.shape_cast %add3A_185 : vector<16xf32> to vector<1x16xf32>
        tpu.vector_store %arg13[%swap3A_186, %swap3A_187], %swap3A_190 {strides = array<i32>} : memref<128x128xf32, #tpu.memory_space<vmem>>, vector<1x16xf32>,
        %get3A_191 = arith.index_cast %scan3A_136 : i32 to index
        %get3A_192 = arith.constant 64 : index
        %get3A_193 = tpu.vector_load %arg10[%get3A_191, %get3A_192] {strides = array<i32>} : memref<128x128xf32, #tpu.memory_space<vmem>>, vector<1x16xf32>,
        %get3A_194 = vector.shape_cast %get3A_193 : vector<1x16xf32> to vector<16xf32>
        %get3A_195 = arith.index_cast %scan3A_136 : i32 to index
        %get3A_196 = arith.constant 64 : index
        %get3A_197 = tpu.vector_load %arg11[%get3A_195, %get3A_196] {strides = array<i32>} : memref<128x128xf32, #tpu.memory_space<vmem>>, vector<1x16xf32>,
        %get3A_198 = vector.shape_cast %get3A_197 : vector<1x16xf32> to vector<16xf32>
        %add3A_199 = arith.addf %get3A_194, %get3A_198 : vector<16xf32>
        %swap3A_200 = arith.index_cast %scan3A_136 : i32 to index
        %swap3A_201 = arith.constant 64 : index
        %swap3A_202 = tpu.vector_load %arg13[%swap3A_200, %swap3A_201] {strides = array<i32>} : memref<128x128xf32, #tpu.memory_space<vmem>>, vector<1x16xf32>,
        %swap3A_203 = vector.shape_cast %swap3A_202 : vector<1x16xf32> to vector<16xf32>
        %swap3A_204 = vector.shape_cast %add3A_199 : vector<16xf32> to vector<1x16xf32>
        tpu.vector_store %arg13[%swap3A_200, %swap3A_201], %swap3A_204 {strides = array<i32>} : memref<128x128xf32, #tpu.memory_space<vmem>>, vector<1x16xf32>,
        %get3A_205 = arith.index_cast %scan3A_136 : i32 to index
        %get3A_206 = arith.constant 80 : index
        %get3A_207 = tpu.vector_load %arg10[%get3A_205, %get3A_206] {strides = array<i32>} : memref<128x128xf32, #tpu.memory_space<vmem>>, vector<1x16xf32>,
        %get3A_208 = vector.shape_cast %get3A_207 : vector<1x16xf32> to vector<16xf32>
        %get3A_209 = arith.index_cast %scan3A_136 : i32 to index
        %get3A_210 = arith.constant 80 : index
        %get3A_211 = tpu.vector_load %arg11[%get3A_209, %get3A_210] {strides = array<i32>} : memref<128x128xf32, #tpu.memory_space<vmem>>, vector<1x16xf32>,
        %get3A_212 = vector.shape_cast %get3A_211 : vector<1x16xf32> to vector<16xf32>
        %add3A_213 = arith.addf %get3A_208, %get3A_212 : vector<16xf32>
        %swap3A_214 = arith.index_cast %scan3A_136 : i32 to index
        %swap3A_215 = arith.constant 80 : index
        %swap3A_216 = tpu.vector_load %arg13[%swap3A_214, %swap3A_215] {strides = array<i32>} : memref<128x128xf32, #tpu.memory_space<vmem>>, vector<1x16xf32>,
        %swap3A_217 = vector.shape_cast %swap3A_216 : vector<1x16xf32> to vector<16xf32>
        %swap3A_218 = vector.shape_cast %add3A_213 : vector<16xf32> to vector<1x16xf32>
        tpu.vector_store %arg13[%swap3A_214, %swap3A_215], %swap3A_218 {strides = array<i32>} : memref<128x128xf32, #tpu.memory_space<vmem>>, vector<1x16xf32>,
        %get3A_219 = arith.index_cast %scan3A_136 : i32 to index
        %get3A_220 = arith.constant 96 : index
        %get3A_221 = tpu.vector_load %arg10[%get3A_219, %get3A_220] {strides = array<i32>} : memref<128x128xf32, #tpu.memory_space<vmem>>, vector<1x16xf32>,
        %get3A_222 = vector.shape_cast %get3A_221 : vector<1x16xf32> to vector<16xf32>
        %get3A_223 = arith.index_cast %scan3A_136 : i32 to index
        %get3A_224 = arith.constant 96 : index
        %get3A_225 = tpu.vector_load %arg11[%get3A_223, %get3A_224] {strides = array<i32>} : memref<128x128xf32, #tpu.memory_space<vmem>>, vector<1x16xf32>,
        %get3A_226 = vector.shape_cast %get3A_225 : vector<1x16xf32> to vector<16xf32>
        %add3A_227 = arith.addf %get3A_222, %get3A_226 : vector<16xf32>
        %swap3A_228 = arith.index_cast %scan3A_136 : i32 to index
        %swap3A_229 = arith.constant 96 : index
        %swap3A_230 = tpu.vector_load %arg13[%swap3A_228, %swap3A_229] {strides = array<i32>} : memref<128x128xf32, #tpu.memory_space<vmem>>, vector<1x16xf32>,
        %swap3A_231 = vector.shape_cast %swap3A_230 : vector<1x16xf32> to vector<16xf32>
        %swap3A_232 = vector.shape_cast %add3A_227 : vector<16xf32> to vector<1x16xf32>
        tpu.vector_store %arg13[%swap3A_228, %swap3A_229], %swap3A_232 {strides = array<i32>} : memref<128x128xf32, #tpu.memory_space<vmem>>, vector<1x16xf32>,
        %get3A_233 = arith.index_cast %scan3A_136 : i32 to index
        %get3A_234 = arith.constant 112 : index
        %get3A_235 = tpu.vector_load %arg10[%get3A_233, %get3A_234] {strides = array<i32>} : memref<128x128xf32, #tpu.memory_space<vmem>>, vector<1x16xf32>,
        %get3A_236 = vector.shape_cast %get3A_235 : vector<1x16xf32> to vector<16xf32>
        %get3A_237 = arith.index_cast %scan3A_136 : i32 to index
        %get3A_238 = arith.constant 112 : index
        %get3A_239 = tpu.vector_load %arg11[%get3A_237, %get3A_238] {strides = array<i32>} : memref<128x128xf32, #tpu.memory_space<vmem>>, vector<1x16xf32>,
        %get3A_240 = vector.shape_cast %get3A_239 : vector<1x16xf32> to vector<16xf32>
        %add3A_241 = arith.addf %get3A_236, %get3A_240 : vector<16xf32>
        %swap3A_242 = arith.index_cast %scan3A_136 : i32 to index
        %swap3A_243 = arith.constant 112 : index
        %swap3A_244 = tpu.vector_load %arg13[%swap3A_242, %swap3A_243] {strides = array<i32>} : memref<128x128xf32, #tpu.memory_space<vmem>>, vector<1x16xf32>,
        %swap3A_245 = vector.shape_cast %swap3A_244 : vector<1x16xf32> to vector<16xf32>
        %swap3A_246 = vector.shape_cast %add3A_241 : vector<16xf32> to vector<1x16xf32>
        tpu.vector_store %arg13[%swap3A_242, %swap3A_243], %swap3A_246 {strides = array<i32>} : memref<128x128xf32, #tpu.memory_space<vmem>>, vector<1x16xf32>,
      }
      %scan3A_125 = arith.constant 128 : i32
      %mul3A_126 = arith.constant 128 : i32
      %mul3A_127 = arith.muli %add3A_100, %mul3A_126 : i32
      %add3A_128 = arith.addi %mul3A_2, %mul3A_127 : i32
      %dma_start3A_129 = arith.constant 0 : i32
      %dma_start3A_130 = tpu.memref_slice %arg5[%add3A_128, %dma_start3A_129] : memref<80000x128xf32, #tpu.memory_space<hbm>> -> memref<128x128xf32, #tpu.memory_space<hbm>>
      %dma_start3A_131 = arith.constant 0 : i32
      %dma_start3A_132 = tpu.memref_slice %arg5[%add3A_128, %dma_start3A_131] : memref<80000x128xf32, #tpu.memory_space<hbm>> -> memref<128x128xf32, #tpu.memory_space<hbm>>
      tpu.enqueue_dma source(%arg13 : memref<128x128xf32, #tpu.memory_space<vmem>>) target(%dma_start3A_132 : memref<128x128xf32, #tpu.memory_space<hbm>>) target_semaphore(%arg21 : memref<!tpu.dma_semaphore, #tpu.memory_space<semaphore_mem>>)
      %convert_element_type3A_133 = arith.extui %lt3A_104 : i1 to i32
      %cond3A_134 = arith.constant 0 : i32
      %cond3A_135 = arith.cmpi ne, %convert_element_type3A_133, %cond3A_134 : i32
      scf.if %cond3A_135 {
        %add3A_136 = arith.constant 2 : i32
        %add3A_137 = arith.addi %add3A_100, %add3A_136 : i32
        %mul3A_138 = arith.constant 128 : i32
        %mul3A_139 = arith.muli %add3A_137, %mul3A_138 : i32
        %dma_start3A_140 = tpu.memref_slice %arg6[%mul3A_139] : memref<2432xi32, #tpu.memory_space<vmem>> -> memref<128xi32, #tpu.memory_space<vmem>>
        %dma_start3A_141 = arith.constant 0 : i32
        %dma_start3A_142 = arith.constant 0 : i32
        %dma_start3A_143 = tpu.memref_slice %arg2[%dma_start3A_141, %dma_start3A_142] : memref<10000x128xf32, #tpu.memory_space<hbm>> -> memref<10000x128xf32, #tpu.memory_space<hbm>>
        tpu.enqueue_indirect_dma source(%dma_start3A_143 : memref<10000x128xf32, #tpu.memory_space<hbm>>) target(%arg10 : memref<128x128xf32, #tpu.memory_space<vmem>>) offsets(%dma_start3A_140 : memref<128xi32, #tpu.memory_space<vmem>>) semaphore(%arg18 : memref<!tpu.dma_semaphore, #tpu.memory_space<semaphore_mem>>)
        %dma_start3A_144 = tpu.memref_slice %arg7[%mul3A_139] : memref<2432xi32, #tpu.memory_space<vmem>> -> memref<128xi32, #tpu.memory_space<vmem>>
        %dma_start3A_145 = arith.constant 0 : i32
        %dma_start3A_146 = arith.constant 0 : i32
        %dma_start3A_147 = tpu.memref_slice %arg2[%dma_start3A_145, %dma_start3A_146] : memref<10000x128xf32, #tpu.memory_space<hbm>> -> memref<10000x128xf32, #tpu.memory_space<hbm>>
        tpu.enqueue_indirect_dma source(%dma_start3A_147 : memref<10000x128xf32, #tpu.memory_space<hbm>>) target(%arg11 : memref<128x128xf32, #tpu.memory_space<vmem>>) offsets(%dma_start3A_144 : memref<128xi32, #tpu.memory_space<vmem>>) semaphore(%arg19 : memref<!tpu.dma_semaphore, #tpu.memory_space<semaphore_mem>>)
      } else {
      }
    }
    %scan3A_26 = arith.constant 9 : i32
    %dma_wait3A = arith.constant 0 : i32
    %dma_wait3A_27 = tpu.memref_slice %arg6[%dma_wait3A] : memref<2432xi32, #tpu.memory_space<vmem>> -> memref<128xi32, #tpu.memory_space<vmem>>
    %dma_wait3A_28 = arith.constant 0 : i32
    %dma_wait3A_29 = arith.constant 0 : i32
    %dma_wait3A_30 = tpu.memref_slice %arg2[%dma_wait3A_28, %dma_wait3A_29] : memref<10000x128xf32, #tpu.memory_space<hbm>> -> memref<10000x128xf32, #tpu.memory_space<hbm>>
    tpu.wait_indirect_dma semaphore(%arg16 : memref<!tpu.dma_semaphore, #tpu.memory_space<semaphore_mem>>) src(%dma_wait3A_30 : memref<10000x128xf32, #tpu.memory_space<hbm>>) dst(%arg8 : memref<128x128xf32, #tpu.memory_space<vmem>>)
    %dma_wait3A_31 = arith.constant 0 : i32
    %dma_wait3A_32 = tpu.memref_slice %arg7[%dma_wait3A_31] : memref<2432xi32, #tpu.memory_space<vmem>> -> memref<128xi32, #tpu.memory_space<vmem>>
    %dma_wait3A_33 = arith.constant 0 : i32
    %dma_wait3A_34 = arith.constant 0 : i32
    %dma_wait3A_35 = tpu.memref_slice %arg2[%dma_wait3A_33, %dma_wait3A_34] : memref<10000x128xf32, #tpu.memory_space<hbm>> -> memref<10000x128xf32, #tpu.memory_space<hbm>>
    tpu.wait_indirect_dma semaphore(%arg17 : memref<!tpu.dma_semaphore, #tpu.memory_space<semaphore_mem>>) src(%dma_wait3A_35 : memref<10000x128xf32, #tpu.memory_space<hbm>>) dst(%arg9 : memref<128x128xf32, #tpu.memory_space<vmem>>)
    %dma_wait3A_36 = arith.constant 0 : i32
    %dma_wait3A_37 = tpu.memref_slice %arg5[%mul3A_2, %dma_wait3A_36] : memref<80000x128xf32, #tpu.memory_space<hbm>> -> memref<128x128xf32, #tpu.memory_space<hbm>>
    %dma_wait3A_38 = arith.constant 0 : i32
    %dma_wait3A_39 = tpu.memref_slice %arg5[%mul3A_2, %dma_wait3A_38] : memref<80000x128xf32, #tpu.memory_space<hbm>> -> memref<128x128xf32, #tpu.memory_space<hbm>>
    tpu.wait_dma2 semaphore(%arg20 : memref<!tpu.dma_semaphore, #tpu.memory_space<semaphore_mem>>) src(%arg12 : memref<128x128xf32, #tpu.memory_space<vmem>>) dst(%dma_wait3A_39 : memref<128x128xf32, #tpu.memory_space<hbm>>)
    %scan3A_40 = arith.constant 0 : i32
    %scan3A_41 = arith.constant 0 : i32
    %scan3A_42 = arith.constant 128 : i32
    %scan3A_43 = arith.addi %scan3A_41, %scan3A_42 : i32
    %scan3A_44 = arith.constant 1 : i32
    scf.for %scan3A_62 = %scan3A_41 to %scan3A_43 step %scan3A_44  : i32 {
      %get3A = arith.index_cast %scan3A_62 : i32 to index
      %get3A_63 = arith.constant 0 : index
      %get3A_64 = tpu.vector_load %arg8[%get3A, %get3A_63] {strides = array<i32>} : memref<128x128xf32, #tpu.memory_space<vmem>>, vector<1x16xf32>,
      %get3A_65 = vector.shape_cast %get3A_64 : vector<1x16xf32> to vector<16xf32>
      %get3A_66 = arith.index_cast %scan3A_62 : i32 to index
      %get3A_67 = arith.constant 0 : index
      %get3A_68 = tpu.vector_load %arg9[%get3A_66, %get3A_67] {strides = array<i32>} : memref<128x128xf32, #tpu.memory_space<vmem>>, vector<1x16xf32>,
      %get3A_69 = vector.shape_cast %get3A_68 : vector<1x16xf32> to vector<16xf32>
      %add3A_70 = arith.addf %get3A_65, %get3A_69 : vector<16xf32>
      %swap3A = arith.index_cast %scan3A_62 : i32 to index
      %swap3A_71 = arith.constant 0 : index
      %swap3A_72 = tpu.vector_load %arg12[%swap3A, %swap3A_71] {strides = array<i32>} : memref<128x128xf32, #tpu.memory_space<vmem>>, vector<1x16xf32>,
      %swap3A_73 = vector.shape_cast %swap3A_72 : vector<1x16xf32> to vector<16xf32>
      %swap3A_74 = vector.shape_cast %add3A_70 : vector<16xf32> to vector<1x16xf32>
      tpu.vector_store %arg12[%swap3A, %swap3A_71], %swap3A_74 {strides = array<i32>} : memref<128x128xf32, #tpu.memory_space<vmem>>, vector<1x16xf32>,
      %get3A_75 = arith.index_cast %scan3A_62 : i32 to index
      %get3A_76 = arith.constant 16 : index
      %get3A_77 = tpu.vector_load %arg8[%get3A_75, %get3A_76] {strides = array<i32>} : memref<128x128xf32, #tpu.memory_space<vmem>>, vector<1x16xf32>,
      %get3A_78 = vector.shape_cast %get3A_77 : vector<1x16xf32> to vector<16xf32>
      %get3A_79 = arith.index_cast %scan3A_62 : i32 to index
      %get3A_80 = arith.constant 16 : index
      %get3A_81 = tpu.vector_load %arg9[%get3A_79, %get3A_80] {strides = array<i32>} : memref<128x128xf32, #tpu.memory_space<vmem>>, vector<1x16xf32>,
      %get3A_82 = vector.shape_cast %get3A_81 : vector<1x16xf32> to vector<16xf32>
      %add3A_83 = arith.addf %get3A_78, %get3A_82 : vector<16xf32>
      %swap3A_84 = arith.index_cast %scan3A_62 : i32 to index
      %swap3A_85 = arith.constant 16 : index
      %swap3A_86 = tpu.vector_load %arg12[%swap3A_84, %swap3A_85] {strides = array<i32>} : memref<128x128xf32, #tpu.memory_space<vmem>>, vector<1x16xf32>,
      %swap3A_87 = vector.shape_cast %swap3A_86 : vector<1x16xf32> to vector<16xf32>
      %swap3A_88 = vector.shape_cast %add3A_83 : vector<16xf32> to vector<1x16xf32>
      tpu.vector_store %arg12[%swap3A_84, %swap3A_85], %swap3A_88 {strides = array<i32>} : memref<128x128xf32, #tpu.memory_space<vmem>>, vector<1x16xf32>,
      %get3A_89 = arith.index_cast %scan3A_62 : i32 to index
      %get3A_90 = arith.constant 32 : index
      %get3A_91 = tpu.vector_load %arg8[%get3A_89, %get3A_90] {strides = array<i32>} : memref<128x128xf32, #tpu.memory_space<vmem>>, vector<1x16xf32>,
      %get3A_92 = vector.shape_cast %get3A_91 : vector<1x16xf32> to vector<16xf32>
      %get3A_93 = arith.index_cast %scan3A_62 : i32 to index
      %get3A_94 = arith.constant 32 : index
      %get3A_95 = tpu.vector_load %arg9[%get3A_93, %get3A_94] {strides = array<i32>} : memref<128x128xf32, #tpu.memory_space<vmem>>, vector<1x16xf32>,
      %get3A_96 = vector.shape_cast %get3A_95 : vector<1x16xf32> to vector<16xf32>
      %add3A_97 = arith.addf %get3A_92, %get3A_96 : vector<16xf32>
      %swap3A_98 = arith.index_cast %scan3A_62 : i32 to index
      %swap3A_99 = arith.constant 32 : index
      %swap3A_100 = tpu.vector_load %arg12[%swap3A_98, %swap3A_99] {strides = array<i32>} : memref<128x128xf32, #tpu.memory_space<vmem>>, vector<1x16xf32>,
      %swap3A_101 = vector.shape_cast %swap3A_100 : vector<1x16xf32> to vector<16xf32>
      %swap3A_102 = vector.shape_cast %add3A_97 : vector<16xf32> to vector<1x16xf32>
      tpu.vector_store %arg12[%swap3A_98, %swap3A_99], %swap3A_102 {strides = array<i32>} : memref<128x128xf32, #tpu.memory_space<vmem>>, vector<1x16xf32>,
      %get3A_103 = arith.index_cast %scan3A_62 : i32 to index
      %get3A_104 = arith.constant 48 : index
      %get3A_105 = tpu.vector_load %arg8[%get3A_103, %get3A_104] {strides = array<i32>} : memref<128x128xf32, #tpu.memory_space<vmem>>, vector<1x16xf32>,
      %get3A_106 = vector.shape_cast %get3A_105 : vector<1x16xf32> to vector<16xf32>
      %get3A_107 = arith.index_cast %scan3A_62 : i32 to index
      %get3A_108 = arith.constant 48 : index
      %get3A_109 = tpu.vector_load %arg9[%get3A_107, %get3A_108] {strides = array<i32>} : memref<128x128xf32, #tpu.memory_space<vmem>>, vector<1x16xf32>,
      %get3A_110 = vector.shape_cast %get3A_109 : vector<1x16xf32> to vector<16xf32>
      %add3A_111 = arith.addf %get3A_106, %get3A_110 : vector<16xf32>
      %swap3A_112 = arith.index_cast %scan3A_62 : i32 to index
      %swap3A_113 = arith.constant 48 : index
      %swap3A_114 = tpu.vector_load %arg12[%swap3A_112, %swap3A_113] {strides = array<i32>} : memref<128x128xf32, #tpu.memory_space<vmem>>, vector<1x16xf32>,
      %swap3A_115 = vector.shape_cast %swap3A_114 : vector<1x16xf32> to vector<16xf32>
      %swap3A_116 = vector.shape_cast %add3A_111 : vector<16xf32> to vector<1x16xf32>
      tpu.vector_store %arg12[%swap3A_112, %swap3A_113], %swap3A_116 {strides = array<i32>} : memref<128x128xf32, #tpu.memory_space<vmem>>, vector<1x16xf32>,
      %get3A_117 = arith.index_cast %scan3A_62 : i32 to index
      %get3A_118 = arith.constant 64 : index
      %get3A_119 = tpu.vector_load %arg8[%get3A_117, %get3A_118] {strides = array<i32>} : memref<128x128xf32, #tpu.memory_space<vmem>>, vector<1x16xf32>,
      %get3A_120 = vector.shape_cast %get3A_119 : vector<1x16xf32> to vector<16xf32>
      %get3A_121 = arith.index_cast %scan3A_62 : i32 to index
      %get3A_122 = arith.constant 64 : index
      %get3A_123 = tpu.vector_load %arg9[%get3A_121, %get3A_122] {strides = array<i32>} : memref<128x128xf32, #tpu.memory_space<vmem>>, vector<1x16xf32>,
      %get3A_124 = vector.shape_cast %get3A_123 : vector<1x16xf32> to vector<16xf32>
      %add3A_125 = arith.addf %get3A_120, %get3A_124 : vector<16xf32>
      %swap3A_126 = arith.index_cast %scan3A_62 : i32 to index
      %swap3A_127 = arith.constant 64 : index
      %swap3A_128 = tpu.vector_load %arg12[%swap3A_126, %swap3A_127] {strides = array<i32>} : memref<128x128xf32, #tpu.memory_space<vmem>>, vector<1x16xf32>,
      %swap3A_129 = vector.shape_cast %swap3A_128 : vector<1x16xf32> to vector<16xf32>
      %swap3A_130 = vector.shape_cast %add3A_125 : vector<16xf32> to vector<1x16xf32>
      tpu.vector_store %arg12[%swap3A_126, %swap3A_127], %swap3A_130 {strides = array<i32>} : memref<128x128xf32, #tpu.memory_space<vmem>>, vector<1x16xf32>,
      %get3A_131 = arith.index_cast %scan3A_62 : i32 to index
      %get3A_132 = arith.constant 80 : index
      %get3A_133 = tpu.vector_load %arg8[%get3A_131, %get3A_132] {strides = array<i32>} : memref<128x128xf32, #tpu.memory_space<vmem>>, vector<1x16xf32>,
      %get3A_134 = vector.shape_cast %get3A_133 : vector<1x16xf32> to vector<16xf32>
      %get3A_135 = arith.index_cast %scan3A_62 : i32 to index
      %get3A_136 = arith.constant 80 : index
      %get3A_137 = tpu.vector_load %arg9[%get3A_135, %get3A_136] {strides = array<i32>} : memref<128x128xf32, #tpu.memory_space<vmem>>, vector<1x16xf32>,
      %get3A_138 = vector.shape_cast %get3A_137 : vector<1x16xf32> to vector<16xf32>
      %add3A_139 = arith.addf %get3A_134, %get3A_138 : vector<16xf32>
      %swap3A_140 = arith.index_cast %scan3A_62 : i32 to index
      %swap3A_141 = arith.constant 80 : index
      %swap3A_142 = tpu.vector_load %arg12[%swap3A_140, %swap3A_141] {strides = array<i32>} : memref<128x128xf32, #tpu.memory_space<vmem>>, vector<1x16xf32>,
      %swap3A_143 = vector.shape_cast %swap3A_142 : vector<1x16xf32> to vector<16xf32>
      %swap3A_144 = vector.shape_cast %add3A_139 : vector<16xf32> to vector<1x16xf32>
      tpu.vector_store %arg12[%swap3A_140, %swap3A_141], %swap3A_144 {strides = array<i32>} : memref<128x128xf32, #tpu.memory_space<vmem>>, vector<1x16xf32>,
      %get3A_145 = arith.index_cast %scan3A_62 : i32 to index
      %get3A_146 = arith.constant 96 : index
      %get3A_147 = tpu.vector_load %arg8[%get3A_145, %get3A_146] {strides = array<i32>} : memref<128x128xf32, #tpu.memory_space<vmem>>, vector<1x16xf32>,
      %get3A_148 = vector.shape_cast %get3A_147 : vector<1x16xf32> to vector<16xf32>
      %get3A_149 = arith.index_cast %scan3A_62 : i32 to index
      %get3A_150 = arith.constant 96 : index
      %get3A_151 = tpu.vector_load %arg9[%get3A_149, %get3A_150] {strides = array<i32>} : memref<128x128xf32, #tpu.memory_space<vmem>>, vector<1x16xf32>,
      %get3A_152 = vector.shape_cast %get3A_151 : vector<1x16xf32> to vector<16xf32>
      %add3A_153 = arith.addf %get3A_148, %get3A_152 : vector<16xf32>
      %swap3A_154 = arith.index_cast %scan3A_62 : i32 to index
      %swap3A_155 = arith.constant 96 : index
      %swap3A_156 = tpu.vector_load %arg12[%swap3A_154, %swap3A_155] {strides = array<i32>} : memref<128x128xf32, #tpu.memory_space<vmem>>, vector<1x16xf32>,
      %swap3A_157 = vector.shape_cast %swap3A_156 : vector<1x16xf32> to vector<16xf32>
      %swap3A_158 = vector.shape_cast %add3A_153 : vector<16xf32> to vector<1x16xf32>
      tpu.vector_store %arg12[%swap3A_154, %swap3A_155], %swap3A_158 {strides = array<i32>} : memref<128x128xf32, #tpu.memory_space<vmem>>, vector<1x16xf32>,
      %get3A_159 = arith.index_cast %scan3A_62 : i32 to index
      %get3A_160 = arith.constant 112 : index
      %get3A_161 = tpu.vector_load %arg8[%get3A_159, %get3A_160] {strides = array<i32>} : memref<128x128xf32, #tpu.memory_space<vmem>>, vector<1x16xf32>,
      %get3A_162 = vector.shape_cast %get3A_161 : vector<1x16xf32> to vector<16xf32>
      %get3A_163 = arith.index_cast %scan3A_62 : i32 to index
      %get3A_164 = arith.constant 112 : index
      %get3A_165 = tpu.vector_load %arg9[%get3A_163, %get3A_164] {strides = array<i32>} : memref<128x128xf32, #tpu.memory_space<vmem>>, vector<1x16xf32>,
      %get3A_166 = vector.shape_cast %get3A_165 : vector<1x16xf32> to vector<16xf32>
      %add3A_167 = arith.addf %get3A_162, %get3A_166 : vector<16xf32>
      %swap3A_168 = arith.index_cast %scan3A_62 : i32 to index
      %swap3A_169 = arith.constant 112 : index
      %swap3A_170 = tpu.vector_load %arg12[%swap3A_168, %swap3A_169] {strides = array<i32>} : memref<128x128xf32, #tpu.memory_space<vmem>>, vector<1x16xf32>,
      %swap3A_171 = vector.shape_cast %swap3A_170 : vector<1x16xf32> to vector<16xf32>
      %swap3A_172 = vector.shape_cast %add3A_167 : vector<16xf32> to vector<1x16xf32>
      tpu.vector_store %arg12[%swap3A_168, %swap3A_169], %swap3A_172 {strides = array<i32>} : memref<128x128xf32, #tpu.memory_space<vmem>>, vector<1x16xf32>,
    }
    %scan3A_45 = arith.constant 128 : i32
    %add3A_46 = arith.constant 2304 : i32
    %add3A_47 = arith.addi %mul3A_2, %add3A_46 : i32
    %dma_start3A_48 = arith.constant 0 : i32
    %dma_start3A_49 = tpu.memref_slice %arg5[%add3A_47, %dma_start3A_48] : memref<80000x128xf32, #tpu.memory_space<hbm>> -> memref<128x128xf32, #tpu.memory_space<hbm>>
    %dma_start3A_50 = arith.constant 0 : i32
    %dma_start3A_51 = tpu.memref_slice %arg5[%add3A_47, %dma_start3A_50] : memref<80000x128xf32, #tpu.memory_space<hbm>> -> memref<128x128xf32, #tpu.memory_space<hbm>>
    tpu.enqueue_dma source(%arg12 : memref<128x128xf32, #tpu.memory_space<vmem>>) target(%dma_start3A_51 : memref<128x128xf32, #tpu.memory_space<hbm>>) target_semaphore(%arg20 : memref<!tpu.dma_semaphore, #tpu.memory_space<semaphore_mem>>)
    %dma_wait3A_52 = arith.constant 0 : i32
    %dma_wait3A_53 = tpu.memref_slice %arg5[%mul3A_2, %dma_wait3A_52] : memref<80000x128xf32, #tpu.memory_space<hbm>> -> memref<128x128xf32, #tpu.memory_space<hbm>>
    %dma_wait3A_54 = arith.constant 0 : i32
    %dma_wait3A_55 = tpu.memref_slice %arg5[%mul3A_2, %dma_wait3A_54] : memref<80000x128xf32, #tpu.memory_space<hbm>> -> memref<128x128xf32, #tpu.memory_space<hbm>>
    tpu.wait_dma2 semaphore(%arg20 : memref<!tpu.dma_semaphore, #tpu.memory_space<semaphore_mem>>) src(%arg12 : memref<128x128xf32, #tpu.memory_space<vmem>>) dst(%dma_wait3A_55 : memref<128x128xf32, #tpu.memory_space<hbm>>)
    %dma_wait3A_56 = arith.constant 0 : i32
    %dma_wait3A_57 = tpu.memref_slice %arg5[%mul3A_2, %dma_wait3A_56] : memref<80000x128xf32, #tpu.memory_space<hbm>> -> memref<128x128xf32, #tpu.memory_space<hbm>>
    %dma_wait3A_58 = arith.constant 0 : i32
    %dma_wait3A_59 = tpu.memref_slice %arg5[%mul3A_2, %dma_wait3A_58] : memref<80000x128xf32, #tpu.memory_space<hbm>> -> memref<128x128xf32, #tpu.memory_space<hbm>>
    tpu.wait_dma2 semaphore(%arg21 : memref<!tpu.dma_semaphore, #tpu.memory_space<semaphore_mem>>) src(%arg13 : memref<128x128xf32, #tpu.memory_space<vmem>>) dst(%dma_wait3A_59 : memref<128x128xf32, #tpu.memory_space<hbm>>)
    %lt3A = arith.constant 17 : i32
    %lt3A_60 = arith.cmpi slt, %add3A, %lt3A : i32
    %convert_element_type3A = arith.extui %lt3A_60 : i1 to i32
    %cond3A = arith.constant 0 : i32
    %cond3A_61 = arith.cmpi ne, %convert_element_type3A, %cond3A : i32
    scf.if %cond3A_61 {
      %add3A_62 = arith.constant 608 : i32
      %add3A_63 = arith.addi %add3A_62, %add3A : i32
      %mul3A_64 = arith.constant 128 : i32
      %mul3A_65 = arith.muli %add3A_63, %mul3A_64 : i32
      "tpu.region"() ({
        %run_scoped3A = tpu.sem_alloc : memref<!tpu.dma_semaphore, #tpu.memory_space<semaphore_mem>>
        %dma_start3A_84 = tpu.memref_slice %arg3[%mul3A_65] : memref<80000xi32, #tpu.memory_space<hbm>> -> memref<128xi32, #tpu.memory_space<hbm>>
        %dma_start3A_85 = tpu.memref_slice %arg3[%mul3A_65] : memref<80000xi32, #tpu.memory_space<hbm>> -> memref<128xi32, #tpu.memory_space<hbm>>
        tpu.enqueue_dma source(%dma_start3A_85 : memref<128xi32, #tpu.memory_space<hbm>>) target(%arg14 : memref<128xi32, #tpu.memory_space<vmem>>) target_semaphore(%run_scoped3A : memref<!tpu.dma_semaphore, #tpu.memory_space<semaphore_mem>>)
        %dma_wait3A_86 = tpu.memref_slice %arg3[%mul3A_65] : memref<80000xi32, #tpu.memory_space<hbm>> -> memref<128xi32, #tpu.memory_space<hbm>>
        %dma_wait3A_87 = tpu.memref_slice %arg3[%mul3A_65] : memref<80000xi32, #tpu.memory_space<hbm>> -> memref<128xi32, #tpu.memory_space<hbm>>
        tpu.wait_dma2 semaphore(%run_scoped3A : memref<!tpu.dma_semaphore, #tpu.memory_space<semaphore_mem>>) src(%dma_wait3A_87 : memref<128xi32, #tpu.memory_space<hbm>>) dst(%arg14 : memref<128xi32, #tpu.memory_space<vmem>>)
        tpu.yield
      }) : () -> ()
      "tpu.region"() ({
        %run_scoped3A = tpu.sem_alloc : memref<!tpu.dma_semaphore, #tpu.memory_space<semaphore_mem>>
        %dma_start3A_84 = tpu.memref_slice %arg4[%mul3A_65] : memref<80000xi32, #tpu.memory_space<hbm>> -> memref<128xi32, #tpu.memory_space<hbm>>
        %dma_start3A_85 = tpu.memref_slice %arg4[%mul3A_65] : memref<80000xi32, #tpu.memory_space<hbm>> -> memref<128xi32, #tpu.memory_space<hbm>>
        tpu.enqueue_dma source(%dma_start3A_85 : memref<128xi32, #tpu.memory_space<hbm>>) target(%arg15 : memref<128xi32, #tpu.memory_space<vmem>>) target_semaphore(%run_scoped3A : memref<!tpu.dma_semaphore, #tpu.memory_space<semaphore_mem>>)
        %dma_wait3A_86 = tpu.memref_slice %arg4[%mul3A_65] : memref<80000xi32, #tpu.memory_space<hbm>> -> memref<128xi32, #tpu.memory_space<hbm>>
        %dma_wait3A_87 = tpu.memref_slice %arg4[%mul3A_65] : memref<80000xi32, #tpu.memory_space<hbm>> -> memref<128xi32, #tpu.memory_space<hbm>>
        tpu.wait_dma2 semaphore(%run_scoped3A : memref<!tpu.dma_semaphore, #tpu.memory_space<semaphore_mem>>) src(%dma_wait3A_87 : memref<128xi32, #tpu.memory_space<hbm>>) dst(%arg15 : memref<128xi32, #tpu.memory_space<vmem>>)
        tpu.yield
      }) : () -> ()
      %dma_start3A_66 = arith.constant 0 : i32
      %dma_start3A_67 = arith.constant 0 : i32
      %dma_start3A_68 = tpu.memref_slice %arg2[%dma_start3A_66, %dma_start3A_67] : memref<10000x128xf32, #tpu.memory_space<hbm>> -> memref<10000x128xf32, #tpu.memory_space<hbm>>
      tpu.enqueue_indirect_dma source(%dma_start3A_68 : memref<10000x128xf32, #tpu.memory_space<hbm>>) target(%arg8 : memref<128x128xf32, #tpu.memory_space<vmem>>) offsets(%arg14 : memref<128xi32, #tpu.memory_space<vmem>>) semaphore(%arg16 : memref<!tpu.dma_semaphore, #tpu.memory_space<semaphore_mem>>)
      %dma_start3A_69 = arith.constant 0 : i32
      %dma_start3A_70 = arith.constant 0 : i32
      %dma_start3A_71 = tpu.memref_slice %arg2[%dma_start3A_69, %dma_start3A_70] : memref<10000x128xf32, #tpu.memory_space<hbm>> -> memref<10000x128xf32, #tpu.memory_space<hbm>>
      tpu.enqueue_indirect_dma source(%dma_start3A_71 : memref<10000x128xf32, #tpu.memory_space<hbm>>) target(%arg9 : memref<128x128xf32, #tpu.memory_space<vmem>>) offsets(%arg15 : memref<128xi32, #tpu.memory_space<vmem>>) semaphore(%arg17 : memref<!tpu.dma_semaphore, #tpu.memory_space<semaphore_mem>>)
      %dma_wait3A_72 = arith.constant 0 : i32
      %dma_wait3A_73 = arith.constant 0 : i32
      %dma_wait3A_74 = tpu.memref_slice %arg2[%dma_wait3A_72, %dma_wait3A_73] : memref<10000x128xf32, #tpu.memory_space<hbm>> -> memref<10000x128xf32, #tpu.memory_space<hbm>>
      tpu.wait_indirect_dma semaphore(%arg16 : memref<!tpu.dma_semaphore, #tpu.memory_space<semaphore_mem>>) src(%dma_wait3A_74 : memref<10000x128xf32, #tpu.memory_space<hbm>>) dst(%arg8 : memref<128x128xf32, #tpu.memory_space<vmem>>)
      %dma_wait3A_75 = arith.constant 0 : i32
      %dma_wait3A_76 = arith.constant 0 : i32
      %dma_wait3A_77 = tpu.memref_slice %arg2[%dma_wait3A_75, %dma_wait3A_76] : memref<10000x128xf32, #tpu.memory_space<hbm>> -> memref<10000x128xf32, #tpu.memory_space<hbm>>
      tpu.wait_indirect_dma semaphore(%arg17 : memref<!tpu.dma_semaphore, #tpu.memory_space<semaphore_mem>>) src(%dma_wait3A_77 : memref<10000x128xf32, #tpu.memory_space<hbm>>) dst(%arg9 : memref<128x128xf32, #tpu.memory_space<vmem>>)
      %scan3A_78 = arith.constant 0 : i32
      %scan3A_79 = arith.constant 0 : i32
      %scan3A_80 = arith.constant 128 : i32
      %scan3A_81 = arith.addi %scan3A_79, %scan3A_80 : i32
      %scan3A_82 = arith.constant 1 : i32
      scf.for %scan3A_84 = %scan3A_79 to %scan3A_81 step %scan3A_82  : i32 {
        %get3A = arith.index_cast %scan3A_84 : i32 to index
        %get3A_85 = arith.constant 0 : index
        %get3A_86 = tpu.vector_load %arg8[%get3A, %get3A_85] {strides = array<i32>} : memref<128x128xf32, #tpu.memory_space<vmem>>, vector<1x16xf32>,
        %get3A_87 = vector.shape_cast %get3A_86 : vector<1x16xf32> to vector<16xf32>
        %get3A_88 = arith.index_cast %scan3A_84 : i32 to index
        %get3A_89 = arith.constant 0 : index
        %get3A_90 = tpu.vector_load %arg9[%get3A_88, %get3A_89] {strides = array<i32>} : memref<128x128xf32, #tpu.memory_space<vmem>>, vector<1x16xf32>,
        %get3A_91 = vector.shape_cast %get3A_90 : vector<1x16xf32> to vector<16xf32>
        %add3A_92 = arith.addf %get3A_87, %get3A_91 : vector<16xf32>
        %swap3A = arith.index_cast %scan3A_84 : i32 to index
        %swap3A_93 = arith.constant 0 : index
        %swap3A_94 = tpu.vector_load %arg12[%swap3A, %swap3A_93] {strides = array<i32>} : memref<128x128xf32, #tpu.memory_space<vmem>>, vector<1x16xf32>,
        %swap3A_95 = vector.shape_cast %swap3A_94 : vector<1x16xf32> to vector<16xf32>
        %swap3A_96 = vector.shape_cast %add3A_92 : vector<16xf32> to vector<1x16xf32>
        tpu.vector_store %arg12[%swap3A, %swap3A_93], %swap3A_96 {strides = array<i32>} : memref<128x128xf32, #tpu.memory_space<vmem>>, vector<1x16xf32>,
        %get3A_97 = arith.index_cast %scan3A_84 : i32 to index
        %get3A_98 = arith.constant 16 : index
        %get3A_99 = tpu.vector_load %arg8[%get3A_97, %get3A_98] {strides = array<i32>} : memref<128x128xf32, #tpu.memory_space<vmem>>, vector<1x16xf32>,
        %get3A_100 = vector.shape_cast %get3A_99 : vector<1x16xf32> to vector<16xf32>
        %get3A_101 = arith.index_cast %scan3A_84 : i32 to index
        %get3A_102 = arith.constant 16 : index
        %get3A_103 = tpu.vector_load %arg9[%get3A_101, %get3A_102] {strides = array<i32>} : memref<128x128xf32, #tpu.memory_space<vmem>>, vector<1x16xf32>,
        %get3A_104 = vector.shape_cast %get3A_103 : vector<1x16xf32> to vector<16xf32>
        %add3A_105 = arith.addf %get3A_100, %get3A_104 : vector<16xf32>
        %swap3A_106 = arith.index_cast %scan3A_84 : i32 to index
        %swap3A_107 = arith.constant 16 : index
        %swap3A_108 = tpu.vector_load %arg12[%swap3A_106, %swap3A_107] {strides = array<i32>} : memref<128x128xf32, #tpu.memory_space<vmem>>, vector<1x16xf32>,
        %swap3A_109 = vector.shape_cast %swap3A_108 : vector<1x16xf32> to vector<16xf32>
        %swap3A_110 = vector.shape_cast %add3A_105 : vector<16xf32> to vector<1x16xf32>
        tpu.vector_store %arg12[%swap3A_106, %swap3A_107], %swap3A_110 {strides = array<i32>} : memref<128x128xf32, #tpu.memory_space<vmem>>, vector<1x16xf32>,
        %get3A_111 = arith.index_cast %scan3A_84 : i32 to index
        %get3A_112 = arith.constant 32 : index
        %get3A_113 = tpu.vector_load %arg8[%get3A_111, %get3A_112] {strides = array<i32>} : memref<128x128xf32, #tpu.memory_space<vmem>>, vector<1x16xf32>,
        %get3A_114 = vector.shape_cast %get3A_113 : vector<1x16xf32> to vector<16xf32>
        %get3A_115 = arith.index_cast %scan3A_84 : i32 to index
        %get3A_116 = arith.constant 32 : index
        %get3A_117 = tpu.vector_load %arg9[%get3A_115, %get3A_116] {strides = array<i32>} : memref<128x128xf32, #tpu.memory_space<vmem>>, vector<1x16xf32>,
        %get3A_118 = vector.shape_cast %get3A_117 : vector<1x16xf32> to vector<16xf32>
        %add3A_119 = arith.addf %get3A_114, %get3A_118 : vector<16xf32>
        %swap3A_120 = arith.index_cast %scan3A_84 : i32 to index
        %swap3A_121 = arith.constant 32 : index
        %swap3A_122 = tpu.vector_load %arg12[%swap3A_120, %swap3A_121] {strides = array<i32>} : memref<128x128xf32, #tpu.memory_space<vmem>>, vector<1x16xf32>,
        %swap3A_123 = vector.shape_cast %swap3A_122 : vector<1x16xf32> to vector<16xf32>
        %swap3A_124 = vector.shape_cast %add3A_119 : vector<16xf32> to vector<1x16xf32>
        tpu.vector_store %arg12[%swap3A_120, %swap3A_121], %swap3A_124 {strides = array<i32>} : memref<128x128xf32, #tpu.memory_space<vmem>>, vector<1x16xf32>,
        %get3A_125 = arith.index_cast %scan3A_84 : i32 to index
        %get3A_126 = arith.constant 48 : index
        %get3A_127 = tpu.vector_load %arg8[%get3A_125, %get3A_126] {strides = array<i32>} : memref<128x128xf32, #tpu.memory_space<vmem>>, vector<1x16xf32>,
        %get3A_128 = vector.shape_cast %get3A_127 : vector<1x16xf32> to vector<16xf32>
        %get3A_129 = arith.index_cast %scan3A_84 : i32 to index
        %get3A_130 = arith.constant 48 : index
        %get3A_131 = tpu.vector_load %arg9[%get3A_129, %get3A_130] {strides = array<i32>} : memref<128x128xf32, #tpu.memory_space<vmem>>, vector<1x16xf32>,
        %get3A_132 = vector.shape_cast %get3A_131 : vector<1x16xf32> to vector<16xf32>
        %add3A_133 = arith.addf %get3A_128, %get3A_132 : vector<16xf32>
        %swap3A_134 = arith.index_cast %scan3A_84 : i32 to index
        %swap3A_135 = arith.constant 48 : index
        %swap3A_136 = tpu.vector_load %arg12[%swap3A_134, %swap3A_135] {strides = array<i32>} : memref<128x128xf32, #tpu.memory_space<vmem>>, vector<1x16xf32>,
        %swap3A_137 = vector.shape_cast %swap3A_136 : vector<1x16xf32> to vector<16xf32>
        %swap3A_138 = vector.shape_cast %add3A_133 : vector<16xf32> to vector<1x16xf32>
        tpu.vector_store %arg12[%swap3A_134, %swap3A_135], %swap3A_138 {strides = array<i32>} : memref<128x128xf32, #tpu.memory_space<vmem>>, vector<1x16xf32>,
        %get3A_139 = arith.index_cast %scan3A_84 : i32 to index
        %get3A_140 = arith.constant 64 : index
        %get3A_141 = tpu.vector_load %arg8[%get3A_139, %get3A_140] {strides = array<i32>} : memref<128x128xf32, #tpu.memory_space<vmem>>, vector<1x16xf32>,
        %get3A_142 = vector.shape_cast %get3A_141 : vector<1x16xf32> to vector<16xf32>
        %get3A_143 = arith.index_cast %scan3A_84 : i32 to index
        %get3A_144 = arith.constant 64 : index
        %get3A_145 = tpu.vector_load %arg9[%get3A_143, %get3A_144] {strides = array<i32>} : memref<128x128xf32, #tpu.memory_space<vmem>>, vector<1x16xf32>,
        %get3A_146 = vector.shape_cast %get3A_145 : vector<1x16xf32> to vector<16xf32>
        %add3A_147 = arith.addf %get3A_142, %get3A_146 : vector<16xf32>
        %swap3A_148 = arith.index_cast %scan3A_84 : i32 to index
        %swap3A_149 = arith.constant 64 : index
        %swap3A_150 = tpu.vector_load %arg12[%swap3A_148, %swap3A_149] {strides = array<i32>} : memref<128x128xf32, #tpu.memory_space<vmem>>, vector<1x16xf32>,
        %swap3A_151 = vector.shape_cast %swap3A_150 : vector<1x16xf32> to vector<16xf32>
        %swap3A_152 = vector.shape_cast %add3A_147 : vector<16xf32> to vector<1x16xf32>
        tpu.vector_store %arg12[%swap3A_148, %swap3A_149], %swap3A_152 {strides = array<i32>} : memref<128x128xf32, #tpu.memory_space<vmem>>, vector<1x16xf32>,
        %get3A_153 = arith.index_cast %scan3A_84 : i32 to index
        %get3A_154 = arith.constant 80 : index
        %get3A_155 = tpu.vector_load %arg8[%get3A_153, %get3A_154] {strides = array<i32>} : memref<128x128xf32, #tpu.memory_space<vmem>>, vector<1x16xf32>,
        %get3A_156 = vector.shape_cast %get3A_155 : vector<1x16xf32> to vector<16xf32>
        %get3A_157 = arith.index_cast %scan3A_84 : i32 to index
        %get3A_158 = arith.constant 80 : index
        %get3A_159 = tpu.vector_load %arg9[%get3A_157, %get3A_158] {strides = array<i32>} : memref<128x128xf32, #tpu.memory_space<vmem>>, vector<1x16xf32>,
        %get3A_160 = vector.shape_cast %get3A_159 : vector<1x16xf32> to vector<16xf32>
        %add3A_161 = arith.addf %get3A_156, %get3A_160 : vector<16xf32>
        %swap3A_162 = arith.index_cast %scan3A_84 : i32 to index
        %swap3A_163 = arith.constant 80 : index
        %swap3A_164 = tpu.vector_load %arg12[%swap3A_162, %swap3A_163] {strides = array<i32>} : memref<128x128xf32, #tpu.memory_space<vmem>>, vector<1x16xf32>,
        %swap3A_165 = vector.shape_cast %swap3A_164 : vector<1x16xf32> to vector<16xf32>
        %swap3A_166 = vector.shape_cast %add3A_161 : vector<16xf32> to vector<1x16xf32>
        tpu.vector_store %arg12[%swap3A_162, %swap3A_163], %swap3A_166 {strides = array<i32>} : memref<128x128xf32, #tpu.memory_space<vmem>>, vector<1x16xf32>,
        %get3A_167 = arith.index_cast %scan3A_84 : i32 to index
        %get3A_168 = arith.constant 96 : index
        %get3A_169 = tpu.vector_load %arg8[%get3A_167, %get3A_168] {strides = array<i32>} : memref<128x128xf32, #tpu.memory_space<vmem>>, vector<1x16xf32>,
        %get3A_170 = vector.shape_cast %get3A_169 : vector<1x16xf32> to vector<16xf32>
        %get3A_171 = arith.index_cast %scan3A_84 : i32 to index
        %get3A_172 = arith.constant 96 : index
        %get3A_173 = tpu.vector_load %arg9[%get3A_171, %get3A_172] {strides = array<i32>} : memref<128x128xf32, #tpu.memory_space<vmem>>, vector<1x16xf32>,
        %get3A_174 = vector.shape_cast %get3A_173 : vector<1x16xf32> to vector<16xf32>
        %add3A_175 = arith.addf %get3A_170, %get3A_174 : vector<16xf32>
        %swap3A_176 = arith.index_cast %scan3A_84 : i32 to index
        %swap3A_177 = arith.constant 96 : index
        %swap3A_178 = tpu.vector_load %arg12[%swap3A_176, %swap3A_177] {strides = array<i32>} : memref<128x128xf32, #tpu.memory_space<vmem>>, vector<1x16xf32>,
        %swap3A_179 = vector.shape_cast %swap3A_178 : vector<1x16xf32> to vector<16xf32>
        %swap3A_180 = vector.shape_cast %add3A_175 : vector<16xf32> to vector<1x16xf32>
        tpu.vector_store %arg12[%swap3A_176, %swap3A_177], %swap3A_180 {strides = array<i32>} : memref<128x128xf32, #tpu.memory_space<vmem>>, vector<1x16xf32>,
        %get3A_181 = arith.index_cast %scan3A_84 : i32 to index
        %get3A_182 = arith.constant 112 : index
        %get3A_183 = tpu.vector_load %arg8[%get3A_181, %get3A_182] {strides = array<i32>} : memref<128x128xf32, #tpu.memory_space<vmem>>, vector<1x16xf32>,
        %get3A_184 = vector.shape_cast %get3A_183 : vector<1x16xf32> to vector<16xf32>
        %get3A_185 = arith.index_cast %scan3A_84 : i32 to index
        %get3A_186 = arith.constant 112 : index
        %get3A_187 = tpu.vector_load %arg9[%get3A_185, %get3A_186] {strides = array<i32>} : memref<128x128xf32, #tpu.memory_space<vmem>>, vector<1x16xf32>,
        %get3A_188 = vector.shape_cast %get3A_187 : vector<1x16xf32> to vector<16xf32>
        %add3A_189 = arith.addf %get3A_184, %get3A_188 : vector<16xf32>
        %swap3A_190 = arith.index_cast %scan3A_84 : i32 to index
        %swap3A_191 = arith.constant 112 : index
        %swap3A_192 = tpu.vector_load %arg12[%swap3A_190, %swap3A_191] {strides = array<i32>} : memref<128x128xf32, #tpu.memory_space<vmem>>, vector<1x16xf32>,
        %swap3A_193 = vector.shape_cast %swap3A_192 : vector<1x16xf32> to vector<16xf32>
        %swap3A_194 = vector.shape_cast %add3A_189 : vector<16xf32> to vector<1x16xf32>
        tpu.vector_store %arg12[%swap3A_190, %swap3A_191], %swap3A_194 {strides = array<i32>} : memref<128x128xf32, #tpu.memory_space<vmem>>, vector<1x16xf32>,
      }
      %scan3A_83 = arith.constant 128 : i32
      "tpu.region"() ({
        %run_scoped3A = tpu.sem_alloc : memref<!tpu.dma_semaphore, #tpu.memory_space<semaphore_mem>>
        %dma_start3A_84 = arith.constant 0 : i32
        %dma_start3A_85 = tpu.memref_slice %arg5[%mul3A_65, %dma_start3A_84] : memref<80000x128xf32, #tpu.memory_space<hbm>> -> memref<128x128xf32, #tpu.memory_space<hbm>>
        %dma_start3A_86 = arith.constant 0 : i32
        %dma_start3A_87 = tpu.memref_slice %arg5[%mul3A_65, %dma_start3A_86] : memref<80000x128xf32, #tpu.memory_space<hbm>> -> memref<128x128xf32, #tpu.memory_space<hbm>>
        tpu.enqueue_dma source(%arg12 : memref<128x128xf32, #tpu.memory_space<vmem>>) target(%dma_start3A_87 : memref<128x128xf32, #tpu.memory_space<hbm>>) target_semaphore(%run_scoped3A : memref<!tpu.dma_semaphore, #tpu.memory_space<semaphore_mem>>)
        %dma_wait3A_88 = arith.constant 0 : i32
        %dma_wait3A_89 = tpu.memref_slice %arg5[%mul3A_65, %dma_wait3A_88] : memref<80000x128xf32, #tpu.memory_space<hbm>> -> memref<128x128xf32, #tpu.memory_space<hbm>>
        %dma_wait3A_90 = arith.constant 0 : i32
        %dma_wait3A_91 = tpu.memref_slice %arg5[%mul3A_65, %dma_wait3A_90] : memref<80000x128xf32, #tpu.memory_space<hbm>> -> memref<128x128xf32, #tpu.memory_space<hbm>>
        tpu.wait_dma2 semaphore(%run_scoped3A : memref<!tpu.dma_semaphore, #tpu.memory_space<semaphore_mem>>) src(%arg12 : memref<128x128xf32, #tpu.memory_space<vmem>>) dst(%dma_wait3A_91 : memref<128x128xf32, #tpu.memory_space<hbm>>)
        tpu.yield
      }) : () -> ()
    } else {
    }
    return
  }
}

#map = affine_map<(d0, d1) -> (0, 0)>
#map1 = affine_map<(d0, d1) -> (0)>
module attributes {stable_mosaic.version = 14 : i64} {
  func.func @sc_kernel(%arg0: i32, %arg1: i32, %arg2: memref<10000x128xf32, #tpu.memory_space<hbm>>, %arg3: memref<80000xi32, #tpu.memory_space<hbm>>, %arg4: memref<80000xi32, #tpu.memory_space<hbm>>, %arg5: memref<80000x128xf32, #tpu.memory_space<hbm>>, %arg6: memref<2432xi32, #tpu.memory_space<vmem>>, %arg7: memref<2432xi32, #tpu.memory_space<vmem>>, %arg8: memref<128x128xf32, #tpu.memory_space<vmem>>, %arg9: memref<128x128xf32, #tpu.memory_space<vmem>>, %arg10: memref<128x128xf32, #tpu.memory_space<vmem>>, %arg11: memref<128x128xf32, #tpu.memory_space<vmem>>, %arg12: memref<128x128xf32, #tpu.memory_space<vmem>>, %arg13: memref<128x128xf32, #tpu.memory_space<vmem>>, %arg14: memref<128xi32, #tpu.memory_space<vmem>>, %arg15: memref<128xi32, #tpu.memory_space<vmem>>, %arg16: memref<!tpu.dma_semaphore, #tpu.memory_space<semaphore_mem>>, %arg17: memref<!tpu.dma_semaphore, #tpu.memory_space<semaphore_mem>>, %arg18: memref<!tpu.dma_semaphore, #tpu.memory_space<semaphore_mem>>, %arg19: memref<!tpu.dma_semaphore, #tpu.memory_space<semaphore_mem>>, %arg20: memref<!tpu.dma_semaphore, #tpu.memory_space<semaphore_mem>>, %arg21: memref<!tpu.dma_semaphore, #tpu.memory_space<semaphore_mem>>) attributes {dimension_semantics = [#tpu.dimension_semantics<core_parallel>, #tpu.dimension_semantics<subcore_parallel>], iteration_bounds = array<i64: 2, 16>, scalar_prefetch = 0 : i64, scratch_operands = 16 : i64, tpu.core_type = #tpu.core_type<sc_vector_subcore>, window_params = [{transform_indices = #map}, {transform_indices = #map1}, {transform_indices = #map1}, {transform_indices = #map}]} {
    %mul3A = arith.constant 2 : i32
    %mul3A_0 = arith.muli %arg1, %mul3A : i32
    %add3A = arith.addi %mul3A_0, %arg0 : i32
    %mul3A_1 = arith.constant 2432 : i32
    %mul3A_2 = arith.muli %add3A, %mul3A_1 : i32
    "tpu.region"() ({
      %run_scoped3A = tpu.sem_alloc : memref<!tpu.dma_semaphore, #tpu.memory_space<semaphore_mem>>
      %dma_start3A_62 = tpu.memref_slice %arg3[%mul3A_2] : memref<80000xi32, #tpu.memory_space<hbm>> -> memref<2432xi32, #tpu.memory_space<hbm>>
      %dma_start3A_63 = tpu.memref_slice %arg3[%mul3A_2] : memref<80000xi32, #tpu.memory_space<hbm>> -> memref<2432xi32, #tpu.memory_space<hbm>>
      tpu.enqueue_dma source(%dma_start3A_63 : memref<2432xi32, #tpu.memory_space<hbm>>) target(%arg6 : memref<2432xi32, #tpu.memory_space<vmem>>) target_semaphore(%run_scoped3A : memref<!tpu.dma_semaphore, #tpu.memory_space<semaphore_mem>>)
      %dma_wait3A_64 = tpu.memref_slice %arg3[%mul3A_2] : memref<80000xi32, #tpu.memory_space<hbm>> -> memref<2432xi32, #tpu.memory_space<hbm>>
      %dma_wait3A_65 = tpu.memref_slice %arg3[%mul3A_2] : memref<80000xi32, #tpu.memory_space<hbm>> -> memref<2432xi32, #tpu.memory_space<hbm>>
      tpu.wait_dma2 semaphore(%run_scoped3A : memref<!tpu.dma_semaphore, #tpu.memory_space<semaphore_mem>>) src(%dma_wait3A_65 : memref<2432xi32, #tpu.memory_space<hbm>>) dst(%arg6 : memref<2432xi32, #tpu.memory_space<vmem>>)
      tpu.yield
    }) : () -> ()
    "tpu.region"() ({
      %run_scoped3A = tpu.sem_alloc : memref<!tpu.dma_semaphore, #tpu.memory_space<semaphore_mem>>
      %dma_start3A_62 = tpu.memref_slice %arg4[%mul3A_2] : memref<80000xi32, #tpu.memory_space<hbm>> -> memref<2432xi32, #tpu.memory_space<hbm>>
      %dma_start3A_63 = tpu.memref_slice %arg4[%mul3A_2] : memref<80000xi32, #tpu.memory_space<hbm>> -> memref<2432xi32, #tpu.memory_space<hbm>>
      tpu.enqueue_dma source(%dma_start3A_63 : memref<2432xi32, #tpu.memory_space<hbm>>) target(%arg7 : memref<2432xi32, #tpu.memory_space<vmem>>) target_semaphore(%run_scoped3A : memref<!tpu.dma_semaphore, #tpu.memory_space<semaphore_mem>>)
      %dma_wait3A_64 = tpu.memref_slice %arg4[%mul3A_2] : memref<80000xi32, #tpu.memory_space<hbm>> -> memref<2432xi32, #tpu.memory_space<hbm>>
      %dma_wait3A_65 = tpu.memref_slice %arg4[%mul3A_2] : memref<80000xi32, #tpu.memory_space<hbm>> -> memref<2432xi32, #tpu.memory_space<hbm>>
      tpu.wait_dma2 semaphore(%run_scoped3A : memref<!tpu.dma_semaphore, #tpu.memory_space<semaphore_mem>>) src(%dma_wait3A_65 : memref<2432xi32, #tpu.memory_space<hbm>>) dst(%arg7 : memref<2432xi32, #tpu.memory_space<vmem>>)
      tpu.yield
    }) : () -> ()
    %dma_start3A = arith.constant 0 : i32
    %dma_start3A_3 = tpu.memref_slice %arg6[%dma_start3A] : memref<2432xi32, #tpu.memory_space<vmem>> -> memref<128xi32, #tpu.memory_space<vmem>>
    %dma_start3A_4 = arith.constant 0 : i32
    %dma_start3A_5 = arith.constant 0 : i32
    %dma_start3A_6 = tpu.memref_slice %arg2[%dma_start3A_4, %dma_start3A_5] : memref<10000x128xf32, #tpu.memory_space<hbm>> -> memref<10000x128xf32, #tpu.memory_space<hbm>>
    tpu.enqueue_indirect_dma source(%dma_start3A_6 : memref<10000x128xf32, #tpu.memory_space<hbm>>) target(%arg8 : memref<128x128xf32, #tpu.memory_space<vmem>>) offsets(%dma_start3A_3 : memref<128xi32, #tpu.memory_space<vmem>>) semaphore(%arg16 : memref<!tpu.dma_semaphore, #tpu.memory_space<semaphore_mem>>)
    %dma_start3A_7 = arith.constant 0 : i32
    %dma_start3A_8 = tpu.memref_slice %arg7[%dma_start3A_7] : memref<2432xi32, #tpu.memory_space<vmem>> -> memref<128xi32, #tpu.memory_space<vmem>>
    %dma_start3A_9 = arith.constant 0 : i32
    %dma_start3A_10 = arith.constant 0 : i32
    %dma_start3A_11 = tpu.memref_slice %arg2[%dma_start3A_9, %dma_start3A_10] : memref<10000x128xf32, #tpu.memory_space<hbm>> -> memref<10000x128xf32, #tpu.memory_space<hbm>>
    tpu.enqueue_indirect_dma source(%dma_start3A_11 : memref<10000x128xf32, #tpu.memory_space<hbm>>) target(%arg9 : memref<128x128xf32, #tpu.memory_space<vmem>>) offsets(%dma_start3A_8 : memref<128xi32, #tpu.memory_space<vmem>>) semaphore(%arg17 : memref<!tpu.dma_semaphore, #tpu.memory_space<semaphore_mem>>)
    %dma_start3A_12 = arith.constant 128 : i32
    %dma_start3A_13 = tpu.memref_slice %arg6[%dma_start3A_12] : memref<2432xi32, #tpu.memory_space<vmem>> -> memref<128xi32, #tpu.memory_space<vmem>>
    %dma_start3A_14 = arith.constant 0 : i32
    %dma_start3A_15 = arith.constant 0 : i32
    %dma_start3A_16 = tpu.memref_slice %arg2[%dma_start3A_14, %dma_start3A_15] : memref<10000x128xf32, #tpu.memory_space<hbm>> -> memref<10000x128xf32, #tpu.memory_space<hbm>>
    tpu.enqueue_indirect_dma source(%dma_start3A_16 : memref<10000x128xf32, #tpu.memory_space<hbm>>) target(%arg10 : memref<128x128xf32, #tpu.memory_space<vmem>>) offsets(%dma_start3A_13 : memref<128xi32, #tpu.memory_space<vmem>>) semaphore(%arg18 : memref<!tpu.dma_semaphore, #tpu.memory_space<semaphore_mem>>)
    %dma_start3A_17 = arith.constant 128 : i32
    %dma_start3A_18 = tpu.memref_slice %arg7[%dma_start3A_17] : memref<2432xi32, #tpu.memory_space<vmem>> -> memref<128xi32, #tpu.memory_space<vmem>>
    %dma_start3A_19 = arith.constant 0 : i32
    %dma_start3A_20 = arith.constant 0 : i32
    %dma_start3A_21 = tpu.memref_slice %arg2[%dma_start3A_19, %dma_start3A_20] : memref<10000x128xf32, #tpu.memory_space<hbm>> -> memref<10000x128xf32, #tpu.memory_space<hbm>>
    tpu.enqueue_indirect_dma source(%dma_start3A_21 : memref<10000x128xf32, #tpu.memory_space<hbm>>) target(%arg11 : memref<128x128xf32, #tpu.memory_space<vmem>>) offsets(%dma_start3A_18 : memref<128xi32, #tpu.memory_space<vmem>>) semaphore(%arg19 : memref<!tpu.dma_semaphore, #tpu.memory_space<semaphore_mem>>)
    %scan3A = arith.constant 0 : i32
    %scan3A_22 = arith.constant 0 : i32
    %scan3A_23 = arith.constant 9 : i32
    %scan3A_24 = arith.addi %scan3A_22, %scan3A_23 : i32
    %scan3A_25 = arith.constant 1 : i32
    scf.for %scan3A_62 = %scan3A_22 to %scan3A_24 step %scan3A_25  : i32 {
      %mul3A_63 = arith.constant 2 : i32
      %mul3A_64 = arith.muli %mul3A_63, %scan3A_62 : i32
      %add3A_65 = arith.constant 2 : i32
      %add3A_66 = arith.addi %mul3A_64, %add3A_65 : i32
      %lt3A_67 = arith.constant 19 : i32
      %lt3A_68 = arith.cmpi slt, %add3A_66, %lt3A_67 : i32
      %dma_wait3A_69 = arith.constant 0 : i32
      %dma_wait3A_70 = tpu.memref_slice %arg6[%dma_wait3A_69] : memref<2432xi32, #tpu.memory_space<vmem>> -> memref<128xi32, #tpu.memory_space<vmem>>
      %dma_wait3A_71 = arith.constant 0 : i32
      %dma_wait3A_72 = arith.constant 0 : i32
      %dma_wait3A_73 = tpu.memref_slice %arg2[%dma_wait3A_71, %dma_wait3A_72] : memref<10000x128xf32, #tpu.memory_space<hbm>> -> memref<10000x128xf32, #tpu.memory_space<hbm>>
      tpu.wait_indirect_dma semaphore(%arg16 : memref<!tpu.dma_semaphore, #tpu.memory_space<semaphore_mem>>) src(%dma_wait3A_73 : memref<10000x128xf32, #tpu.memory_space<hbm>>) dst(%arg8 : memref<128x128xf32, #tpu.memory_space<vmem>>)
      %dma_wait3A_74 = arith.constant 0 : i32
      %dma_wait3A_75 = tpu.memref_slice %arg7[%dma_wait3A_74] : memref<2432xi32, #tpu.memory_space<vmem>> -> memref<128xi32, #tpu.memory_space<vmem>>
      %dma_wait3A_76 = arith.constant 0 : i32
      %dma_wait3A_77 = arith.constant 0 : i32
      %dma_wait3A_78 = tpu.memref_slice %arg2[%dma_wait3A_76, %dma_wait3A_77] : memref<10000x128xf32, #tpu.memory_space<hbm>> -> memref<10000x128xf32, #tpu.memory_space<hbm>>
      tpu.wait_indirect_dma semaphore(%arg17 : memref<!tpu.dma_semaphore, #tpu.memory_space<semaphore_mem>>) src(%dma_wait3A_78 : memref<10000x128xf32, #tpu.memory_space<hbm>>) dst(%arg9 : memref<128x128xf32, #tpu.memory_space<vmem>>)
      %gt3A = arith.constant 0 : i32
      %gt3A_79 = arith.cmpi sgt, %scan3A_62, %gt3A : i32
      %convert_element_type3A_80 = arith.extui %gt3A_79 : i1 to i32
      %cond3A_81 = arith.constant 0 : i32
      %cond3A_82 = arith.cmpi ne, %convert_element_type3A_80, %cond3A_81 : i32
      scf.if %cond3A_82 {
        %dma_wait3A_136 = arith.constant 0 : i32
        %dma_wait3A_137 = tpu.memref_slice %arg5[%mul3A_2, %dma_wait3A_136] : memref<80000x128xf32, #tpu.memory_space<hbm>> -> memref<128x128xf32, #tpu.memory_space<hbm>>
        %dma_wait3A_138 = arith.constant 0 : i32
        %dma_wait3A_139 = tpu.memref_slice %arg5[%mul3A_2, %dma_wait3A_138] : memref<80000x128xf32, #tpu.memory_space<hbm>> -> memref<128x128xf32, #tpu.memory_space<hbm>>
        tpu.wait_dma2 semaphore(%arg20 : memref<!tpu.dma_semaphore, #tpu.memory_space<semaphore_mem>>) src(%arg12 : memref<128x128xf32, #tpu.memory_space<vmem>>) dst(%dma_wait3A_139 : memref<128x128xf32, #tpu.memory_space<hbm>>)
      } else {
      }
      %scan3A_83 = arith.constant 0 : i32
      %scan3A_84 = arith.constant 0 : i32
      %scan3A_85 = arith.constant 128 : i32
      %scan3A_86 = arith.addi %scan3A_84, %scan3A_85 : i32
      %scan3A_87 = arith.constant 1 : i32
      scf.for %scan3A_136 = %scan3A_84 to %scan3A_86 step %scan3A_87  : i32 {
        %get3A = arith.index_cast %scan3A_136 : i32 to index
        %get3A_137 = arith.constant 0 : index
        %get3A_138 = tpu.vector_load %arg8[%get3A, %get3A_137] {strides = array<i32>} : memref<128x128xf32, #tpu.memory_space<vmem>>, vector<1x16xf32>,
        %get3A_139 = vector.shape_cast %get3A_138 : vector<1x16xf32> to vector<16xf32>
        %get3A_140 = arith.index_cast %scan3A_136 : i32 to index
        %get3A_141 = arith.constant 0 : index
        %get3A_142 = tpu.vector_load %arg9[%get3A_140, %get3A_141] {strides = array<i32>} : memref<128x128xf32, #tpu.memory_space<vmem>>, vector<1x16xf32>,
        %get3A_143 = vector.shape_cast %get3A_142 : vector<1x16xf32> to vector<16xf32>
        %add3A_144 = arith.addf %get3A_139, %get3A_143 : vector<16xf32>
        %swap3A = arith.index_cast %scan3A_136 : i32 to index
        %swap3A_145 = arith.constant 0 : index
        %swap3A_146 = tpu.vector_load %arg12[%swap3A, %swap3A_145] {strides = array<i32>} : memref<128x128xf32, #tpu.memory_space<vmem>>, vector<1x16xf32>,
        %swap3A_147 = vector.shape_cast %swap3A_146 : vector<1x16xf32> to vector<16xf32>
        %swap3A_148 = vector.shape_cast %add3A_144 : vector<16xf32> to vector<1x16xf32>
        tpu.vector_store %arg12[%swap3A, %swap3A_145], %swap3A_148 {strides = array<i32>} : memref<128x128xf32, #tpu.memory_space<vmem>>, vector<1x16xf32>,
        %get3A_149 = arith.index_cast %scan3A_136 : i32 to index
        %get3A_150 = arith.constant 16 : index
        %get3A_151 = tpu.vector_load %arg8[%get3A_149, %get3A_150] {strides = array<i32>} : memref<128x128xf32, #tpu.memory_space<vmem>>, vector<1x16xf32>,
        %get3A_152 = vector.shape_cast %get3A_151 : vector<1x16xf32> to vector<16xf32>
        %get3A_153 = arith.index_cast %scan3A_136 : i32 to index
        %get3A_154 = arith.constant 16 : index
        %get3A_155 = tpu.vector_load %arg9[%get3A_153, %get3A_154] {strides = array<i32>} : memref<128x128xf32, #tpu.memory_space<vmem>>, vector<1x16xf32>,
        %get3A_156 = vector.shape_cast %get3A_155 : vector<1x16xf32> to vector<16xf32>
        %add3A_157 = arith.addf %get3A_152, %get3A_156 : vector<16xf32>
        %swap3A_158 = arith.index_cast %scan3A_136 : i32 to index
        %swap3A_159 = arith.constant 16 : index
        %swap3A_160 = tpu.vector_load %arg12[%swap3A_158, %swap3A_159] {strides = array<i32>} : memref<128x128xf32, #tpu.memory_space<vmem>>, vector<1x16xf32>,
        %swap3A_161 = vector.shape_cast %swap3A_160 : vector<1x16xf32> to vector<16xf32>
        %swap3A_162 = vector.shape_cast %add3A_157 : vector<16xf32> to vector<1x16xf32>
        tpu.vector_store %arg12[%swap3A_158, %swap3A_159], %swap3A_162 {strides = array<i32>} : memref<128x128xf32, #tpu.memory_space<vmem>>, vector<1x16xf32>,
        %get3A_163 = arith.index_cast %scan3A_136 : i32 to index
        %get3A_164 = arith.constant 32 : index
        %get3A_165 = tpu.vector_load %arg8[%get3A_163, %get3A_164] {strides = array<i32>} : memref<128x128xf32, #tpu.memory_space<vmem>>, vector<1x16xf32>,
        %get3A_166 = vector.shape_cast %get3A_165 : vector<1x16xf32> to vector<16xf32>
        %get3A_167 = arith.index_cast %scan3A_136 : i32 to index
        %get3A_168 = arith.constant 32 : index
        %get3A_169 = tpu.vector_load %arg9[%get3A_167, %get3A_168] {strides = array<i32>} : memref<128x128xf32, #tpu.memory_space<vmem>>, vector<1x16xf32>,
        %get3A_170 = vector.shape_cast %get3A_169 : vector<1x16xf32> to vector<16xf32>
        %add3A_171 = arith.addf %get3A_166, %get3A_170 : vector<16xf32>
        %swap3A_172 = arith.index_cast %scan3A_136 : i32 to index
        %swap3A_173 = arith.constant 32 : index
        %swap3A_174 = tpu.vector_load %arg12[%swap3A_172, %swap3A_173] {strides = array<i32>} : memref<128x128xf32, #tpu.memory_space<vmem>>, vector<1x16xf32>,
        %swap3A_175 = vector.shape_cast %swap3A_174 : vector<1x16xf32> to vector<16xf32>
        %swap3A_176 = vector.shape_cast %add3A_171 : vector<16xf32> to vector<1x16xf32>
        tpu.vector_store %arg12[%swap3A_172, %swap3A_173], %swap3A_176 {strides = array<i32>} : memref<128x128xf32, #tpu.memory_space<vmem>>, vector<1x16xf32>,
        %get3A_177 = arith.index_cast %scan3A_136 : i32 to index
        %get3A_178 = arith.constant 48 : index
        %get3A_179 = tpu.vector_load %arg8[%get3A_177, %get3A_178] {strides = array<i32>} : memref<128x128xf32, #tpu.memory_space<vmem>>, vector<1x16xf32>,
        %get3A_180 = vector.shape_cast %get3A_179 : vector<1x16xf32> to vector<16xf32>
        %get3A_181 = arith.index_cast %scan3A_136 : i32 to index
        %get3A_182 = arith.constant 48 : index
        %get3A_183 = tpu.vector_load %arg9[%get3A_181, %get3A_182] {strides = array<i32>} : memref<128x128xf32, #tpu.memory_space<vmem>>, vector<1x16xf32>,
        %get3A_184 = vector.shape_cast %get3A_183 : vector<1x16xf32> to vector<16xf32>
        %add3A_185 = arith.addf %get3A_180, %get3A_184 : vector<16xf32>
        %swap3A_186 = arith.index_cast %scan3A_136 : i32 to index
        %swap3A_187 = arith.constant 48 : index
        %swap3A_188 = tpu.vector_load %arg12[%swap3A_186, %swap3A_187] {strides = array<i32>} : memref<128x128xf32, #tpu.memory_space<vmem>>, vector<1x16xf32>,
        %swap3A_189 = vector.shape_cast %swap3A_188 : vector<1x16xf32> to vector<16xf32>
        %swap3A_190 = vector.shape_cast %add3A_185 : vector<16xf32> to vector<1x16xf32>
        tpu.vector_store %arg12[%swap3A_186, %swap3A_187], %swap3A_190 {strides = array<i32>} : memref<128x128xf32, #tpu.memory_space<vmem>>, vector<1x16xf32>,
        %get3A_191 = arith.index_cast %scan3A_136 : i32 to index
        %get3A_192 = arith.constant 64 : index
        %get3A_193 = tpu.vector_load %arg8[%get3A_191, %get3A_192] {strides = array<i32>} : memref<128x128xf32, #tpu.memory_space<vmem>>, vector<1x16xf32>,
        %get3A_194 = vector.shape_cast %get3A_193 : vector<1x16xf32> to vector<16xf32>
        %get3A_195 = arith.index_cast %scan3A_136 : i32 to index
        %get3A_196 = arith.constant 64 : index
        %get3A_197 = tpu.vector_load %arg9[%get3A_195, %get3A_196] {strides = array<i32>} : memref<128x128xf32, #tpu.memory_space<vmem>>, vector<1x16xf32>,
        %get3A_198 = vector.shape_cast %get3A_197 : vector<1x16xf32> to vector<16xf32>
        %add3A_199 = arith.addf %get3A_194, %get3A_198 : vector<16xf32>
        %swap3A_200 = arith.index_cast %scan3A_136 : i32 to index
        %swap3A_201 = arith.constant 64 : index
        %swap3A_202 = tpu.vector_load %arg12[%swap3A_200, %swap3A_201] {strides = array<i32>} : memref<128x128xf32, #tpu.memory_space<vmem>>, vector<1x16xf32>,
        %swap3A_203 = vector.shape_cast %swap3A_202 : vector<1x16xf32> to vector<16xf32>
        %swap3A_204 = vector.shape_cast %add3A_199 : vector<16xf32> to vector<1x16xf32>
        tpu.vector_store %arg12[%swap3A_200, %swap3A_201], %swap3A_204 {strides = array<i32>} : memref<128x128xf32, #tpu.memory_space<vmem>>, vector<1x16xf32>,
        %get3A_205 = arith.index_cast %scan3A_136 : i32 to index
        %get3A_206 = arith.constant 80 : index
        %get3A_207 = tpu.vector_load %arg8[%get3A_205, %get3A_206] {strides = array<i32>} : memref<128x128xf32, #tpu.memory_space<vmem>>, vector<1x16xf32>,
        %get3A_208 = vector.shape_cast %get3A_207 : vector<1x16xf32> to vector<16xf32>
        %get3A_209 = arith.index_cast %scan3A_136 : i32 to index
        %get3A_210 = arith.constant 80 : index
        %get3A_211 = tpu.vector_load %arg9[%get3A_209, %get3A_210] {strides = array<i32>} : memref<128x128xf32, #tpu.memory_space<vmem>>, vector<1x16xf32>,
        %get3A_212 = vector.shape_cast %get3A_211 : vector<1x16xf32> to vector<16xf32>
        %add3A_213 = arith.addf %get3A_208, %get3A_212 : vector<16xf32>
        %swap3A_214 = arith.index_cast %scan3A_136 : i32 to index
        %swap3A_215 = arith.constant 80 : index
        %swap3A_216 = tpu.vector_load %arg12[%swap3A_214, %swap3A_215] {strides = array<i32>} : memref<128x128xf32, #tpu.memory_space<vmem>>, vector<1x16xf32>,
        %swap3A_217 = vector.shape_cast %swap3A_216 : vector<1x16xf32> to vector<16xf32>
        %swap3A_218 = vector.shape_cast %add3A_213 : vector<16xf32> to vector<1x16xf32>
        tpu.vector_store %arg12[%swap3A_214, %swap3A_215], %swap3A_218 {strides = array<i32>} : memref<128x128xf32, #tpu.memory_space<vmem>>, vector<1x16xf32>,
        %get3A_219 = arith.index_cast %scan3A_136 : i32 to index
        %get3A_220 = arith.constant 96 : index
        %get3A_221 = tpu.vector_load %arg8[%get3A_219, %get3A_220] {strides = array<i32>} : memref<128x128xf32, #tpu.memory_space<vmem>>, vector<1x16xf32>,
        %get3A_222 = vector.shape_cast %get3A_221 : vector<1x16xf32> to vector<16xf32>
        %get3A_223 = arith.index_cast %scan3A_136 : i32 to index
        %get3A_224 = arith.constant 96 : index
        %get3A_225 = tpu.vector_load %arg9[%get3A_223, %get3A_224] {strides = array<i32>} : memref<128x128xf32, #tpu.memory_space<vmem>>, vector<1x16xf32>,
        %get3A_226 = vector.shape_cast %get3A_225 : vector<1x16xf32> to vector<16xf32>
        %add3A_227 = arith.addf %get3A_222, %get3A_226 : vector<16xf32>
        %swap3A_228 = arith.index_cast %scan3A_136 : i32 to index
        %swap3A_229 = arith.constant 96 : index
        %swap3A_230 = tpu.vector_load %arg12[%swap3A_228, %swap3A_229] {strides = array<i32>} : memref<128x128xf32, #tpu.memory_space<vmem>>, vector<1x16xf32>,
        %swap3A_231 = vector.shape_cast %swap3A_230 : vector<1x16xf32> to vector<16xf32>
        %swap3A_232 = vector.shape_cast %add3A_227 : vector<16xf32> to vector<1x16xf32>
        tpu.vector_store %arg12[%swap3A_228, %swap3A_229], %swap3A_232 {strides = array<i32>} : memref<128x128xf32, #tpu.memory_space<vmem>>, vector<1x16xf32>,
        %get3A_233 = arith.index_cast %scan3A_136 : i32 to index
        %get3A_234 = arith.constant 112 : index
        %get3A_235 = tpu.vector_load %arg8[%get3A_233, %get3A_234] {strides = array<i32>} : memref<128x128xf32, #tpu.memory_space<vmem>>, vector<1x16xf32>,
        %get3A_236 = vector.shape_cast %get3A_235 : vector<1x16xf32> to vector<16xf32>
        %get3A_237 = arith.index_cast %scan3A_136 : i32 to index
        %get3A_238 = arith.constant 112 : index
        %get3A_239 = tpu.vector_load %arg9[%get3A_237, %get3A_238] {strides = array<i32>} : memref<128x128xf32, #tpu.memory_space<vmem>>, vector<1x16xf32>,
        %get3A_240 = vector.shape_cast %get3A_239 : vector<1x16xf32> to vector<16xf32>
        %add3A_241 = arith.addf %get3A_236, %get3A_240 : vector<16xf32>
        %swap3A_242 = arith.index_cast %scan3A_136 : i32 to index
        %swap3A_243 = arith.constant 112 : index
        %swap3A_244 = tpu.vector_load %arg12[%swap3A_242, %swap3A_243] {strides = array<i32>} : memref<128x128xf32, #tpu.memory_space<vmem>>, vector<1x16xf32>,
        %swap3A_245 = vector.shape_cast %swap3A_244 : vector<1x16xf32> to vector<16xf32>
        %swap3A_246 = vector.shape_cast %add3A_241 : vector<16xf32> to vector<1x16xf32>
        tpu.vector_store %arg12[%swap3A_242, %swap3A_243], %swap3A_246 {strides = array<i32>} : memref<128x128xf32, #tpu.memory_space<vmem>>, vector<1x16xf32>,
      }
      %scan3A_88 = arith.constant 128 : i32
      %mul3A_89 = arith.constant 128 : i32
      %mul3A_90 = arith.muli %mul3A_64, %mul3A_89 : i32
      %add3A_91 = arith.addi %mul3A_2, %mul3A_90 : i32
      %dma_start3A_92 = arith.constant 0 : i32
      %dma_start3A_93 = tpu.memref_slice %arg5[%add3A_91, %dma_start3A_92] : memref<80000x128xf32, #tpu.memory_space<hbm>> -> memref<128x128xf32, #tpu.memory_space<hbm>>
      %dma_start3A_94 = arith.constant 0 : i32
      %dma_start3A_95 = tpu.memref_slice %arg5[%add3A_91, %dma_start3A_94] : memref<80000x128xf32, #tpu.memory_space<hbm>> -> memref<128x128xf32, #tpu.memory_space<hbm>>
      tpu.enqueue_dma source(%arg12 : memref<128x128xf32, #tpu.memory_space<vmem>>) target(%dma_start3A_95 : memref<128x128xf32, #tpu.memory_space<hbm>>) target_semaphore(%arg20 : memref<!tpu.dma_semaphore, #tpu.memory_space<semaphore_mem>>)
      %convert_element_type3A_96 = arith.extui %lt3A_68 : i1 to i32
      %cond3A_97 = arith.constant 0 : i32
      %cond3A_98 = arith.cmpi ne, %convert_element_type3A_96, %cond3A_97 : i32
      scf.if %cond3A_98 {
        %add3A_136 = arith.constant 2 : i32
        %add3A_137 = arith.addi %mul3A_64, %add3A_136 : i32
        %mul3A_138 = arith.constant 128 : i32
        %mul3A_139 = arith.muli %add3A_137, %mul3A_138 : i32
        %dma_start3A_140 = tpu.memref_slice %arg6[%mul3A_139] : memref<2432xi32, #tpu.memory_space<vmem>> -> memref<128xi32, #tpu.memory_space<vmem>>
        %dma_start3A_141 = arith.constant 0 : i32
        %dma_start3A_142 = arith.constant 0 : i32
        %dma_start3A_143 = tpu.memref_slice %arg2[%dma_start3A_141, %dma_start3A_142] : memref<10000x128xf32, #tpu.memory_space<hbm>> -> memref<10000x128xf32, #tpu.memory_space<hbm>>
        tpu.enqueue_indirect_dma source(%dma_start3A_143 : memref<10000x128xf32, #tpu.memory_space<hbm>>) target(%arg8 : memref<128x128xf32, #tpu.memory_space<vmem>>) offsets(%dma_start3A_140 : memref<128xi32, #tpu.memory_space<vmem>>) semaphore(%arg16 : memref<!tpu.dma_semaphore, #tpu.memory_space<semaphore_mem>>)
        %dma_start3A_144 = tpu.memref_slice %arg7[%mul3A_139] : memref<2432xi32, #tpu.memory_space<vmem>> -> memref<128xi32, #tpu.memory_space<vmem>>
        %dma_start3A_145 = arith.constant 0 : i32
        %dma_start3A_146 = arith.constant 0 : i32
        %dma_start3A_147 = tpu.memref_slice %arg2[%dma_start3A_145, %dma_start3A_146] : memref<10000x128xf32, #tpu.memory_space<hbm>> -> memref<10000x128xf32, #tpu.memory_space<hbm>>
        tpu.enqueue_indirect_dma source(%dma_start3A_147 : memref<10000x128xf32, #tpu.memory_space<hbm>>) target(%arg9 : memref<128x128xf32, #tpu.memory_space<vmem>>) offsets(%dma_start3A_144 : memref<128xi32, #tpu.memory_space<vmem>>) semaphore(%arg17 : memref<!tpu.dma_semaphore, #tpu.memory_space<semaphore_mem>>)
      } else {
      }
      %add3A_99 = arith.constant 1 : i32
      %add3A_100 = arith.addi %mul3A_64, %add3A_99 : i32
      %add3A_101 = arith.constant 3 : i32
      %add3A_102 = arith.addi %mul3A_64, %add3A_101 : i32
      %lt3A_103 = arith.constant 19 : i32
      %lt3A_104 = arith.cmpi slt, %add3A_102, %lt3A_103 : i32
      %dma_wait3A_105 = arith.constant 0 : i32
      %dma_wait3A_106 = tpu.memref_slice %arg6[%dma_wait3A_105] : memref<2432xi32, #tpu.memory_space<vmem>> -> memref<128xi32, #tpu.memory_space<vmem>>
      %dma_wait3A_107 = arith.constant 0 : i32
      %dma_wait3A_108 = arith.constant 0 : i32
      %dma_wait3A_109 = tpu.memref_slice %arg2[%dma_wait3A_107, %dma_wait3A_108] : memref<10000x128xf32, #tpu.memory_space<hbm>> -> memref<10000x128xf32, #tpu.memory_space<hbm>>
      tpu.wait_indirect_dma semaphore(%arg18 : memref<!tpu.dma_semaphore, #tpu.memory_space<semaphore_mem>>) src(%dma_wait3A_109 : memref<10000x128xf32, #tpu.memory_space<hbm>>) dst(%arg10 : memref<128x128xf32, #tpu.memory_space<vmem>>)
      %dma_wait3A_110 = arith.constant 0 : i32
      %dma_wait3A_111 = tpu.memref_slice %arg7[%dma_wait3A_110] : memref<2432xi32, #tpu.memory_space<vmem>> -> memref<128xi32, #tpu.memory_space<vmem>>
      %dma_wait3A_112 = arith.constant 0 : i32
      %dma_wait3A_113 = arith.constant 0 : i32
      %dma_wait3A_114 = tpu.memref_slice %arg2[%dma_wait3A_112, %dma_wait3A_113] : memref<10000x128xf32, #tpu.memory_space<hbm>> -> memref<10000x128xf32, #tpu.memory_space<hbm>>
      tpu.wait_indirect_dma semaphore(%arg19 : memref<!tpu.dma_semaphore, #tpu.memory_space<semaphore_mem>>) src(%dma_wait3A_114 : memref<10000x128xf32, #tpu.memory_space<hbm>>) dst(%arg11 : memref<128x128xf32, #tpu.memory_space<vmem>>)
      %gt3A_115 = arith.constant 0 : i32
      %gt3A_116 = arith.cmpi sgt, %scan3A_62, %gt3A_115 : i32
      %convert_element_type3A_117 = arith.extui %gt3A_116 : i1 to i32
      %cond3A_118 = arith.constant 0 : i32
      %cond3A_119 = arith.cmpi ne, %convert_element_type3A_117, %cond3A_118 : i32
      scf.if %cond3A_119 {
        %dma_wait3A_136 = arith.constant 0 : i32
        %dma_wait3A_137 = tpu.memref_slice %arg5[%mul3A_2, %dma_wait3A_136] : memref<80000x128xf32, #tpu.memory_space<hbm>> -> memref<128x128xf32, #tpu.memory_space<hbm>>
        %dma_wait3A_138 = arith.constant 0 : i32
        %dma_wait3A_139 = tpu.memref_slice %arg5[%mul3A_2, %dma_wait3A_138] : memref<80000x128xf32, #tpu.memory_space<hbm>> -> memref<128x128xf32, #tpu.memory_space<hbm>>
        tpu.wait_dma2 semaphore(%arg21 : memref<!tpu.dma_semaphore, #tpu.memory_space<semaphore_mem>>) src(%arg13 : memref<128x128xf32, #tpu.memory_space<vmem>>) dst(%dma_wait3A_139 : memref<128x128xf32, #tpu.memory_space<hbm>>)
      } else {
      }
      %scan3A_120 = arith.constant 0 : i32
      %scan3A_121 = arith.constant 0 : i32
      %scan3A_122 = arith.constant 128 : i32
      %scan3A_123 = arith.addi %scan3A_121, %scan3A_122 : i32
      %scan3A_124 = arith.constant 1 : i32
      scf.for %scan3A_136 = %scan3A_121 to %scan3A_123 step %scan3A_124  : i32 {
        %get3A = arith.index_cast %scan3A_136 : i32 to index
        %get3A_137 = arith.constant 0 : index
        %get3A_138 = tpu.vector_load %arg10[%get3A, %get3A_137] {strides = array<i32>} : memref<128x128xf32, #tpu.memory_space<vmem>>, vector<1x16xf32>,
        %get3A_139 = vector.shape_cast %get3A_138 : vector<1x16xf32> to vector<16xf32>
        %get3A_140 = arith.index_cast %scan3A_136 : i32 to index
        %get3A_141 = arith.constant 0 : index
        %get3A_142 = tpu.vector_load %arg11[%get3A_140, %get3A_141] {strides = array<i32>} : memref<128x128xf32, #tpu.memory_space<vmem>>, vector<1x16xf32>,
        %get3A_143 = vector.shape_cast %get3A_142 : vector<1x16xf32> to vector<16xf32>
        %add3A_144 = arith.addf %get3A_139, %get3A_143 : vector<16xf32>
        %swap3A = arith.index_cast %scan3A_136 : i32 to index
        %swap3A_145 = arith.constant 0 : index
        %swap3A_146 = tpu.vector_load %arg13[%swap3A, %swap3A_145] {strides = array<i32>} : memref<128x128xf32, #tpu.memory_space<vmem>>, vector<1x16xf32>,
        %swap3A_147 = vector.shape_cast %swap3A_146 : vector<1x16xf32> to vector<16xf32>
        %swap3A_148 = vector.shape_cast %add3A_144 : vector<16xf32> to vector<1x16xf32>
        tpu.vector_store %arg13[%swap3A, %swap3A_145], %swap3A_148 {strides = array<i32>} : memref<128x128xf32, #tpu.memory_space<vmem>>, vector<1x16xf32>,
        %get3A_149 = arith.index_cast %scan3A_136 : i32 to index
        %get3A_150 = arith.constant 16 : index
        %get3A_151 = tpu.vector_load %arg10[%get3A_149, %get3A_150] {strides = array<i32>} : memref<128x128xf32, #tpu.memory_space<vmem>>, vector<1x16xf32>,
        %get3A_152 = vector.shape_cast %get3A_151 : vector<1x16xf32> to vector<16xf32>
        %get3A_153 = arith.index_cast %scan3A_136 : i32 to index
        %get3A_154 = arith.constant 16 : index
        %get3A_155 = tpu.vector_load %arg11[%get3A_153, %get3A_154] {strides = array<i32>} : memref<128x128xf32, #tpu.memory_space<vmem>>, vector<1x16xf32>,
        %get3A_156 = vector.shape_cast %get3A_155 : vector<1x16xf32> to vector<16xf32>
        %add3A_157 = arith.addf %get3A_152, %get3A_156 : vector<16xf32>
        %swap3A_158 = arith.index_cast %scan3A_136 : i32 to index
        %swap3A_159 = arith.constant 16 : index
        %swap3A_160 = tpu.vector_load %arg13[%swap3A_158, %swap3A_159] {strides = array<i32>} : memref<128x128xf32, #tpu.memory_space<vmem>>, vector<1x16xf32>,
        %swap3A_161 = vector.shape_cast %swap3A_160 : vector<1x16xf32> to vector<16xf32>
        %swap3A_162 = vector.shape_cast %add3A_157 : vector<16xf32> to vector<1x16xf32>
        tpu.vector_store %arg13[%swap3A_158, %swap3A_159], %swap3A_162 {strides = array<i32>} : memref<128x128xf32, #tpu.memory_space<vmem>>, vector<1x16xf32>,
        %get3A_163 = arith.index_cast %scan3A_136 : i32 to index
        %get3A_164 = arith.constant 32 : index
        %get3A_165 = tpu.vector_load %arg10[%get3A_163, %get3A_164] {strides = array<i32>} : memref<128x128xf32, #tpu.memory_space<vmem>>, vector<1x16xf32>,
        %get3A_166 = vector.shape_cast %get3A_165 : vector<1x16xf32> to vector<16xf32>
        %get3A_167 = arith.index_cast %scan3A_136 : i32 to index
        %get3A_168 = arith.constant 32 : index
        %get3A_169 = tpu.vector_load %arg11[%get3A_167, %get3A_168] {strides = array<i32>} : memref<128x128xf32, #tpu.memory_space<vmem>>, vector<1x16xf32>,
        %get3A_170 = vector.shape_cast %get3A_169 : vector<1x16xf32> to vector<16xf32>
        %add3A_171 = arith.addf %get3A_166, %get3A_170 : vector<16xf32>
        %swap3A_172 = arith.index_cast %scan3A_136 : i32 to index
        %swap3A_173 = arith.constant 32 : index
        %swap3A_174 = tpu.vector_load %arg13[%swap3A_172, %swap3A_173] {strides = array<i32>} : memref<128x128xf32, #tpu.memory_space<vmem>>, vector<1x16xf32>,
        %swap3A_175 = vector.shape_cast %swap3A_174 : vector<1x16xf32> to vector<16xf32>
        %swap3A_176 = vector.shape_cast %add3A_171 : vector<16xf32> to vector<1x16xf32>
        tpu.vector_store %arg13[%swap3A_172, %swap3A_173], %swap3A_176 {strides = array<i32>} : memref<128x128xf32, #tpu.memory_space<vmem>>, vector<1x16xf32>,
        %get3A_177 = arith.index_cast %scan3A_136 : i32 to index
        %get3A_178 = arith.constant 48 : index
        %get3A_179 = tpu.vector_load %arg10[%get3A_177, %get3A_178] {strides = array<i32>} : memref<128x128xf32, #tpu.memory_space<vmem>>, vector<1x16xf32>,
        %get3A_180 = vector.shape_cast %get3A_179 : vector<1x16xf32> to vector<16xf32>
        %get3A_181 = arith.index_cast %scan3A_136 : i32 to index
        %get3A_182 = arith.constant 48 : index
        %get3A_183 = tpu.vector_load %arg11[%get3A_181, %get3A_182] {strides = array<i32>} : memref<128x128xf32, #tpu.memory_space<vmem>>, vector<1x16xf32>,
        %get3A_184 = vector.shape_cast %get3A_183 : vector<1x16xf32> to vector<16xf32>
        %add3A_185 = arith.addf %get3A_180, %get3A_184 : vector<16xf32>
        %swap3A_186 = arith.index_cast %scan3A_136 : i32 to index
        %swap3A_187 = arith.constant 48 : index
        %swap3A_188 = tpu.vector_load %arg13[%swap3A_186, %swap3A_187] {strides = array<i32>} : memref<128x128xf32, #tpu.memory_space<vmem>>, vector<1x16xf32>,
        %swap3A_189 = vector.shape_cast %swap3A_188 : vector<1x16xf32> to vector<16xf32>
        %swap3A_190 = vector.shape_cast %add3A_185 : vector<16xf32> to vector<1x16xf32>
        tpu.vector_store %arg13[%swap3A_186, %swap3A_187], %swap3A_190 {strides = array<i32>} : memref<128x128xf32, #tpu.memory_space<vmem>>, vector<1x16xf32>,
        %get3A_191 = arith.index_cast %scan3A_136 : i32 to index
        %get3A_192 = arith.constant 64 : index
        %get3A_193 = tpu.vector_load %arg10[%get3A_191, %get3A_192] {strides = array<i32>} : memref<128x128xf32, #tpu.memory_space<vmem>>, vector<1x16xf32>,
        %get3A_194 = vector.shape_cast %get3A_193 : vector<1x16xf32> to vector<16xf32>
        %get3A_195 = arith.index_cast %scan3A_136 : i32 to index
        %get3A_196 = arith.constant 64 : index
        %get3A_197 = tpu.vector_load %arg11[%get3A_195, %get3A_196] {strides = array<i32>} : memref<128x128xf32, #tpu.memory_space<vmem>>, vector<1x16xf32>,
        %get3A_198 = vector.shape_cast %get3A_197 : vector<1x16xf32> to vector<16xf32>
        %add3A_199 = arith.addf %get3A_194, %get3A_198 : vector<16xf32>
        %swap3A_200 = arith.index_cast %scan3A_136 : i32 to index
        %swap3A_201 = arith.constant 64 : index
        %swap3A_202 = tpu.vector_load %arg13[%swap3A_200, %swap3A_201] {strides = array<i32>} : memref<128x128xf32, #tpu.memory_space<vmem>>, vector<1x16xf32>,
        %swap3A_203 = vector.shape_cast %swap3A_202 : vector<1x16xf32> to vector<16xf32>
        %swap3A_204 = vector.shape_cast %add3A_199 : vector<16xf32> to vector<1x16xf32>
        tpu.vector_store %arg13[%swap3A_200, %swap3A_201], %swap3A_204 {strides = array<i32>} : memref<128x128xf32, #tpu.memory_space<vmem>>, vector<1x16xf32>,
        %get3A_205 = arith.index_cast %scan3A_136 : i32 to index
        %get3A_206 = arith.constant 80 : index
        %get3A_207 = tpu.vector_load %arg10[%get3A_205, %get3A_206] {strides = array<i32>} : memref<128x128xf32, #tpu.memory_space<vmem>>, vector<1x16xf32>,
        %get3A_208 = vector.shape_cast %get3A_207 : vector<1x16xf32> to vector<16xf32>
        %get3A_209 = arith.index_cast %scan3A_136 : i32 to index
        %get3A_210 = arith.constant 80 : index
        %get3A_211 = tpu.vector_load %arg11[%get3A_209, %get3A_210] {strides = array<i32>} : memref<128x128xf32, #tpu.memory_space<vmem>>, vector<1x16xf32>,
        %get3A_212 = vector.shape_cast %get3A_211 : vector<1x16xf32> to vector<16xf32>
        %add3A_213 = arith.addf %get3A_208, %get3A_212 : vector<16xf32>
        %swap3A_214 = arith.index_cast %scan3A_136 : i32 to index
        %swap3A_215 = arith.constant 80 : index
        %swap3A_216 = tpu.vector_load %arg13[%swap3A_214, %swap3A_215] {strides = array<i32>} : memref<128x128xf32, #tpu.memory_space<vmem>>, vector<1x16xf32>,
        %swap3A_217 = vector.shape_cast %swap3A_216 : vector<1x16xf32> to vector<16xf32>
        %swap3A_218 = vector.shape_cast %add3A_213 : vector<16xf32> to vector<1x16xf32>
        tpu.vector_store %arg13[%swap3A_214, %swap3A_215], %swap3A_218 {strides = array<i32>} : memref<128x128xf32, #tpu.memory_space<vmem>>, vector<1x16xf32>,
        %get3A_219 = arith.index_cast %scan3A_136 : i32 to index
        %get3A_220 = arith.constant 96 : index
        %get3A_221 = tpu.vector_load %arg10[%get3A_219, %get3A_220] {strides = array<i32>} : memref<128x128xf32, #tpu.memory_space<vmem>>, vector<1x16xf32>,
        %get3A_222 = vector.shape_cast %get3A_221 : vector<1x16xf32> to vector<16xf32>
        %get3A_223 = arith.index_cast %scan3A_136 : i32 to index
        %get3A_224 = arith.constant 96 : index
        %get3A_225 = tpu.vector_load %arg11[%get3A_223, %get3A_224] {strides = array<i32>} : memref<128x128xf32, #tpu.memory_space<vmem>>, vector<1x16xf32>,
        %get3A_226 = vector.shape_cast %get3A_225 : vector<1x16xf32> to vector<16xf32>
        %add3A_227 = arith.addf %get3A_222, %get3A_226 : vector<16xf32>
        %swap3A_228 = arith.index_cast %scan3A_136 : i32 to index
        %swap3A_229 = arith.constant 96 : index
        %swap3A_230 = tpu.vector_load %arg13[%swap3A_228, %swap3A_229] {strides = array<i32>} : memref<128x128xf32, #tpu.memory_space<vmem>>, vector<1x16xf32>,
        %swap3A_231 = vector.shape_cast %swap3A_230 : vector<1x16xf32> to vector<16xf32>
        %swap3A_232 = vector.shape_cast %add3A_227 : vector<16xf32> to vector<1x16xf32>
        tpu.vector_store %arg13[%swap3A_228, %swap3A_229], %swap3A_232 {strides = array<i32>} : memref<128x128xf32, #tpu.memory_space<vmem>>, vector<1x16xf32>,
        %get3A_233 = arith.index_cast %scan3A_136 : i32 to index
        %get3A_234 = arith.constant 112 : index
        %get3A_235 = tpu.vector_load %arg10[%get3A_233, %get3A_234] {strides = array<i32>} : memref<128x128xf32, #tpu.memory_space<vmem>>, vector<1x16xf32>,
        %get3A_236 = vector.shape_cast %get3A_235 : vector<1x16xf32> to vector<16xf32>
        %get3A_237 = arith.index_cast %scan3A_136 : i32 to index
        %get3A_238 = arith.constant 112 : index
        %get3A_239 = tpu.vector_load %arg11[%get3A_237, %get3A_238] {strides = array<i32>} : memref<128x128xf32, #tpu.memory_space<vmem>>, vector<1x16xf32>,
        %get3A_240 = vector.shape_cast %get3A_239 : vector<1x16xf32> to vector<16xf32>
        %add3A_241 = arith.addf %get3A_236, %get3A_240 : vector<16xf32>
        %swap3A_242 = arith.index_cast %scan3A_136 : i32 to index
        %swap3A_243 = arith.constant 112 : index
        %swap3A_244 = tpu.vector_load %arg13[%swap3A_242, %swap3A_243] {strides = array<i32>} : memref<128x128xf32, #tpu.memory_space<vmem>>, vector<1x16xf32>,
        %swap3A_245 = vector.shape_cast %swap3A_244 : vector<1x16xf32> to vector<16xf32>
        %swap3A_246 = vector.shape_cast %add3A_241 : vector<16xf32> to vector<1x16xf32>
        tpu.vector_store %arg13[%swap3A_242, %swap3A_243], %swap3A_246 {strides = array<i32>} : memref<128x128xf32, #tpu.memory_space<vmem>>, vector<1x16xf32>,
      }
      %scan3A_125 = arith.constant 128 : i32
      %mul3A_126 = arith.constant 128 : i32
      %mul3A_127 = arith.muli %add3A_100, %mul3A_126 : i32
      %add3A_128 = arith.addi %mul3A_2, %mul3A_127 : i32
      %dma_start3A_129 = arith.constant 0 : i32
      %dma_start3A_130 = tpu.memref_slice %arg5[%add3A_128, %dma_start3A_129] : memref<80000x128xf32, #tpu.memory_space<hbm>> -> memref<128x128xf32, #tpu.memory_space<hbm>>
      %dma_start3A_131 = arith.constant 0 : i32
      %dma_start3A_132 = tpu.memref_slice %arg5[%add3A_128, %dma_start3A_131] : memref<80000x128xf32, #tpu.memory_space<hbm>> -> memref<128x128xf32, #tpu.memory_space<hbm>>
      tpu.enqueue_dma source(%arg13 : memref<128x128xf32, #tpu.memory_space<vmem>>) target(%dma_start3A_132 : memref<128x128xf32, #tpu.memory_space<hbm>>) target_semaphore(%arg21 : memref<!tpu.dma_semaphore, #tpu.memory_space<semaphore_mem>>)
      %convert_element_type3A_133 = arith.extui %lt3A_104 : i1 to i32
      %cond3A_134 = arith.constant 0 : i32
      %cond3A_135 = arith.cmpi ne, %convert_element_type3A_133, %cond3A_134 : i32
      scf.if %cond3A_135 {
        %add3A_136 = arith.constant 2 : i32
        %add3A_137 = arith.addi %add3A_100, %add3A_136 : i32
        %mul3A_138 = arith.constant 128 : i32
        %mul3A_139 = arith.muli %add3A_137, %mul3A_138 : i32
        %dma_start3A_140 = tpu.memref_slice %arg6[%mul3A_139] : memref<2432xi32, #tpu.memory_space<vmem>> -> memref<128xi32, #tpu.memory_space<vmem>>
        %dma_start3A_141 = arith.constant 0 : i32
        %dma_start3A_142 = arith.constant 0 : i32
        %dma_start3A_143 = tpu.memref_slice %arg2[%dma_start3A_141, %dma_start3A_142] : memref<10000x128xf32, #tpu.memory_space<hbm>> -> memref<10000x128xf32, #tpu.memory_space<hbm>>
        tpu.enqueue_indirect_dma source(%dma_start3A_143 : memref<10000x128xf32, #tpu.memory_space<hbm>>) target(%arg10 : memref<128x128xf32, #tpu.memory_space<vmem>>) offsets(%dma_start3A_140 : memref<128xi32, #tpu.memory_space<vmem>>) semaphore(%arg18 : memref<!tpu.dma_semaphore, #tpu.memory_space<semaphore_mem>>)
        %dma_start3A_144 = tpu.memref_slice %arg7[%mul3A_139] : memref<2432xi32, #tpu.memory_space<vmem>> -> memref<128xi32, #tpu.memory_space<vmem>>
        %dma_start3A_145 = arith.constant 0 : i32
        %dma_start3A_146 = arith.constant 0 : i32
        %dma_start3A_147 = tpu.memref_slice %arg2[%dma_start3A_145, %dma_start3A_146] : memref<10000x128xf32, #tpu.memory_space<hbm>> -> memref<10000x128xf32, #tpu.memory_space<hbm>>
        tpu.enqueue_indirect_dma source(%dma_start3A_147 : memref<10000x128xf32, #tpu.memory_space<hbm>>) target(%arg11 : memref<128x128xf32, #tpu.memory_space<vmem>>) offsets(%dma_start3A_144 : memref<128xi32, #tpu.memory_space<vmem>>) semaphore(%arg19 : memref<!tpu.dma_semaphore, #tpu.memory_space<semaphore_mem>>)
      } else {
      }
    }
    %scan3A_26 = arith.constant 9 : i32
    %dma_wait3A = arith.constant 0 : i32
    %dma_wait3A_27 = tpu.memref_slice %arg6[%dma_wait3A] : memref<2432xi32, #tpu.memory_space<vmem>> -> memref<128xi32, #tpu.memory_space<vmem>>
    %dma_wait3A_28 = arith.constant 0 : i32
    %dma_wait3A_29 = arith.constant 0 : i32
    %dma_wait3A_30 = tpu.memref_slice %arg2[%dma_wait3A_28, %dma_wait3A_29] : memref<10000x128xf32, #tpu.memory_space<hbm>> -> memref<10000x128xf32, #tpu.memory_space<hbm>>
    tpu.wait_indirect_dma semaphore(%arg16 : memref<!tpu.dma_semaphore, #tpu.memory_space<semaphore_mem>>) src(%dma_wait3A_30 : memref<10000x128xf32, #tpu.memory_space<hbm>>) dst(%arg8 : memref<128x128xf32, #tpu.memory_space<vmem>>)
    %dma_wait3A_31 = arith.constant 0 : i32
    %dma_wait3A_32 = tpu.memref_slice %arg7[%dma_wait3A_31] : memref<2432xi32, #tpu.memory_space<vmem>> -> memref<128xi32, #tpu.memory_space<vmem>>
    %dma_wait3A_33 = arith.constant 0 : i32
    %dma_wait3A_34 = arith.constant 0 : i32
    %dma_wait3A_35 = tpu.memref_slice %arg2[%dma_wait3A_33, %dma_wait3A_34] : memref<10000x128xf32, #tpu.memory_space<hbm>> -> memref<10000x128xf32, #tpu.memory_space<hbm>>
    tpu.wait_indirect_dma semaphore(%arg17 : memref<!tpu.dma_semaphore, #tpu.memory_space<semaphore_mem>>) src(%dma_wait3A_35 : memref<10000x128xf32, #tpu.memory_space<hbm>>) dst(%arg9 : memref<128x128xf32, #tpu.memory_space<vmem>>)
    %dma_wait3A_36 = arith.constant 0 : i32
    %dma_wait3A_37 = tpu.memref_slice %arg5[%mul3A_2, %dma_wait3A_36] : memref<80000x128xf32, #tpu.memory_space<hbm>> -> memref<128x128xf32, #tpu.memory_space<hbm>>
    %dma_wait3A_38 = arith.constant 0 : i32
    %dma_wait3A_39 = tpu.memref_slice %arg5[%mul3A_2, %dma_wait3A_38] : memref<80000x128xf32, #tpu.memory_space<hbm>> -> memref<128x128xf32, #tpu.memory_space<hbm>>
    tpu.wait_dma2 semaphore(%arg20 : memref<!tpu.dma_semaphore, #tpu.memory_space<semaphore_mem>>) src(%arg12 : memref<128x128xf32, #tpu.memory_space<vmem>>) dst(%dma_wait3A_39 : memref<128x128xf32, #tpu.memory_space<hbm>>)
    %scan3A_40 = arith.constant 0 : i32
    %scan3A_41 = arith.constant 0 : i32
    %scan3A_42 = arith.constant 128 : i32
    %scan3A_43 = arith.addi %scan3A_41, %scan3A_42 : i32
    %scan3A_44 = arith.constant 1 : i32
    scf.for %scan3A_62 = %scan3A_41 to %scan3A_43 step %scan3A_44  : i32 {
      %get3A = arith.index_cast %scan3A_62 : i32 to index
      %get3A_63 = arith.constant 0 : index
      %get3A_64 = tpu.vector_load %arg8[%get3A, %get3A_63] {strides = array<i32>} : memref<128x128xf32, #tpu.memory_space<vmem>>, vector<1x16xf32>,
      %get3A_65 = vector.shape_cast %get3A_64 : vector<1x16xf32> to vector<16xf32>
      %get3A_66 = arith.index_cast %scan3A_62 : i32 to index
      %get3A_67 = arith.constant 0 : index
      %get3A_68 = tpu.vector_load %arg9[%get3A_66, %get3A_67] {strides = array<i32>} : memref<128x128xf32, #tpu.memory_space<vmem>>, vector<1x16xf32>,
      %get3A_69 = vector.shape_cast %get3A_68 : vector<1x16xf32> to vector<16xf32>
      %add3A_70 = arith.addf %get3A_65, %get3A_69 : vector<16xf32>
      %swap3A = arith.index_cast %scan3A_62 : i32 to index
      %swap3A_71 = arith.constant 0 : index
      %swap3A_72 = tpu.vector_load %arg12[%swap3A, %swap3A_71] {strides = array<i32>} : memref<128x128xf32, #tpu.memory_space<vmem>>, vector<1x16xf32>,
      %swap3A_73 = vector.shape_cast %swap3A_72 : vector<1x16xf32> to vector<16xf32>
      %swap3A_74 = vector.shape_cast %add3A_70 : vector<16xf32> to vector<1x16xf32>
      tpu.vector_store %arg12[%swap3A, %swap3A_71], %swap3A_74 {strides = array<i32>} : memref<128x128xf32, #tpu.memory_space<vmem>>, vector<1x16xf32>,
      %get3A_75 = arith.index_cast %scan3A_62 : i32 to index
      %get3A_76 = arith.constant 16 : index
      %get3A_77 = tpu.vector_load %arg8[%get3A_75, %get3A_76] {strides = array<i32>} : memref<128x128xf32, #tpu.memory_space<vmem>>, vector<1x16xf32>,
      %get3A_78 = vector.shape_cast %get3A_77 : vector<1x16xf32> to vector<16xf32>
      %get3A_79 = arith.index_cast %scan3A_62 : i32 to index
      %get3A_80 = arith.constant 16 : index
      %get3A_81 = tpu.vector_load %arg9[%get3A_79, %get3A_80] {strides = array<i32>} : memref<128x128xf32, #tpu.memory_space<vmem>>, vector<1x16xf32>,
      %get3A_82 = vector.shape_cast %get3A_81 : vector<1x16xf32> to vector<16xf32>
      %add3A_83 = arith.addf %get3A_78, %get3A_82 : vector<16xf32>
      %swap3A_84 = arith.index_cast %scan3A_62 : i32 to index
      %swap3A_85 = arith.constant 16 : index
      %swap3A_86 = tpu.vector_load %arg12[%swap3A_84, %swap3A_85] {strides = array<i32>} : memref<128x128xf32, #tpu.memory_space<vmem>>, vector<1x16xf32>,
      %swap3A_87 = vector.shape_cast %swap3A_86 : vector<1x16xf32> to vector<16xf32>
      %swap3A_88 = vector.shape_cast %add3A_83 : vector<16xf32> to vector<1x16xf32>
      tpu.vector_store %arg12[%swap3A_84, %swap3A_85], %swap3A_88 {strides = array<i32>} : memref<128x128xf32, #tpu.memory_space<vmem>>, vector<1x16xf32>,
      %get3A_89 = arith.index_cast %scan3A_62 : i32 to index
      %get3A_90 = arith.constant 32 : index
      %get3A_91 = tpu.vector_load %arg8[%get3A_89, %get3A_90] {strides = array<i32>} : memref<128x128xf32, #tpu.memory_space<vmem>>, vector<1x16xf32>,
      %get3A_92 = vector.shape_cast %get3A_91 : vector<1x16xf32> to vector<16xf32>
      %get3A_93 = arith.index_cast %scan3A_62 : i32 to index
      %get3A_94 = arith.constant 32 : index
      %get3A_95 = tpu.vector_load %arg9[%get3A_93, %get3A_94] {strides = array<i32>} : memref<128x128xf32, #tpu.memory_space<vmem>>, vector<1x16xf32>,
      %get3A_96 = vector.shape_cast %get3A_95 : vector<1x16xf32> to vector<16xf32>
      %add3A_97 = arith.addf %get3A_92, %get3A_96 : vector<16xf32>
      %swap3A_98 = arith.index_cast %scan3A_62 : i32 to index
      %swap3A_99 = arith.constant 32 : index
      %swap3A_100 = tpu.vector_load %arg12[%swap3A_98, %swap3A_99] {strides = array<i32>} : memref<128x128xf32, #tpu.memory_space<vmem>>, vector<1x16xf32>,
      %swap3A_101 = vector.shape_cast %swap3A_100 : vector<1x16xf32> to vector<16xf32>
      %swap3A_102 = vector.shape_cast %add3A_97 : vector<16xf32> to vector<1x16xf32>
      tpu.vector_store %arg12[%swap3A_98, %swap3A_99], %swap3A_102 {strides = array<i32>} : memref<128x128xf32, #tpu.memory_space<vmem>>, vector<1x16xf32>,
      %get3A_103 = arith.index_cast %scan3A_62 : i32 to index
      %get3A_104 = arith.constant 48 : index
      %get3A_105 = tpu.vector_load %arg8[%get3A_103, %get3A_104] {strides = array<i32>} : memref<128x128xf32, #tpu.memory_space<vmem>>, vector<1x16xf32>,
      %get3A_106 = vector.shape_cast %get3A_105 : vector<1x16xf32> to vector<16xf32>
      %get3A_107 = arith.index_cast %scan3A_62 : i32 to index
      %get3A_108 = arith.constant 48 : index
      %get3A_109 = tpu.vector_load %arg9[%get3A_107, %get3A_108] {strides = array<i32>} : memref<128x128xf32, #tpu.memory_space<vmem>>, vector<1x16xf32>,
      %get3A_110 = vector.shape_cast %get3A_109 : vector<1x16xf32> to vector<16xf32>
      %add3A_111 = arith.addf %get3A_106, %get3A_110 : vector<16xf32>
      %swap3A_112 = arith.index_cast %scan3A_62 : i32 to index
      %swap3A_113 = arith.constant 48 : index
      %swap3A_114 = tpu.vector_load %arg12[%swap3A_112, %swap3A_113] {strides = array<i32>} : memref<128x128xf32, #tpu.memory_space<vmem>>, vector<1x16xf32>,
      %swap3A_115 = vector.shape_cast %swap3A_114 : vector<1x16xf32> to vector<16xf32>
      %swap3A_116 = vector.shape_cast %add3A_111 : vector<16xf32> to vector<1x16xf32>
      tpu.vector_store %arg12[%swap3A_112, %swap3A_113], %swap3A_116 {strides = array<i32>} : memref<128x128xf32, #tpu.memory_space<vmem>>, vector<1x16xf32>,
      %get3A_117 = arith.index_cast %scan3A_62 : i32 to index
      %get3A_118 = arith.constant 64 : index
      %get3A_119 = tpu.vector_load %arg8[%get3A_117, %get3A_118] {strides = array<i32>} : memref<128x128xf32, #tpu.memory_space<vmem>>, vector<1x16xf32>,
      %get3A_120 = vector.shape_cast %get3A_119 : vector<1x16xf32> to vector<16xf32>
      %get3A_121 = arith.index_cast %scan3A_62 : i32 to index
      %get3A_122 = arith.constant 64 : index
      %get3A_123 = tpu.vector_load %arg9[%get3A_121, %get3A_122] {strides = array<i32>} : memref<128x128xf32, #tpu.memory_space<vmem>>, vector<1x16xf32>,
      %get3A_124 = vector.shape_cast %get3A_123 : vector<1x16xf32> to vector<16xf32>
      %add3A_125 = arith.addf %get3A_120, %get3A_124 : vector<16xf32>
      %swap3A_126 = arith.index_cast %scan3A_62 : i32 to index
      %swap3A_127 = arith.constant 64 : index
      %swap3A_128 = tpu.vector_load %arg12[%swap3A_126, %swap3A_127] {strides = array<i32>} : memref<128x128xf32, #tpu.memory_space<vmem>>, vector<1x16xf32>,
      %swap3A_129 = vector.shape_cast %swap3A_128 : vector<1x16xf32> to vector<16xf32>
      %swap3A_130 = vector.shape_cast %add3A_125 : vector<16xf32> to vector<1x16xf32>
      tpu.vector_store %arg12[%swap3A_126, %swap3A_127], %swap3A_130 {strides = array<i32>} : memref<128x128xf32, #tpu.memory_space<vmem>>, vector<1x16xf32>,
      %get3A_131 = arith.index_cast %scan3A_62 : i32 to index
      %get3A_132 = arith.constant 80 : index
      %get3A_133 = tpu.vector_load %arg8[%get3A_131, %get3A_132] {strides = array<i32>} : memref<128x128xf32, #tpu.memory_space<vmem>>, vector<1x16xf32>,
      %get3A_134 = vector.shape_cast %get3A_133 : vector<1x16xf32> to vector<16xf32>
      %get3A_135 = arith.index_cast %scan3A_62 : i32 to index
      %get3A_136 = arith.constant 80 : index
      %get3A_137 = tpu.vector_load %arg9[%get3A_135, %get3A_136] {strides = array<i32>} : memref<128x128xf32, #tpu.memory_space<vmem>>, vector<1x16xf32>,
      %get3A_138 = vector.shape_cast %get3A_137 : vector<1x16xf32> to vector<16xf32>
      %add3A_139 = arith.addf %get3A_134, %get3A_138 : vector<16xf32>
      %swap3A_140 = arith.index_cast %scan3A_62 : i32 to index
      %swap3A_141 = arith.constant 80 : index
      %swap3A_142 = tpu.vector_load %arg12[%swap3A_140, %swap3A_141] {strides = array<i32>} : memref<128x128xf32, #tpu.memory_space<vmem>>, vector<1x16xf32>,
      %swap3A_143 = vector.shape_cast %swap3A_142 : vector<1x16xf32> to vector<16xf32>
      %swap3A_144 = vector.shape_cast %add3A_139 : vector<16xf32> to vector<1x16xf32>
      tpu.vector_store %arg12[%swap3A_140, %swap3A_141], %swap3A_144 {strides = array<i32>} : memref<128x128xf32, #tpu.memory_space<vmem>>, vector<1x16xf32>,
      %get3A_145 = arith.index_cast %scan3A_62 : i32 to index
      %get3A_146 = arith.constant 96 : index
      %get3A_147 = tpu.vector_load %arg8[%get3A_145, %get3A_146] {strides = array<i32>} : memref<128x128xf32, #tpu.memory_space<vmem>>, vector<1x16xf32>,
      %get3A_148 = vector.shape_cast %get3A_147 : vector<1x16xf32> to vector<16xf32>
      %get3A_149 = arith.index_cast %scan3A_62 : i32 to index
      %get3A_150 = arith.constant 96 : index
      %get3A_151 = tpu.vector_load %arg9[%get3A_149, %get3A_150] {strides = array<i32>} : memref<128x128xf32, #tpu.memory_space<vmem>>, vector<1x16xf32>,
      %get3A_152 = vector.shape_cast %get3A_151 : vector<1x16xf32> to vector<16xf32>
      %add3A_153 = arith.addf %get3A_148, %get3A_152 : vector<16xf32>
      %swap3A_154 = arith.index_cast %scan3A_62 : i32 to index
      %swap3A_155 = arith.constant 96 : index
      %swap3A_156 = tpu.vector_load %arg12[%swap3A_154, %swap3A_155] {strides = array<i32>} : memref<128x128xf32, #tpu.memory_space<vmem>>, vector<1x16xf32>,
      %swap3A_157 = vector.shape_cast %swap3A_156 : vector<1x16xf32> to vector<16xf32>
      %swap3A_158 = vector.shape_cast %add3A_153 : vector<16xf32> to vector<1x16xf32>
      tpu.vector_store %arg12[%swap3A_154, %swap3A_155], %swap3A_158 {strides = array<i32>} : memref<128x128xf32, #tpu.memory_space<vmem>>, vector<1x16xf32>,
      %get3A_159 = arith.index_cast %scan3A_62 : i32 to index
      %get3A_160 = arith.constant 112 : index
      %get3A_161 = tpu.vector_load %arg8[%get3A_159, %get3A_160] {strides = array<i32>} : memref<128x128xf32, #tpu.memory_space<vmem>>, vector<1x16xf32>,
      %get3A_162 = vector.shape_cast %get3A_161 : vector<1x16xf32> to vector<16xf32>
      %get3A_163 = arith.index_cast %scan3A_62 : i32 to index
      %get3A_164 = arith.constant 112 : index
      %get3A_165 = tpu.vector_load %arg9[%get3A_163, %get3A_164] {strides = array<i32>} : memref<128x128xf32, #tpu.memory_space<vmem>>, vector<1x16xf32>,
      %get3A_166 = vector.shape_cast %get3A_165 : vector<1x16xf32> to vector<16xf32>
      %add3A_167 = arith.addf %get3A_162, %get3A_166 : vector<16xf32>
      %swap3A_168 = arith.index_cast %scan3A_62 : i32 to index
      %swap3A_169 = arith.constant 112 : index
      %swap3A_170 = tpu.vector_load %arg12[%swap3A_168, %swap3A_169] {strides = array<i32>} : memref<128x128xf32, #tpu.memory_space<vmem>>, vector<1x16xf32>,
      %swap3A_171 = vector.shape_cast %swap3A_170 : vector<1x16xf32> to vector<16xf32>
      %swap3A_172 = vector.shape_cast %add3A_167 : vector<16xf32> to vector<1x16xf32>
      tpu.vector_store %arg12[%swap3A_168, %swap3A_169], %swap3A_172 {strides = array<i32>} : memref<128x128xf32, #tpu.memory_space<vmem>>, vector<1x16xf32>,
    }
    %scan3A_45 = arith.constant 128 : i32
    %add3A_46 = arith.constant 2304 : i32
    %add3A_47 = arith.addi %mul3A_2, %add3A_46 : i32
    %dma_start3A_48 = arith.constant 0 : i32
    %dma_start3A_49 = tpu.memref_slice %arg5[%add3A_47, %dma_start3A_48] : memref<80000x128xf32, #tpu.memory_space<hbm>> -> memref<128x128xf32, #tpu.memory_space<hbm>>
    %dma_start3A_50 = arith.constant 0 : i32
    %dma_start3A_51 = tpu.memref_slice %arg5[%add3A_47, %dma_start3A_50] : memref<80000x128xf32, #tpu.memory_space<hbm>> -> memref<128x128xf32, #tpu.memory_space<hbm>>
    tpu.enqueue_dma source(%arg12 : memref<128x128xf32, #tpu.memory_space<vmem>>) target(%dma_start3A_51 : memref<128x128xf32, #tpu.memory_space<hbm>>) target_semaphore(%arg20 : memref<!tpu.dma_semaphore, #tpu.memory_space<semaphore_mem>>)
    %dma_wait3A_52 = arith.constant 0 : i32
    %dma_wait3A_53 = tpu.memref_slice %arg5[%mul3A_2, %dma_wait3A_52] : memref<80000x128xf32, #tpu.memory_space<hbm>> -> memref<128x128xf32, #tpu.memory_space<hbm>>
    %dma_wait3A_54 = arith.constant 0 : i32
    %dma_wait3A_55 = tpu.memref_slice %arg5[%mul3A_2, %dma_wait3A_54] : memref<80000x128xf32, #tpu.memory_space<hbm>> -> memref<128x128xf32, #tpu.memory_space<hbm>>
    tpu.wait_dma2 semaphore(%arg20 : memref<!tpu.dma_semaphore, #tpu.memory_space<semaphore_mem>>) src(%arg12 : memref<128x128xf32, #tpu.memory_space<vmem>>) dst(%dma_wait3A_55 : memref<128x128xf32, #tpu.memory_space<hbm>>)
    %dma_wait3A_56 = arith.constant 0 : i32
    %dma_wait3A_57 = tpu.memref_slice %arg5[%mul3A_2, %dma_wait3A_56] : memref<80000x128xf32, #tpu.memory_space<hbm>> -> memref<128x128xf32, #tpu.memory_space<hbm>>
    %dma_wait3A_58 = arith.constant 0 : i32
    %dma_wait3A_59 = tpu.memref_slice %arg5[%mul3A_2, %dma_wait3A_58] : memref<80000x128xf32, #tpu.memory_space<hbm>> -> memref<128x128xf32, #tpu.memory_space<hbm>>
    tpu.wait_dma2 semaphore(%arg21 : memref<!tpu.dma_semaphore, #tpu.memory_space<semaphore_mem>>) src(%arg13 : memref<128x128xf32, #tpu.memory_space<vmem>>) dst(%dma_wait3A_59 : memref<128x128xf32, #tpu.memory_space<hbm>>)
    %lt3A = arith.constant 17 : i32
    %lt3A_60 = arith.cmpi slt, %add3A, %lt3A : i32
    %convert_element_type3A = arith.extui %lt3A_60 : i1 to i32
    %cond3A = arith.constant 0 : i32
    %cond3A_61 = arith.cmpi ne, %convert_element_type3A, %cond3A : i32
    scf.if %cond3A_61 {
      %add3A_62 = arith.constant 608 : i32
      %add3A_63 = arith.addi %add3A_62, %add3A : i32
      %mul3A_64 = arith.constant 128 : i32
      %mul3A_65 = arith.muli %add3A_63, %mul3A_64 : i32
      "tpu.region"() ({
        %run_scoped3A = tpu.sem_alloc : memref<!tpu.dma_semaphore, #tpu.memory_space<semaphore_mem>>
        %dma_start3A_84 = tpu.memref_slice %arg3[%mul3A_65] : memref<80000xi32, #tpu.memory_space<hbm>> -> memref<128xi32, #tpu.memory_space<hbm>>
        %dma_start3A_85 = tpu.memref_slice %arg3[%mul3A_65] : memref<80000xi32, #tpu.memory_space<hbm>> -> memref<128xi32, #tpu.memory_space<hbm>>
        tpu.enqueue_dma source(%dma_start3A_85 : memref<128xi32, #tpu.memory_space<hbm>>) target(%arg14 : memref<128xi32, #tpu.memory_space<vmem>>) target_semaphore(%run_scoped3A : memref<!tpu.dma_semaphore, #tpu.memory_space<semaphore_mem>>)
        %dma_wait3A_86 = tpu.memref_slice %arg3[%mul3A_65] : memref<80000xi32, #tpu.memory_space<hbm>> -> memref<128xi32, #tpu.memory_space<hbm>>
        %dma_wait3A_87 = tpu.memref_slice %arg3[%mul3A_65] : memref<80000xi32, #tpu.memory_space<hbm>> -> memref<128xi32, #tpu.memory_space<hbm>>
        tpu.wait_dma2 semaphore(%run_scoped3A : memref<!tpu.dma_semaphore, #tpu.memory_space<semaphore_mem>>) src(%dma_wait3A_87 : memref<128xi32, #tpu.memory_space<hbm>>) dst(%arg14 : memref<128xi32, #tpu.memory_space<vmem>>)
        tpu.yield
      }) : () -> ()
      "tpu.region"() ({
        %run_scoped3A = tpu.sem_alloc : memref<!tpu.dma_semaphore, #tpu.memory_space<semaphore_mem>>
        %dma_start3A_84 = tpu.memref_slice %arg4[%mul3A_65] : memref<80000xi32, #tpu.memory_space<hbm>> -> memref<128xi32, #tpu.memory_space<hbm>>
        %dma_start3A_85 = tpu.memref_slice %arg4[%mul3A_65] : memref<80000xi32, #tpu.memory_space<hbm>> -> memref<128xi32, #tpu.memory_space<hbm>>
        tpu.enqueue_dma source(%dma_start3A_85 : memref<128xi32, #tpu.memory_space<hbm>>) target(%arg15 : memref<128xi32, #tpu.memory_space<vmem>>) target_semaphore(%run_scoped3A : memref<!tpu.dma_semaphore, #tpu.memory_space<semaphore_mem>>)
        %dma_wait3A_86 = tpu.memref_slice %arg4[%mul3A_65] : memref<80000xi32, #tpu.memory_space<hbm>> -> memref<128xi32, #tpu.memory_space<hbm>>
        %dma_wait3A_87 = tpu.memref_slice %arg4[%mul3A_65] : memref<80000xi32, #tpu.memory_space<hbm>> -> memref<128xi32, #tpu.memory_space<hbm>>
        tpu.wait_dma2 semaphore(%run_scoped3A : memref<!tpu.dma_semaphore, #tpu.memory_space<semaphore_mem>>) src(%dma_wait3A_87 : memref<128xi32, #tpu.memory_space<hbm>>) dst(%arg15 : memref<128xi32, #tpu.memory_space<vmem>>)
        tpu.yield
      }) : () -> ()
      %dma_start3A_66 = arith.constant 0 : i32
      %dma_start3A_67 = arith.constant 0 : i32
      %dma_start3A_68 = tpu.memref_slice %arg2[%dma_start3A_66, %dma_start3A_67] : memref<10000x128xf32, #tpu.memory_space<hbm>> -> memref<10000x128xf32, #tpu.memory_space<hbm>>
      tpu.enqueue_indirect_dma source(%dma_start3A_68 : memref<10000x128xf32, #tpu.memory_space<hbm>>) target(%arg8 : memref<128x128xf32, #tpu.memory_space<vmem>>) offsets(%arg14 : memref<128xi32, #tpu.memory_space<vmem>>) semaphore(%arg16 : memref<!tpu.dma_semaphore, #tpu.memory_space<semaphore_mem>>)
      %dma_start3A_69 = arith.constant 0 : i32
      %dma_start3A_70 = arith.constant 0 : i32
      %dma_start3A_71 = tpu.memref_slice %arg2[%dma_start3A_69, %dma_start3A_70] : memref<10000x128xf32, #tpu.memory_space<hbm>> -> memref<10000x128xf32, #tpu.memory_space<hbm>>
      tpu.enqueue_indirect_dma source(%dma_start3A_71 : memref<10000x128xf32, #tpu.memory_space<hbm>>) target(%arg9 : memref<128x128xf32, #tpu.memory_space<vmem>>) offsets(%arg15 : memref<128xi32, #tpu.memory_space<vmem>>) semaphore(%arg17 : memref<!tpu.dma_semaphore, #tpu.memory_space<semaphore_mem>>)
      %dma_wait3A_72 = arith.constant 0 : i32
      %dma_wait3A_73 = arith.constant 0 : i32
      %dma_wait3A_74 = tpu.memref_slice %arg2[%dma_wait3A_72, %dma_wait3A_73] : memref<10000x128xf32, #tpu.memory_space<hbm>> -> memref<10000x128xf32, #tpu.memory_space<hbm>>
      tpu.wait_indirect_dma semaphore(%arg16 : memref<!tpu.dma_semaphore, #tpu.memory_space<semaphore_mem>>) src(%dma_wait3A_74 : memref<10000x128xf32, #tpu.memory_space<hbm>>) dst(%arg8 : memref<128x128xf32, #tpu.memory_space<vmem>>)
      %dma_wait3A_75 = arith.constant 0 : i32
      %dma_wait3A_76 = arith.constant 0 : i32
      %dma_wait3A_77 = tpu.memref_slice %arg2[%dma_wait3A_75, %dma_wait3A_76] : memref<10000x128xf32, #tpu.memory_space<hbm>> -> memref<10000x128xf32, #tpu.memory_space<hbm>>
      tpu.wait_indirect_dma semaphore(%arg17 : memref<!tpu.dma_semaphore, #tpu.memory_space<semaphore_mem>>) src(%dma_wait3A_77 : memref<10000x128xf32, #tpu.memory_space<hbm>>) dst(%arg9 : memref<128x128xf32, #tpu.memory_space<vmem>>)
      %scan3A_78 = arith.constant 0 : i32
      %scan3A_79 = arith.constant 0 : i32
      %scan3A_80 = arith.constant 128 : i32
      %scan3A_81 = arith.addi %scan3A_79, %scan3A_80 : i32
      %scan3A_82 = arith.constant 1 : i32
      scf.for %scan3A_84 = %scan3A_79 to %scan3A_81 step %scan3A_82  : i32 {
        %get3A = arith.index_cast %scan3A_84 : i32 to index
        %get3A_85 = arith.constant 0 : index
        %get3A_86 = tpu.vector_load %arg8[%get3A, %get3A_85] {strides = array<i32>} : memref<128x128xf32, #tpu.memory_space<vmem>>, vector<1x16xf32>,
        %get3A_87 = vector.shape_cast %get3A_86 : vector<1x16xf32> to vector<16xf32>
        %get3A_88 = arith.index_cast %scan3A_84 : i32 to index
        %get3A_89 = arith.constant 0 : index
        %get3A_90 = tpu.vector_load %arg9[%get3A_88, %get3A_89] {strides = array<i32>} : memref<128x128xf32, #tpu.memory_space<vmem>>, vector<1x16xf32>,
        %get3A_91 = vector.shape_cast %get3A_90 : vector<1x16xf32> to vector<16xf32>
        %add3A_92 = arith.addf %get3A_87, %get3A_91 : vector<16xf32>
        %swap3A = arith.index_cast %scan3A_84 : i32 to index
        %swap3A_93 = arith.constant 0 : index
        %swap3A_94 = tpu.vector_load %arg12[%swap3A, %swap3A_93] {strides = array<i32>} : memref<128x128xf32, #tpu.memory_space<vmem>>, vector<1x16xf32>,
        %swap3A_95 = vector.shape_cast %swap3A_94 : vector<1x16xf32> to vector<16xf32>
        %swap3A_96 = vector.shape_cast %add3A_92 : vector<16xf32> to vector<1x16xf32>
        tpu.vector_store %arg12[%swap3A, %swap3A_93], %swap3A_96 {strides = array<i32>} : memref<128x128xf32, #tpu.memory_space<vmem>>, vector<1x16xf32>,
        %get3A_97 = arith.index_cast %scan3A_84 : i32 to index
        %get3A_98 = arith.constant 16 : index
        %get3A_99 = tpu.vector_load %arg8[%get3A_97, %get3A_98] {strides = array<i32>} : memref<128x128xf32, #tpu.memory_space<vmem>>, vector<1x16xf32>,
        %get3A_100 = vector.shape_cast %get3A_99 : vector<1x16xf32> to vector<16xf32>
        %get3A_101 = arith.index_cast %scan3A_84 : i32 to index
        %get3A_102 = arith.constant 16 : index
        %get3A_103 = tpu.vector_load %arg9[%get3A_101, %get3A_102] {strides = array<i32>} : memref<128x128xf32, #tpu.memory_space<vmem>>, vector<1x16xf32>,
        %get3A_104 = vector.shape_cast %get3A_103 : vector<1x16xf32> to vector<16xf32>
        %add3A_105 = arith.addf %get3A_100, %get3A_104 : vector<16xf32>
        %swap3A_106 = arith.index_cast %scan3A_84 : i32 to index
        %swap3A_107 = arith.constant 16 : index
        %swap3A_108 = tpu.vector_load %arg12[%swap3A_106, %swap3A_107] {strides = array<i32>} : memref<128x128xf32, #tpu.memory_space<vmem>>, vector<1x16xf32>,
        %swap3A_109 = vector.shape_cast %swap3A_108 : vector<1x16xf32> to vector<16xf32>
        %swap3A_110 = vector.shape_cast %add3A_105 : vector<16xf32> to vector<1x16xf32>
        tpu.vector_store %arg12[%swap3A_106, %swap3A_107], %swap3A_110 {strides = array<i32>} : memref<128x128xf32, #tpu.memory_space<vmem>>, vector<1x16xf32>,
        %get3A_111 = arith.index_cast %scan3A_84 : i32 to index
        %get3A_112 = arith.constant 32 : index
        %get3A_113 = tpu.vector_load %arg8[%get3A_111, %get3A_112] {strides = array<i32>} : memref<128x128xf32, #tpu.memory_space<vmem>>, vector<1x16xf32>,
        %get3A_114 = vector.shape_cast %get3A_113 : vector<1x16xf32> to vector<16xf32>
        %get3A_115 = arith.index_cast %scan3A_84 : i32 to index
        %get3A_116 = arith.constant 32 : index
        %get3A_117 = tpu.vector_load %arg9[%get3A_115, %get3A_116] {strides = array<i32>} : memref<128x128xf32, #tpu.memory_space<vmem>>, vector<1x16xf32>,
        %get3A_118 = vector.shape_cast %get3A_117 : vector<1x16xf32> to vector<16xf32>
        %add3A_119 = arith.addf %get3A_114, %get3A_118 : vector<16xf32>
        %swap3A_120 = arith.index_cast %scan3A_84 : i32 to index
        %swap3A_121 = arith.constant 32 : index
        %swap3A_122 = tpu.vector_load %arg12[%swap3A_120, %swap3A_121] {strides = array<i32>} : memref<128x128xf32, #tpu.memory_space<vmem>>, vector<1x16xf32>,
        %swap3A_123 = vector.shape_cast %swap3A_122 : vector<1x16xf32> to vector<16xf32>
        %swap3A_124 = vector.shape_cast %add3A_119 : vector<16xf32> to vector<1x16xf32>
        tpu.vector_store %arg12[%swap3A_120, %swap3A_121], %swap3A_124 {strides = array<i32>} : memref<128x128xf32, #tpu.memory_space<vmem>>, vector<1x16xf32>,
        %get3A_125 = arith.index_cast %scan3A_84 : i32 to index
        %get3A_126 = arith.constant 48 : index
        %get3A_127 = tpu.vector_load %arg8[%get3A_125, %get3A_126] {strides = array<i32>} : memref<128x128xf32, #tpu.memory_space<vmem>>, vector<1x16xf32>,
        %get3A_128 = vector.shape_cast %get3A_127 : vector<1x16xf32> to vector<16xf32>
        %get3A_129 = arith.index_cast %scan3A_84 : i32 to index
        %get3A_130 = arith.constant 48 : index
        %get3A_131 = tpu.vector_load %arg9[%get3A_129, %get3A_130] {strides = array<i32>} : memref<128x128xf32, #tpu.memory_space<vmem>>, vector<1x16xf32>,
        %get3A_132 = vector.shape_cast %get3A_131 : vector<1x16xf32> to vector<16xf32>
        %add3A_133 = arith.addf %get3A_128, %get3A_132 : vector<16xf32>
        %swap3A_134 = arith.index_cast %scan3A_84 : i32 to index
        %swap3A_135 = arith.constant 48 : index
        %swap3A_136 = tpu.vector_load %arg12[%swap3A_134, %swap3A_135] {strides = array<i32>} : memref<128x128xf32, #tpu.memory_space<vmem>>, vector<1x16xf32>,
        %swap3A_137 = vector.shape_cast %swap3A_136 : vector<1x16xf32> to vector<16xf32>
        %swap3A_138 = vector.shape_cast %add3A_133 : vector<16xf32> to vector<1x16xf32>
        tpu.vector_store %arg12[%swap3A_134, %swap3A_135], %swap3A_138 {strides = array<i32>} : memref<128x128xf32, #tpu.memory_space<vmem>>, vector<1x16xf32>,
        %get3A_139 = arith.index_cast %scan3A_84 : i32 to index
        %get3A_140 = arith.constant 64 : index
        %get3A_141 = tpu.vector_load %arg8[%get3A_139, %get3A_140] {strides = array<i32>} : memref<128x128xf32, #tpu.memory_space<vmem>>, vector<1x16xf32>,
        %get3A_142 = vector.shape_cast %get3A_141 : vector<1x16xf32> to vector<16xf32>
        %get3A_143 = arith.index_cast %scan3A_84 : i32 to index
        %get3A_144 = arith.constant 64 : index
        %get3A_145 = tpu.vector_load %arg9[%get3A_143, %get3A_144] {strides = array<i32>} : memref<128x128xf32, #tpu.memory_space<vmem>>, vector<1x16xf32>,
        %get3A_146 = vector.shape_cast %get3A_145 : vector<1x16xf32> to vector<16xf32>
        %add3A_147 = arith.addf %get3A_142, %get3A_146 : vector<16xf32>
        %swap3A_148 = arith.index_cast %scan3A_84 : i32 to index
        %swap3A_149 = arith.constant 64 : index
        %swap3A_150 = tpu.vector_load %arg12[%swap3A_148, %swap3A_149] {strides = array<i32>} : memref<128x128xf32, #tpu.memory_space<vmem>>, vector<1x16xf32>,
        %swap3A_151 = vector.shape_cast %swap3A_150 : vector<1x16xf32> to vector<16xf32>
        %swap3A_152 = vector.shape_cast %add3A_147 : vector<16xf32> to vector<1x16xf32>
        tpu.vector_store %arg12[%swap3A_148, %swap3A_149], %swap3A_152 {strides = array<i32>} : memref<128x128xf32, #tpu.memory_space<vmem>>, vector<1x16xf32>,
        %get3A_153 = arith.index_cast %scan3A_84 : i32 to index
        %get3A_154 = arith.constant 80 : index
        %get3A_155 = tpu.vector_load %arg8[%get3A_153, %get3A_154] {strides = array<i32>} : memref<128x128xf32, #tpu.memory_space<vmem>>, vector<1x16xf32>,
        %get3A_156 = vector.shape_cast %get3A_155 : vector<1x16xf32> to vector<16xf32>
        %get3A_157 = arith.index_cast %scan3A_84 : i32 to index
        %get3A_158 = arith.constant 80 : index
        %get3A_159 = tpu.vector_load %arg9[%get3A_157, %get3A_158] {strides = array<i32>} : memref<128x128xf32, #tpu.memory_space<vmem>>, vector<1x16xf32>,
        %get3A_160 = vector.shape_cast %get3A_159 : vector<1x16xf32> to vector<16xf32>
        %add3A_161 = arith.addf %get3A_156, %get3A_160 : vector<16xf32>
        %swap3A_162 = arith.index_cast %scan3A_84 : i32 to index
        %swap3A_163 = arith.constant 80 : index
        %swap3A_164 = tpu.vector_load %arg12[%swap3A_162, %swap3A_163] {strides = array<i32>} : memref<128x128xf32, #tpu.memory_space<vmem>>, vector<1x16xf32>,
        %swap3A_165 = vector.shape_cast %swap3A_164 : vector<1x16xf32> to vector<16xf32>
        %swap3A_166 = vector.shape_cast %add3A_161 : vector<16xf32> to vector<1x16xf32>
        tpu.vector_store %arg12[%swap3A_162, %swap3A_163], %swap3A_166 {strides = array<i32>} : memref<128x128xf32, #tpu.memory_space<vmem>>, vector<1x16xf32>,
        %get3A_167 = arith.index_cast %scan3A_84 : i32 to index
        %get3A_168 = arith.constant 96 : index
        %get3A_169 = tpu.vector_load %arg8[%get3A_167, %get3A_168] {strides = array<i32>} : memref<128x128xf32, #tpu.memory_space<vmem>>, vector<1x16xf32>,
        %get3A_170 = vector.shape_cast %get3A_169 : vector<1x16xf32> to vector<16xf32>
        %get3A_171 = arith.index_cast %scan3A_84 : i32 to index
        %get3A_172 = arith.constant 96 : index
        %get3A_173 = tpu.vector_load %arg9[%get3A_171, %get3A_172] {strides = array<i32>} : memref<128x128xf32, #tpu.memory_space<vmem>>, vector<1x16xf32>,
        %get3A_174 = vector.shape_cast %get3A_173 : vector<1x16xf32> to vector<16xf32>
        %add3A_175 = arith.addf %get3A_170, %get3A_174 : vector<16xf32>
        %swap3A_176 = arith.index_cast %scan3A_84 : i32 to index
        %swap3A_177 = arith.constant 96 : index
        %swap3A_178 = tpu.vector_load %arg12[%swap3A_176, %swap3A_177] {strides = array<i32>} : memref<128x128xf32, #tpu.memory_space<vmem>>, vector<1x16xf32>,
        %swap3A_179 = vector.shape_cast %swap3A_178 : vector<1x16xf32> to vector<16xf32>
        %swap3A_180 = vector.shape_cast %add3A_175 : vector<16xf32> to vector<1x16xf32>
        tpu.vector_store %arg12[%swap3A_176, %swap3A_177], %swap3A_180 {strides = array<i32>} : memref<128x128xf32, #tpu.memory_space<vmem>>, vector<1x16xf32>,
        %get3A_181 = arith.index_cast %scan3A_84 : i32 to index
        %get3A_182 = arith.constant 112 : index
        %get3A_183 = tpu.vector_load %arg8[%get3A_181, %get3A_182] {strides = array<i32>} : memref<128x128xf32, #tpu.memory_space<vmem>>, vector<1x16xf32>,
        %get3A_184 = vector.shape_cast %get3A_183 : vector<1x16xf32> to vector<16xf32>
        %get3A_185 = arith.index_cast %scan3A_84 : i32 to index
        %get3A_186 = arith.constant 112 : index
        %get3A_187 = tpu.vector_load %arg9[%get3A_185, %get3A_186] {strides = array<i32>} : memref<128x128xf32, #tpu.memory_space<vmem>>, vector<1x16xf32>,
        %get3A_188 = vector.shape_cast %get3A_187 : vector<1x16xf32> to vector<16xf32>
        %add3A_189 = arith.addf %get3A_184, %get3A_188 : vector<16xf32>
        %swap3A_190 = arith.index_cast %scan3A_84 : i32 to index
        %swap3A_191 = arith.constant 112 : index
        %swap3A_192 = tpu.vector_load %arg12[%swap3A_190, %swap3A_191] {strides = array<i32>} : memref<128x128xf32, #tpu.memory_space<vmem>>, vector<1x16xf32>,
        %swap3A_193 = vector.shape_cast %swap3A_192 : vector<1x16xf32> to vector<16xf32>
        %swap3A_194 = vector.shape_cast %add3A_189 : vector<16xf32> to vector<1x16xf32>
        tpu.vector_store %arg12[%swap3A_190, %swap3A_191], %swap3A_194 {strides = array<i32>} : memref<128x128xf32, #tpu.memory_space<vmem>>, vector<1x16xf32>,
      }
      %scan3A_83 = arith.constant 128 : i32
      "tpu.region"() ({
        %run_scoped3A = tpu.sem_alloc : memref<!tpu.dma_semaphore, #tpu.memory_space<semaphore_mem>>
        %dma_start3A_84 = arith.constant 0 : i32
        %dma_start3A_85 = tpu.memref_slice %arg5[%mul3A_65, %dma_start3A_84] : memref<80000x128xf32, #tpu.memory_space<hbm>> -> memref<128x128xf32, #tpu.memory_space<hbm>>
        %dma_start3A_86 = arith.constant 0 : i32
        %dma_start3A_87 = tpu.memref_slice %arg5[%mul3A_65, %dma_start3A_86] : memref<80000x128xf32, #tpu.memory_space<hbm>> -> memref<128x128xf32, #tpu.memory_space<hbm>>
        tpu.enqueue_dma source(%arg12 : memref<128x128xf32, #tpu.memory_space<vmem>>) target(%dma_start3A_87 : memref<128x128xf32, #tpu.memory_space<hbm>>) target_semaphore(%run_scoped3A : memref<!tpu.dma_semaphore, #tpu.memory_space<semaphore_mem>>)
        %dma_wait3A_88 = arith.constant 0 : i32
        %dma_wait3A_89 = tpu.memref_slice %arg5[%mul3A_65, %dma_wait3A_88] : memref<80000x128xf32, #tpu.memory_space<hbm>> -> memref<128x128xf32, #tpu.memory_space<hbm>>
        %dma_wait3A_90 = arith.constant 0 : i32
        %dma_wait3A_91 = tpu.memref_slice %arg5[%mul3A_65, %dma_wait3A_90] : memref<80000x128xf32, #tpu.memory_space<hbm>> -> memref<128x128xf32, #tpu.memory_space<hbm>>
        tpu.wait_dma2 semaphore(%run_scoped3A : memref<!tpu.dma_semaphore, #tpu.memory_space<semaphore_mem>>) src(%arg12 : memref<128x128xf32, #tpu.memory_space<vmem>>) dst(%dma_wait3A_91 : memref<128x128xf32, #tpu.memory_space<hbm>>)
        tpu.yield
      }) : () -> ()
    } else {
    }
    return
  }
}

module attributes {stable_mosaic.version = 14 : i64} {
  func.func @_node_proj_body(%arg0: i32, %arg1: memref<2000x192xf32, #tpu.memory_space<vmem>>, %arg2: memref<192x128xf32, #tpu.memory_space<vmem>>, %arg3: memref<128x128xf32, #tpu.memory_space<vmem>>, %arg4: memref<8x128xf32, #tpu.memory_space<vmem>>, %arg5: memref<2000x128xf32, #tpu.memory_space<vmem>>) attributes {dimension_semantics = [#tpu.dimension_semantics<arbitrary>], iteration_bounds = array<i64: 5>, scalar_prefetch = 0 : i64, scratch_operands = 0 : i64, tpu.core_type = #tpu.core_type<tc>, window_params = [{transform_indices = @transform_0, window_bounds = array<i64: 2000, 192>}, {pipeline_mode = #tpu.pipeline_mode<synchronous>, transform_indices = @transform_1, window_bounds = array<i64: 192, 128>}, {pipeline_mode = #tpu.pipeline_mode<synchronous>, transform_indices = @transform_2, window_bounds = array<i64: 128, 128>}, {pipeline_mode = #tpu.pipeline_mode<synchronous>, transform_indices = @transform_3, window_bounds = array<i64: 8, 128>}, {transform_indices = @transform_4, window_bounds = array<i64: 2000, 128>}]} {
    %get3A = arith.constant 0 : index
    %get3A_0 = arith.constant 0 : index
    %get3A_1 = vector.load %arg1[%get3A, %get3A_0] : memref<2000x192xf32, #tpu.memory_space<vmem>>, vector<2000x192xf32>
    %get3A_2 = arith.constant 0 : index
    %get3A_3 = arith.constant 0 : index
    %get3A_4 = vector.load %arg2[%get3A_2, %get3A_3] : memref<192x128xf32, #tpu.memory_space<vmem>>, vector<192x128xf32>
    %dot_general3A = arith.constant dense<0.000000e+00> : vector<2000x128xf32>
    %dot_general3A_5 = tpu.matmul %get3A_1, %get3A_4, %dot_general3A {dimension_numbers = #tpu.dot_dimension_numbers<[1], [0], [0], [1], [0, 0, 1, 1], [], []>, transpose_lhs_hint = false} : vector<2000x192xf32>, vector<192x128xf32>, vector<2000x128xf32> -> vector<2000x128xf32>
    %get3A_6 = arith.constant 0 : index
    %get3A_7 = arith.constant 0 : index
    %get3A_8 = vector.load %arg4[%get3A_6, %get3A_7] : memref<8x128xf32, #tpu.memory_space<vmem>>, vector<1x128xf32>
    %add3A = vector.broadcast %get3A_8 : vector<1x128xf32> to vector<2000x128xf32>
    %add3A_9 = arith.addf %dot_general3A_5, %add3A : vector<2000x128xf32>
    %reduce_sum3A = arith.constant dense<0.000000e+00> : vector<2000xf32>
    %reduce_sum3A_10 = vector.multi_reduction <add>, %add3A_9, %reduce_sum3A [1] : vector<2000x128xf32> to vector<2000xf32>
    %broadcast_in_dim3A = vector.shape_cast %reduce_sum3A_10 : vector<2000xf32> to vector<2000x1xf32>
    %div3A = arith.constant 1.280000e+02 : f32
    %div3A_11 = vector.broadcast %div3A : f32 to vector<2000x1xf32>
    %div3A_12 = arith.divf %broadcast_in_dim3A, %div3A_11 : vector<2000x1xf32>
    %sub3A = vector.broadcast %div3A_12 : vector<2000x1xf32> to vector<2000x128xf32>
    %sub3A_13 = arith.subf %add3A_9, %sub3A : vector<2000x128xf32>
    %mul3A = arith.mulf %sub3A_13, %sub3A_13 : vector<2000x128xf32>
    %reduce_sum3A_14 = arith.constant dense<0.000000e+00> : vector<2000xf32>
    %reduce_sum3A_15 = vector.multi_reduction <add>, %mul3A, %reduce_sum3A_14 [1] : vector<2000x128xf32> to vector<2000xf32>
    %broadcast_in_dim3A_16 = vector.shape_cast %reduce_sum3A_15 : vector<2000xf32> to vector<2000x1xf32>
    %div3A_17 = arith.constant 1.280000e+02 : f32
    %div3A_18 = vector.broadcast %div3A_17 : f32 to vector<2000x1xf32>
    %div3A_19 = arith.divf %broadcast_in_dim3A_16, %div3A_18 : vector<2000x1xf32>
    %add3A_20 = arith.constant 9.99999974E-6 : f32
    %add3A_21 = vector.broadcast %add3A_20 : f32 to vector<2000x1xf32>
    %add3A_22 = arith.addf %div3A_19, %add3A_21 : vector<2000x1xf32>
    %rsqrt3A = math.rsqrt %add3A_22 : vector<2000x1xf32>
    %mul3A_23 = vector.broadcast %rsqrt3A : vector<2000x1xf32> to vector<2000x128xf32>
    %mul3A_24 = arith.mulf %sub3A_13, %mul3A_23 : vector<2000x128xf32>
    %get3A_25 = arith.constant 1 : index
    %get3A_26 = arith.constant 0 : index
    %get3A_27 = vector.load %arg4[%get3A_25, %get3A_26] : memref<8x128xf32, #tpu.memory_space<vmem>>, vector<1x128xf32>
    %mul3A_28 = vector.broadcast %get3A_27 : vector<1x128xf32> to vector<2000x128xf32>
    %mul3A_29 = arith.mulf %mul3A_24, %mul3A_28 : vector<2000x128xf32>
    %get3A_30 = arith.constant 2 : index
    %get3A_31 = arith.constant 0 : index
    %get3A_32 = vector.load %arg4[%get3A_30, %get3A_31] : memref<8x128xf32, #tpu.memory_space<vmem>>, vector<1x128xf32>
    %add3A_33 = vector.broadcast %get3A_32 : vector<1x128xf32> to vector<2000x128xf32>
    %add3A_34 = arith.addf %mul3A_29, %add3A_33 : vector<2000x128xf32>
    %get3A_35 = arith.constant 0 : index
    %get3A_36 = arith.constant 0 : index
    %get3A_37 = vector.load %arg3[%get3A_35, %get3A_36] : memref<128x128xf32, #tpu.memory_space<vmem>>, vector<128x128xf32>
    %dot_general3A_38 = arith.constant dense<0.000000e+00> : vector<2000x128xf32>
    %dot_general3A_39 = tpu.matmul %add3A_34, %get3A_37, %dot_general3A_38 {dimension_numbers = #tpu.dot_dimension_numbers<[1], [0], [0], [1], [0, 0, 1, 1], [], []>, transpose_lhs_hint = false} : vector<2000x128xf32>, vector<128x128xf32>, vector<2000x128xf32> -> vector<2000x128xf32>
    %swap3A = arith.constant 0 : index
    %swap3A_40 = arith.constant 0 : index
    %swap3A_41 = vector.load %arg5[%swap3A, %swap3A_40] : memref<2000x128xf32, #tpu.memory_space<vmem>>, vector<2000x128xf32>
    tpu.vector_store %arg5[%swap3A, %swap3A_40], %dot_general3A_39 {strides = array<i32>} : memref<2000x128xf32, #tpu.memory_space<vmem>>, vector<2000x128xf32>,
    return
  }
  func.func @transform_0(%arg0: i32) -> (i32, i32) {
    %c0_i32 = arith.constant 0 : i32
    %c0_i32_0 = arith.constant 0 : i32
    return %arg0, %c0_i32 : i32, i32
  }
  func.func @transform_1(%arg0: i32) -> (i32, i32) {
    %c0_i32 = arith.constant 0 : i32
    %c0_i32_0 = arith.constant 0 : i32
    %c0_i32_1 = arith.constant 0 : i32
    return %c0_i32, %c0_i32_0 : i32, i32
  }
  func.func @transform_2(%arg0: i32) -> (i32, i32) {
    %c0_i32 = arith.constant 0 : i32
    %c0_i32_0 = arith.constant 0 : i32
    %c0_i32_1 = arith.constant 0 : i32
    return %c0_i32, %c0_i32_0 : i32, i32
  }
  func.func @transform_3(%arg0: i32) -> (i32, i32) {
    %c0_i32 = arith.constant 0 : i32
    %c0_i32_0 = arith.constant 0 : i32
    %c0_i32_1 = arith.constant 0 : i32
    return %c0_i32, %c0_i32_0 : i32, i32
  }
  func.func @transform_4(%arg0: i32) -> (i32, i32) {
    %c0_i32 = arith.constant 0 : i32
    %c0_i32_0 = arith.constant 0 : i32
    return %arg0, %c0_i32 : i32, i32
  }
}

module attributes {stable_mosaic.version = 14 : i64} {
  func.func @_cond_proj_body(%arg0: i32, %arg1: memref<16x128xf32, #tpu.memory_space<vmem>>, %arg2: memref<128x128xf32, #tpu.memory_space<vmem>>, %arg3: memref<128x256xf32, #tpu.memory_space<vmem>>, %arg4: memref<8x128xf32, #tpu.memory_space<vmem>>, %arg5: memref<8x256xf32, #tpu.memory_space<vmem>>, %arg6: memref<16x256xf32, #tpu.memory_space<vmem>>) attributes {dimension_semantics = [#tpu.dimension_semantics<arbitrary>], iteration_bounds = array<i64: 1>, scalar_prefetch = 0 : i64, scratch_operands = 0 : i64, tpu.core_type = #tpu.core_type<tc>, window_params = [{pipeline_mode = #tpu.pipeline_mode<synchronous>, transform_indices = @transform_0, window_bounds = array<i64: 16, 128>}, {pipeline_mode = #tpu.pipeline_mode<synchronous>, transform_indices = @transform_1, window_bounds = array<i64: 128, 128>}, {pipeline_mode = #tpu.pipeline_mode<synchronous>, transform_indices = @transform_2, window_bounds = array<i64: 128, 256>}, {pipeline_mode = #tpu.pipeline_mode<synchronous>, transform_indices = @transform_3, window_bounds = array<i64: 8, 128>}, {pipeline_mode = #tpu.pipeline_mode<synchronous>, transform_indices = @transform_4, window_bounds = array<i64: 8, 256>}, {pipeline_mode = #tpu.pipeline_mode<synchronous>, transform_indices = @transform_5, window_bounds = array<i64: 16, 256>}]} {
    %get3A = arith.constant 0 : index
    %get3A_0 = arith.constant 0 : index
    %get3A_1 = vector.load %arg1[%get3A, %get3A_0] : memref<16x128xf32, #tpu.memory_space<vmem>>, vector<16x128xf32>
    %get3A_2 = arith.constant 0 : index
    %get3A_3 = arith.constant 0 : index
    %get3A_4 = vector.load %arg2[%get3A_2, %get3A_3] : memref<128x128xf32, #tpu.memory_space<vmem>>, vector<128x128xf32>
    %dot_general3A = arith.constant dense<0.000000e+00> : vector<16x128xf32>
    %dot_general3A_5 = tpu.matmul %get3A_1, %get3A_4, %dot_general3A {dimension_numbers = #tpu.dot_dimension_numbers<[1], [0], [0], [1], [0, 0, 1, 1], [], []>, transpose_lhs_hint = false} : vector<16x128xf32>, vector<128x128xf32>, vector<16x128xf32> -> vector<16x128xf32>
    %get3A_6 = arith.constant 0 : index
    %get3A_7 = arith.constant 0 : index
    %get3A_8 = vector.load %arg4[%get3A_6, %get3A_7] : memref<8x128xf32, #tpu.memory_space<vmem>>, vector<1x128xf32>
    %add3A = vector.broadcast %get3A_8 : vector<1x128xf32> to vector<16x128xf32>
    %add3A_9 = arith.addf %dot_general3A_5, %add3A : vector<16x128xf32>
    %reduce_sum3A = arith.constant dense<0.000000e+00> : vector<16xf32>
    %reduce_sum3A_10 = vector.multi_reduction <add>, %add3A_9, %reduce_sum3A [1] : vector<16x128xf32> to vector<16xf32>
    %broadcast_in_dim3A = vector.shape_cast %reduce_sum3A_10 : vector<16xf32> to vector<16x1xf32>
    %div3A = arith.constant 1.280000e+02 : f32
    %div3A_11 = vector.broadcast %div3A : f32 to vector<16x1xf32>
    %div3A_12 = arith.divf %broadcast_in_dim3A, %div3A_11 : vector<16x1xf32>
    %sub3A = vector.broadcast %div3A_12 : vector<16x1xf32> to vector<16x128xf32>
    %sub3A_13 = arith.subf %add3A_9, %sub3A : vector<16x128xf32>
    %mul3A = arith.mulf %sub3A_13, %sub3A_13 : vector<16x128xf32>
    %reduce_sum3A_14 = arith.constant dense<0.000000e+00> : vector<16xf32>
    %reduce_sum3A_15 = vector.multi_reduction <add>, %mul3A, %reduce_sum3A_14 [1] : vector<16x128xf32> to vector<16xf32>
    %broadcast_in_dim3A_16 = vector.shape_cast %reduce_sum3A_15 : vector<16xf32> to vector<16x1xf32>
    %div3A_17 = arith.constant 1.280000e+02 : f32
    %div3A_18 = vector.broadcast %div3A_17 : f32 to vector<16x1xf32>
    %div3A_19 = arith.divf %broadcast_in_dim3A_16, %div3A_18 : vector<16x1xf32>
    %add3A_20 = arith.constant 9.99999974E-6 : f32
    %add3A_21 = vector.broadcast %add3A_20 : f32 to vector<16x1xf32>
    %add3A_22 = arith.addf %div3A_19, %add3A_21 : vector<16x1xf32>
    %rsqrt3A = math.rsqrt %add3A_22 : vector<16x1xf32>
    %mul3A_23 = vector.broadcast %rsqrt3A : vector<16x1xf32> to vector<16x128xf32>
    %mul3A_24 = arith.mulf %sub3A_13, %mul3A_23 : vector<16x128xf32>
    %get3A_25 = arith.constant 1 : index
    %get3A_26 = arith.constant 0 : index
    %get3A_27 = vector.load %arg4[%get3A_25, %get3A_26] : memref<8x128xf32, #tpu.memory_space<vmem>>, vector<1x128xf32>
    %mul3A_28 = vector.broadcast %get3A_27 : vector<1x128xf32> to vector<16x128xf32>
    %mul3A_29 = arith.mulf %mul3A_24, %mul3A_28 : vector<16x128xf32>
    %get3A_30 = arith.constant 2 : index
    %get3A_31 = arith.constant 0 : index
    %get3A_32 = vector.load %arg4[%get3A_30, %get3A_31] : memref<8x128xf32, #tpu.memory_space<vmem>>, vector<1x128xf32>
    %add3A_33 = vector.broadcast %get3A_32 : vector<1x128xf32> to vector<16x128xf32>
    %add3A_34 = arith.addf %mul3A_29, %add3A_33 : vector<16x128xf32>
    %get3A_35 = arith.constant 0 : index
    %get3A_36 = arith.constant 0 : index
    %get3A_37 = vector.load %arg3[%get3A_35, %get3A_36] : memref<128x256xf32, #tpu.memory_space<vmem>>, vector<128x256xf32>
    %dot_general3A_38 = arith.constant dense<0.000000e+00> : vector<16x256xf32>
    %dot_general3A_39 = tpu.matmul %add3A_34, %get3A_37, %dot_general3A_38 {dimension_numbers = #tpu.dot_dimension_numbers<[1], [0], [0], [1], [0, 0, 1, 1], [], []>, transpose_lhs_hint = false} : vector<16x128xf32>, vector<128x256xf32>, vector<16x256xf32> -> vector<16x256xf32>
    %get3A_40 = arith.constant 0 : index
    %get3A_41 = arith.constant 0 : index
    %get3A_42 = vector.load %arg5[%get3A_40, %get3A_41] : memref<8x256xf32, #tpu.memory_space<vmem>>, vector<1x256xf32>
    %add3A_43 = vector.broadcast %get3A_42 : vector<1x256xf32> to vector<16x256xf32>
    %add3A_44 = arith.addf %dot_general3A_39, %add3A_43 : vector<16x256xf32>
    %iota3A = tpu.iota {dimensions = array<i32: 1>} : vector<16x256xi32>
    %lt3A = arith.constant 128 : i32
    %lt3A_45 = vector.broadcast %lt3A : i32 to vector<16x256xi32>
    %lt3A_46 = arith.cmpi slt, %iota3A, %lt3A_45 : vector<16x256xi32>
    %convert_element_type3A = arith.extui %lt3A_46 : vector<16x256xi1> to vector<16x256xi32>
    %convert_element_type3A_47 = arith.sitofp %convert_element_type3A : vector<16x256xi32> to vector<16x256xf32>
    %add3A_48 = arith.addf %add3A_44, %convert_element_type3A_47 : vector<16x256xf32>
    %swap3A = arith.constant 0 : index
    %swap3A_49 = arith.constant 0 : index
    %swap3A_50 = vector.load %arg6[%swap3A, %swap3A_49] : memref<16x256xf32, #tpu.memory_space<vmem>>, vector<16x256xf32>
    tpu.vector_store %arg6[%swap3A, %swap3A_49], %add3A_48 {strides = array<i32>} : memref<16x256xf32, #tpu.memory_space<vmem>>, vector<16x256xf32>,
    return
  }
  func.func @transform_0(%arg0: i32) -> (i32, i32) {
    %c0_i32 = arith.constant 0 : i32
    %c0_i32_0 = arith.constant 0 : i32
    %c0_i32_1 = arith.constant 0 : i32
    return %c0_i32, %c0_i32_0 : i32, i32
  }
  func.func @transform_1(%arg0: i32) -> (i32, i32) {
    %c0_i32 = arith.constant 0 : i32
    %c0_i32_0 = arith.constant 0 : i32
    %c0_i32_1 = arith.constant 0 : i32
    return %c0_i32, %c0_i32_0 : i32, i32
  }
  func.func @transform_2(%arg0: i32) -> (i32, i32) {
    %c0_i32 = arith.constant 0 : i32
    %c0_i32_0 = arith.constant 0 : i32
    %c0_i32_1 = arith.constant 0 : i32
    return %c0_i32, %c0_i32_0 : i32, i32
  }
  func.func @transform_3(%arg0: i32) -> (i32, i32) {
    %c0_i32 = arith.constant 0 : i32
    %c0_i32_0 = arith.constant 0 : i32
    %c0_i32_1 = arith.constant 0 : i32
    return %c0_i32, %c0_i32_0 : i32, i32
  }
  func.func @transform_4(%arg0: i32) -> (i32, i32) {
    %c0_i32 = arith.constant 0 : i32
    %c0_i32_0 = arith.constant 0 : i32
    %c0_i32_1 = arith.constant 0 : i32
    return %c0_i32, %c0_i32_0 : i32, i32
  }
  func.func @transform_5(%arg0: i32) -> (i32, i32) {
    %c0_i32 = arith.constant 0 : i32
    %c0_i32_0 = arith.constant 0 : i32
    %c0_i32_1 = arith.constant 0 : i32
    return %c0_i32, %c0_i32_0 : i32, i32
  }
}

module attributes {stable_mosaic.version = 14 : i64} {
  func.func @_edge_body(%arg0: i32, %arg1: memref<8x128xf32, #tpu.memory_space<any>>, %arg2: memref<3200x128xf32, #tpu.memory_space<vmem>>, %arg3: memref<8x3200xf32, #tpu.memory_space<vmem>>, %arg4: memref<16x128xf32, #tpu.memory_space<vmem>>, %arg5: memref<16x8xf32, #tpu.memory_space<vmem>>, %arg6: memref<8x16xi32, #tpu.memory_space<vmem>>, %arg7: memref<16x256xf32, #tpu.memory_space<vmem>>, %arg8: memref<3200x128xf32, #tpu.memory_space<vmem>>) attributes {dimension_semantics = [#tpu.dimension_semantics<arbitrary>], iteration_bounds = array<i64: 25>, scalar_prefetch = 0 : i64, scratch_operands = 0 : i64, tpu.core_type = #tpu.core_type<tc>, window_params = [{}, {transform_indices = @transform_1, window_bounds = array<i64: 3200, 128>}, {transform_indices = @transform_2, window_bounds = array<i64: 8, 3200>}, {transform_indices = @transform_3, window_bounds = array<i64: 16, 128>}, {pipeline_mode = #tpu.pipeline_mode<synchronous>, transform_indices = @transform_4, window_bounds = array<i64: 16, 8>}, {pipeline_mode = #tpu.pipeline_mode<synchronous>, transform_indices = @transform_5, window_bounds = array<i64: 8, 16>}, {pipeline_mode = #tpu.pipeline_mode<synchronous>, transform_indices = @transform_6, window_bounds = array<i64: 16, 256>}, {transform_indices = @transform_7, window_bounds = array<i64: 3200, 128>}]} {
    %get3A = arith.constant 0 : index
    %get3A_0 = arith.constant 0 : index
    %get3A_1 = vector.load %arg3[%get3A, %get3A_0] : memref<8x3200xf32, #tpu.memory_space<vmem>>, vector<8x3200xf32>
    %get3A_2 = arith.constant 0 : index
    %get3A_3 = arith.constant 0 : index
    %get3A_4 = vector.load %arg5[%get3A_2, %get3A_3] : memref<16x8xf32, #tpu.memory_space<vmem>>, vector<8x8xf32>
    %get3A_5 = arith.constant 8 : index
    %get3A_6 = arith.constant 0 : index
    %get3A_7 = vector.load %arg5[%get3A_5, %get3A_6] : memref<16x8xf32, #tpu.memory_space<vmem>>, vector<1x8xf32>
    %get3A_8 = arith.constant 9 : index
    %get3A_9 = arith.constant 0 : index
    %get3A_10 = vector.load %arg5[%get3A_8, %get3A_9] : memref<16x8xf32, #tpu.memory_space<vmem>>, vector<1x8xf32>
    %get3A_11 = arith.constant 10 : index
    %get3A_12 = arith.constant 0 : index
    %get3A_13 = vector.load %arg5[%get3A_11, %get3A_12] : memref<16x8xf32, #tpu.memory_space<vmem>>, vector<1x1xf32>
    %get3A_14 = vector.extract %get3A_13[0, 0] : f32 from vector<1x1xf32>
    %get3A_15 = arith.constant 10 : index
    %get3A_16 = arith.constant 1 : index
    %get3A_17 = vector.load %arg5[%get3A_15, %get3A_16] : memref<16x8xf32, #tpu.memory_space<vmem>>, vector<1x1xf32>
    %get3A_18 = vector.extract %get3A_17[0, 0] : f32 from vector<1x1xf32>
    %dot_general3A = arith.constant dense<0.000000e+00> : vector<8x3200xf32>
    %dot_general3A_19 = tpu.matmul %get3A_4, %get3A_1, %dot_general3A {dimension_numbers = #tpu.dot_dimension_numbers<[1], [0], [0], [1], [0, 0, 1, 1], [], []>, transpose_lhs_hint = false} : vector<8x8xf32>, vector<8x3200xf32>, vector<8x3200xf32> -> vector<8x3200xf32>
    %mul3A = arith.mulf %dot_general3A_19, %dot_general3A_19 : vector<8x3200xf32>
    %reduce_sum3A = arith.constant dense<0.000000e+00> : vector<3200xf32>
    %reduce_sum3A_20 = vector.multi_reduction <add>, %mul3A, %reduce_sum3A [0] : vector<8x3200xf32> to vector<3200xf32>
    %broadcast_in_dim3A = vector.shape_cast %reduce_sum3A_20 : vector<3200xf32> to vector<1x3200xf32>
    %dot_general3A_21 = arith.constant dense<0.000000e+00> : vector<1x3200xf32>
    %dot_general3A_22 = tpu.matmul %get3A_10, %get3A_1, %dot_general3A_21 {dimension_numbers = #tpu.dot_dimension_numbers<[1], [0], [0], [1], [0, 0, 1, 1], [], []>, transpose_lhs_hint = false} : vector<1x8xf32>, vector<8x3200xf32>, vector<1x3200xf32> -> vector<1x3200xf32>
    %mul3A_23 = arith.constant 2.000000e+00 : f32
    %mul3A_24 = vector.broadcast %mul3A_23 : f32 to vector<1x3200xf32>
    %mul3A_25 = arith.mulf %mul3A_24, %dot_general3A_22 : vector<1x3200xf32>
    %add3A = arith.addf %broadcast_in_dim3A, %mul3A_25 : vector<1x3200xf32>
    %add3A_26 = vector.broadcast %get3A_18 : f32 to vector<1x3200xf32>
    %add3A_27 = arith.addf %add3A, %add3A_26 : vector<1x3200xf32>
    %add3A_28 = arith.constant 9.99999974E-6 : f32
    %add3A_29 = vector.broadcast %add3A_28 : f32 to vector<1x3200xf32>
    %add3A_30 = arith.addf %add3A_27, %add3A_29 : vector<1x3200xf32>
    %rsqrt3A = math.rsqrt %add3A_30 : vector<1x3200xf32>
    %dot_general3A_31 = arith.constant dense<0.000000e+00> : vector<1x3200xf32>
    %dot_general3A_32 = tpu.matmul %get3A_7, %get3A_1, %dot_general3A_31 {dimension_numbers = #tpu.dot_dimension_numbers<[1], [0], [0], [1], [0, 0, 1, 1], [], []>, transpose_lhs_hint = false} : vector<1x8xf32>, vector<8x3200xf32>, vector<1x3200xf32> -> vector<1x3200xf32>
    %add3A_33 = vector.broadcast %get3A_14 : f32 to vector<1x3200xf32>
    %add3A_34 = arith.addf %dot_general3A_32, %add3A_33 : vector<1x3200xf32>
    %mul3A_35 = arith.mulf %add3A_34, %rsqrt3A : vector<1x3200xf32>
    %mul3A_36 = vector.broadcast %rsqrt3A : vector<1x3200xf32> to vector<8x3200xf32>
    %mul3A_37 = arith.mulf %get3A_1, %mul3A_36 : vector<8x3200xf32>
    %broadcast_in_dim3A_38 = arith.constant 1.000000e+00 : f32
    %broadcast_in_dim3A_39 = vector.broadcast %broadcast_in_dim3A_38 : f32 to vector<1x3200xf32>
    %concatenate3A = tpu.concatenate %mul3A_37, %rsqrt3A, %mul3A_35, %broadcast_in_dim3A_39 in 0 : vector<8x3200xf32>, vector<1x3200xf32>, vector<1x3200xf32>, vector<1x3200xf32> -> vector<11x3200xf32>
    %get3A_40 = arith.constant 0 : index
    %get3A_41 = arith.constant 0 : index
    %get3A_42 = vector.load %arg2[%get3A_40, %get3A_41] : memref<3200x128xf32, #tpu.memory_space<vmem>>, vector<3200x128xf32>
    %get3A_43 = arith.constant 0 : index
    %get3A_44 = arith.constant 0 : index
    %get3A_45 = vector.load %arg4[%get3A_43, %get3A_44] : memref<16x128xf32, #tpu.memory_space<vmem>>, vector<11x128xf32>
    %dot_general3A_46 = arith.constant dense<0.000000e+00> : vector<3200x128xf32>
    %dot_general3A_47 = tpu.matmul %concatenate3A, %get3A_45, %dot_general3A_46 {dimension_numbers = #tpu.dot_dimension_numbers<[0], [0], [1], [1], [0, 1, 1, 1], [], []>, transpose_lhs_hint = false} : vector<11x3200xf32>, vector<11x128xf32>, vector<3200x128xf32> -> vector<3200x128xf32>
    %add3A_48 = arith.addf %get3A_42, %dot_general3A_47 : vector<3200x128xf32>
    %broadcast_in_dim3A_49 = arith.constant 7.812500e-03 : f32
    %broadcast_in_dim3A_50 = vector.broadcast %broadcast_in_dim3A_49 : f32 to vector<128x1xf32>
    %dot_general3A_51 = arith.constant dense<0.000000e+00> : vector<3200x1xf32>
    %dot_general3A_52 = tpu.matmul %add3A_48, %broadcast_in_dim3A_50, %dot_general3A_51 {dimension_numbers = #tpu.dot_dimension_numbers<[1], [0], [0], [1], [0, 0, 1, 1], [], []>, transpose_lhs_hint = false} : vector<3200x128xf32>, vector<128x1xf32>, vector<3200x1xf32> -> vector<3200x1xf32>
    %mul3A_53 = arith.mulf %add3A_48, %add3A_48 : vector<3200x128xf32>
    %dot_general3A_54 = arith.constant dense<0.000000e+00> : vector<3200x1xf32>
    %dot_general3A_55 = tpu.matmul %mul3A_53, %broadcast_in_dim3A_50, %dot_general3A_54 {dimension_numbers = #tpu.dot_dimension_numbers<[1], [0], [0], [1], [0, 0, 1, 1], [], []>, transpose_lhs_hint = false} : vector<3200x128xf32>, vector<128x1xf32>, vector<3200x1xf32> -> vector<3200x1xf32>
    %mul3A_56 = arith.mulf %dot_general3A_52, %dot_general3A_52 : vector<3200x1xf32>
    %sub3A = arith.subf %dot_general3A_55, %mul3A_56 : vector<3200x1xf32>
    %add3A_57 = arith.constant 9.99999974E-6 : f32
    %add3A_58 = vector.broadcast %add3A_57 : f32 to vector<3200x1xf32>
    %add3A_59 = arith.addf %sub3A, %add3A_58 : vector<3200x1xf32>
    %rsqrt3A_60 = math.rsqrt %add3A_59 : vector<3200x1xf32>
    %add3A_61 = arith.constant 0 : i32
    %add3A_62 = arith.addi %arg0, %add3A_61 : i32
    %mul3A_63 = arith.constant 3200 : i32
    %mul3A_64 = arith.muli %add3A_62, %mul3A_63 : i32
    %iota3A = tpu.iota {dimensions = array<i32: 0>} : vector<3200x1xi32>
    %add3A_65 = vector.broadcast %mul3A_64 : i32 to vector<3200x1xi32>
    %add3A_66 = arith.addi %add3A_65, %iota3A : vector<3200x1xi32>
    %get3A_67 = arith.constant 0 : index
    %get3A_68 = arith.constant 0 : index
    %get3A_69 = vector.load %arg6[%get3A_67, %get3A_68] : memref<8x16xi32, #tpu.memory_space<vmem>>, vector<1x16xi32>
    %get3A_70 = arith.constant 1 : index
    %get3A_71 = arith.constant 0 : index
    %get3A_72 = vector.load %arg6[%get3A_70, %get3A_71] : memref<8x16xi32, #tpu.memory_space<vmem>>, vector<1x16xi32>
    %ge3A = vector.broadcast %add3A_66 : vector<3200x1xi32> to vector<3200x16xi32>
    %ge3A_73 = vector.broadcast %get3A_69 : vector<1x16xi32> to vector<3200x16xi32>
    %ge3A_74 = arith.cmpi sge, %ge3A, %ge3A_73 : vector<3200x16xi32>
    %lt3A = vector.broadcast %add3A_66 : vector<3200x1xi32> to vector<3200x16xi32>
    %lt3A_75 = vector.broadcast %get3A_72 : vector<1x16xi32> to vector<3200x16xi32>
    %lt3A_76 = arith.cmpi slt, %lt3A, %lt3A_75 : vector<3200x16xi32>
    %and3A = arith.andi %ge3A_74, %lt3A_76 : vector<3200x16xi1>
    %convert_element_type3A = arith.extui %and3A : vector<3200x16xi1> to vector<3200x16xi32>
    %convert_element_type3A_77 = arith.sitofp %convert_element_type3A : vector<3200x16xi32> to vector<3200x16xf32>
    %get3A_78 = arith.constant 0 : index
    %get3A_79 = arith.constant 0 : index
    %get3A_80 = vector.load %arg7[%get3A_78, %get3A_79] : memref<16x256xf32, #tpu.memory_space<vmem>>, vector<16x256xf32>
    %dot_general3A_81 = arith.constant dense<0.000000e+00> : vector<3200x256xf32>
    %dot_general3A_82 = tpu.matmul %convert_element_type3A_77, %get3A_80, %dot_general3A_81 {dimension_numbers = #tpu.dot_dimension_numbers<[1], [0], [0], [1], [0, 0, 1, 1], [], []>, transpose_lhs_hint = false} : vector<3200x16xf32>, vector<16x256xf32>, vector<3200x256xf32> -> vector<3200x256xf32>
    %sub3A_83 = vector.broadcast %dot_general3A_52 : vector<3200x1xf32> to vector<3200x128xf32>
    %sub3A_84 = arith.subf %add3A_48, %sub3A_83 : vector<3200x128xf32>
    %slice3A = vector.extract_strided_slice %dot_general3A_82 {offsets = [0, 0], sizes = [3200, 128], strides = [1, 1]} : vector<3200x256xf32> to vector<3200x128xf32>
    %mul3A_85 = vector.broadcast %rsqrt3A_60 : vector<3200x1xf32> to vector<3200x128xf32>
    %mul3A_86 = arith.mulf %mul3A_85, %slice3A : vector<3200x128xf32>
    %mul3A_87 = arith.mulf %sub3A_84, %mul3A_86 : vector<3200x128xf32>
    %slice3A_88 = vector.extract_strided_slice %dot_general3A_82 {offsets = [0, 128], sizes = [3200, 128], strides = [1, 1]} : vector<3200x256xf32> to vector<3200x128xf32>
    %add3A_89 = arith.addf %mul3A_87, %slice3A_88 : vector<3200x128xf32>
    %max3A = arith.constant 0.000000e+00 : f32
    %max3A_90 = vector.broadcast %max3A : f32 to vector<3200x128xf32>
    %max3A_91 = arith.maximumf %add3A_89, %max3A_90 : vector<3200x128xf32>
    %swap3A = arith.constant 0 : index
    %swap3A_92 = arith.constant 0 : index
    %swap3A_93 = vector.load %arg8[%swap3A, %swap3A_92] : memref<3200x128xf32, #tpu.memory_space<vmem>>, vector<3200x128xf32>
    tpu.vector_store %arg8[%swap3A, %swap3A_92], %max3A_91 {strides = array<i32>} : memref<3200x128xf32, #tpu.memory_space<vmem>>, vector<3200x128xf32>,
    return
  }
  func.func @transform_1(%arg0: i32) -> (i32, i32) {
    %c0_i32 = arith.constant 0 : i32
    %c0_i32_0 = arith.constant 0 : i32
    return %arg0, %c0_i32 : i32, i32
  }
  func.func @transform_2(%arg0: i32) -> (i32, i32) {
    %add3A = arith.constant 0 : i32
    %add3A_0 = arith.addi %arg0, %add3A : i32
    %c0_i32 = arith.constant 0 : i32
    %c0_i32_1 = arith.constant 0 : i32
    return %c0_i32, %add3A_0 : i32, i32
  }
  func.func @transform_3(%arg0: i32) -> (i32, i32) {
    %c0_i32 = arith.constant 0 : i32
    %c0_i32_0 = arith.constant 0 : i32
    %c0_i32_1 = arith.constant 0 : i32
    return %c0_i32, %c0_i32_0 : i32, i32
  }
  func.func @transform_4(%arg0: i32) -> (i32, i32) {
    %c0_i32 = arith.constant 0 : i32
    %c0_i32_0 = arith.constant 0 : i32
    %c0_i32_1 = arith.constant 0 : i32
    return %c0_i32, %c0_i32_0 : i32, i32
  }
  func.func @transform_5(%arg0: i32) -> (i32, i32) {
    %c0_i32 = arith.constant 0 : i32
    %c0_i32_0 = arith.constant 0 : i32
    %c0_i32_1 = arith.constant 0 : i32
    return %c0_i32, %c0_i32_0 : i32, i32
  }
  func.func @transform_6(%arg0: i32) -> (i32, i32) {
    %c0_i32 = arith.constant 0 : i32
    %c0_i32_0 = arith.constant 0 : i32
    %c0_i32_1 = arith.constant 0 : i32
    return %c0_i32, %c0_i32_0 : i32, i32
  }
  func.func @transform_7(%arg0: i32) -> (i32, i32) {
    %add3A = arith.constant 0 : i32
    %add3A_0 = arith.addi %arg0, %add3A : i32
    %c0_i32 = arith.constant 0 : i32
    %c0_i32_1 = arith.constant 0 : i32
    return %add3A_0, %c0_i32 : i32, i32
  }
}

module attributes {stable_mosaic.version = 14 : i64} {
  func.func @_edge_body(%arg0: i32, %arg1: memref<320000x128xf32, #tpu.memory_space<any>>, %arg2: memref<3200x128xf32, #tpu.memory_space<vmem>>, %arg3: memref<8x3200xf32, #tpu.memory_space<vmem>>, %arg4: memref<16x128xf32, #tpu.memory_space<vmem>>, %arg5: memref<16x8xf32, #tpu.memory_space<vmem>>, %arg6: memref<8x16xi32, #tpu.memory_space<vmem>>, %arg7: memref<16x256xf32, #tpu.memory_space<vmem>>, %arg8: memref<3200x128xf32, #tpu.memory_space<vmem>>) attributes {dimension_semantics = [#tpu.dimension_semantics<arbitrary>], iteration_bounds = array<i64: 25>, scalar_prefetch = 0 : i64, scratch_operands = 0 : i64, tpu.core_type = #tpu.core_type<tc>, window_params = [{}, {transform_indices = @transform_1, window_bounds = array<i64: 3200, 128>}, {transform_indices = @transform_2, window_bounds = array<i64: 8, 3200>}, {transform_indices = @transform_3, window_bounds = array<i64: 16, 128>}, {pipeline_mode = #tpu.pipeline_mode<synchronous>, transform_indices = @transform_4, window_bounds = array<i64: 16, 8>}, {pipeline_mode = #tpu.pipeline_mode<synchronous>, transform_indices = @transform_5, window_bounds = array<i64: 8, 16>}, {pipeline_mode = #tpu.pipeline_mode<synchronous>, transform_indices = @transform_6, window_bounds = array<i64: 16, 256>}, {transform_indices = @transform_7, window_bounds = array<i64: 3200, 128>}]} {
    %get3A = arith.constant 0 : index
    %get3A_0 = arith.constant 0 : index
    %get3A_1 = vector.load %arg3[%get3A, %get3A_0] : memref<8x3200xf32, #tpu.memory_space<vmem>>, vector<8x3200xf32>
    %get3A_2 = arith.constant 0 : index
    %get3A_3 = arith.constant 0 : index
    %get3A_4 = vector.load %arg5[%get3A_2, %get3A_3] : memref<16x8xf32, #tpu.memory_space<vmem>>, vector<8x8xf32>
    %get3A_5 = arith.constant 8 : index
    %get3A_6 = arith.constant 0 : index
    %get3A_7 = vector.load %arg5[%get3A_5, %get3A_6] : memref<16x8xf32, #tpu.memory_space<vmem>>, vector<1x8xf32>
    %get3A_8 = arith.constant 9 : index
    %get3A_9 = arith.constant 0 : index
    %get3A_10 = vector.load %arg5[%get3A_8, %get3A_9] : memref<16x8xf32, #tpu.memory_space<vmem>>, vector<1x8xf32>
    %get3A_11 = arith.constant 10 : index
    %get3A_12 = arith.constant 0 : index
    %get3A_13 = vector.load %arg5[%get3A_11, %get3A_12] : memref<16x8xf32, #tpu.memory_space<vmem>>, vector<1x1xf32>
    %get3A_14 = vector.extract %get3A_13[0, 0] : f32 from vector<1x1xf32>
    %get3A_15 = arith.constant 10 : index
    %get3A_16 = arith.constant 1 : index
    %get3A_17 = vector.load %arg5[%get3A_15, %get3A_16] : memref<16x8xf32, #tpu.memory_space<vmem>>, vector<1x1xf32>
    %get3A_18 = vector.extract %get3A_17[0, 0] : f32 from vector<1x1xf32>
    %dot_general3A = arith.constant dense<0.000000e+00> : vector<8x3200xf32>
    %dot_general3A_19 = tpu.matmul %get3A_4, %get3A_1, %dot_general3A {dimension_numbers = #tpu.dot_dimension_numbers<[1], [0], [0], [1], [0, 0, 1, 1], [], []>, transpose_lhs_hint = false} : vector<8x8xf32>, vector<8x3200xf32>, vector<8x3200xf32> -> vector<8x3200xf32>
    %mul3A = arith.mulf %dot_general3A_19, %dot_general3A_19 : vector<8x3200xf32>
    %reduce_sum3A = arith.constant dense<0.000000e+00> : vector<3200xf32>
    %reduce_sum3A_20 = vector.multi_reduction <add>, %mul3A, %reduce_sum3A [0] : vector<8x3200xf32> to vector<3200xf32>
    %broadcast_in_dim3A = vector.shape_cast %reduce_sum3A_20 : vector<3200xf32> to vector<1x3200xf32>
    %dot_general3A_21 = arith.constant dense<0.000000e+00> : vector<1x3200xf32>
    %dot_general3A_22 = tpu.matmul %get3A_10, %get3A_1, %dot_general3A_21 {dimension_numbers = #tpu.dot_dimension_numbers<[1], [0], [0], [1], [0, 0, 1, 1], [], []>, transpose_lhs_hint = false} : vector<1x8xf32>, vector<8x3200xf32>, vector<1x3200xf32> -> vector<1x3200xf32>
    %mul3A_23 = arith.constant 2.000000e+00 : f32
    %mul3A_24 = vector.broadcast %mul3A_23 : f32 to vector<1x3200xf32>
    %mul3A_25 = arith.mulf %mul3A_24, %dot_general3A_22 : vector<1x3200xf32>
    %add3A = arith.addf %broadcast_in_dim3A, %mul3A_25 : vector<1x3200xf32>
    %add3A_26 = vector.broadcast %get3A_18 : f32 to vector<1x3200xf32>
    %add3A_27 = arith.addf %add3A, %add3A_26 : vector<1x3200xf32>
    %add3A_28 = arith.constant 9.99999974E-6 : f32
    %add3A_29 = vector.broadcast %add3A_28 : f32 to vector<1x3200xf32>
    %add3A_30 = arith.addf %add3A_27, %add3A_29 : vector<1x3200xf32>
    %rsqrt3A = math.rsqrt %add3A_30 : vector<1x3200xf32>
    %dot_general3A_31 = arith.constant dense<0.000000e+00> : vector<1x3200xf32>
    %dot_general3A_32 = tpu.matmul %get3A_7, %get3A_1, %dot_general3A_31 {dimension_numbers = #tpu.dot_dimension_numbers<[1], [0], [0], [1], [0, 0, 1, 1], [], []>, transpose_lhs_hint = false} : vector<1x8xf32>, vector<8x3200xf32>, vector<1x3200xf32> -> vector<1x3200xf32>
    %add3A_33 = vector.broadcast %get3A_14 : f32 to vector<1x3200xf32>
    %add3A_34 = arith.addf %dot_general3A_32, %add3A_33 : vector<1x3200xf32>
    %mul3A_35 = arith.mulf %add3A_34, %rsqrt3A : vector<1x3200xf32>
    %mul3A_36 = vector.broadcast %rsqrt3A : vector<1x3200xf32> to vector<8x3200xf32>
    %mul3A_37 = arith.mulf %get3A_1, %mul3A_36 : vector<8x3200xf32>
    %broadcast_in_dim3A_38 = arith.constant 1.000000e+00 : f32
    %broadcast_in_dim3A_39 = vector.broadcast %broadcast_in_dim3A_38 : f32 to vector<1x3200xf32>
    %concatenate3A = tpu.concatenate %mul3A_37, %rsqrt3A, %mul3A_35, %broadcast_in_dim3A_39 in 0 : vector<8x3200xf32>, vector<1x3200xf32>, vector<1x3200xf32>, vector<1x3200xf32> -> vector<11x3200xf32>
    %get3A_40 = arith.constant 0 : index
    %get3A_41 = arith.constant 0 : index
    %get3A_42 = vector.load %arg2[%get3A_40, %get3A_41] : memref<3200x128xf32, #tpu.memory_space<vmem>>, vector<3200x128xf32>
    %get3A_43 = arith.constant 0 : index
    %get3A_44 = arith.constant 0 : index
    %get3A_45 = vector.load %arg4[%get3A_43, %get3A_44] : memref<16x128xf32, #tpu.memory_space<vmem>>, vector<11x128xf32>
    %dot_general3A_46 = arith.constant dense<0.000000e+00> : vector<3200x128xf32>
    %dot_general3A_47 = tpu.matmul %concatenate3A, %get3A_45, %dot_general3A_46 {dimension_numbers = #tpu.dot_dimension_numbers<[0], [0], [1], [1], [0, 1, 1, 1], [], []>, transpose_lhs_hint = false} : vector<11x3200xf32>, vector<11x128xf32>, vector<3200x128xf32> -> vector<3200x128xf32>
    %add3A_48 = arith.addf %get3A_42, %dot_general3A_47 : vector<3200x128xf32>
    %broadcast_in_dim3A_49 = arith.constant 7.812500e-03 : f32
    %broadcast_in_dim3A_50 = vector.broadcast %broadcast_in_dim3A_49 : f32 to vector<128x1xf32>
    %dot_general3A_51 = arith.constant dense<0.000000e+00> : vector<3200x1xf32>
    %dot_general3A_52 = tpu.matmul %add3A_48, %broadcast_in_dim3A_50, %dot_general3A_51 {dimension_numbers = #tpu.dot_dimension_numbers<[1], [0], [0], [1], [0, 0, 1, 1], [], []>, transpose_lhs_hint = false} : vector<3200x128xf32>, vector<128x1xf32>, vector<3200x1xf32> -> vector<3200x1xf32>
    %mul3A_53 = arith.mulf %add3A_48, %add3A_48 : vector<3200x128xf32>
    %dot_general3A_54 = arith.constant dense<0.000000e+00> : vector<3200x1xf32>
    %dot_general3A_55 = tpu.matmul %mul3A_53, %broadcast_in_dim3A_50, %dot_general3A_54 {dimension_numbers = #tpu.dot_dimension_numbers<[1], [0], [0], [1], [0, 0, 1, 1], [], []>, transpose_lhs_hint = false} : vector<3200x128xf32>, vector<128x1xf32>, vector<3200x1xf32> -> vector<3200x1xf32>
    %mul3A_56 = arith.mulf %dot_general3A_52, %dot_general3A_52 : vector<3200x1xf32>
    %sub3A = arith.subf %dot_general3A_55, %mul3A_56 : vector<3200x1xf32>
    %add3A_57 = arith.constant 9.99999974E-6 : f32
    %add3A_58 = vector.broadcast %add3A_57 : f32 to vector<3200x1xf32>
    %add3A_59 = arith.addf %sub3A, %add3A_58 : vector<3200x1xf32>
    %rsqrt3A_60 = math.rsqrt %add3A_59 : vector<3200x1xf32>
    %add3A_61 = arith.constant 25 : i32
    %add3A_62 = arith.addi %arg0, %add3A_61 : i32
    %mul3A_63 = arith.constant 3200 : i32
    %mul3A_64 = arith.muli %add3A_62, %mul3A_63 : i32
    %iota3A = tpu.iota {dimensions = array<i32: 0>} : vector<3200x1xi32>
    %add3A_65 = vector.broadcast %mul3A_64 : i32 to vector<3200x1xi32>
    %add3A_66 = arith.addi %add3A_65, %iota3A : vector<3200x1xi32>
    %get3A_67 = arith.constant 0 : index
    %get3A_68 = arith.constant 0 : index
    %get3A_69 = vector.load %arg6[%get3A_67, %get3A_68] : memref<8x16xi32, #tpu.memory_space<vmem>>, vector<1x16xi32>
    %get3A_70 = arith.constant 1 : index
    %get3A_71 = arith.constant 0 : index
    %get3A_72 = vector.load %arg6[%get3A_70, %get3A_71] : memref<8x16xi32, #tpu.memory_space<vmem>>, vector<1x16xi32>
    %ge3A = vector.broadcast %add3A_66 : vector<3200x1xi32> to vector<3200x16xi32>
    %ge3A_73 = vector.broadcast %get3A_69 : vector<1x16xi32> to vector<3200x16xi32>
    %ge3A_74 = arith.cmpi sge, %ge3A, %ge3A_73 : vector<3200x16xi32>
    %lt3A = vector.broadcast %add3A_66 : vector<3200x1xi32> to vector<3200x16xi32>
    %lt3A_75 = vector.broadcast %get3A_72 : vector<1x16xi32> to vector<3200x16xi32>
    %lt3A_76 = arith.cmpi slt, %lt3A, %lt3A_75 : vector<3200x16xi32>
    %and3A = arith.andi %ge3A_74, %lt3A_76 : vector<3200x16xi1>
    %convert_element_type3A = arith.extui %and3A : vector<3200x16xi1> to vector<3200x16xi32>
    %convert_element_type3A_77 = arith.sitofp %convert_element_type3A : vector<3200x16xi32> to vector<3200x16xf32>
    %get3A_78 = arith.constant 0 : index
    %get3A_79 = arith.constant 0 : index
    %get3A_80 = vector.load %arg7[%get3A_78, %get3A_79] : memref<16x256xf32, #tpu.memory_space<vmem>>, vector<16x256xf32>
    %dot_general3A_81 = arith.constant dense<0.000000e+00> : vector<3200x256xf32>
    %dot_general3A_82 = tpu.matmul %convert_element_type3A_77, %get3A_80, %dot_general3A_81 {dimension_numbers = #tpu.dot_dimension_numbers<[1], [0], [0], [1], [0, 0, 1, 1], [], []>, transpose_lhs_hint = false} : vector<3200x16xf32>, vector<16x256xf32>, vector<3200x256xf32> -> vector<3200x256xf32>
    %sub3A_83 = vector.broadcast %dot_general3A_52 : vector<3200x1xf32> to vector<3200x128xf32>
    %sub3A_84 = arith.subf %add3A_48, %sub3A_83 : vector<3200x128xf32>
    %slice3A = vector.extract_strided_slice %dot_general3A_82 {offsets = [0, 0], sizes = [3200, 128], strides = [1, 1]} : vector<3200x256xf32> to vector<3200x128xf32>
    %mul3A_85 = vector.broadcast %rsqrt3A_60 : vector<3200x1xf32> to vector<3200x128xf32>
    %mul3A_86 = arith.mulf %mul3A_85, %slice3A : vector<3200x128xf32>
    %mul3A_87 = arith.mulf %sub3A_84, %mul3A_86 : vector<3200x128xf32>
    %slice3A_88 = vector.extract_strided_slice %dot_general3A_82 {offsets = [0, 128], sizes = [3200, 128], strides = [1, 1]} : vector<3200x256xf32> to vector<3200x128xf32>
    %add3A_89 = arith.addf %mul3A_87, %slice3A_88 : vector<3200x128xf32>
    %max3A = arith.constant 0.000000e+00 : f32
    %max3A_90 = vector.broadcast %max3A : f32 to vector<3200x128xf32>
    %max3A_91 = arith.maximumf %add3A_89, %max3A_90 : vector<3200x128xf32>
    %swap3A = arith.constant 0 : index
    %swap3A_92 = arith.constant 0 : index
    %swap3A_93 = vector.load %arg8[%swap3A, %swap3A_92] : memref<3200x128xf32, #tpu.memory_space<vmem>>, vector<3200x128xf32>
    tpu.vector_store %arg8[%swap3A, %swap3A_92], %max3A_91 {strides = array<i32>} : memref<3200x128xf32, #tpu.memory_space<vmem>>, vector<3200x128xf32>,
    return
  }
  func.func @transform_1(%arg0: i32) -> (i32, i32) {
    %c0_i32 = arith.constant 0 : i32
    %c0_i32_0 = arith.constant 0 : i32
    return %arg0, %c0_i32 : i32, i32
  }
  func.func @transform_2(%arg0: i32) -> (i32, i32) {
    %add3A = arith.constant 25 : i32
    %add3A_0 = arith.addi %arg0, %add3A : i32
    %c0_i32 = arith.constant 0 : i32
    %c0_i32_1 = arith.constant 0 : i32
    return %c0_i32, %add3A_0 : i32, i32
  }
  func.func @transform_3(%arg0: i32) -> (i32, i32) {
    %c0_i32 = arith.constant 0 : i32
    %c0_i32_0 = arith.constant 0 : i32
    %c0_i32_1 = arith.constant 0 : i32
    return %c0_i32, %c0_i32_0 : i32, i32
  }
  func.func @transform_4(%arg0: i32) -> (i32, i32) {
    %c0_i32 = arith.constant 0 : i32
    %c0_i32_0 = arith.constant 0 : i32
    %c0_i32_1 = arith.constant 0 : i32
    return %c0_i32, %c0_i32_0 : i32, i32
  }
  func.func @transform_5(%arg0: i32) -> (i32, i32) {
    %c0_i32 = arith.constant 0 : i32
    %c0_i32_0 = arith.constant 0 : i32
    %c0_i32_1 = arith.constant 0 : i32
    return %c0_i32, %c0_i32_0 : i32, i32
  }
  func.func @transform_6(%arg0: i32) -> (i32, i32) {
    %c0_i32 = arith.constant 0 : i32
    %c0_i32_0 = arith.constant 0 : i32
    %c0_i32_1 = arith.constant 0 : i32
    return %c0_i32, %c0_i32_0 : i32, i32
  }
  func.func @transform_7(%arg0: i32) -> (i32, i32) {
    %add3A = arith.constant 25 : i32
    %add3A_0 = arith.addi %arg0, %add3A : i32
    %c0_i32 = arith.constant 0 : i32
    %c0_i32_1 = arith.constant 0 : i32
    return %add3A_0, %c0_i32 : i32, i32
  }
}

module attributes {stable_mosaic.version = 14 : i64} {
  func.func @_edge_body(%arg0: i32, %arg1: memref<320000x128xf32, #tpu.memory_space<any>>, %arg2: memref<3200x128xf32, #tpu.memory_space<vmem>>, %arg3: memref<8x3200xf32, #tpu.memory_space<vmem>>, %arg4: memref<16x128xf32, #tpu.memory_space<vmem>>, %arg5: memref<16x8xf32, #tpu.memory_space<vmem>>, %arg6: memref<8x16xi32, #tpu.memory_space<vmem>>, %arg7: memref<16x256xf32, #tpu.memory_space<vmem>>, %arg8: memref<3200x128xf32, #tpu.memory_space<vmem>>) attributes {dimension_semantics = [#tpu.dimension_semantics<arbitrary>], iteration_bounds = array<i64: 25>, scalar_prefetch = 0 : i64, scratch_operands = 0 : i64, tpu.core_type = #tpu.core_type<tc>, window_params = [{}, {transform_indices = @transform_1, window_bounds = array<i64: 3200, 128>}, {transform_indices = @transform_2, window_bounds = array<i64: 8, 3200>}, {transform_indices = @transform_3, window_bounds = array<i64: 16, 128>}, {pipeline_mode = #tpu.pipeline_mode<synchronous>, transform_indices = @transform_4, window_bounds = array<i64: 16, 8>}, {pipeline_mode = #tpu.pipeline_mode<synchronous>, transform_indices = @transform_5, window_bounds = array<i64: 8, 16>}, {pipeline_mode = #tpu.pipeline_mode<synchronous>, transform_indices = @transform_6, window_bounds = array<i64: 16, 256>}, {transform_indices = @transform_7, window_bounds = array<i64: 3200, 128>}]} {
    %get3A = arith.constant 0 : index
    %get3A_0 = arith.constant 0 : index
    %get3A_1 = vector.load %arg3[%get3A, %get3A_0] : memref<8x3200xf32, #tpu.memory_space<vmem>>, vector<8x3200xf32>
    %get3A_2 = arith.constant 0 : index
    %get3A_3 = arith.constant 0 : index
    %get3A_4 = vector.load %arg5[%get3A_2, %get3A_3] : memref<16x8xf32, #tpu.memory_space<vmem>>, vector<8x8xf32>
    %get3A_5 = arith.constant 8 : index
    %get3A_6 = arith.constant 0 : index
    %get3A_7 = vector.load %arg5[%get3A_5, %get3A_6] : memref<16x8xf32, #tpu.memory_space<vmem>>, vector<1x8xf32>
    %get3A_8 = arith.constant 9 : index
    %get3A_9 = arith.constant 0 : index
    %get3A_10 = vector.load %arg5[%get3A_8, %get3A_9] : memref<16x8xf32, #tpu.memory_space<vmem>>, vector<1x8xf32>
    %get3A_11 = arith.constant 10 : index
    %get3A_12 = arith.constant 0 : index
    %get3A_13 = vector.load %arg5[%get3A_11, %get3A_12] : memref<16x8xf32, #tpu.memory_space<vmem>>, vector<1x1xf32>
    %get3A_14 = vector.extract %get3A_13[0, 0] : f32 from vector<1x1xf32>
    %get3A_15 = arith.constant 10 : index
    %get3A_16 = arith.constant 1 : index
    %get3A_17 = vector.load %arg5[%get3A_15, %get3A_16] : memref<16x8xf32, #tpu.memory_space<vmem>>, vector<1x1xf32>
    %get3A_18 = vector.extract %get3A_17[0, 0] : f32 from vector<1x1xf32>
    %dot_general3A = arith.constant dense<0.000000e+00> : vector<8x3200xf32>
    %dot_general3A_19 = tpu.matmul %get3A_4, %get3A_1, %dot_general3A {dimension_numbers = #tpu.dot_dimension_numbers<[1], [0], [0], [1], [0, 0, 1, 1], [], []>, transpose_lhs_hint = false} : vector<8x8xf32>, vector<8x3200xf32>, vector<8x3200xf32> -> vector<8x3200xf32>
    %mul3A = arith.mulf %dot_general3A_19, %dot_general3A_19 : vector<8x3200xf32>
    %reduce_sum3A = arith.constant dense<0.000000e+00> : vector<3200xf32>
    %reduce_sum3A_20 = vector.multi_reduction <add>, %mul3A, %reduce_sum3A [0] : vector<8x3200xf32> to vector<3200xf32>
    %broadcast_in_dim3A = vector.shape_cast %reduce_sum3A_20 : vector<3200xf32> to vector<1x3200xf32>
    %dot_general3A_21 = arith.constant dense<0.000000e+00> : vector<1x3200xf32>
    %dot_general3A_22 = tpu.matmul %get3A_10, %get3A_1, %dot_general3A_21 {dimension_numbers = #tpu.dot_dimension_numbers<[1], [0], [0], [1], [0, 0, 1, 1], [], []>, transpose_lhs_hint = false} : vector<1x8xf32>, vector<8x3200xf32>, vector<1x3200xf32> -> vector<1x3200xf32>
    %mul3A_23 = arith.constant 2.000000e+00 : f32
    %mul3A_24 = vector.broadcast %mul3A_23 : f32 to vector<1x3200xf32>
    %mul3A_25 = arith.mulf %mul3A_24, %dot_general3A_22 : vector<1x3200xf32>
    %add3A = arith.addf %broadcast_in_dim3A, %mul3A_25 : vector<1x3200xf32>
    %add3A_26 = vector.broadcast %get3A_18 : f32 to vector<1x3200xf32>
    %add3A_27 = arith.addf %add3A, %add3A_26 : vector<1x3200xf32>
    %add3A_28 = arith.constant 9.99999974E-6 : f32
    %add3A_29 = vector.broadcast %add3A_28 : f32 to vector<1x3200xf32>
    %add3A_30 = arith.addf %add3A_27, %add3A_29 : vector<1x3200xf32>
    %rsqrt3A = math.rsqrt %add3A_30 : vector<1x3200xf32>
    %dot_general3A_31 = arith.constant dense<0.000000e+00> : vector<1x3200xf32>
    %dot_general3A_32 = tpu.matmul %get3A_7, %get3A_1, %dot_general3A_31 {dimension_numbers = #tpu.dot_dimension_numbers<[1], [0], [0], [1], [0, 0, 1, 1], [], []>, transpose_lhs_hint = false} : vector<1x8xf32>, vector<8x3200xf32>, vector<1x3200xf32> -> vector<1x3200xf32>
    %add3A_33 = vector.broadcast %get3A_14 : f32 to vector<1x3200xf32>
    %add3A_34 = arith.addf %dot_general3A_32, %add3A_33 : vector<1x3200xf32>
    %mul3A_35 = arith.mulf %add3A_34, %rsqrt3A : vector<1x3200xf32>
    %mul3A_36 = vector.broadcast %rsqrt3A : vector<1x3200xf32> to vector<8x3200xf32>
    %mul3A_37 = arith.mulf %get3A_1, %mul3A_36 : vector<8x3200xf32>
    %broadcast_in_dim3A_38 = arith.constant 1.000000e+00 : f32
    %broadcast_in_dim3A_39 = vector.broadcast %broadcast_in_dim3A_38 : f32 to vector<1x3200xf32>
    %concatenate3A = tpu.concatenate %mul3A_37, %rsqrt3A, %mul3A_35, %broadcast_in_dim3A_39 in 0 : vector<8x3200xf32>, vector<1x3200xf32>, vector<1x3200xf32>, vector<1x3200xf32> -> vector<11x3200xf32>
    %get3A_40 = arith.constant 0 : index
    %get3A_41 = arith.constant 0 : index
    %get3A_42 = vector.load %arg2[%get3A_40, %get3A_41] : memref<3200x128xf32, #tpu.memory_space<vmem>>, vector<3200x128xf32>
    %get3A_43 = arith.constant 0 : index
    %get3A_44 = arith.constant 0 : index
    %get3A_45 = vector.load %arg4[%get3A_43, %get3A_44] : memref<16x128xf32, #tpu.memory_space<vmem>>, vector<11x128xf32>
    %dot_general3A_46 = arith.constant dense<0.000000e+00> : vector<3200x128xf32>
    %dot_general3A_47 = tpu.matmul %concatenate3A, %get3A_45, %dot_general3A_46 {dimension_numbers = #tpu.dot_dimension_numbers<[0], [0], [1], [1], [0, 1, 1, 1], [], []>, transpose_lhs_hint = false} : vector<11x3200xf32>, vector<11x128xf32>, vector<3200x128xf32> -> vector<3200x128xf32>
    %add3A_48 = arith.addf %get3A_42, %dot_general3A_47 : vector<3200x128xf32>
    %broadcast_in_dim3A_49 = arith.constant 7.812500e-03 : f32
    %broadcast_in_dim3A_50 = vector.broadcast %broadcast_in_dim3A_49 : f32 to vector<128x1xf32>
    %dot_general3A_51 = arith.constant dense<0.000000e+00> : vector<3200x1xf32>
    %dot_general3A_52 = tpu.matmul %add3A_48, %broadcast_in_dim3A_50, %dot_general3A_51 {dimension_numbers = #tpu.dot_dimension_numbers<[1], [0], [0], [1], [0, 0, 1, 1], [], []>, transpose_lhs_hint = false} : vector<3200x128xf32>, vector<128x1xf32>, vector<3200x1xf32> -> vector<3200x1xf32>
    %mul3A_53 = arith.mulf %add3A_48, %add3A_48 : vector<3200x128xf32>
    %dot_general3A_54 = arith.constant dense<0.000000e+00> : vector<3200x1xf32>
    %dot_general3A_55 = tpu.matmul %mul3A_53, %broadcast_in_dim3A_50, %dot_general3A_54 {dimension_numbers = #tpu.dot_dimension_numbers<[1], [0], [0], [1], [0, 0, 1, 1], [], []>, transpose_lhs_hint = false} : vector<3200x128xf32>, vector<128x1xf32>, vector<3200x1xf32> -> vector<3200x1xf32>
    %mul3A_56 = arith.mulf %dot_general3A_52, %dot_general3A_52 : vector<3200x1xf32>
    %sub3A = arith.subf %dot_general3A_55, %mul3A_56 : vector<3200x1xf32>
    %add3A_57 = arith.constant 9.99999974E-6 : f32
    %add3A_58 = vector.broadcast %add3A_57 : f32 to vector<3200x1xf32>
    %add3A_59 = arith.addf %sub3A, %add3A_58 : vector<3200x1xf32>
    %rsqrt3A_60 = math.rsqrt %add3A_59 : vector<3200x1xf32>
    %add3A_61 = arith.constant 50 : i32
    %add3A_62 = arith.addi %arg0, %add3A_61 : i32
    %mul3A_63 = arith.constant 3200 : i32
    %mul3A_64 = arith.muli %add3A_62, %mul3A_63 : i32
    %iota3A = tpu.iota {dimensions = array<i32: 0>} : vector<3200x1xi32>
    %add3A_65 = vector.broadcast %mul3A_64 : i32 to vector<3200x1xi32>
    %add3A_66 = arith.addi %add3A_65, %iota3A : vector<3200x1xi32>
    %get3A_67 = arith.constant 0 : index
    %get3A_68 = arith.constant 0 : index
    %get3A_69 = vector.load %arg6[%get3A_67, %get3A_68] : memref<8x16xi32, #tpu.memory_space<vmem>>, vector<1x16xi32>
    %get3A_70 = arith.constant 1 : index
    %get3A_71 = arith.constant 0 : index
    %get3A_72 = vector.load %arg6[%get3A_70, %get3A_71] : memref<8x16xi32, #tpu.memory_space<vmem>>, vector<1x16xi32>
    %ge3A = vector.broadcast %add3A_66 : vector<3200x1xi32> to vector<3200x16xi32>
    %ge3A_73 = vector.broadcast %get3A_69 : vector<1x16xi32> to vector<3200x16xi32>
    %ge3A_74 = arith.cmpi sge, %ge3A, %ge3A_73 : vector<3200x16xi32>
    %lt3A = vector.broadcast %add3A_66 : vector<3200x1xi32> to vector<3200x16xi32>
    %lt3A_75 = vector.broadcast %get3A_72 : vector<1x16xi32> to vector<3200x16xi32>
    %lt3A_76 = arith.cmpi slt, %lt3A, %lt3A_75 : vector<3200x16xi32>
    %and3A = arith.andi %ge3A_74, %lt3A_76 : vector<3200x16xi1>
    %convert_element_type3A = arith.extui %and3A : vector<3200x16xi1> to vector<3200x16xi32>
    %convert_element_type3A_77 = arith.sitofp %convert_element_type3A : vector<3200x16xi32> to vector<3200x16xf32>
    %get3A_78 = arith.constant 0 : index
    %get3A_79 = arith.constant 0 : index
    %get3A_80 = vector.load %arg7[%get3A_78, %get3A_79] : memref<16x256xf32, #tpu.memory_space<vmem>>, vector<16x256xf32>
    %dot_general3A_81 = arith.constant dense<0.000000e+00> : vector<3200x256xf32>
    %dot_general3A_82 = tpu.matmul %convert_element_type3A_77, %get3A_80, %dot_general3A_81 {dimension_numbers = #tpu.dot_dimension_numbers<[1], [0], [0], [1], [0, 0, 1, 1], [], []>, transpose_lhs_hint = false} : vector<3200x16xf32>, vector<16x256xf32>, vector<3200x256xf32> -> vector<3200x256xf32>
    %sub3A_83 = vector.broadcast %dot_general3A_52 : vector<3200x1xf32> to vector<3200x128xf32>
    %sub3A_84 = arith.subf %add3A_48, %sub3A_83 : vector<3200x128xf32>
    %slice3A = vector.extract_strided_slice %dot_general3A_82 {offsets = [0, 0], sizes = [3200, 128], strides = [1, 1]} : vector<3200x256xf32> to vector<3200x128xf32>
    %mul3A_85 = vector.broadcast %rsqrt3A_60 : vector<3200x1xf32> to vector<3200x128xf32>
    %mul3A_86 = arith.mulf %mul3A_85, %slice3A : vector<3200x128xf32>
    %mul3A_87 = arith.mulf %sub3A_84, %mul3A_86 : vector<3200x128xf32>
    %slice3A_88 = vector.extract_strided_slice %dot_general3A_82 {offsets = [0, 128], sizes = [3200, 128], strides = [1, 1]} : vector<3200x256xf32> to vector<3200x128xf32>
    %add3A_89 = arith.addf %mul3A_87, %slice3A_88 : vector<3200x128xf32>
    %max3A = arith.constant 0.000000e+00 : f32
    %max3A_90 = vector.broadcast %max3A : f32 to vector<3200x128xf32>
    %max3A_91 = arith.maximumf %add3A_89, %max3A_90 : vector<3200x128xf32>
    %swap3A = arith.constant 0 : index
    %swap3A_92 = arith.constant 0 : index
    %swap3A_93 = vector.load %arg8[%swap3A, %swap3A_92] : memref<3200x128xf32, #tpu.memory_space<vmem>>, vector<3200x128xf32>
    tpu.vector_store %arg8[%swap3A, %swap3A_92], %max3A_91 {strides = array<i32>} : memref<3200x128xf32, #tpu.memory_space<vmem>>, vector<3200x128xf32>,
    return
  }
  func.func @transform_1(%arg0: i32) -> (i32, i32) {
    %c0_i32 = arith.constant 0 : i32
    %c0_i32_0 = arith.constant 0 : i32
    return %arg0, %c0_i32 : i32, i32
  }
  func.func @transform_2(%arg0: i32) -> (i32, i32) {
    %add3A = arith.constant 50 : i32
    %add3A_0 = arith.addi %arg0, %add3A : i32
    %c0_i32 = arith.constant 0 : i32
    %c0_i32_1 = arith.constant 0 : i32
    return %c0_i32, %add3A_0 : i32, i32
  }
  func.func @transform_3(%arg0: i32) -> (i32, i32) {
    %c0_i32 = arith.constant 0 : i32
    %c0_i32_0 = arith.constant 0 : i32
    %c0_i32_1 = arith.constant 0 : i32
    return %c0_i32, %c0_i32_0 : i32, i32
  }
  func.func @transform_4(%arg0: i32) -> (i32, i32) {
    %c0_i32 = arith.constant 0 : i32
    %c0_i32_0 = arith.constant 0 : i32
    %c0_i32_1 = arith.constant 0 : i32
    return %c0_i32, %c0_i32_0 : i32, i32
  }
  func.func @transform_5(%arg0: i32) -> (i32, i32) {
    %c0_i32 = arith.constant 0 : i32
    %c0_i32_0 = arith.constant 0 : i32
    %c0_i32_1 = arith.constant 0 : i32
    return %c0_i32, %c0_i32_0 : i32, i32
  }
  func.func @transform_6(%arg0: i32) -> (i32, i32) {
    %c0_i32 = arith.constant 0 : i32
    %c0_i32_0 = arith.constant 0 : i32
    %c0_i32_1 = arith.constant 0 : i32
    return %c0_i32, %c0_i32_0 : i32, i32
  }
  func.func @transform_7(%arg0: i32) -> (i32, i32) {
    %add3A = arith.constant 50 : i32
    %add3A_0 = arith.addi %arg0, %add3A : i32
    %c0_i32 = arith.constant 0 : i32
    %c0_i32_1 = arith.constant 0 : i32
    return %add3A_0, %c0_i32 : i32, i32
  }
}

module attributes {stable_mosaic.version = 14 : i64} {
  func.func @_edge_body(%arg0: i32, %arg1: memref<320000x128xf32, #tpu.memory_space<any>>, %arg2: memref<3200x128xf32, #tpu.memory_space<vmem>>, %arg3: memref<8x3200xf32, #tpu.memory_space<vmem>>, %arg4: memref<16x128xf32, #tpu.memory_space<vmem>>, %arg5: memref<16x8xf32, #tpu.memory_space<vmem>>, %arg6: memref<8x16xi32, #tpu.memory_space<vmem>>, %arg7: memref<16x256xf32, #tpu.memory_space<vmem>>, %arg8: memref<3200x128xf32, #tpu.memory_space<vmem>>) attributes {dimension_semantics = [#tpu.dimension_semantics<arbitrary>], iteration_bounds = array<i64: 25>, scalar_prefetch = 0 : i64, scratch_operands = 0 : i64, tpu.core_type = #tpu.core_type<tc>, window_params = [{}, {transform_indices = @transform_1, window_bounds = array<i64: 3200, 128>}, {transform_indices = @transform_2, window_bounds = array<i64: 8, 3200>}, {transform_indices = @transform_3, window_bounds = array<i64: 16, 128>}, {pipeline_mode = #tpu.pipeline_mode<synchronous>, transform_indices = @transform_4, window_bounds = array<i64: 16, 8>}, {pipeline_mode = #tpu.pipeline_mode<synchronous>, transform_indices = @transform_5, window_bounds = array<i64: 8, 16>}, {pipeline_mode = #tpu.pipeline_mode<synchronous>, transform_indices = @transform_6, window_bounds = array<i64: 16, 256>}, {transform_indices = @transform_7, window_bounds = array<i64: 3200, 128>}]} {
    %get3A = arith.constant 0 : index
    %get3A_0 = arith.constant 0 : index
    %get3A_1 = vector.load %arg3[%get3A, %get3A_0] : memref<8x3200xf32, #tpu.memory_space<vmem>>, vector<8x3200xf32>
    %get3A_2 = arith.constant 0 : index
    %get3A_3 = arith.constant 0 : index
    %get3A_4 = vector.load %arg5[%get3A_2, %get3A_3] : memref<16x8xf32, #tpu.memory_space<vmem>>, vector<8x8xf32>
    %get3A_5 = arith.constant 8 : index
    %get3A_6 = arith.constant 0 : index
    %get3A_7 = vector.load %arg5[%get3A_5, %get3A_6] : memref<16x8xf32, #tpu.memory_space<vmem>>, vector<1x8xf32>
    %get3A_8 = arith.constant 9 : index
    %get3A_9 = arith.constant 0 : index
    %get3A_10 = vector.load %arg5[%get3A_8, %get3A_9] : memref<16x8xf32, #tpu.memory_space<vmem>>, vector<1x8xf32>
    %get3A_11 = arith.constant 10 : index
    %get3A_12 = arith.constant 0 : index
    %get3A_13 = vector.load %arg5[%get3A_11, %get3A_12] : memref<16x8xf32, #tpu.memory_space<vmem>>, vector<1x1xf32>
    %get3A_14 = vector.extract %get3A_13[0, 0] : f32 from vector<1x1xf32>
    %get3A_15 = arith.constant 10 : index
    %get3A_16 = arith.constant 1 : index
    %get3A_17 = vector.load %arg5[%get3A_15, %get3A_16] : memref<16x8xf32, #tpu.memory_space<vmem>>, vector<1x1xf32>
    %get3A_18 = vector.extract %get3A_17[0, 0] : f32 from vector<1x1xf32>
    %dot_general3A = arith.constant dense<0.000000e+00> : vector<8x3200xf32>
    %dot_general3A_19 = tpu.matmul %get3A_4, %get3A_1, %dot_general3A {dimension_numbers = #tpu.dot_dimension_numbers<[1], [0], [0], [1], [0, 0, 1, 1], [], []>, transpose_lhs_hint = false} : vector<8x8xf32>, vector<8x3200xf32>, vector<8x3200xf32> -> vector<8x3200xf32>
    %mul3A = arith.mulf %dot_general3A_19, %dot_general3A_19 : vector<8x3200xf32>
    %reduce_sum3A = arith.constant dense<0.000000e+00> : vector<3200xf32>
    %reduce_sum3A_20 = vector.multi_reduction <add>, %mul3A, %reduce_sum3A [0] : vector<8x3200xf32> to vector<3200xf32>
    %broadcast_in_dim3A = vector.shape_cast %reduce_sum3A_20 : vector<3200xf32> to vector<1x3200xf32>
    %dot_general3A_21 = arith.constant dense<0.000000e+00> : vector<1x3200xf32>
    %dot_general3A_22 = tpu.matmul %get3A_10, %get3A_1, %dot_general3A_21 {dimension_numbers = #tpu.dot_dimension_numbers<[1], [0], [0], [1], [0, 0, 1, 1], [], []>, transpose_lhs_hint = false} : vector<1x8xf32>, vector<8x3200xf32>, vector<1x3200xf32> -> vector<1x3200xf32>
    %mul3A_23 = arith.constant 2.000000e+00 : f32
    %mul3A_24 = vector.broadcast %mul3A_23 : f32 to vector<1x3200xf32>
    %mul3A_25 = arith.mulf %mul3A_24, %dot_general3A_22 : vector<1x3200xf32>
    %add3A = arith.addf %broadcast_in_dim3A, %mul3A_25 : vector<1x3200xf32>
    %add3A_26 = vector.broadcast %get3A_18 : f32 to vector<1x3200xf32>
    %add3A_27 = arith.addf %add3A, %add3A_26 : vector<1x3200xf32>
    %add3A_28 = arith.constant 9.99999974E-6 : f32
    %add3A_29 = vector.broadcast %add3A_28 : f32 to vector<1x3200xf32>
    %add3A_30 = arith.addf %add3A_27, %add3A_29 : vector<1x3200xf32>
    %rsqrt3A = math.rsqrt %add3A_30 : vector<1x3200xf32>
    %dot_general3A_31 = arith.constant dense<0.000000e+00> : vector<1x3200xf32>
    %dot_general3A_32 = tpu.matmul %get3A_7, %get3A_1, %dot_general3A_31 {dimension_numbers = #tpu.dot_dimension_numbers<[1], [0], [0], [1], [0, 0, 1, 1], [], []>, transpose_lhs_hint = false} : vector<1x8xf32>, vector<8x3200xf32>, vector<1x3200xf32> -> vector<1x3200xf32>
    %add3A_33 = vector.broadcast %get3A_14 : f32 to vector<1x3200xf32>
    %add3A_34 = arith.addf %dot_general3A_32, %add3A_33 : vector<1x3200xf32>
    %mul3A_35 = arith.mulf %add3A_34, %rsqrt3A : vector<1x3200xf32>
    %mul3A_36 = vector.broadcast %rsqrt3A : vector<1x3200xf32> to vector<8x3200xf32>
    %mul3A_37 = arith.mulf %get3A_1, %mul3A_36 : vector<8x3200xf32>
    %broadcast_in_dim3A_38 = arith.constant 1.000000e+00 : f32
    %broadcast_in_dim3A_39 = vector.broadcast %broadcast_in_dim3A_38 : f32 to vector<1x3200xf32>
    %concatenate3A = tpu.concatenate %mul3A_37, %rsqrt3A, %mul3A_35, %broadcast_in_dim3A_39 in 0 : vector<8x3200xf32>, vector<1x3200xf32>, vector<1x3200xf32>, vector<1x3200xf32> -> vector<11x3200xf32>
    %get3A_40 = arith.constant 0 : index
    %get3A_41 = arith.constant 0 : index
    %get3A_42 = vector.load %arg2[%get3A_40, %get3A_41] : memref<3200x128xf32, #tpu.memory_space<vmem>>, vector<3200x128xf32>
    %get3A_43 = arith.constant 0 : index
    %get3A_44 = arith.constant 0 : index
    %get3A_45 = vector.load %arg4[%get3A_43, %get3A_44] : memref<16x128xf32, #tpu.memory_space<vmem>>, vector<11x128xf32>
    %dot_general3A_46 = arith.constant dense<0.000000e+00> : vector<3200x128xf32>
    %dot_general3A_47 = tpu.matmul %concatenate3A, %get3A_45, %dot_general3A_46 {dimension_numbers = #tpu.dot_dimension_numbers<[0], [0], [1], [1], [0, 1, 1, 1], [], []>, transpose_lhs_hint = false} : vector<11x3200xf32>, vector<11x128xf32>, vector<3200x128xf32> -> vector<3200x128xf32>
    %add3A_48 = arith.addf %get3A_42, %dot_general3A_47 : vector<3200x128xf32>
    %broadcast_in_dim3A_49 = arith.constant 7.812500e-03 : f32
    %broadcast_in_dim3A_50 = vector.broadcast %broadcast_in_dim3A_49 : f32 to vector<128x1xf32>
    %dot_general3A_51 = arith.constant dense<0.000000e+00> : vector<3200x1xf32>
    %dot_general3A_52 = tpu.matmul %add3A_48, %broadcast_in_dim3A_50, %dot_general3A_51 {dimension_numbers = #tpu.dot_dimension_numbers<[1], [0], [0], [1], [0, 0, 1, 1], [], []>, transpose_lhs_hint = false} : vector<3200x128xf32>, vector<128x1xf32>, vector<3200x1xf32> -> vector<3200x1xf32>
    %mul3A_53 = arith.mulf %add3A_48, %add3A_48 : vector<3200x128xf32>
    %dot_general3A_54 = arith.constant dense<0.000000e+00> : vector<3200x1xf32>
    %dot_general3A_55 = tpu.matmul %mul3A_53, %broadcast_in_dim3A_50, %dot_general3A_54 {dimension_numbers = #tpu.dot_dimension_numbers<[1], [0], [0], [1], [0, 0, 1, 1], [], []>, transpose_lhs_hint = false} : vector<3200x128xf32>, vector<128x1xf32>, vector<3200x1xf32> -> vector<3200x1xf32>
    %mul3A_56 = arith.mulf %dot_general3A_52, %dot_general3A_52 : vector<3200x1xf32>
    %sub3A = arith.subf %dot_general3A_55, %mul3A_56 : vector<3200x1xf32>
    %add3A_57 = arith.constant 9.99999974E-6 : f32
    %add3A_58 = vector.broadcast %add3A_57 : f32 to vector<3200x1xf32>
    %add3A_59 = arith.addf %sub3A, %add3A_58 : vector<3200x1xf32>
    %rsqrt3A_60 = math.rsqrt %add3A_59 : vector<3200x1xf32>
    %add3A_61 = arith.constant 75 : i32
    %add3A_62 = arith.addi %arg0, %add3A_61 : i32
    %mul3A_63 = arith.constant 3200 : i32
    %mul3A_64 = arith.muli %add3A_62, %mul3A_63 : i32
    %iota3A = tpu.iota {dimensions = array<i32: 0>} : vector<3200x1xi32>
    %add3A_65 = vector.broadcast %mul3A_64 : i32 to vector<3200x1xi32>
    %add3A_66 = arith.addi %add3A_65, %iota3A : vector<3200x1xi32>
    %get3A_67 = arith.constant 0 : index
    %get3A_68 = arith.constant 0 : index
    %get3A_69 = vector.load %arg6[%get3A_67, %get3A_68] : memref<8x16xi32, #tpu.memory_space<vmem>>, vector<1x16xi32>
    %get3A_70 = arith.constant 1 : index
    %get3A_71 = arith.constant 0 : index
    %get3A_72 = vector.load %arg6[%get3A_70, %get3A_71] : memref<8x16xi32, #tpu.memory_space<vmem>>, vector<1x16xi32>
    %ge3A = vector.broadcast %add3A_66 : vector<3200x1xi32> to vector<3200x16xi32>
    %ge3A_73 = vector.broadcast %get3A_69 : vector<1x16xi32> to vector<3200x16xi32>
    %ge3A_74 = arith.cmpi sge, %ge3A, %ge3A_73 : vector<3200x16xi32>
    %lt3A = vector.broadcast %add3A_66 : vector<3200x1xi32> to vector<3200x16xi32>
    %lt3A_75 = vector.broadcast %get3A_72 : vector<1x16xi32> to vector<3200x16xi32>
    %lt3A_76 = arith.cmpi slt, %lt3A, %lt3A_75 : vector<3200x16xi32>
    %and3A = arith.andi %ge3A_74, %lt3A_76 : vector<3200x16xi1>
    %convert_element_type3A = arith.extui %and3A : vector<3200x16xi1> to vector<3200x16xi32>
    %convert_element_type3A_77 = arith.sitofp %convert_element_type3A : vector<3200x16xi32> to vector<3200x16xf32>
    %get3A_78 = arith.constant 0 : index
    %get3A_79 = arith.constant 0 : index
    %get3A_80 = vector.load %arg7[%get3A_78, %get3A_79] : memref<16x256xf32, #tpu.memory_space<vmem>>, vector<16x256xf32>
    %dot_general3A_81 = arith.constant dense<0.000000e+00> : vector<3200x256xf32>
    %dot_general3A_82 = tpu.matmul %convert_element_type3A_77, %get3A_80, %dot_general3A_81 {dimension_numbers = #tpu.dot_dimension_numbers<[1], [0], [0], [1], [0, 0, 1, 1], [], []>, transpose_lhs_hint = false} : vector<3200x16xf32>, vector<16x256xf32>, vector<3200x256xf32> -> vector<3200x256xf32>
    %sub3A_83 = vector.broadcast %dot_general3A_52 : vector<3200x1xf32> to vector<3200x128xf32>
    %sub3A_84 = arith.subf %add3A_48, %sub3A_83 : vector<3200x128xf32>
    %slice3A = vector.extract_strided_slice %dot_general3A_82 {offsets = [0, 0], sizes = [3200, 128], strides = [1, 1]} : vector<3200x256xf32> to vector<3200x128xf32>
    %mul3A_85 = vector.broadcast %rsqrt3A_60 : vector<3200x1xf32> to vector<3200x128xf32>
    %mul3A_86 = arith.mulf %mul3A_85, %slice3A : vector<3200x128xf32>
    %mul3A_87 = arith.mulf %sub3A_84, %mul3A_86 : vector<3200x128xf32>
    %slice3A_88 = vector.extract_strided_slice %dot_general3A_82 {offsets = [0, 128], sizes = [3200, 128], strides = [1, 1]} : vector<3200x256xf32> to vector<3200x128xf32>
    %add3A_89 = arith.addf %mul3A_87, %slice3A_88 : vector<3200x128xf32>
    %max3A = arith.constant 0.000000e+00 : f32
    %max3A_90 = vector.broadcast %max3A : f32 to vector<3200x128xf32>
    %max3A_91 = arith.maximumf %add3A_89, %max3A_90 : vector<3200x128xf32>
    %swap3A = arith.constant 0 : index
    %swap3A_92 = arith.constant 0 : index
    %swap3A_93 = vector.load %arg8[%swap3A, %swap3A_92] : memref<3200x128xf32, #tpu.memory_space<vmem>>, vector<3200x128xf32>
    tpu.vector_store %arg8[%swap3A, %swap3A_92], %max3A_91 {strides = array<i32>} : memref<3200x128xf32, #tpu.memory_space<vmem>>, vector<3200x128xf32>,
    return
  }
  func.func @transform_1(%arg0: i32) -> (i32, i32) {
    %c0_i32 = arith.constant 0 : i32
    %c0_i32_0 = arith.constant 0 : i32
    return %arg0, %c0_i32 : i32, i32
  }
  func.func @transform_2(%arg0: i32) -> (i32, i32) {
    %add3A = arith.constant 75 : i32
    %add3A_0 = arith.addi %arg0, %add3A : i32
    %c0_i32 = arith.constant 0 : i32
    %c0_i32_1 = arith.constant 0 : i32
    return %c0_i32, %add3A_0 : i32, i32
  }
  func.func @transform_3(%arg0: i32) -> (i32, i32) {
    %c0_i32 = arith.constant 0 : i32
    %c0_i32_0 = arith.constant 0 : i32
    %c0_i32_1 = arith.constant 0 : i32
    return %c0_i32, %c0_i32_0 : i32, i32
  }
  func.func @transform_4(%arg0: i32) -> (i32, i32) {
    %c0_i32 = arith.constant 0 : i32
    %c0_i32_0 = arith.constant 0 : i32
    %c0_i32_1 = arith.constant 0 : i32
    return %c0_i32, %c0_i32_0 : i32, i32
  }
  func.func @transform_5(%arg0: i32) -> (i32, i32) {
    %c0_i32 = arith.constant 0 : i32
    %c0_i32_0 = arith.constant 0 : i32
    %c0_i32_1 = arith.constant 0 : i32
    return %c0_i32, %c0_i32_0 : i32, i32
  }
  func.func @transform_6(%arg0: i32) -> (i32, i32) {
    %c0_i32 = arith.constant 0 : i32
    %c0_i32_0 = arith.constant 0 : i32
    %c0_i32_1 = arith.constant 0 : i32
    return %c0_i32, %c0_i32_0 : i32, i32
  }
  func.func @transform_7(%arg0: i32) -> (i32, i32) {
    %add3A = arith.constant 75 : i32
    %add3A_0 = arith.addi %arg0, %add3A : i32
    %c0_i32 = arith.constant 0 : i32
    %c0_i32_1 = arith.constant 0 : i32
    return %add3A_0, %c0_i32 : i32, i32
  }
}

</mosaic_0001>

<sc_bundles>
// kernel: kernel.12.cloned.1.call-start
scs
__scs_entry_jumppad:
0x0: {  	(pc) =	sbr.rel $0x88, $3  }
0x1: {  	(tag) =	ssettag $0x0;
	lr =	simm.s32 $0x1  }
0x2: {  	[smem:$0x3F8C] =	sst lr;
	_ =	strace $0xD0000000  }
0x3: {  	_ = 	snop  }
0x4: {  	_ = 	snop  }
0x5: {  	_ = 	snop  }
0x6: {  	_ = 	snop  }
0x7: {  	_ = 	snop  }
__scs_overlays_trampoline_lowered:
0x8: {  	[smem:$0x3F9B] =	sst s0  }
0x9: {  	[smem:$0x3F9C] =	sst s1  }
0xa: {  	[smem:$0x3F9D] =	sst s2  }
0xb: {  	[smem:$0x3F9E] =	sst s3  }
0xc: {  	[smem:$0x3F9F] =	sst s4  }
0xd: {  	[smem:$0x3FA0] =	sst s5  }
0xe: {  	[smem:$0x3FA1] =	sst s6  }
0xf: {  	[smem:$0x3FA2] =	sst s7  }
0x10: {  	[smem:$0x3FA3] =	sst s8  }
0x11: {  	[smem:$0x3FA4] =	sst s9;
	s0 =	simm.s32 @!p0 $0x0  }
0x12: {  	s1 =	sld [smem:$0x3F8A];
	s0 =	simm.s32 @p0 $0x1  }
0x13: {  	[smem:$0x3FA5] =	sst s0;
	s0 =	simm.s32 @!p1 $0x0  }
0x14: {  	s2 =	sld [smem:$0x3F89];
	s0 =	simm.s32 @p1 $0x1  }
0x15: {  	[smem:$0x3FA6] =	sst s0;
	s0 =	simm.s32 @!p2 $0x0  }
0x16: {  	s3 =	sld [smem:$0x3FDB];
	s0 =	simm.s32 @p2 $0x1  }
0x17: {  	s4 =	simm.s32 $0x1BF5;
	[smem:$0x3FA8] =	sst s0  }
0x18: {  	s0 =	sld [smem:$0x3F8B];
	_ =	swait.ge [sflag:s4], $0x0  }
0x19: {  	s7 =	sld [smem:$0x3F8C]  }
0x1a: {  	s8 =	sadd.s32 $0xFFFFE003, lr  }
0x1b: {  	s9 =	sadd.s32 $0xFFFFFEF7, lr;
	s5 =	simm.s32 $0xFFFFFFFF;
	p2 =	slt.u32 s8, $0xFFFFF086  }
0x1c: {  	p1 =	slt.u32 s9, $0xF7A;
	s5 =	simm.s32 @!p2 $0x0  }
0x1d: {  	s5 =	simm.s32 @p1 $0x1;
	p0 =	seq.s32 s7, s2  }
0x1e: {  	s7 =	smul.u32 @!p0 $0xF7A, s2;
	p2 =	seq.s32 @!p0 s5, $0x0  }
0x1f: {  	s9 =	smul.u32 $0xF7A, s1;
	s8 =	simm.s32 @!p0 $0x1BF5;
	p2 =	por !p2, p0  }
0x20: {  	[sflag:s8] =	ssyncset.s32 @!p0 $0xFFFFF086;
	s6 =	sadd.s32 @!p0 s3, s7;
	s7 =	simm.s32 @!p0 $0x108  }
0x21: {  	s3 =	sadd.s32 s3, s9;
	s6 =	sadd.s32 @!p0 $0x88, s6;
	s7 =	simm.s32 @p2 $0x1082  }
0x22: {  	[simem:s7], [sflag:s8] =	dma.local @!p0 [hbm:s6], $0xF7A  }
0x23: {  	s9 =	sor.u32 $0xD0000000, s2;
	s6 =	simm.s32 $0x108;
	_ =	swait.ge @!p0 [sflag:s8], $0x0  }
0x24: {  	s3 =	sadd.s32 $0x88, s3;
	s6 =	simm.s32 @!p1 $0x1082;
	[sflag:s4] =	ssyncset.s32 $0xFFFFF086  }
0x25: {  	[simem:s6], [sflag:s4] =	dma.local [hbm:s3], $0xF7A  }
0x26: {  	[smem:$0x3F8C] =	sst s1;
	(tag) =	ssettag s2;
	_ =	strace s9  }
0x27: {  	s1 =	sld [smem:$0x3F9C]  }
0x28: {  	s2 =	sld [smem:$0x3F9D]  }
0x29: {  	s4 =	sld [smem:$0x3F9F]  }
0x2a: {  	p0 =	seq.s32 s5, $0x0;
	s5 =	sld [smem:$0x3FA0]  }
0x2b: {  	s6 =	sld [smem:$0x3FA1]  }
0x2c: {  	s7 =	sld [smem:$0x3FA2]  }
0x2d: {  	s3 =	simm.s32 $0x108;
	s8 =	sld [smem:$0x3FA3]  }
0x2e: {  	s3 =	simm.s32 @!p0 $0x1082;
	s9 =	sld [smem:$0x3FA4]  }
0x2f: {  	lr =	sadd.s32 s0, s3;
	s0 =	sld [smem:$0x3F9B]  }
0x30: {  	s3 =	sld [smem:$0x3F9E]  }
0x31: {  	[smem:$0x3FA7] =	sst s10  }
0x32: {  	s10 =	sld [smem:$0x3FA5];
	_ =	sdelay $0x3  }
0x33: {  	p0 =	seq.s32 s10, $0x1;
	s10 =	sld [smem:$0x3FA7];
	_ =	sdelay $0x3  }
0x34: {  	[smem:$0x3FA7] =	sst s10  }
0x35: {  	s10 =	sld [smem:$0x3FA6];
	_ =	sdelay $0x3  }
0x36: {  	p1 =	seq.s32 s10, $0x1;
	s10 =	sld [smem:$0x3FA7];
	_ =	sdelay $0x3  }
0x37: {  	[smem:$0x3FA7] =	sst s10  }
0x38: {  	s10 =	sld [smem:$0x3FA8]  }
0x39: {  	_ = 	snop;
	(pc) =	sbr.ind lr, $3  }
0x3a: {  	_ = 	snop  }
0x3b: {  	_ = 	snop  }
0x3c: {  	p2 =	seq.s32 s10, $0x1;
	s10 =	sld [smem:$0x3FA7]  }
0x3d: {  	_ =	shalt  }
0x3e: {  	_ =	shalt  }
0x3f: {  	_ =	shalt  }
0x40: {  	_ =	shalt  }
0x41: {  	_ =	shalt  }
0x42: {  	_ =	shalt  }
0x43: {  	_ =	shalt  }
0x44: {  	_ =	shalt  }
0x45: {  	_ =	shalt  }
0x46: {  	_ =	shalt  }
0x47: {  	_ =	shalt  }
0x48: {  	_ =	shalt  }
0x49: {  	_ =	shalt  }
0x4a: {  	_ =	shalt  }
0x4b: {  	_ =	shalt  }
0x4c: {  	_ =	shalt  }
0x4d: {  	_ =	shalt  }
0x4e: {  	_ =	shalt  }
0x4f: {  	_ =	shalt  }
0x50: {  	_ =	shalt  }
0x51: {  	_ =	shalt  }
0x52: {  	_ =	shalt  }
0x53: {  	_ =	shalt  }
0x54: {  	_ =	shalt  }
0x55: {  	_ =	shalt  }
0x56: {  	_ =	shalt  }
0x57: {  	_ =	shalt  }
0x58: {  	_ =	shalt  }
0x59: {  	_ =	shalt  }
0x5a: {  	_ =	shalt  }
0x5b: {  	_ =	shalt  }
0x5c: {  	_ =	shalt  }
0x5d: {  	_ =	shalt  }
0x5e: {  	_ =	shalt  }
0x5f: {  	_ =	shalt  }
0x60: {  	_ =	shalt  }
0x61: {  	_ =	shalt  }
0x62: {  	_ =	shalt  }
0x63: {  	_ =	shalt  }
0x64: {  	_ =	shalt  }
0x65: {  	_ =	shalt  }
0x66: {  	_ =	shalt  }
0x67: {  	_ =	shalt  }
0x68: {  	_ =	shalt  }
0x69: {  	_ =	shalt  }
0x6a: {  	_ =	shalt  }
0x6b: {  	_ =	shalt  }
0x6c: {  	_ =	shalt  }
0x6d: {  	_ =	shalt  }
0x6e: {  	_ =	shalt  }
0x6f: {  	_ =	shalt  }
0x70: {  	_ =	shalt  }
0x71: {  	_ =	shalt  }
0x72: {  	_ =	shalt  }
0x73: {  	_ =	shalt  }
0x74: {  	_ =	shalt  }
0x75: {  	_ =	shalt  }
0x76: {  	_ =	shalt  }
0x77: {  	_ =	shalt  }
0x78: {  	_ =	shalt  }
0x79: {  	_ =	shalt  }
0x7a: {  	_ =	shalt  }
0x7b: {  	_ =	shalt  }
0x7c: {  	_ =	shalt  }
0x7d: {  	_ =	shalt  }
0x7e: {  	_ =	shalt  }
0x7f: {  	_ =	shalt  }
0x80: {  	_ =	shalt  }
0x81: {  	_ =	shalt  }
0x82: {  	_ =	shalt  }
0x83: {  	_ =	shalt  }
0x84: {  	_ =	shalt  }
0x85: {  	_ =	shalt  }
0x86: {  	_ =	shalt  }
0x87: {  	_ =	shalt  }
.Lfunc_end0:
.L_simem_size_0:
called_computation_lowered:
.L_overlay_start_0:
0x88: {  	s2 =	sld [smem:$0x3FD9]  }
0x89: {  	s3 =	sld [smem:$0x3FFE];
	_ =	sdelay $0x1  }
0x8a: {  	s1 =	srdreg.scid  }
0x8b: {  	s0 =	sand.u32 $0x1, s1  }
0x8c: {  	s17 =	sshll.u32 s0, $0xA;
	s2 =	sadd.s32 s3, s2  }
0x8d: {  	s2 =	sadd.s32 s2, s17  }
0x8e: {  	[smem:$0x3FB3] =	sst s2  }
0x8f: {  	_ = 	snop  }
0x90: {  	s2 =	sld [smem:$0x3FD0];
	(tm) =	ssettm $0x1  }
0x91: {  	s18 =	sld [smem:$0x3FFB];
	_ =	sdelay $0x3  }
0x92: {  	_ =	strace s18  }
0x93: {  	s3 =	sld [smem:$0x3FFC];
	_ =	sdelay $0x3  }
0x94: {  	_ =	strace s3  }
0x95: {  	s3 =	sld [smem:$0x3FFD];
	_ =	sdelay $0x3  }
0x96: {  	_ =	strace s3  }
0x97: {  	_ =	strace $0x8FFFFFFF  }
0x98: {  	s19 =	sld [smem:$0x3FDB];
	_ =	sdelay $0x1  }
0x99: {  	s4 =	simm.s32 $_scs_section_size  }
0x9a: {  	s5 =	simm.s32 $_size__tile_overlayer_lowered;
	s6 =	simm.s32 $_tile_overlayer_lowered  }
0x9b: {  	s22 =	simm.s32 $0x1BFF;
	s21 =	sshll.u32 s6, $0x1;
	s3 =	sadd.s32 s4, s19  }
0x9c: {  	s7 =	simm.s32 $0x0;
	s20 =	sshll.u32 s5, $0x1;
	s5 =	sadd.s32 s21, s3  }
0x9d: {  	[timem:s7], [sflag:s22] =	dma.local [hbm:s5], s20  }
0x9e: {  	_ =	swait.ge [sflag:s22], s20  }
0x9f: {  	s4 =	ssub.s32 $0x0, s20;
	[sflag:s22] =	ssyncset.done $0x0  }
0xa0: {  	[sflag:s22] =	ssyncadd.s32 s4;
	_ =	sdelay $0x1  }
0xa1: {  	s23 =	simm.s32 $0x1B8B  }
0xa2: {  	_ =	swait.ge [sflag:s23], $0x1  }
0xa3: {  	[sflag:s23] =	ssyncset.done $0x0  }
0xa4: {  	s25 =	simm.s32 $0x1B8E;
	s24 =	sld [smem:$0x3FFE];
	[sflag:s23] =	ssyncadd.s32 $0xFFFFFFFF  }
0xa5: {  	s26 =	simm.s32 $execute0_lowered;
	[smem:$0x3FD2] =	sst s25  }
0xa6: {  	s5 =	sshll.u32 s26, $0x1;
	_ =	strace $0x80000046;
	[dreg:$0x1] =	wrdreg $0xFFFFFFFF  }
0xa7: {  	s28 =	simm.s32 $_size_execute0_lowered;
	s3 =	sadd.s32 s3, s5;
	[dreg:$0x0] =	wrdreg $0x0  }
0xa8: {  	s5 =	sshll.u32 s28, $0x1;
	[dreg:$0x2] =	wrdreg s3  }
0xa9: {  	[dreg:$0x3] =	wrdreg s5  }
0xaa: {  	[dreg:$0x4] =	wrdreg $0xC0  }
0xab: {  	_ =	task [dreg:s7], $0x5FFFF  }
0xac: {  	[dreg:$0x1] =	wrdreg $0xFFFFFFFF  }
0xad: {  	[dreg:$0x0] =	wrdreg $0x60  }
0xae: {  	[dreg:$0x2] =	wrdreg s24  }
0xaf: {  	[dreg:$0x3] =	wrdreg s2  }
0xb0: {  	[dreg:$0x4] =	wrdreg $0x9  }
0xb1: {  	_ =	task.clear_ibuf [dreg:s7], $0x5FFFF;
	_ =	strace $0x90000046  }
0xb2: {  	s29 =	simm.s32 $0x9;
	_ =	strace $0x80000048  }
0xb3: {  	_ =	swait.ge [sflag:s29], $0x1  }
0xb4: {  	[sflag:s29] =	ssyncadd.s32 $0xFFFFFFFF  }
0xb5: {  	_ =	strace $0x90000048  }
0xb6: {  	_ =	sfence  }
0xb7: {  	s30 =	sld [smem:$0x0];
	_ =	sdelay $0x2  }
0xb8: {  	s31 =	sshll.u32 s1, $0xD;
	s1 =	sshrl.u32 s1, $0x2  }
0xb9: {  	s3 =	sand.u32 $0x4000, s31;
	s1 =	sadd.s32 s1, s30  }
0xba: {  	s0 =	sor.u32 s3, s0;
	s1 =	sshll.u32 s1, $0x11  }
0xbb: {  	s0 =	sor.u32 s1, s0  }
0xbc: {  	s0 =	sadd.s32 $0x8F2B, s0  }
0xbd: {  	[sflag:s0] =	ssyncadd.remote.s32 $0x1  }
0xbe: {  	_ =	sfence.sel $0xFFFF  }
0xbf: {  	[dreg:$0x0] =	wrdreg $0xFFFFFFFF;
	(pc) =	sbr.abs _section_cstart, $3  }
0xc0: {  	[dreg:$0x1] =	wrdreg $0xFFFFFFFF  }
0xc1: {  	_ =	task.clear_ibuf [dreg:s7], $0x2FFFF;
	_ =	strace $0x9FFFFFFF  }
0xc2: {  	(tm) =	ssettm $0x7FFFFFFF  }
0xc3: {  	_ =	shalt  }
tec
execute0_lowered:
.L_overlay_start_1:
0x0: {  	(tag) =	ssettag $0x1  }
0x1: {  	s0 =	rddreg [dreg:$0x0]  }
0x2: {  	s1 =	rddreg [dreg:$0x1];
	s3 =	srdreg.scid  }
0x3: {  	s5 =	stileid.u32;
	s2 =	simm.s32 $0x0;
	s14 =	simm.s32 $0x7  }
0x4: {  	s15 =	simm.s32 $0x980;
	s16 =	simm.s32 $0x80;
	s17 =	simm.s32 $0x1300  }
0x5: {  	s18 =	simm.s32 $0x5300;
	s19 =	simm.s32 $0x9300;
	s21 =	simm.s32 $0xD300  }
0x6: {  	s22 =	simm.s32 $0x1;
	s23 =	simm.s32 $0x2;
	s28 =	simm.s32 $0x15300  }
0x7: {  	s29 =	simm.s32 $0x5;
	s30 =	simm.s32 $0x6;
	s4 =	sand.u32 $0x1, s3  }
0x8: {  	s24 =	sshll.u32 s5, $0x1;
	[smem:$0x7FF] =	sst s2;
	s3 =	sadd.s32 $0x4200, s0  }
0x9: {  	s11 =	sadd.s32 $0x1800, s0;
	s5 =	sadd.s32 $0x2B400, s0;
	s10 =	sor.u32 s4, s24  }
0xa: {  	_ =	strace $0x80000047;
	s6 =	ssub.s32 $0x2, s4;
	s8 =	smul.u32 $0x980, s10  }
0xb: {  	s24 =	simm.s32 $0x11300;
	s7 =	sshrl.u32 s6, $0x1;
	s4 =	smul.u32 $0x4C000, s10  }
0xc: {  	s12 =	sshll.u32 s10, $0x7;
	p0 =	sgt.u32 s10, $0x10;
	s25 =	ssub.s32 s6, s7  }
0xd: {  	s12 =	sor.u32 $0x13000, s12;
	s9 =	sshrl.u32 s8, $0x3;
	s26 =	sshrl.u32 s4, $0x3  }
0xe: {  	s8 =	sadd.s32 $0x80, s8;
	s13 =	sshrl.u32 s12, $0x3;
	s12 =	sshll.u32 s12, $0x4  }
.Ltmp0:
0xf: {  	s6 =	sadd.s32 s11, s9;
	s7 =	sadd.s32 s1, s9;
	(pc) =	sbr.rel .LBB2_1-.Ltmp0, $4  }
0x10: {  	s9 =	sadd.s32 s5, s26;
	s11 =	sadd.s32 s11, s13;
	s1 =	sadd.s32 s1, s13  }
0x11: {  	s31 =	sadd.s32 s5, s12;
	s13 =	smax.u32 s25, $0x1;
	[dreg:$0x3] =	wrdreg s11  }
0x12: {  	s25 =	simm.s32 $0x3;
	s26 =	simm.s32 $0x4;
	[dreg:$0x4] =	wrdreg s1  }
0x13: {  	s9 =	sadd.s32 $0x9000, s9;
	[dreg:$0x5] =	wrdreg s31;
	s1 =	simm.s32 $0x0  }
.LBB2_14:
0x14: {  	s1 =	sadd.s32 $0x1, s1  }
0x15: {  	p1 =	sne.s32 s1, s13  }
.Ltmp1:
0x16: {  	_ = 	snop;
	(pc) =	sbr.rel @!p1 .LBB2_15-.Ltmp1, $1  }
0x17: {  	_ =	sdelay $0x3  }
.LBB2_1:
0x18: {  	[tilespmem:s2], [sflag:$0x7] =	stream.linear.gather [hbm4b:s6+s2], $0x980, $0x38;
	[tilespmem:$0x19400] =	vst v63  }
0x19: {  	_ =	swait.ge [sflag:s14], $0x980  }
0x1a: {  	[sflag:s14] =	ssyncset.done $0x0  }
0x1b: {  	[sflag:s14] =	ssyncadd.s32 $0xFFFFF680  }
0x1c: {  	[tilespmem:s15], [sflag:$0x7] =	stream.linear.gather [hbm4b:s7+s2], $0x980, $0x38;
	[tilespmem:$0x19400] =	vst v63  }
0x1d: {  	_ =	swait.ge [sflag:s14], $0x980  }
0x1e: {  	[sflag:s14] =	ssyncset.done $0x0  }
0x1f: {  	[sflag:s14] =	ssyncadd.s32 $0xFFFFF680  }
0x20: {  	[tilespmem:s17], [sflag:$0x1] =	stream.indirect.gather [hbm4b:s3+s16], $0x80, s2, s16, $0xb8;
	[tilespmem:$0x19400] =	vst v63  }
0x21: {  	_ = 	snop  }
0x22: {  	[tilespmem:s18], [sflag:$0x2] =	stream.indirect.gather [hbm4b:s3+s16], $0x80, s15, s16, $0xb8;
	[tilespmem:$0x19400] =	vst v63  }
0x23: {  	_ = 	snop  }
0x24: {  	[tilespmem:s19], [sflag:$0x3] =	stream.indirect.gather [hbm4b:s3+s16], $0x80, s16, s16, $0xb8;
	[tilespmem:$0x19400] =	vst v63  }
0x25: {  	s0 =	simm.s32 $0xA00;
	s20 =	simm.s32 $0x0  }
0x26: {  	[tilespmem:s21], [sflag:$0x4] =	stream.indirect.gather [hbm4b:s3+s16], $0x80, s0, s16, $0xb8;
	[tilespmem:$0x19400] =	vst v63  }
.LBB2_2:
0x27: {  	_ =	swait.ge [sflag:s22], $0x4000  }
0x28: {  	[sflag:s22] =	ssyncset.done $0x0  }
0x29: {  	[sflag:s22] =	ssyncadd.s32 $0xFFFFC000  }
0x2a: {  	_ =	swait.ge [sflag:s23], $0x4000  }
0x2b: {  	p1 =	seq.s32 s20, $0x0;
	[sflag:s23] =	ssyncset.done $0x0  }
0x2c: {  	s0 =	simm.s32 @!p1 $0x5;
	[sflag:s23] =	ssyncadd.s32 $0xFFFFC000  }
0x2d: {  	_ =	swait.ge @!p1 [sflag:s0], $0x4000  }
0x2e: {  	[sflag:s0] =	ssyncset.done @!p1 $0x0  }
0x2f: {  	s11 =	simm.s32 $0x0;
	[sflag:s0] =	ssyncadd.s32 @!p1 $0xFFFFC000  }
0x30: {  	v0 =	vld [tilespmem:s11+$0x1370]  }
0x31: {  	v1 =	vld [tilespmem:s11+$0x5370]  }
0x32: {  	v2 =	vld [tilespmem:s11+$0x1300]  }
0x33: {  	v3 =	vld [tilespmem:s11+$0x5300]  }
0x34: {  	v4 =	vld [tilespmem:s11+$0x1310]  }
0x35: {  	v5 =	vld [tilespmem:s11+$0x5310]  }
0x36: {  	v6 =	vld [tilespmem:s11+$0x1320]  }
0x37: {  	v7 =	vld [tilespmem:s11+$0x1330]  }
0x38: {  	v0 =	vadd.f32 v1, v0;
	v1 =	vld [tilespmem:s11+$0x5320]  }
0x39: {  	v8 =	vld [tilespmem:s11+$0x5330]  }
0x3a: {  	v9 =	vld [tilespmem:s11+$0x5340];
	v2 =	vadd.f32 v3, v2  }
0x3b: {  	[tilespmem:s11+$0x11370] =	vst v0;
	v0 =	vadd.f32 v5, v4;
	v5 =	vld [tilespmem:s11+$0x1340]  }
0x3c: {  	v3 =	vld [tilespmem:s11+$0x5350];
	[tilespmem:s11+$0x11300] =	vst v2  }
0x3d: {  	v2 =	vld [tilespmem:s11+$0x1350];
	[tilespmem:s11+$0x11310] =	vst v0;
	v0 =	vadd.f32 v1, v6  }
0x3e: {  	v4 =	vld [tilespmem:s11+$0x5360];
	v6 =	vadd.f32 v8, v7  }
0x3f: {  	s12 =	simm.s32 $0x80;
	[tilespmem:s11+$0x11320] =	vst v0;
	v0 =	vld [tilespmem:s11+$0x1360]  }
0x40: {  	s10 =	sshll.u32 s20, $0x8;
	s31 =	simm.s32 $0x400;
	v5 =	vadd.f32 v9, v5;
	v1 =	vld [tilespmem:s12+$0x1370];
	[tilespmem:s11+$0x11330] =	vst v6  }
.LBB2_3:
0x41: {  	p2 =	sne.s32 s31, $0xFE00;
	v6 =	vld [tilespmem:s12+$0x5370]  }
0x42: {  	v7 =	vld [tilespmem:s12+$0x1300];
	[tilespmem:s11+$0x11340] =	vst v5;
	v2 =	vadd.f32 v3, v2  }
0x43: {  	v3 =	vld [tilespmem:s12+$0x5300]  }
0x44: {  	v5 =	vld [tilespmem:s12+$0x1310];
	[tilespmem:s11+$0x11350] =	vst v2;
	v0 =	vadd.f32 v4, v0  }
0x45: {  	v2 =	vld [tilespmem:s12+$0x5310]  }
0x46: {  	v4 =	vld [tilespmem:s12+$0x1320];
	v1 =	vadd.f32 v6, v1;
	[tilespmem:s11+$0x11360] =	vst v0;
	s11 =	smov.u32 s12  }
0x47: {  	v0 =	vld [tilespmem:s11+$0x5320]  }
0x48: {  	v3 =	vadd.f32 v3, v7;
	v6 =	vld [tilespmem:s11+$0x1330];
	[tilespmem:s11+$0x11370] =	vst v1  }
0x49: {  	v1 =	vld [tilespmem:s11+$0x5330]  }
0x4a: {  	[tilespmem:s11+$0x11300] =	vst v3;
	v2 =	vadd.f32 v2, v5;
	v5 =	vld [tilespmem:s11+$0x1340]  }
0x4b: {  	v7 =	vld [tilespmem:s11+$0x5340]  }
.Ltmp2:
0x4c: {  	[tilespmem:s11+$0x11310] =	vst v2;
	v0 =	vadd.f32 v0, v4;
	v2 =	vld [tilespmem:s11+$0x1350];
	(pc) =	sbr.rel @p2 .LBB2_3-.Ltmp2, $4  }
0x4d: {  	v3 =	vld [tilespmem:s11+$0x5350]  }
0x4e: {  	[tilespmem:s11+$0x11320] =	vst v0;
	v6 =	vadd.f32 v1, v6;
	v0 =	vld [tilespmem:s11+$0x1360]  }
0x4f: {  	s12 =	sshra.s32 s31, $0x2;
	v4 =	vld [tilespmem:s11+$0x5360]  }
0x50: {  	s31 =	sadd.s32 $0x200, s31;
	v1 =	vld [tilespmem:s12+$0x1370];
	[tilespmem:s11+$0x11330] =	vst v6;
	v5 =	vadd.f32 v7, v5  }
0x51: {  	v6 =	vld [tilespmem:s12+$0x5370]  }
0x52: {  	v7 =	vld [tilespmem:s12+$0x1300];
	[tilespmem:s11+$0x11340] =	vst v5;
	v2 =	vadd.f32 v3, v2  }
0x53: {  	v3 =	vld [tilespmem:s12+$0x5300]  }
0x54: {  	v5 =	vld [tilespmem:s12+$0x1310];
	[tilespmem:s11+$0x11350] =	vst v2;
	v0 =	vadd.f32 v4, v0  }
0x55: {  	v2 =	vld [tilespmem:s12+$0x5310]  }
0x56: {  	v4 =	vld [tilespmem:s12+$0x1320];
	[tilespmem:s11+$0x11360] =	vst v0  }
0x57: {  	v0 =	vadd.f32 v6, v1;
	v1 =	vld [tilespmem:s12+$0x5320]  }
0x58: {  	v6 =	vld [tilespmem:s12+$0x1330]  }
0x59: {  	v3 =	vadd.f32 v3, v7;
	[tilespmem:s12+$0x11370] =	vst v0;
	v0 =	vld [tilespmem:s12+$0x5330]  }
0x5a: {  	v7 =	vld [tilespmem:s12+$0x5360]  }
0x5b: {  	[tilespmem:s12+$0x11300] =	vst v3;
	v2 =	vadd.f32 v2, v5;
	v3 =	vld [tilespmem:s12+$0x1340]  }
0x5c: {  	v5 =	vld [tilespmem:s12+$0x5340]  }
0x5d: {  	[tilespmem:s12+$0x11310] =	vst v2;
	v1 =	vadd.f32 v1, v4;
	v2 =	vld [tilespmem:s12+$0x1350]  }
0x5e: {  	v4 =	vld [tilespmem:s12+$0x5350]  }
0x5f: {  	[tilespmem:s12+$0x11320] =	vst v1;
	v1 =	vld [tilespmem:s12+$0x1360];
	_ =	sdelay $0x1  }
0x60: {  	v0 =	vadd.f32 v0, v6  }
0x61: {  	v3 =	vadd.f32 v5, v3  }
0x62: {  	s0 =	sshll.u32 s20, $0xF;
	[tilespmem:s12+$0x11330] =	vst v0;
	v0 =	vadd.f32 v4, v2  }
0x63: {  	s0 =	sadd.s32 s4, s0;
	[tilespmem:s12+$0x11340] =	vst v3;
	v1 =	vadd.f32 v7, v1  }
0x64: {  	s0 =	sshrl.u32 s0, $0x3;
	[tilespmem:s12+$0x11350] =	vst v0  }
0x65: {  	s0 =	sadd.s32 s5, s0;
	[tilespmem:s12+$0x11360] =	vst v1  }
0x66: {  	[hbm4b:s0+s2] =	stream.linear.scatter [tilespmem:s24], [sflag:$0x5], $0x4000, $0x38;
	[tilespmem:$0x19400] =	vst v63  }
0x67: {  	s11 =	sadd.s32 $0x100, s10  }
0x68: {  	[tilespmem:s17], [sflag:$0x1] =	stream.indirect.gather [hbm4b:s3+s16], $0x80, s11, s16, $0xb8;
	[tilespmem:$0x19400] =	vst v63  }
0x69: {  	s12 =	sadd.s32 $0xA80, s10  }
0x6a: {  	[tilespmem:s18], [sflag:$0x2] =	stream.indirect.gather [hbm4b:s3+s16], $0x80, s12, s16, $0xb8;
	[tilespmem:$0x19400] =	vst v63  }
0x6b: {  	_ =	swait.ge [sflag:s25], $0x4000  }
0x6c: {  	[sflag:s25] =	ssyncset.done $0x0  }
0x6d: {  	[sflag:s25] =	ssyncadd.s32 $0xFFFFC000  }
0x6e: {  	_ =	swait.ge [sflag:s26], $0x4000  }
0x6f: {  	[sflag:s26] =	ssyncset.done $0x0  }
0x70: {  	s0 =	simm.s32 @!p1 $0x6;
	[sflag:s26] =	ssyncadd.s32 $0xFFFFC000  }
0x71: {  	_ =	swait.ge @!p1 [sflag:s0], $0x4000  }
0x72: {  	[sflag:s0] =	ssyncset.done @!p1 $0x0  }
0x73: {  	s12 =	simm.s32 $0x0;
	[sflag:s0] =	ssyncadd.s32 @!p1 $0xFFFFC000  }
0x74: {  	v0 =	vld [tilespmem:s12+$0x9370]  }
0x75: {  	v1 =	vld [tilespmem:s12+$0xD370]  }
0x76: {  	v2 =	vld [tilespmem:s12+$0x9300]  }
0x77: {  	v3 =	vld [tilespmem:s12+$0xD300]  }
0x78: {  	v4 =	vld [tilespmem:s12+$0x9310]  }
0x79: {  	v5 =	vld [tilespmem:s12+$0xD310]  }
0x7a: {  	v6 =	vld [tilespmem:s12+$0x9320]  }
0x7b: {  	v7 =	vld [tilespmem:s12+$0x9330]  }
0x7c: {  	v0 =	vadd.f32 v1, v0;
	v1 =	vld [tilespmem:s12+$0xD320]  }
0x7d: {  	v8 =	vld [tilespmem:s12+$0xD330]  }
0x7e: {  	v9 =	vld [tilespmem:s12+$0xD340];
	v2 =	vadd.f32 v3, v2  }
0x7f: {  	[tilespmem:s12+$0x15370] =	vst v0;
	v0 =	vadd.f32 v5, v4;
	v5 =	vld [tilespmem:s12+$0x9340]  }
0x80: {  	v3 =	vld [tilespmem:s12+$0xD350];
	[tilespmem:s12+$0x15300] =	vst v2  }
0x81: {  	v2 =	vld [tilespmem:s12+$0x9350];
	[tilespmem:s12+$0x15310] =	vst v0;
	v0 =	vadd.f32 v1, v6  }
0x82: {  	v4 =	vld [tilespmem:s12+$0xD360];
	v6 =	vadd.f32 v8, v7  }
0x83: {  	s31 =	simm.s32 $0x80;
	[tilespmem:s12+$0x15320] =	vst v0;
	v0 =	vld [tilespmem:s12+$0x9360]  }
0x84: {  	s11 =	sadd.s32 $0x180, s10;
	s0 =	simm.s32 $0x400;
	v5 =	vadd.f32 v9, v5;
	v1 =	vld [tilespmem:s31+$0x9370];
	[tilespmem:s12+$0x15330] =	vst v6  }
.LBB2_5:
0x85: {  	p1 =	sne.s32 s0, $0xFE00;
	v6 =	vld [tilespmem:s31+$0xD370]  }
0x86: {  	v7 =	vld [tilespmem:s31+$0x9300];
	[tilespmem:s12+$0x15340] =	vst v5;
	v2 =	vadd.f32 v3, v2  }
0x87: {  	v3 =	vld [tilespmem:s31+$0xD300]  }
0x88: {  	v5 =	vld [tilespmem:s31+$0x9310];
	[tilespmem:s12+$0x15350] =	vst v2;
	v0 =	vadd.f32 v4, v0  }
0x89: {  	v2 =	vld [tilespmem:s31+$0xD310]  }
0x8a: {  	v4 =	vld [tilespmem:s31+$0x9320];
	v1 =	vadd.f32 v6, v1;
	[tilespmem:s12+$0x15360] =	vst v0;
	s12 =	smov.u32 s31  }
0x8b: {  	v0 =	vld [tilespmem:s12+$0xD320]  }
0x8c: {  	v3 =	vadd.f32 v3, v7;
	v6 =	vld [tilespmem:s12+$0x9330];
	[tilespmem:s12+$0x15370] =	vst v1  }
0x8d: {  	v1 =	vld [tilespmem:s12+$0xD330]  }
0x8e: {  	[tilespmem:s12+$0x15300] =	vst v3;
	v2 =	vadd.f32 v2, v5;
	v5 =	vld [tilespmem:s12+$0x9340]  }
0x8f: {  	v7 =	vld [tilespmem:s12+$0xD340]  }
.Ltmp3:
0x90: {  	[tilespmem:s12+$0x15310] =	vst v2;
	v0 =	vadd.f32 v0, v4;
	v2 =	vld [tilespmem:s12+$0x9350];
	(pc) =	sbr.rel @p1 .LBB2_5-.Ltmp3, $4  }
0x91: {  	v3 =	vld [tilespmem:s12+$0xD350]  }
0x92: {  	[tilespmem:s12+$0x15320] =	vst v0;
	v6 =	vadd.f32 v1, v6;
	v0 =	vld [tilespmem:s12+$0x9360]  }
0x93: {  	s31 =	sshra.s32 s0, $0x2;
	v4 =	vld [tilespmem:s12+$0xD360]  }
0x94: {  	s0 =	sadd.s32 $0x200, s0;
	v1 =	vld [tilespmem:s31+$0x9370];
	[tilespmem:s12+$0x15330] =	vst v6;
	v5 =	vadd.f32 v7, v5  }
0x95: {  	v6 =	vld [tilespmem:s31+$0xD370]  }
0x96: {  	v7 =	vld [tilespmem:s31+$0x9300];
	[tilespmem:s12+$0x15340] =	vst v5;
	v2 =	vadd.f32 v3, v2  }
0x97: {  	v51 =	vld [tilespmem:s31+$0xD300]  }
0x98: {  	v5 =	vld [tilespmem:s31+$0x9310];
	[tilespmem:s12+$0x15350] =	vst v2;
	v0 =	vadd.f32 v4, v0  }
0x99: {  	v2 =	vld [tilespmem:s31+$0xD310]  }
0x9a: {  	v52 =	vld [tilespmem:s31+$0x9320];
	[tilespmem:s12+$0x15360] =	vst v0  }
0x9b: {  	v54 =	vld [tilespmem:s31+$0xD320]  }
0x9c: {  	v55 =	vld [tilespmem:s31+$0x9330]  }
0x9d: {  	v56 =	vld [tilespmem:s31+$0xD330]  }
0x9e: {  	v57 =	vld [tilespmem:s31+$0x9340]  }
0x9f: {  	v58 =	vld [tilespmem:s31+$0xD340]  }
0xa0: {  	v59 =	vld [tilespmem:s31+$0x9350]  }
0xa1: {  	v53 =	vadd.f32 v6, v1;
	v60 =	vld [tilespmem:s31+$0xD350]  }
0xa2: {  	v61 =	vld [tilespmem:s31+$0x9360];
	v3 =	vadd.f32 v51, v7  }
0xa3: {  	v62 =	vld [tilespmem:s31+$0xD360];
	[tilespmem:s31+$0x15370] =	vst v53;
	v2 =	vadd.f32 v2, v5  }
0xa4: {  	[tilespmem:s31+$0x15300] =	vst v3;
	v1 =	vadd.f32 v54, v52  }
0xa5: {  	[tilespmem:s31+$0x15310] =	vst v2;
	v0 =	vadd.f32 v56, v55  }
0xa6: {  	p1 =	seq.s32 s20, $0x8;
	v3 =	vadd.f32 v58, v57;
	[tilespmem:s31+$0x15320] =	vst v1  }
.Ltmp4:
0xa7: {  	v63 =	vadd.f32 v60, v59;
	[tilespmem:s31+$0x15330] =	vst v0;
	(pc) =	sbr.rel @p1 .LBB2_8-.Ltmp4, $4  }
0xa8: {  	s0 =	sadd.s32 s10, s8;
	[tilespmem:s31+$0x15340] =	vst v3;
	v1 =	vadd.f32 v62, v61  }
0xa9: {  	s0 =	sshll.u32 s0, $0x4;
	[tilespmem:s31+$0x15350] =	vst v63  }
0xaa: {  	s0 =	sadd.s32 s5, s0;
	[tilespmem:s31+$0x15360] =	vst v1  }
0xab: {  	[hbm4b:s0+s2] =	stream.linear.scatter [tilespmem:s28], [sflag:$0x6], $0x4000, $0x38;
	[tilespmem:$0x19400] =	vst v63  }
.Ltmp5:
0xac: {  	(pc) =	sbr.rel .LBB2_2-.Ltmp5, $4  }
0xad: {  	_ = 	snop  }
0xae: {  	[tilespmem:s19], [sflag:$0x3] =	stream.indirect.gather [hbm4b:s3+s16], $0x80, s11, s16, $0xb8;
	[tilespmem:$0x19400] =	vst v63  }
0xaf: {  	s0 =	sadd.s32 $0x980, s11;
	s20 =	sadd.s32 $0x1, s20  }
0xb0: {  	[tilespmem:s21], [sflag:$0x4] =	stream.indirect.gather [hbm4b:s3+s16], $0x80, s0, s16, $0xb8;
	[tilespmem:$0x19400] =	vst v63  }
.LBB2_8:
0xb1: {  	_ =	swait.ge [sflag:s22], $0x4000  }
0xb2: {  	[sflag:s22] =	ssyncset.done $0x0  }
0xb3: {  	[sflag:s22] =	ssyncadd.s32 $0xFFFFC000  }
0xb4: {  	_ =	swait.ge [sflag:s23], $0x4000  }
0xb5: {  	[sflag:s23] =	ssyncset.done $0x0  }
0xb6: {  	[sflag:s23] =	ssyncadd.s32 $0xFFFFC000  }
0xb7: {  	_ =	swait.ge [sflag:s29], $0x4000  }
0xb8: {  	[sflag:s29] =	ssyncset.done $0x0  }
0xb9: {  	s10 =	simm.s32 $0x0;
	[sflag:s29] =	ssyncadd.s32 $0xFFFFC000  }
0xba: {  	v0 =	vld [tilespmem:s10+$0x1370]  }
0xbb: {  	v1 =	vld [tilespmem:s10+$0x5370]  }
0xbc: {  	v2 =	vld [tilespmem:s10+$0x1300]  }
0xbd: {  	v3 =	vld [tilespmem:s10+$0x5300]  }
0xbe: {  	v4 =	vld [tilespmem:s10+$0x1310]  }
0xbf: {  	v5 =	vld [tilespmem:s10+$0x5310]  }
0xc0: {  	v6 =	vld [tilespmem:s10+$0x1320]  }
0xc1: {  	v7 =	vld [tilespmem:s10+$0x1330]  }
0xc2: {  	v0 =	vadd.f32 v1, v0;
	v1 =	vld [tilespmem:s10+$0x5320]  }
0xc3: {  	v8 =	vld [tilespmem:s10+$0x5330]  }
0xc4: {  	v9 =	vld [tilespmem:s10+$0x5340];
	v2 =	vadd.f32 v3, v2  }
0xc5: {  	[tilespmem:s10+$0x11370] =	vst v0;
	v0 =	vadd.f32 v5, v4;
	v5 =	vld [tilespmem:s10+$0x1340]  }
0xc6: {  	v3 =	vld [tilespmem:s10+$0x5350];
	[tilespmem:s10+$0x11300] =	vst v2  }
0xc7: {  	v2 =	vld [tilespmem:s10+$0x1350];
	[tilespmem:s10+$0x11310] =	vst v0;
	v0 =	vadd.f32 v1, v6  }
0xc8: {  	v4 =	vld [tilespmem:s10+$0x5360];
	v6 =	vadd.f32 v8, v7  }
0xc9: {  	s11 =	simm.s32 $0x80;
	[tilespmem:s10+$0x11320] =	vst v0;
	v0 =	vld [tilespmem:s10+$0x1360]  }
0xca: {  	s0 =	simm.s32 $0x400;
	v5 =	vadd.f32 v9, v5;
	v1 =	vld [tilespmem:s11+$0x1370];
	[tilespmem:s10+$0x11330] =	vst v6  }
.LBB2_9:
0xcb: {  	p1 =	sne.s32 s0, $0xFE00;
	v6 =	vld [tilespmem:s11+$0x5370]  }
0xcc: {  	v7 =	vld [tilespmem:s11+$0x1300];
	[tilespmem:s10+$0x11340] =	vst v5;
	v2 =	vadd.f32 v3, v2  }
0xcd: {  	v3 =	vld [tilespmem:s11+$0x5300]  }
0xce: {  	v5 =	vld [tilespmem:s11+$0x1310];
	[tilespmem:s10+$0x11350] =	vst v2;
	v0 =	vadd.f32 v4, v0  }
0xcf: {  	v2 =	vld [tilespmem:s11+$0x5310]  }
0xd0: {  	v4 =	vld [tilespmem:s11+$0x1320];
	v1 =	vadd.f32 v6, v1;
	[tilespmem:s10+$0x11360] =	vst v0;
	s10 =	smov.u32 s11  }
0xd1: {  	v0 =	vld [tilespmem:s10+$0x5320]  }
0xd2: {  	v3 =	vadd.f32 v3, v7;
	v6 =	vld [tilespmem:s10+$0x1330];
	[tilespmem:s10+$0x11370] =	vst v1  }
0xd3: {  	v1 =	vld [tilespmem:s10+$0x5330]  }
0xd4: {  	[tilespmem:s10+$0x11300] =	vst v3;
	v2 =	vadd.f32 v2, v5;
	v5 =	vld [tilespmem:s10+$0x1340]  }
0xd5: {  	v7 =	vld [tilespmem:s10+$0x5340]  }
.Ltmp6:
0xd6: {  	[tilespmem:s10+$0x11310] =	vst v2;
	v0 =	vadd.f32 v0, v4;
	v2 =	vld [tilespmem:s10+$0x1350];
	(pc) =	sbr.rel @p1 .LBB2_9-.Ltmp6, $4  }
0xd7: {  	v3 =	vld [tilespmem:s10+$0x5350]  }
0xd8: {  	[tilespmem:s10+$0x11320] =	vst v0;
	v6 =	vadd.f32 v1, v6;
	v0 =	vld [tilespmem:s10+$0x1360]  }
0xd9: {  	s11 =	sshra.s32 s0, $0x2;
	v4 =	vld [tilespmem:s10+$0x5360]  }
0xda: {  	s0 =	sadd.s32 $0x200, s0;
	v1 =	vld [tilespmem:s11+$0x1370];
	[tilespmem:s10+$0x11330] =	vst v6;
	v5 =	vadd.f32 v7, v5  }
0xdb: {  	v6 =	vld [tilespmem:s11+$0x5370]  }
0xdc: {  	v7 =	vld [tilespmem:s11+$0x1300];
	[tilespmem:s10+$0x11340] =	vst v5;
	v2 =	vadd.f32 v3, v2  }
0xdd: {  	v51 =	vld [tilespmem:s11+$0x5300]  }
0xde: {  	v5 =	vld [tilespmem:s11+$0x1310];
	[tilespmem:s10+$0x11350] =	vst v2;
	v0 =	vadd.f32 v4, v0  }
0xdf: {  	v2 =	vld [tilespmem:s11+$0x5310]  }
0xe0: {  	v52 =	vld [tilespmem:s11+$0x1320];
	[tilespmem:s10+$0x11360] =	vst v0  }
0xe1: {  	v54 =	vld [tilespmem:s11+$0x5320]  }
0xe2: {  	v55 =	vld [tilespmem:s11+$0x1330]  }
0xe3: {  	v56 =	vld [tilespmem:s11+$0x5330]  }
0xe4: {  	v57 =	vld [tilespmem:s11+$0x1340]  }
0xe5: {  	v58 =	vld [tilespmem:s11+$0x5340]  }
0xe6: {  	v59 =	vld [tilespmem:s11+$0x1350]  }
0xe7: {  	v53 =	vadd.f32 v6, v1;
	v60 =	vld [tilespmem:s11+$0x5350]  }
0xe8: {  	v61 =	vld [tilespmem:s11+$0x1360];
	v3 =	vadd.f32 v51, v7  }
0xe9: {  	v62 =	vld [tilespmem:s11+$0x5360];
	[tilespmem:s11+$0x11370] =	vst v53;
	v2 =	vadd.f32 v2, v5  }
0xea: {  	[tilespmem:s11+$0x11300] =	vst v3;
	v1 =	vadd.f32 v54, v52  }
0xeb: {  	[tilespmem:s11+$0x11310] =	vst v2;
	v0 =	vadd.f32 v56, v55  }
0xec: {  	v3 =	vadd.f32 v58, v57;
	[tilespmem:s11+$0x11320] =	vst v1  }
0xed: {  	v63 =	vadd.f32 v60, v59;
	[tilespmem:s11+$0x11330] =	vst v0  }
0xee: {  	[tilespmem:s11+$0x11340] =	vst v3;
	v1 =	vadd.f32 v62, v61  }
0xef: {  	[tilespmem:s11+$0x11350] =	vst v63  }
0xf0: {  	[tilespmem:s11+$0x11360] =	vst v1  }
0xf1: {  	[hbm4b:s9+s2] =	stream.linear.scatter [tilespmem:s24], [sflag:$0x5], $0x4000, $0x38;
	[tilespmem:$0x19400] =	vst v63  }
0xf2: {  	_ =	swait.ge [sflag:s29], $0x4000  }
.Ltmp7:
0xf3: {  	[sflag:s29] =	ssyncset.done $0x0;
	(pc) =	sbr.rel @p0 .LBB2_14-.Ltmp7, $4  }
0xf4: {  	[sflag:s29] =	ssyncadd.s32 $0xFFFFC000  }
0xf5: {  	_ =	swait.ge [sflag:s30], $0x4000  }
0xf6: {  	[sflag:s30] =	ssyncset.done $0x0  }
0xf7: {  	[sflag:s30] =	ssyncadd.s32 $0xFFFFC000  }
0xf8: {  	s0 =	simm.s32 $0x0;
	s10 =	rddreg [dreg:$0x3];
	s11 =	simm.s32 $0x19300  }
0xf9: {  	[tilespmem:s11], [sflag:$0x7] =	stream.linear.gather [hbm4b:s10+s0], $0x80, $0x38;
	[tilespmem:$0x19400] =	vst v63  }
0xfa: {  	_ =	swait.ge [sflag:s14], $0x80  }
0xfb: {  	[sflag:s14] =	ssyncset.done $0x0  }
0xfc: {  	s12 =	simm.s32 $0x19380;
	s31 =	rddreg [dreg:$0x4];
	[sflag:s14] =	ssyncadd.s32 $0xFFFFFF80  }
0xfd: {  	[tilespmem:s12], [sflag:$0x7] =	stream.linear.gather [hbm4b:s31+s0], $0x80, $0x38;
	[tilespmem:$0x19400] =	vst v63  }
0xfe: {  	_ =	swait.ge [sflag:s14], $0x80  }
0xff: {  	[sflag:s14] =	ssyncset.done $0x0  }
0x100: {  	[sflag:s14] =	ssyncadd.s32 $0xFFFFFF80  }
0x101: {  	[tilespmem:s17], [sflag:$0x1] =	stream.indirect.gather [hbm4b:s3+s16], $0x80, s11, s16, $0xb8;
	[tilespmem:$0x19400] =	vst v63  }
0x102: {  	_ = 	snop  }
0x103: {  	[tilespmem:s18], [sflag:$0x2] =	stream.indirect.gather [hbm4b:s3+s16], $0x80, s12, s16, $0xb8;
	[tilespmem:$0x19400] =	vst v63  }
0x104: {  	_ =	swait.ge [sflag:s22], $0x4000  }
0x105: {  	[sflag:s22] =	ssyncset.done $0x0  }
0x106: {  	[sflag:s22] =	ssyncadd.s32 $0xFFFFC000  }
0x107: {  	_ =	swait.ge [sflag:s23], $0x4000  }
0x108: {  	[sflag:s23] =	ssyncset.done $0x0  }
0x109: {  	s10 =	simm.s32 $0x0;
	[sflag:s23] =	ssyncadd.s32 $0xFFFFC000  }
0x10a: {  	v0 =	vld [tilespmem:s10+$0x1370]  }
0x10b: {  	v1 =	vld [tilespmem:s10+$0x5370]  }
0x10c: {  	v2 =	vld [tilespmem:s10+$0x1300]  }
0x10d: {  	v3 =	vld [tilespmem:s10+$0x5300]  }
0x10e: {  	v4 =	vld [tilespmem:s10+$0x1310]  }
0x10f: {  	v5 =	vld [tilespmem:s10+$0x5310]  }
0x110: {  	v6 =	vld [tilespmem:s10+$0x1320]  }
0x111: {  	v7 =	vld [tilespmem:s10+$0x1330]  }
0x112: {  	v0 =	vadd.f32 v1, v0;
	v1 =	vld [tilespmem:s10+$0x5320]  }
0x113: {  	v8 =	vld [tilespmem:s10+$0x5330]  }
0x114: {  	v9 =	vld [tilespmem:s10+$0x5340];
	v2 =	vadd.f32 v3, v2  }
0x115: {  	[tilespmem:s10+$0x11370] =	vst v0;
	v0 =	vadd.f32 v5, v4;
	v5 =	vld [tilespmem:s10+$0x1340]  }
0x116: {  	v3 =	vld [tilespmem:s10+$0x5350];
	[tilespmem:s10+$0x11300] =	vst v2  }
0x117: {  	v2 =	vld [tilespmem:s10+$0x1350];
	[tilespmem:s10+$0x11310] =	vst v0;
	v0 =	vadd.f32 v1, v6  }
0x118: {  	v4 =	vld [tilespmem:s10+$0x5360];
	v6 =	vadd.f32 v8, v7  }
0x119: {  	s11 =	simm.s32 $0x80;
	[tilespmem:s10+$0x11320] =	vst v0;
	v0 =	vld [tilespmem:s10+$0x1360]  }
0x11a: {  	s0 =	simm.s32 $0x400;
	v5 =	vadd.f32 v9, v5;
	v1 =	vld [tilespmem:s11+$0x1370];
	[tilespmem:s10+$0x11330] =	vst v6  }
.LBB2_12:
0x11b: {  	p1 =	sne.s32 s0, $0xFE00;
	v6 =	vld [tilespmem:s11+$0x5370]  }
0x11c: {  	v7 =	vld [tilespmem:s11+$0x1300];
	[tilespmem:s10+$0x11340] =	vst v5;
	v2 =	vadd.f32 v3, v2  }
0x11d: {  	v3 =	vld [tilespmem:s11+$0x5300]  }
0x11e: {  	v5 =	vld [tilespmem:s11+$0x1310];
	[tilespmem:s10+$0x11350] =	vst v2;
	v0 =	vadd.f32 v4, v0  }
0x11f: {  	v2 =	vld [tilespmem:s11+$0x5310]  }
0x120: {  	v4 =	vld [tilespmem:s11+$0x1320];
	v1 =	vadd.f32 v6, v1;
	[tilespmem:s10+$0x11360] =	vst v0;
	s10 =	smov.u32 s11  }
0x121: {  	v0 =	vld [tilespmem:s10+$0x5320]  }
0x122: {  	v3 =	vadd.f32 v3, v7;
	v6 =	vld [tilespmem:s10+$0x1330];
	[tilespmem:s10+$0x11370] =	vst v1  }
0x123: {  	v1 =	vld [tilespmem:s10+$0x5330]  }
0x124: {  	[tilespmem:s10+$0x11300] =	vst v3;
	v2 =	vadd.f32 v2, v5;
	v5 =	vld [tilespmem:s10+$0x1340]  }
0x125: {  	v7 =	vld [tilespmem:s10+$0x5340]  }
.Ltmp8:
0x126: {  	[tilespmem:s10+$0x11310] =	vst v2;
	v0 =	vadd.f32 v0, v4;
	v2 =	vld [tilespmem:s10+$0x1350];
	(pc) =	sbr.rel @p1 .LBB2_12-.Ltmp8, $4  }
0x127: {  	v3 =	vld [tilespmem:s10+$0x5350]  }
0x128: {  	[tilespmem:s10+$0x11320] =	vst v0;
	v6 =	vadd.f32 v1, v6;
	v0 =	vld [tilespmem:s10+$0x1360]  }
0x129: {  	s11 =	sshra.s32 s0, $0x2;
	v4 =	vld [tilespmem:s10+$0x5360]  }
0x12a: {  	s0 =	sadd.s32 $0x200, s0;
	v1 =	vld [tilespmem:s11+$0x1370];
	[tilespmem:s10+$0x11330] =	vst v6;
	v5 =	vadd.f32 v7, v5  }
0x12b: {  	v6 =	vld [tilespmem:s11+$0x5370]  }
0x12c: {  	v7 =	vld [tilespmem:s11+$0x1300];
	[tilespmem:s10+$0x11340] =	vst v5;
	v2 =	vadd.f32 v3, v2  }
0x12d: {  	v51 =	vld [tilespmem:s11+$0x5300]  }
0x12e: {  	v5 =	vld [tilespmem:s11+$0x1310];
	[tilespmem:s10+$0x11350] =	vst v2;
	v0 =	vadd.f32 v4, v0  }
0x12f: {  	v2 =	vld [tilespmem:s11+$0x5310]  }
0x130: {  	v52 =	vld [tilespmem:s11+$0x1320];
	[tilespmem:s10+$0x11360] =	vst v0  }
0x131: {  	v54 =	vld [tilespmem:s11+$0x5320]  }
0x132: {  	v55 =	vld [tilespmem:s11+$0x1330]  }
0x133: {  	v56 =	vld [tilespmem:s11+$0x5330]  }
0x134: {  	v57 =	vld [tilespmem:s11+$0x1340]  }
0x135: {  	v58 =	vld [tilespmem:s11+$0x5340]  }
0x136: {  	v59 =	vld [tilespmem:s11+$0x1350]  }
0x137: {  	v53 =	vadd.f32 v6, v1;
	v60 =	vld [tilespmem:s11+$0x5350]  }
0x138: {  	v61 =	vld [tilespmem:s11+$0x1360];
	v3 =	vadd.f32 v51, v7  }
0x139: {  	v62 =	vld [tilespmem:s11+$0x5360];
	[tilespmem:s11+$0x11370] =	vst v53;
	v2 =	vadd.f32 v2, v5  }
0x13a: {  	[tilespmem:s11+$0x11300] =	vst v3;
	v1 =	vadd.f32 v54, v52  }
0x13b: {  	[tilespmem:s11+$0x11310] =	vst v2;
	v0 =	vadd.f32 v56, v55  }
0x13c: {  	v3 =	vadd.f32 v58, v57;
	[tilespmem:s11+$0x11320] =	vst v1  }
0x13d: {  	v63 =	vadd.f32 v60, v59;
	[tilespmem:s11+$0x11330] =	vst v0  }
0x13e: {  	[tilespmem:s11+$0x11340] =	vst v3;
	v1 =	vadd.f32 v62, v61  }
0x13f: {  	[tilespmem:s11+$0x11350] =	vst v63  }
.Ltmp9:
0x140: {  	s0 =	rddreg [dreg:$0x5];
	[tilespmem:s11+$0x11360] =	vst v1;
	(pc) =	sbr.rel .LBB2_14-.Ltmp9, $4  }
0x141: {  	[hbm4b:s0+s2] =	stream.linear.scatter [tilespmem:s24], [sflag:$0x7], $0x4000, $0x38;
	[tilespmem:$0x19400] =	vst v63  }
0x142: {  	_ =	swait.ge [sflag:s14], $0x4000  }
0x143: {  	[sflag:s14] =	ssyncset.done $0x0  }
0x144: {  	[sflag:s14] =	ssyncadd.s32 $0xFFFFC000  }
.LBB2_15:
0x145: {  	_ =	sfence.sel $0x180000  }
0x146: {  	[bflag:$0x0] =	sbarrier.arrive $0xFFFF  }
0x147: {  	_ =	strace $0x90000047  }
0x148: {  	s0 =	stileid.u32;
	[bflag:$0x2] =	sbarrier.arrive $0xFFFF  }
0x149: {  	p0 =	sne.s32 s0, $0x0;
	s0 =	rddreg [dreg:$0x2]  }
0x14a: {  	s0 =	sadd.s32 @!p0 $0x100000, s0  }
0x14b: {  	[sflag:s0] =	ssyncadd.tile.s32 @!p0 $0x1;
	_ =	shalt  }
.Lfunc_end2:
_tile_overlayer_lowered:
.L_overlay_start_2:
0x14c: {  	(tag) =	ssettag $0x2  }
0x14d: {  	s0 =	rddreg [dreg:$0x0];
	s2 =	stileid.u32  }
0x14e: {  	s1 =	rddreg [dreg:$0x1];
	p0 =	sne.s32 s2, $0x0  }
0x14f: {  	s3 =	rddreg [dreg:$0x2];
	[bflag:$0x3] =	sbarrier.arrive $0xFFFF;
	s2 =	simm.s32 @!p0 $0x1C07  }
0x150: {  	[timem:s3], [sflag:s2] =	dma.local @!p0 [hbm:s0], s1  }
0x151: {  	s0 =	simm.s32 @!p0 $0x7  }
0x152: {  	_ =	swait.ge @!p0 [sflag:s0], s1  }
0x153: {  	s1 =	ssub.s32 @!p0 $0x0, s1;
	[sflag:s0] =	ssyncset.done @!p0 $0x0  }
0x154: {  	[sflag:s0] =	ssyncadd.s32 @!p0 s1  }
0x155: {  	[bflag:$0x3] =	sbarrier.arrive $0xFFFF  }
0x156: {  	_ =	shalt  }

// kernel: kernel.15.cloned.1.call-start
scs
__scs_entry_jumppad:
0x0: {  	(pc) =	sbr.rel $0x88, $3  }
0x1: {  	(tag) =	ssettag $0x0;
	lr =	simm.s32 $0x1  }
0x2: {  	[smem:$0x3F8C] =	sst lr;
	_ =	strace $0xD0000000  }
0x3: {  	_ = 	snop  }
0x4: {  	_ = 	snop  }
0x5: {  	_ = 	snop  }
0x6: {  	_ = 	snop  }
0x7: {  	_ = 	snop  }
__scs_overlays_trampoline_lowered:
0x8: {  	[smem:$0x3F9B] =	sst s0  }
0x9: {  	[smem:$0x3F9C] =	sst s1  }
0xa: {  	[smem:$0x3F9D] =	sst s2  }
0xb: {  	[smem:$0x3F9E] =	sst s3  }
0xc: {  	[smem:$0x3F9F] =	sst s4  }
0xd: {  	[smem:$0x3FA0] =	sst s5  }
0xe: {  	[smem:$0x3FA1] =	sst s6  }
0xf: {  	[smem:$0x3FA2] =	sst s7  }
0x10: {  	[smem:$0x3FA3] =	sst s8  }
0x11: {  	[smem:$0x3FA4] =	sst s9;
	s0 =	simm.s32 @!p0 $0x0  }
0x12: {  	s1 =	sld [smem:$0x3F8A];
	s0 =	simm.s32 @p0 $0x1  }
0x13: {  	[smem:$0x3FA5] =	sst s0;
	s0 =	simm.s32 @!p1 $0x0  }
0x14: {  	s2 =	sld [smem:$0x3F89];
	s0 =	simm.s32 @p1 $0x1  }
0x15: {  	[smem:$0x3FA6] =	sst s0;
	s0 =	simm.s32 @!p2 $0x0  }
0x16: {  	s3 =	sld [smem:$0x3FDB];
	s0 =	simm.s32 @p2 $0x1  }
0x17: {  	s4 =	simm.s32 $0x1BF5;
	[smem:$0x3FA8] =	sst s0  }
0x18: {  	s0 =	sld [smem:$0x3F8B];
	_ =	swait.ge [sflag:s4], $0x0  }
0x19: {  	s7 =	sld [smem:$0x3F8C]  }
0x1a: {  	s8 =	sadd.s32 $0xFFFFE003, lr  }
0x1b: {  	s9 =	sadd.s32 $0xFFFFFEF7, lr;
	s5 =	simm.s32 $0xFFFFFFFF;
	p2 =	slt.u32 s8, $0xFFFFF086  }
0x1c: {  	p1 =	slt.u32 s9, $0xF7A;
	s5 =	simm.s32 @!p2 $0x0  }
0x1d: {  	s5 =	simm.s32 @p1 $0x1;
	p0 =	seq.s32 s7, s2  }
0x1e: {  	s7 =	smul.u32 @!p0 $0xF7A, s2;
	p2 =	seq.s32 @!p0 s5, $0x0  }
0x1f: {  	s9 =	smul.u32 $0xF7A, s1;
	s8 =	simm.s32 @!p0 $0x1BF5;
	p2 =	por !p2, p0  }
0x20: {  	[sflag:s8] =	ssyncset.s32 @!p0 $0xFFFFF086;
	s6 =	sadd.s32 @!p0 s3, s7;
	s7 =	simm.s32 @!p0 $0x108  }
0x21: {  	s3 =	sadd.s32 s3, s9;
	s6 =	sadd.s32 @!p0 $0x88, s6;
	s7 =	simm.s32 @p2 $0x1082  }
0x22: {  	[simem:s7], [sflag:s8] =	dma.local @!p0 [hbm:s6], $0xF7A  }
0x23: {  	s9 =	sor.u32 $0xD0000000, s2;
	s6 =	simm.s32 $0x108;
	_ =	swait.ge @!p0 [sflag:s8], $0x0  }
0x24: {  	s3 =	sadd.s32 $0x88, s3;
	s6 =	simm.s32 @!p1 $0x1082;
	[sflag:s4] =	ssyncset.s32 $0xFFFFF086  }
0x25: {  	[simem:s6], [sflag:s4] =	dma.local [hbm:s3], $0xF7A  }
0x26: {  	[smem:$0x3F8C] =	sst s1;
	(tag) =	ssettag s2;
	_ =	strace s9  }
0x27: {  	s1 =	sld [smem:$0x3F9C]  }
0x28: {  	s2 =	sld [smem:$0x3F9D]  }
0x29: {  	s4 =	sld [smem:$0x3F9F]  }
0x2a: {  	p0 =	seq.s32 s5, $0x0;
	s5 =	sld [smem:$0x3FA0]  }
0x2b: {  	s6 =	sld [smem:$0x3FA1]  }
0x2c: {  	s7 =	sld [smem:$0x3FA2]  }
0x2d: {  	s3 =	simm.s32 $0x108;
	s8 =	sld [smem:$0x3FA3]  }
0x2e: {  	s3 =	simm.s32 @!p0 $0x1082;
	s9 =	sld [smem:$0x3FA4]  }
0x2f: {  	lr =	sadd.s32 s0, s3;
	s0 =	sld [smem:$0x3F9B]  }
0x30: {  	s3 =	sld [smem:$0x3F9E]  }
0x31: {  	[smem:$0x3FA7] =	sst s10  }
0x32: {  	s10 =	sld [smem:$0x3FA5];
	_ =	sdelay $0x3  }
0x33: {  	p0 =	seq.s32 s10, $0x1;
	s10 =	sld [smem:$0x3FA7];
	_ =	sdelay $0x3  }
0x34: {  	[smem:$0x3FA7] =	sst s10  }
0x35: {  	s10 =	sld [smem:$0x3FA6];
	_ =	sdelay $0x3  }
0x36: {  	p1 =	seq.s32 s10, $0x1;
	s10 =	sld [smem:$0x3FA7];
	_ =	sdelay $0x3  }
0x37: {  	[smem:$0x3FA7] =	sst s10  }
0x38: {  	s10 =	sld [smem:$0x3FA8]  }
0x39: {  	_ = 	snop;
	(pc) =	sbr.ind lr, $3  }
0x3a: {  	_ = 	snop  }
0x3b: {  	_ = 	snop  }
0x3c: {  	p2 =	seq.s32 s10, $0x1;
	s10 =	sld [smem:$0x3FA7]  }
0x3d: {  	_ =	shalt  }
0x3e: {  	_ =	shalt  }
0x3f: {  	_ =	shalt  }
0x40: {  	_ =	shalt  }
0x41: {  	_ =	shalt  }
0x42: {  	_ =	shalt  }
0x43: {  	_ =	shalt  }
0x44: {  	_ =	shalt  }
0x45: {  	_ =	shalt  }
0x46: {  	_ =	shalt  }
0x47: {  	_ =	shalt  }
0x48: {  	_ =	shalt  }
0x49: {  	_ =	shalt  }
0x4a: {  	_ =	shalt  }
0x4b: {  	_ =	shalt  }
0x4c: {  	_ =	shalt  }
0x4d: {  	_ =	shalt  }
0x4e: {  	_ =	shalt  }
0x4f: {  	_ =	shalt  }
0x50: {  	_ =	shalt  }
0x51: {  	_ =	shalt  }
0x52: {  	_ =	shalt  }
0x53: {  	_ =	shalt  }
0x54: {  	_ =	shalt  }
0x55: {  	_ =	shalt  }
0x56: {  	_ =	shalt  }
0x57: {  	_ =	shalt  }
0x58: {  	_ =	shalt  }
0x59: {  	_ =	shalt  }
0x5a: {  	_ =	shalt  }
0x5b: {  	_ =	shalt  }
0x5c: {  	_ =	shalt  }
0x5d: {  	_ =	shalt  }
0x5e: {  	_ =	shalt  }
0x5f: {  	_ =	shalt  }
0x60: {  	_ =	shalt  }
0x61: {  	_ =	shalt  }
0x62: {  	_ =	shalt  }
0x63: {  	_ =	shalt  }
0x64: {  	_ =	shalt  }
0x65: {  	_ =	shalt  }
0x66: {  	_ =	shalt  }
0x67: {  	_ =	shalt  }
0x68: {  	_ =	shalt  }
0x69: {  	_ =	shalt  }
0x6a: {  	_ =	shalt  }
0x6b: {  	_ =	shalt  }
0x6c: {  	_ =	shalt  }
0x6d: {  	_ =	shalt  }
0x6e: {  	_ =	shalt  }
0x6f: {  	_ =	shalt  }
0x70: {  	_ =	shalt  }
0x71: {  	_ =	shalt  }
0x72: {  	_ =	shalt  }
0x73: {  	_ =	shalt  }
0x74: {  	_ =	shalt  }
0x75: {  	_ =	shalt  }
0x76: {  	_ =	shalt  }
0x77: {  	_ =	shalt  }
0x78: {  	_ =	shalt  }
0x79: {  	_ =	shalt  }
0x7a: {  	_ =	shalt  }
0x7b: {  	_ =	shalt  }
0x7c: {  	_ =	shalt  }
0x7d: {  	_ =	shalt  }
0x7e: {  	_ =	shalt  }
0x7f: {  	_ =	shalt  }
0x80: {  	_ =	shalt  }
0x81: {  	_ =	shalt  }
0x82: {  	_ =	shalt  }
0x83: {  	_ =	shalt  }
0x84: {  	_ =	shalt  }
0x85: {  	_ =	shalt  }
0x86: {  	_ =	shalt  }
0x87: {  	_ =	shalt  }
.Lfunc_end0:
.L_simem_size_0:
called_computation.1_lowered:
.L_overlay_start_0:
0x88: {  	s2 =	sld [smem:$0x3FD9]  }
0x89: {  	s3 =	sld [smem:$0x3FFE];
	_ =	sdelay $0x1  }
0x8a: {  	s1 =	srdreg.scid  }
0x8b: {  	s0 =	sand.u32 $0x1, s1  }
0x8c: {  	s17 =	sshll.u32 s0, $0xA;
	s2 =	sadd.s32 s3, s2  }
0x8d: {  	s2 =	sadd.s32 s2, s17  }
0x8e: {  	[smem:$0x3FB3] =	sst s2  }
0x8f: {  	_ = 	snop  }
0x90: {  	(tm) =	ssettm $0x1  }
0x91: {  	s18 =	sld [smem:$0x3FFB];
	_ =	sdelay $0x3  }
0x92: {  	_ =	strace s18  }
0x93: {  	s2 =	sld [smem:$0x3FFC];
	_ =	sdelay $0x3  }
0x94: {  	_ =	strace s2  }
0x95: {  	s2 =	sld [smem:$0x3FFD];
	_ =	sdelay $0x3  }
0x96: {  	_ =	strace s2  }
0x97: {  	_ =	strace $0x8FFFFFFF  }
0x98: {  	s19 =	sld [smem:$0x3FDB];
	_ =	sdelay $0x1  }
0x99: {  	s20 =	simm.s32 $_scs_section_size  }
0x9a: {  	s4 =	simm.s32 $_size__tile_overlayer_lowered;
	s5 =	simm.s32 $_tile_overlayer_lowered  }
0x9b: {  	s6 =	simm.s32 $0x1BFF;
	s21 =	sshll.u32 s5, $0x1;
	s3 =	sadd.s32 s20, s19  }
0x9c: {  	s22 =	simm.s32 $0x0;
	s4 =	sshll.u32 s4, $0x1;
	s5 =	sadd.s32 s21, s3  }
0x9d: {  	[timem:s22], [sflag:s6] =	dma.local [hbm:s5], s4  }
0x9e: {  	_ =	swait.ge [sflag:s6], s4  }
0x9f: {  	s4 =	ssub.s32 $0x0, s4;
	[sflag:s6] =	ssyncset.done $0x0  }
0xa0: {  	[sflag:s6] =	ssyncadd.s32 s4;
	_ =	sdelay $0x1  }
0xa1: {  	s23 =	simm.s32 $0x1B8B  }
0xa2: {  	_ =	swait.ge [sflag:s23], $0x1  }
0xa3: {  	[sflag:s23] =	ssyncset.done $0x0  }
0xa4: {  	[sflag:s23] =	ssyncadd.s32 $0xFFFFFFFF  }
0xa5: {  	s4 =	sld [smem:$0x0]  }
0xa6: {  	s5 =	sand.u32 $0xFFFFFFFE, s1  }
0xa7: {  	p0 =	sne.s32 s1, s5  }
0xa8: {  	s5 =	sshll.u32 @p0 s5, $0xE  }
0xa9: {  	s5 =	sadd.s32 @p0 $0x11B8D, s5;
	s6 =	sshll.u32 @p0 s4, $0x11  }
0xaa: {  	s5 =	sor.u32 @p0 s6, s5  }
0xab: {  	[sflag:s5] =	ssyncadd.remote.s32 @p0 $0x1;
	_ =	sdelay $0x1  }
0xac: {  	s5 =	simm.s32 @p0 $0x1B8D  }
0xad: {  	_ =	swait.eq @p0 [sflag:s5], $0x1  }
0xae: {  	[sflag:s5] =	ssyncadd.s32 @p0 $0xFFFFFFFF  }
0xaf: {  	s6 =	sshll.u32 @!p0 s1, $0xE  }
0xb0: {  	s6 =	sor.u32 @!p0 $0x4000, s6;
	s5 =	simm.s32 @!p0 $0x1B8D  }
0xb1: {  	s4 =	sshll.u32 @!p0 s4, $0x11;
	s6 =	sadd.s32 @!p0 $0x11B8D, s6;
	_ =	swait.eq @!p0 [sflag:s5], $0x1  }
0xb2: {  	s4 =	sor.u32 @!p0 s4, s6;
	[sflag:s5] =	ssyncadd.s32 @!p0 $0xFFFFFFFF  }
0xb3: {  	s25 =	simm.s32 $0x1B8E;
	s24 =	sld [smem:$0x3FFE];
	[sflag:s4] =	ssyncadd.remote.s32 @!p0 $0x1  }
0xb4: {  	s26 =	simm.s32 $execute0_lowered;
	[smem:$0x3FD2] =	sst s25  }
0xb5: {  	s5 =	sshll.u32 s26, $0x1;
	_ =	strace $0x80000049;
	[dreg:$0x1] =	wrdreg $0xFFFFFFFF  }
0xb6: {  	s28 =	simm.s32 $_size_execute0_lowered;
	s3 =	sadd.s32 s3, s5;
	[dreg:$0x0] =	wrdreg $0x0  }
0xb7: {  	s5 =	sshll.u32 s28, $0x1;
	[dreg:$0x2] =	wrdreg s3  }
0xb8: {  	[dreg:$0x3] =	wrdreg s5  }
0xb9: {  	[dreg:$0x4] =	wrdreg $0xC0  }
0xba: {  	_ =	task [dreg:s22], $0x5FFFF  }
0xbb: {  	[dreg:$0x1] =	wrdreg $0xFFFFFFFF  }
0xbc: {  	[dreg:$0x0] =	wrdreg $0x60  }
0xbd: {  	[dreg:$0x2] =	wrdreg s24  }
0xbe: {  	[dreg:$0x3] =	wrdreg $0xA  }
0xbf: {  	_ =	task.clear_ibuf [dreg:s22], $0x4FFFF;
	_ =	strace $0x90000049  }
0xc0: {  	s29 =	simm.s32 $0xA;
	_ =	strace $0x8000004B  }
0xc1: {  	_ =	swait.ge [sflag:s29], $0x1  }
0xc2: {  	[sflag:s29] =	ssyncadd.s32 $0xFFFFFFFF  }
0xc3: {  	_ =	strace $0x9000004B  }
0xc4: {  	_ =	sfence  }
0xc5: {  	s30 =	sld [smem:$0x0];
	_ =	sdelay $0x2  }
0xc6: {  	s31 =	sshll.u32 s1, $0xD;
	s1 =	sshrl.u32 s1, $0x2  }
0xc7: {  	s4 =	sand.u32 $0x4000, s31;
	s1 =	sadd.s32 s1, s30  }
0xc8: {  	s0 =	sor.u32 s4, s0;
	s1 =	sshll.u32 s1, $0x11  }
0xc9: {  	s0 =	sor.u32 s1, s0  }
0xca: {  	s0 =	sadd.s32 $0x8F2B, s0  }
0xcb: {  	[sflag:s0] =	ssyncadd.remote.s32 $0x1  }
0xcc: {  	_ =	sfence.sel $0xFFFF  }
0xcd: {  	[dreg:$0x0] =	wrdreg $0xFFFFFFFF;
	(pc) =	sbr.abs _section_cstart, $3  }
0xce: {  	[dreg:$0x1] =	wrdreg $0xFFFFFFFF  }
0xcf: {  	_ =	task.clear_ibuf [dreg:s22], $0x2FFFF;
	_ =	strace $0x9FFFFFFF  }
0xd0: {  	(tm) =	ssettm $0x7FFFFFFF  }
0xd1: {  	_ =	shalt  }
tec
execute0_lowered:
.L_overlay_start_1:
0x0: {  	(tag) =	ssettag $0x1  }
0x1: {  	s0 =	rddreg [dreg:$0x0]  }
0x2: {  	s1 =	srdreg.scid;
	s3 =	stileid.u32  }
0x3: {  	s2 =	simm.s32 $0x0;
	s14 =	simm.s32 $0x7;
	s15 =	simm.s32 $0x980  }
0x4: {  	s16 =	simm.s32 $0x80;
	s17 =	simm.s32 $0x1300;
	s18 =	simm.s32 $0x5300  }
0x5: {  	s19 =	simm.s32 $0x9300;
	s21 =	simm.s32 $0xD300;
	s22 =	simm.s32 $0x1  }
0x6: {  	s23 =	simm.s32 $0x2;
	s28 =	simm.s32 $0x15300;
	s29 =	simm.s32 $0x5  }
0x7: {  	s30 =	simm.s32 $0x6;
	s1 =	sand.u32 $0x1, s1;
	[smem:$0x7FF] =	sst s2  }
0x8: {  	s3 =	sshll.u32 s3, $0x1;
	s11 =	sadd.s32 $0x166400, s0;
	s12 =	sadd.s32 $0x163C00, s0  }
0x9: {  	s5 =	sadd.s32 $0x172C00, s0;
	s10 =	sor.u32 s1, s3;
	_ =	strace $0x8000004A  }
0xa: {  	s3 =	sadd.s32 $0x4200, s0;
	s1 =	ssub.s32 $0x2, s1;
	s8 =	smul.u32 $0x980, s10  }
0xb: {  	s6 =	sshrl.u32 s1, $0x1;
	s4 =	smul.u32 $0x4C000, s10;
	s9 =	sshll.u32 s10, $0x7  }
0xc: {  	p0 =	sgt.u32 s10, $0x10;
	s24 =	ssub.s32 s1, s6;
	s13 =	sor.u32 $0x13000, s9  }
0xd: {  	s7 =	sshrl.u32 s8, $0x3;
	s25 =	sshrl.u32 s4, $0x3;
	s8 =	sadd.s32 $0x80, s8  }
0xe: {  	s26 =	sshrl.u32 s13, $0x3;
	s13 =	sshll.u32 s13, $0x4;
	s6 =	sadd.s32 s11, s7  }
.Ltmp0:
0xf: {  	s7 =	sadd.s32 s12, s7;
	s1 =	sadd.s32 s5, s25;
	(pc) =	sbr.rel .LBB2_1-.Ltmp0, $4  }
0x10: {  	s11 =	sadd.s32 s11, s26;
	s31 =	sadd.s32 s5, s13;
	s13 =	smax.u32 s24, $0x1  }
0x11: {  	s24 =	simm.s32 $0x11300;
	s25 =	simm.s32 $0x3;
	[dreg:$0x2] =	wrdreg s11  }
0x12: {  	s9 =	sadd.s32 $0x9000, s1;
	s1 =	sadd.s32 s12, s26;
	[dreg:$0x4] =	wrdreg s31  }
0x13: {  	s26 =	simm.s32 $0x4;
	[dreg:$0x3] =	wrdreg s1;
	s1 =	simm.s32 $0x0  }
.LBB2_14:
0x14: {  	s1 =	sadd.s32 $0x1, s1  }
0x15: {  	p1 =	sne.s32 s1, s13  }
.Ltmp1:
0x16: {  	_ = 	snop;
	(pc) =	sbr.rel @!p1 .LBB2_15-.Ltmp1, $1  }
0x17: {  	_ =	sdelay $0x3  }
.LBB2_1:
0x18: {  	[tilespmem:s2], [sflag:$0x7] =	stream.linear.gather [hbm4b:s6+s2], $0x980, $0x38;
	[tilespmem:$0x19400] =	vst v63  }
0x19: {  	_ =	swait.ge [sflag:s14], $0x980  }
0x1a: {  	[sflag:s14] =	ssyncset.done $0x0  }
0x1b: {  	[sflag:s14] =	ssyncadd.s32 $0xFFFFF680  }
0x1c: {  	[tilespmem:s15], [sflag:$0x7] =	stream.linear.gather [hbm4b:s7+s2], $0x980, $0x38;
	[tilespmem:$0x19400] =	vst v63  }
0x1d: {  	_ =	swait.ge [sflag:s14], $0x980  }
0x1e: {  	[sflag:s14] =	ssyncset.done $0x0  }
0x1f: {  	[sflag:s14] =	ssyncadd.s32 $0xFFFFF680  }
0x20: {  	[tilespmem:s17], [sflag:$0x1] =	stream.indirect.gather [hbm4b:s3+s16], $0x80, s2, s16, $0xb8;
	[tilespmem:$0x19400] =	vst v63  }
0x21: {  	_ = 	snop  }
0x22: {  	[tilespmem:s18], [sflag:$0x2] =	stream.indirect.gather [hbm4b:s3+s16], $0x80, s15, s16, $0xb8;
	[tilespmem:$0x19400] =	vst v63  }
0x23: {  	_ = 	snop  }
0x24: {  	[tilespmem:s19], [sflag:$0x3] =	stream.indirect.gather [hbm4b:s3+s16], $0x80, s16, s16, $0xb8;
	[tilespmem:$0x19400] =	vst v63  }
0x25: {  	s0 =	simm.s32 $0xA00;
	s20 =	simm.s32 $0x0  }
0x26: {  	[tilespmem:s21], [sflag:$0x4] =	stream.indirect.gather [hbm4b:s3+s16], $0x80, s0, s16, $0xb8;
	[tilespmem:$0x19400] =	vst v63  }
.LBB2_2:
0x27: {  	_ =	swait.ge [sflag:s22], $0x4000  }
0x28: {  	[sflag:s22] =	ssyncset.done $0x0  }
0x29: {  	[sflag:s22] =	ssyncadd.s32 $0xFFFFC000  }
0x2a: {  	_ =	swait.ge [sflag:s23], $0x4000  }
0x2b: {  	p1 =	seq.s32 s20, $0x0;
	[sflag:s23] =	ssyncset.done $0x0  }
0x2c: {  	s0 =	simm.s32 @!p1 $0x5;
	[sflag:s23] =	ssyncadd.s32 $0xFFFFC000  }
0x2d: {  	_ =	swait.ge @!p1 [sflag:s0], $0x4000  }
0x2e: {  	[sflag:s0] =	ssyncset.done @!p1 $0x0  }
0x2f: {  	s11 =	simm.s32 $0x0;
	[sflag:s0] =	ssyncadd.s32 @!p1 $0xFFFFC000  }
0x30: {  	v0 =	vld [tilespmem:s11+$0x1370]  }
0x31: {  	v1 =	vld [tilespmem:s11+$0x5370]  }
0x32: {  	v2 =	vld [tilespmem:s11+$0x1300]  }
0x33: {  	v3 =	vld [tilespmem:s11+$0x5300]  }
0x34: {  	v4 =	vld [tilespmem:s11+$0x1310]  }
0x35: {  	v5 =	vld [tilespmem:s11+$0x5310]  }
0x36: {  	v6 =	vld [tilespmem:s11+$0x1320]  }
0x37: {  	v7 =	vld [tilespmem:s11+$0x1330]  }
0x38: {  	v0 =	vadd.f32 v1, v0;
	v1 =	vld [tilespmem:s11+$0x5320]  }
0x39: {  	v8 =	vld [tilespmem:s11+$0x5330]  }
0x3a: {  	v9 =	vld [tilespmem:s11+$0x5340];
	v2 =	vadd.f32 v3, v2  }
0x3b: {  	[tilespmem:s11+$0x11370] =	vst v0;
	v0 =	vadd.f32 v5, v4;
	v5 =	vld [tilespmem:s11+$0x1340]  }
0x3c: {  	v3 =	vld [tilespmem:s11+$0x5350];
	[tilespmem:s11+$0x11300] =	vst v2  }
0x3d: {  	v2 =	vld [tilespmem:s11+$0x1350];
	[tilespmem:s11+$0x11310] =	vst v0;
	v0 =	vadd.f32 v1, v6  }
0x3e: {  	v4 =	vld [tilespmem:s11+$0x5360];
	v6 =	vadd.f32 v8, v7  }
0x3f: {  	s12 =	simm.s32 $0x80;
	[tilespmem:s11+$0x11320] =	vst v0;
	v0 =	vld [tilespmem:s11+$0x1360]  }
0x40: {  	s10 =	sshll.u32 s20, $0x8;
	s31 =	simm.s32 $0x400;
	v5 =	vadd.f32 v9, v5;
	v1 =	vld [tilespmem:s12+$0x1370];
	[tilespmem:s11+$0x11330] =	vst v6  }
.LBB2_3:
0x41: {  	p2 =	sne.s32 s31, $0xFE00;
	v6 =	vld [tilespmem:s12+$0x5370]  }
0x42: {  	v7 =	vld [tilespmem:s12+$0x1300];
	[tilespmem:s11+$0x11340] =	vst v5;
	v2 =	vadd.f32 v3, v2  }
0x43: {  	v3 =	vld [tilespmem:s12+$0x5300]  }
0x44: {  	v5 =	vld [tilespmem:s12+$0x1310];
	[tilespmem:s11+$0x11350] =	vst v2;
	v0 =	vadd.f32 v4, v0  }
0x45: {  	v2 =	vld [tilespmem:s12+$0x5310]  }
0x46: {  	v4 =	vld [tilespmem:s12+$0x1320];
	v1 =	vadd.f32 v6, v1;
	[tilespmem:s11+$0x11360] =	vst v0;
	s11 =	smov.u32 s12  }
0x47: {  	v0 =	vld [tilespmem:s11+$0x5320]  }
0x48: {  	v3 =	vadd.f32 v3, v7;
	v6 =	vld [tilespmem:s11+$0x1330];
	[tilespmem:s11+$0x11370] =	vst v1  }
0x49: {  	v1 =	vld [tilespmem:s11+$0x5330]  }
0x4a: {  	[tilespmem:s11+$0x11300] =	vst v3;
	v2 =	vadd.f32 v2, v5;
	v5 =	vld [tilespmem:s11+$0x1340]  }
0x4b: {  	v7 =	vld [tilespmem:s11+$0x5340]  }
.Ltmp2:
0x4c: {  	[tilespmem:s11+$0x11310] =	vst v2;
	v0 =	vadd.f32 v0, v4;
	v2 =	vld [tilespmem:s11+$0x1350];
	(pc) =	sbr.rel @p2 .LBB2_3-.Ltmp2, $4  }
0x4d: {  	v3 =	vld [tilespmem:s11+$0x5350]  }
0x4e: {  	[tilespmem:s11+$0x11320] =	vst v0;
	v6 =	vadd.f32 v1, v6;
	v0 =	vld [tilespmem:s11+$0x1360]  }
0x4f: {  	s12 =	sshra.s32 s31, $0x2;
	v4 =	vld [tilespmem:s11+$0x5360]  }
0x50: {  	s31 =	sadd.s32 $0x200, s31;
	v1 =	vld [tilespmem:s12+$0x1370];
	[tilespmem:s11+$0x11330] =	vst v6;
	v5 =	vadd.f32 v7, v5  }
0x51: {  	v6 =	vld [tilespmem:s12+$0x5370]  }
0x52: {  	v7 =	vld [tilespmem:s12+$0x1300];
	[tilespmem:s11+$0x11340] =	vst v5;
	v2 =	vadd.f32 v3, v2  }
0x53: {  	v3 =	vld [tilespmem:s12+$0x5300]  }
0x54: {  	v5 =	vld [tilespmem:s12+$0x1310];
	[tilespmem:s11+$0x11350] =	vst v2;
	v0 =	vadd.f32 v4, v0  }
0x55: {  	v2 =	vld [tilespmem:s12+$0x5310]  }
0x56: {  	v4 =	vld [tilespmem:s12+$0x1320];
	[tilespmem:s11+$0x11360] =	vst v0  }
0x57: {  	v0 =	vadd.f32 v6, v1;
	v1 =	vld [tilespmem:s12+$0x5320]  }
0x58: {  	v6 =	vld [tilespmem:s12+$0x1330]  }
0x59: {  	v3 =	vadd.f32 v3, v7;
	[tilespmem:s12+$0x11370] =	vst v0;
	v0 =	vld [tilespmem:s12+$0x5330]  }
0x5a: {  	v7 =	vld [tilespmem:s12+$0x5360]  }
0x5b: {  	[tilespmem:s12+$0x11300] =	vst v3;
	v2 =	vadd.f32 v2, v5;
	v3 =	vld [tilespmem:s12+$0x1340]  }
0x5c: {  	v5 =	vld [tilespmem:s12+$0x5340]  }
0x5d: {  	[tilespmem:s12+$0x11310] =	vst v2;
	v1 =	vadd.f32 v1, v4;
	v2 =	vld [tilespmem:s12+$0x1350]  }
0x5e: {  	v4 =	vld [tilespmem:s12+$0x5350]  }
0x5f: {  	[tilespmem:s12+$0x11320] =	vst v1;
	v1 =	vld [tilespmem:s12+$0x1360];
	_ =	sdelay $0x1  }
0x60: {  	v0 =	vadd.f32 v0, v6  }
0x61: {  	v3 =	vadd.f32 v5, v3  }
0x62: {  	s0 =	sshll.u32 s20, $0xF;
	[tilespmem:s12+$0x11330] =	vst v0;
	v0 =	vadd.f32 v4, v2  }
0x63: {  	s0 =	sadd.s32 s4, s0;
	[tilespmem:s12+$0x11340] =	vst v3;
	v1 =	vadd.f32 v7, v1  }
0x64: {  	s0 =	sshrl.u32 s0, $0x3;
	[tilespmem:s12+$0x11350] =	vst v0  }
0x65: {  	s0 =	sadd.s32 s5, s0;
	[tilespmem:s12+$0x11360] =	vst v1  }
0x66: {  	[hbm4b:s0+s2] =	stream.linear.scatter [tilespmem:s24], [sflag:$0x5], $0x4000, $0x38;
	[tilespmem:$0x19400] =	vst v63  }
0x67: {  	s11 =	sadd.s32 $0x100, s10  }
0x68: {  	[tilespmem:s17], [sflag:$0x1] =	stream.indirect.gather [hbm4b:s3+s16], $0x80, s11, s16, $0xb8;
	[tilespmem:$0x19400] =	vst v63  }
0x69: {  	s12 =	sadd.s32 $0xA80, s10  }
0x6a: {  	[tilespmem:s18], [sflag:$0x2] =	stream.indirect.gather [hbm4b:s3+s16], $0x80, s12, s16, $0xb8;
	[tilespmem:$0x19400] =	vst v63  }
0x6b: {  	_ =	swait.ge [sflag:s25], $0x4000  }
0x6c: {  	[sflag:s25] =	ssyncset.done $0x0  }
0x6d: {  	[sflag:s25] =	ssyncadd.s32 $0xFFFFC000  }
0x6e: {  	_ =	swait.ge [sflag:s26], $0x4000  }
0x6f: {  	[sflag:s26] =	ssyncset.done $0x0  }
0x70: {  	s0 =	simm.s32 @!p1 $0x6;
	[sflag:s26] =	ssyncadd.s32 $0xFFFFC000  }
0x71: {  	_ =	swait.ge @!p1 [sflag:s0], $0x4000  }
0x72: {  	[sflag:s0] =	ssyncset.done @!p1 $0x0  }
0x73: {  	s12 =	simm.s32 $0x0;
	[sflag:s0] =	ssyncadd.s32 @!p1 $0xFFFFC000  }
0x74: {  	v0 =	vld [tilespmem:s12+$0x9370]  }
0x75: {  	v1 =	vld [tilespmem:s12+$0xD370]  }
0x76: {  	v2 =	vld [tilespmem:s12+$0x9300]  }
0x77: {  	v3 =	vld [tilespmem:s12+$0xD300]  }
0x78: {  	v4 =	vld [tilespmem:s12+$0x9310]  }
0x79: {  	v5 =	vld [tilespmem:s12+$0xD310]  }
0x7a: {  	v6 =	vld [tilespmem:s12+$0x9320]  }
0x7b: {  	v7 =	vld [tilespmem:s12+$0x9330]  }
0x7c: {  	v0 =	vadd.f32 v1, v0;
	v1 =	vld [tilespmem:s12+$0xD320]  }
0x7d: {  	v8 =	vld [tilespmem:s12+$0xD330]  }
0x7e: {  	v9 =	vld [tilespmem:s12+$0xD340];
	v2 =	vadd.f32 v3, v2  }
0x7f: {  	[tilespmem:s12+$0x15370] =	vst v0;
	v0 =	vadd.f32 v5, v4;
	v5 =	vld [tilespmem:s12+$0x9340]  }
0x80: {  	v3 =	vld [tilespmem:s12+$0xD350];
	[tilespmem:s12+$0x15300] =	vst v2  }
0x81: {  	v2 =	vld [tilespmem:s12+$0x9350];
	[tilespmem:s12+$0x15310] =	vst v0;
	v0 =	vadd.f32 v1, v6  }
0x82: {  	v4 =	vld [tilespmem:s12+$0xD360];
	v6 =	vadd.f32 v8, v7  }
0x83: {  	s31 =	simm.s32 $0x80;
	[tilespmem:s12+$0x15320] =	vst v0;
	v0 =	vld [tilespmem:s12+$0x9360]  }
0x84: {  	s11 =	sadd.s32 $0x180, s10;
	s0 =	simm.s32 $0x400;
	v5 =	vadd.f32 v9, v5;
	v1 =	vld [tilespmem:s31+$0x9370];
	[tilespmem:s12+$0x15330] =	vst v6  }
.LBB2_5:
0x85: {  	p1 =	sne.s32 s0, $0xFE00;
	v6 =	vld [tilespmem:s31+$0xD370]  }
0x86: {  	v7 =	vld [tilespmem:s31+$0x9300];
	[tilespmem:s12+$0x15340] =	vst v5;
	v2 =	vadd.f32 v3, v2  }
0x87: {  	v3 =	vld [tilespmem:s31+$0xD300]  }
0x88: {  	v5 =	vld [tilespmem:s31+$0x9310];
	[tilespmem:s12+$0x15350] =	vst v2;
	v0 =	vadd.f32 v4, v0  }
0x89: {  	v2 =	vld [tilespmem:s31+$0xD310]  }
0x8a: {  	v4 =	vld [tilespmem:s31+$0x9320];
	v1 =	vadd.f32 v6, v1;
	[tilespmem:s12+$0x15360] =	vst v0;
	s12 =	smov.u32 s31  }
0x8b: {  	v0 =	vld [tilespmem:s12+$0xD320]  }
0x8c: {  	v3 =	vadd.f32 v3, v7;
	v6 =	vld [tilespmem:s12+$0x9330];
	[tilespmem:s12+$0x15370] =	vst v1  }
0x8d: {  	v1 =	vld [tilespmem:s12+$0xD330]  }
0x8e: {  	[tilespmem:s12+$0x15300] =	vst v3;
	v2 =	vadd.f32 v2, v5;
	v5 =	vld [tilespmem:s12+$0x9340]  }
0x8f: {  	v7 =	vld [tilespmem:s12+$0xD340]  }
.Ltmp3:
0x90: {  	[tilespmem:s12+$0x15310] =	vst v2;
	v0 =	vadd.f32 v0, v4;
	v2 =	vld [tilespmem:s12+$0x9350];
	(pc) =	sbr.rel @p1 .LBB2_5-.Ltmp3, $4  }
0x91: {  	v3 =	vld [tilespmem:s12+$0xD350]  }
0x92: {  	[tilespmem:s12+$0x15320] =	vst v0;
	v6 =	vadd.f32 v1, v6;
	v0 =	vld [tilespmem:s12+$0x9360]  }
0x93: {  	s31 =	sshra.s32 s0, $0x2;
	v4 =	vld [tilespmem:s12+$0xD360]  }
0x94: {  	s0 =	sadd.s32 $0x200, s0;
	v1 =	vld [tilespmem:s31+$0x9370];
	[tilespmem:s12+$0x15330] =	vst v6;
	v5 =	vadd.f32 v7, v5  }
0x95: {  	v6 =	vld [tilespmem:s31+$0xD370]  }
0x96: {  	v7 =	vld [tilespmem:s31+$0x9300];
	[tilespmem:s12+$0x15340] =	vst v5;
	v2 =	vadd.f32 v3, v2  }
0x97: {  	v51 =	vld [tilespmem:s31+$0xD300]  }
0x98: {  	v5 =	vld [tilespmem:s31+$0x9310];
	[tilespmem:s12+$0x15350] =	vst v2;
	v0 =	vadd.f32 v4, v0  }
0x99: {  	v2 =	vld [tilespmem:s31+$0xD310]  }
0x9a: {  	v52 =	vld [tilespmem:s31+$0x9320];
	[tilespmem:s12+$0x15360] =	vst v0  }
0x9b: {  	v54 =	vld [tilespmem:s31+$0xD320]  }
0x9c: {  	v55 =	vld [tilespmem:s31+$0x9330]  }
0x9d: {  	v56 =	vld [tilespmem:s31+$0xD330]  }
0x9e: {  	v57 =	vld [tilespmem:s31+$0x9340]  }
0x9f: {  	v58 =	vld [tilespmem:s31+$0xD340]  }
0xa0: {  	v59 =	vld [tilespmem:s31+$0x9350]  }
0xa1: {  	v53 =	vadd.f32 v6, v1;
	v60 =	vld [tilespmem:s31+$0xD350]  }
0xa2: {  	v61 =	vld [tilespmem:s31+$0x9360];
	v3 =	vadd.f32 v51, v7  }
0xa3: {  	v62 =	vld [tilespmem:s31+$0xD360];
	[tilespmem:s31+$0x15370] =	vst v53;
	v2 =	vadd.f32 v2, v5  }
0xa4: {  	[tilespmem:s31+$0x15300] =	vst v3;
	v1 =	vadd.f32 v54, v52  }
0xa5: {  	[tilespmem:s31+$0x15310] =	vst v2;
	v0 =	vadd.f32 v56, v55  }
0xa6: {  	p1 =	seq.s32 s20, $0x8;
	v3 =	vadd.f32 v58, v57;
	[tilespmem:s31+$0x15320] =	vst v1  }
.Ltmp4:
0xa7: {  	v63 =	vadd.f32 v60, v59;
	[tilespmem:s31+$0x15330] =	vst v0;
	(pc) =	sbr.rel @p1 .LBB2_8-.Ltmp4, $4  }
0xa8: {  	s0 =	sadd.s32 s10, s8;
	[tilespmem:s31+$0x15340] =	vst v3;
	v1 =	vadd.f32 v62, v61  }
0xa9: {  	s0 =	sshll.u32 s0, $0x4;
	[tilespmem:s31+$0x15350] =	vst v63  }
0xaa: {  	s0 =	sadd.s32 s5, s0;
	[tilespmem:s31+$0x15360] =	vst v1  }
0xab: {  	[hbm4b:s0+s2] =	stream.linear.scatter [tilespmem:s28], [sflag:$0x6], $0x4000, $0x38;
	[tilespmem:$0x19400] =	vst v63  }
.Ltmp5:
0xac: {  	(pc) =	sbr.rel .LBB2_2-.Ltmp5, $4  }
0xad: {  	_ = 	snop  }
0xae: {  	[tilespmem:s19], [sflag:$0x3] =	stream.indirect.gather [hbm4b:s3+s16], $0x80, s11, s16, $0xb8;
	[tilespmem:$0x19400] =	vst v63  }
0xaf: {  	s0 =	sadd.s32 $0x980, s11;
	s20 =	sadd.s32 $0x1, s20  }
0xb0: {  	[tilespmem:s21], [sflag:$0x4] =	stream.indirect.gather [hbm4b:s3+s16], $0x80, s0, s16, $0xb8;
	[tilespmem:$0x19400] =	vst v63  }
.LBB2_8:
0xb1: {  	_ =	swait.ge [sflag:s22], $0x4000  }
0xb2: {  	[sflag:s22] =	ssyncset.done $0x0  }
0xb3: {  	[sflag:s22] =	ssyncadd.s32 $0xFFFFC000  }
0xb4: {  	_ =	swait.ge [sflag:s23], $0x4000  }
0xb5: {  	[sflag:s23] =	ssyncset.done $0x0  }
0xb6: {  	[sflag:s23] =	ssyncadd.s32 $0xFFFFC000  }
0xb7: {  	_ =	swait.ge [sflag:s29], $0x4000  }
0xb8: {  	[sflag:s29] =	ssyncset.done $0x0  }
0xb9: {  	s10 =	simm.s32 $0x0;
	[sflag:s29] =	ssyncadd.s32 $0xFFFFC000  }
0xba: {  	v0 =	vld [tilespmem:s10+$0x1370]  }
0xbb: {  	v1 =	vld [tilespmem:s10+$0x5370]  }
0xbc: {  	v2 =	vld [tilespmem:s10+$0x1300]  }
0xbd: {  	v3 =	vld [tilespmem:s10+$0x5300]  }
0xbe: {  	v4 =	vld [tilespmem:s10+$0x1310]  }
0xbf: {  	v5 =	vld [tilespmem:s10+$0x5310]  }
0xc0: {  	v6 =	vld [tilespmem:s10+$0x1320]  }
0xc1: {  	v7 =	vld [tilespmem:s10+$0x1330]  }
0xc2: {  	v0 =	vadd.f32 v1, v0;
	v1 =	vld [tilespmem:s10+$0x5320]  }
0xc3: {  	v8 =	vld [tilespmem:s10+$0x5330]  }
0xc4: {  	v9 =	vld [tilespmem:s10+$0x5340];
	v2 =	vadd.f32 v3, v2  }
0xc5: {  	[tilespmem:s10+$0x11370] =	vst v0;
	v0 =	vadd.f32 v5, v4;
	v5 =	vld [tilespmem:s10+$0x1340]  }
0xc6: {  	v3 =	vld [tilespmem:s10+$0x5350];
	[tilespmem:s10+$0x11300] =	vst v2  }
0xc7: {  	v2 =	vld [tilespmem:s10+$0x1350];
	[tilespmem:s10+$0x11310] =	vst v0;
	v0 =	vadd.f32 v1, v6  }
0xc8: {  	v4 =	vld [tilespmem:s10+$0x5360];
	v6 =	vadd.f32 v8, v7  }
0xc9: {  	s11 =	simm.s32 $0x80;
	[tilespmem:s10+$0x11320] =	vst v0;
	v0 =	vld [tilespmem:s10+$0x1360]  }
0xca: {  	s0 =	simm.s32 $0x400;
	v5 =	vadd.f32 v9, v5;
	v1 =	vld [tilespmem:s11+$0x1370];
	[tilespmem:s10+$0x11330] =	vst v6  }
.LBB2_9:
0xcb: {  	p1 =	sne.s32 s0, $0xFE00;
	v6 =	vld [tilespmem:s11+$0x5370]  }
0xcc: {  	v7 =	vld [tilespmem:s11+$0x1300];
	[tilespmem:s10+$0x11340] =	vst v5;
	v2 =	vadd.f32 v3, v2  }
0xcd: {  	v3 =	vld [tilespmem:s11+$0x5300]  }
0xce: {  	v5 =	vld [tilespmem:s11+$0x1310];
	[tilespmem:s10+$0x11350] =	vst v2;
	v0 =	vadd.f32 v4, v0  }
0xcf: {  	v2 =	vld [tilespmem:s11+$0x5310]  }
0xd0: {  	v4 =	vld [tilespmem:s11+$0x1320];
	v1 =	vadd.f32 v6, v1;
	[tilespmem:s10+$0x11360] =	vst v0;
	s10 =	smov.u32 s11  }
0xd1: {  	v0 =	vld [tilespmem:s10+$0x5320]  }
0xd2: {  	v3 =	vadd.f32 v3, v7;
	v6 =	vld [tilespmem:s10+$0x1330];
	[tilespmem:s10+$0x11370] =	vst v1  }
0xd3: {  	v1 =	vld [tilespmem:s10+$0x5330]  }
0xd4: {  	[tilespmem:s10+$0x11300] =	vst v3;
	v2 =	vadd.f32 v2, v5;
	v5 =	vld [tilespmem:s10+$0x1340]  }
0xd5: {  	v7 =	vld [tilespmem:s10+$0x5340]  }
.Ltmp6:
0xd6: {  	[tilespmem:s10+$0x11310] =	vst v2;
	v0 =	vadd.f32 v0, v4;
	v2 =	vld [tilespmem:s10+$0x1350];
	(pc) =	sbr.rel @p1 .LBB2_9-.Ltmp6, $4  }
0xd7: {  	v3 =	vld [tilespmem:s10+$0x5350]  }
0xd8: {  	[tilespmem:s10+$0x11320] =	vst v0;
	v6 =	vadd.f32 v1, v6;
	v0 =	vld [tilespmem:s10+$0x1360]  }
0xd9: {  	s11 =	sshra.s32 s0, $0x2;
	v4 =	vld [tilespmem:s10+$0x5360]  }
0xda: {  	s0 =	sadd.s32 $0x200, s0;
	v1 =	vld [tilespmem:s11+$0x1370];
	[tilespmem:s10+$0x11330] =	vst v6;
	v5 =	vadd.f32 v7, v5  }
0xdb: {  	v6 =	vld [tilespmem:s11+$0x5370]  }
0xdc: {  	v7 =	vld [tilespmem:s11+$0x1300];
	[tilespmem:s10+$0x11340] =	vst v5;
	v2 =	vadd.f32 v3, v2  }
0xdd: {  	v51 =	vld [tilespmem:s11+$0x5300]  }
0xde: {  	v5 =	vld [tilespmem:s11+$0x1310];
	[tilespmem:s10+$0x11350] =	vst v2;
	v0 =	vadd.f32 v4, v0  }
0xdf: {  	v2 =	vld [tilespmem:s11+$0x5310]  }
0xe0: {  	v52 =	vld [tilespmem:s11+$0x1320];
	[tilespmem:s10+$0x11360] =	vst v0  }
0xe1: {  	v54 =	vld [tilespmem:s11+$0x5320]  }
0xe2: {  	v55 =	vld [tilespmem:s11+$0x1330]  }
0xe3: {  	v56 =	vld [tilespmem:s11+$0x5330]  }
0xe4: {  	v57 =	vld [tilespmem:s11+$0x1340]  }
0xe5: {  	v58 =	vld [tilespmem:s11+$0x5340]  }
0xe6: {  	v59 =	vld [tilespmem:s11+$0x1350]  }
0xe7: {  	v53 =	vadd.f32 v6, v1;
	v60 =	vld [tilespmem:s11+$0x5350]  }
0xe8: {  	v61 =	vld [tilespmem:s11+$0x1360];
	v3 =	vadd.f32 v51, v7  }
0xe9: {  	v62 =	vld [tilespmem:s11+$0x5360];
	[tilespmem:s11+$0x11370] =	vst v53;
	v2 =	vadd.f32 v2, v5  }
0xea: {  	[tilespmem:s11+$0x11300] =	vst v3;
	v1 =	vadd.f32 v54, v52  }
0xeb: {  	[tilespmem:s11+$0x11310] =	vst v2;
	v0 =	vadd.f32 v56, v55  }
0xec: {  	v3 =	vadd.f32 v58, v57;
	[tilespmem:s11+$0x11320] =	vst v1  }
0xed: {  	v63 =	vadd.f32 v60, v59;
	[tilespmem:s11+$0x11330] =	vst v0  }
0xee: {  	[tilespmem:s11+$0x11340] =	vst v3;
	v1 =	vadd.f32 v62, v61  }
0xef: {  	[tilespmem:s11+$0x11350] =	vst v63  }
0xf0: {  	[tilespmem:s11+$0x11360] =	vst v1  }
0xf1: {  	[hbm4b:s9+s2] =	stream.linear.scatter [tilespmem:s24], [sflag:$0x5], $0x4000, $0x38;
	[tilespmem:$0x19400] =	vst v63  }
0xf2: {  	_ =	swait.ge [sflag:s29], $0x4000  }
.Ltmp7:
0xf3: {  	[sflag:s29] =	ssyncset.done $0x0;
	(pc) =	sbr.rel @p0 .LBB2_14-.Ltmp7, $4  }
0xf4: {  	[sflag:s29] =	ssyncadd.s32 $0xFFFFC000  }
0xf5: {  	_ =	swait.ge [sflag:s30], $0x4000  }
0xf6: {  	[sflag:s30] =	ssyncset.done $0x0  }
0xf7: {  	[sflag:s30] =	ssyncadd.s32 $0xFFFFC000  }
0xf8: {  	s0 =	simm.s32 $0x0;
	s10 =	rddreg [dreg:$0x2];
	s11 =	simm.s32 $0x19300  }
0xf9: {  	[tilespmem:s11], [sflag:$0x7] =	stream.linear.gather [hbm4b:s10+s0], $0x80, $0x38;
	[tilespmem:$0x19400] =	vst v63  }
0xfa: {  	_ =	swait.ge [sflag:s14], $0x80  }
0xfb: {  	[sflag:s14] =	ssyncset.done $0x0  }
0xfc: {  	s12 =	simm.s32 $0x19380;
	s31 =	rddreg [dreg:$0x3];
	[sflag:s14] =	ssyncadd.s32 $0xFFFFFF80  }
0xfd: {  	[tilespmem:s12], [sflag:$0x7] =	stream.linear.gather [hbm4b:s31+s0], $0x80, $0x38;
	[tilespmem:$0x19400] =	vst v63  }
0xfe: {  	_ =	swait.ge [sflag:s14], $0x80  }
0xff: {  	[sflag:s14] =	ssyncset.done $0x0  }
0x100: {  	[sflag:s14] =	ssyncadd.s32 $0xFFFFFF80  }
0x101: {  	[tilespmem:s17], [sflag:$0x1] =	stream.indirect.gather [hbm4b:s3+s16], $0x80, s11, s16, $0xb8;
	[tilespmem:$0x19400] =	vst v63  }
0x102: {  	_ = 	snop  }
0x103: {  	[tilespmem:s18], [sflag:$0x2] =	stream.indirect.gather [hbm4b:s3+s16], $0x80, s12, s16, $0xb8;
	[tilespmem:$0x19400] =	vst v63  }
0x104: {  	_ =	swait.ge [sflag:s22], $0x4000  }
0x105: {  	[sflag:s22] =	ssyncset.done $0x0  }
0x106: {  	[sflag:s22] =	ssyncadd.s32 $0xFFFFC000  }
0x107: {  	_ =	swait.ge [sflag:s23], $0x4000  }
0x108: {  	[sflag:s23] =	ssyncset.done $0x0  }
0x109: {  	s10 =	simm.s32 $0x0;
	[sflag:s23] =	ssyncadd.s32 $0xFFFFC000  }
0x10a: {  	v0 =	vld [tilespmem:s10+$0x1370]  }
0x10b: {  	v1 =	vld [tilespmem:s10+$0x5370]  }
0x10c: {  	v2 =	vld [tilespmem:s10+$0x1300]  }
0x10d: {  	v3 =	vld [tilespmem:s10+$0x5300]  }
0x10e: {  	v4 =	vld [tilespmem:s10+$0x1310]  }
0x10f: {  	v5 =	vld [tilespmem:s10+$0x5310]  }
0x110: {  	v6 =	vld [tilespmem:s10+$0x1320]  }
0x111: {  	v7 =	vld [tilespmem:s10+$0x1330]  }
0x112: {  	v0 =	vadd.f32 v1, v0;
	v1 =	vld [tilespmem:s10+$0x5320]  }
0x113: {  	v8 =	vld [tilespmem:s10+$0x5330]  }
0x114: {  	v9 =	vld [tilespmem:s10+$0x5340];
	v2 =	vadd.f32 v3, v2  }
0x115: {  	[tilespmem:s10+$0x11370] =	vst v0;
	v0 =	vadd.f32 v5, v4;
	v5 =	vld [tilespmem:s10+$0x1340]  }
0x116: {  	v3 =	vld [tilespmem:s10+$0x5350];
	[tilespmem:s10+$0x11300] =	vst v2  }
0x117: {  	v2 =	vld [tilespmem:s10+$0x1350];
	[tilespmem:s10+$0x11310] =	vst v0;
	v0 =	vadd.f32 v1, v6  }
0x118: {  	v4 =	vld [tilespmem:s10+$0x5360];
	v6 =	vadd.f32 v8, v7  }
0x119: {  	s11 =	simm.s32 $0x80;
	[tilespmem:s10+$0x11320] =	vst v0;
	v0 =	vld [tilespmem:s10+$0x1360]  }
0x11a: {  	s0 =	simm.s32 $0x400;
	v5 =	vadd.f32 v9, v5;
	v1 =	vld [tilespmem:s11+$0x1370];
	[tilespmem:s10+$0x11330] =	vst v6  }
.LBB2_12:
0x11b: {  	p1 =	sne.s32 s0, $0xFE00;
	v6 =	vld [tilespmem:s11+$0x5370]  }
0x11c: {  	v7 =	vld [tilespmem:s11+$0x1300];
	[tilespmem:s10+$0x11340] =	vst v5;
	v2 =	vadd.f32 v3, v2  }
0x11d: {  	v3 =	vld [tilespmem:s11+$0x5300]  }
0x11e: {  	v5 =	vld [tilespmem:s11+$0x1310];
	[tilespmem:s10+$0x11350] =	vst v2;
	v0 =	vadd.f32 v4, v0  }
0x11f: {  	v2 =	vld [tilespmem:s11+$0x5310]  }
0x120: {  	v4 =	vld [tilespmem:s11+$0x1320];
	v1 =	vadd.f32 v6, v1;
	[tilespmem:s10+$0x11360] =	vst v0;
	s10 =	smov.u32 s11  }
0x121: {  	v0 =	vld [tilespmem:s10+$0x5320]  }
0x122: {  	v3 =	vadd.f32 v3, v7;
	v6 =	vld [tilespmem:s10+$0x1330];
	[tilespmem:s10+$0x11370] =	vst v1  }
0x123: {  	v1 =	vld [tilespmem:s10+$0x5330]  }
0x124: {  	[tilespmem:s10+$0x11300] =	vst v3;
	v2 =	vadd.f32 v2, v5;
	v5 =	vld [tilespmem:s10+$0x1340]  }
0x125: {  	v7 =	vld [tilespmem:s10+$0x5340]  }
.Ltmp8:
0x126: {  	[tilespmem:s10+$0x11310] =	vst v2;
	v0 =	vadd.f32 v0, v4;
	v2 =	vld [tilespmem:s10+$0x1350];
	(pc) =	sbr.rel @p1 .LBB2_12-.Ltmp8, $4  }
0x127: {  	v3 =	vld [tilespmem:s10+$0x5350]  }
0x128: {  	[tilespmem:s10+$0x11320] =	vst v0;
	v6 =	vadd.f32 v1, v6;
	v0 =	vld [tilespmem:s10+$0x1360]  }
0x129: {  	s11 =	sshra.s32 s0, $0x2;
	v4 =	vld [tilespmem:s10+$0x5360]  }
0x12a: {  	s0 =	sadd.s32 $0x200, s0;
	v1 =	vld [tilespmem:s11+$0x1370];
	[tilespmem:s10+$0x11330] =	vst v6;
	v5 =	vadd.f32 v7, v5  }
0x12b: {  	v6 =	vld [tilespmem:s11+$0x5370]  }
0x12c: {  	v7 =	vld [tilespmem:s11+$0x1300];
	[tilespmem:s10+$0x11340] =	vst v5;
	v2 =	vadd.f32 v3, v2  }
0x12d: {  	v51 =	vld [tilespmem:s11+$0x5300]  }
0x12e: {  	v5 =	vld [tilespmem:s11+$0x1310];
	[tilespmem:s10+$0x11350] =	vst v2;
	v0 =	vadd.f32 v4, v0  }
0x12f: {  	v2 =	vld [tilespmem:s11+$0x5310]  }
0x130: {  	v52 =	vld [tilespmem:s11+$0x1320];
	[tilespmem:s10+$0x11360] =	vst v0  }
0x131: {  	v54 =	vld [tilespmem:s11+$0x5320]  }
0x132: {  	v55 =	vld [tilespmem:s11+$0x1330]  }
0x133: {  	v56 =	vld [tilespmem:s11+$0x5330]  }
0x134: {  	v57 =	vld [tilespmem:s11+$0x1340]  }
0x135: {  	v58 =	vld [tilespmem:s11+$0x5340]  }
0x136: {  	v59 =	vld [tilespmem:s11+$0x1350]  }
0x137: {  	v53 =	vadd.f32 v6, v1;
	v60 =	vld [tilespmem:s11+$0x5350]  }
0x138: {  	v61 =	vld [tilespmem:s11+$0x1360];
	v3 =	vadd.f32 v51, v7  }
0x139: {  	v62 =	vld [tilespmem:s11+$0x5360];
	[tilespmem:s11+$0x11370] =	vst v53;
	v2 =	vadd.f32 v2, v5  }
0x13a: {  	[tilespmem:s11+$0x11300] =	vst v3;
	v1 =	vadd.f32 v54, v52  }
0x13b: {  	[tilespmem:s11+$0x11310] =	vst v2;
	v0 =	vadd.f32 v56, v55  }
0x13c: {  	v3 =	vadd.f32 v58, v57;
	[tilespmem:s11+$0x11320] =	vst v1  }
0x13d: {  	v63 =	vadd.f32 v60, v59;
	[tilespmem:s11+$0x11330] =	vst v0  }
0x13e: {  	[tilespmem:s11+$0x11340] =	vst v3;
	v1 =	vadd.f32 v62, v61  }
0x13f: {  	[tilespmem:s11+$0x11350] =	vst v63  }
.Ltmp9:
0x140: {  	s0 =	rddreg [dreg:$0x4];
	[tilespmem:s11+$0x11360] =	vst v1;
	(pc) =	sbr.rel .LBB2_14-.Ltmp9, $4  }
0x141: {  	[hbm4b:s0+s2] =	stream.linear.scatter [tilespmem:s24], [sflag:$0x7], $0x4000, $0x38;
	[tilespmem:$0x19400] =	vst v63  }
0x142: {  	_ =	swait.ge [sflag:s14], $0x4000  }
0x143: {  	[sflag:s14] =	ssyncset.done $0x0  }
0x144: {  	[sflag:s14] =	ssyncadd.s32 $0xFFFFC000  }
.LBB2_15:
0x145: {  	_ =	sfence.sel $0x180000  }
0x146: {  	[bflag:$0x0] =	sbarrier.arrive $0xFFFF  }
0x147: {  	_ =	strace $0x9000004A  }
0x148: {  	s0 =	stileid.u32;
	[bflag:$0x2] =	sbarrier.arrive $0xFFFF  }
0x149: {  	p0 =	sne.s32 s0, $0x0;
	s0 =	rddreg [dreg:$0x1]  }
0x14a: {  	s0 =	sadd.s32 @!p0 $0x100000, s0  }
0x14b: {  	[sflag:s0] =	ssyncadd.tile.s32 @!p0 $0x1;
	_ =	shalt  }
.Lfunc_end2:
_tile_overlayer_lowered:
.L_overlay_start_2:
0x14c: {  	(tag) =	ssettag $0x2  }
0x14d: {  	s0 =	rddreg [dreg:$0x0];
	s2 =	stileid.u32  }
0x14e: {  	s1 =	rddreg [dreg:$0x1];
	p0 =	sne.s32 s2, $0x0  }
0x14f: {  	s3 =	rddreg [dreg:$0x2];
	[bflag:$0x3] =	sbarrier.arrive $0xFFFF;
	s2 =	simm.s32 @!p0 $0x1C07  }
0x150: {  	[timem:s3], [sflag:s2] =	dma.local @!p0 [hbm:s0], s1  }
0x151: {  	s0 =	simm.s32 @!p0 $0x7  }
0x152: {  	_ =	swait.ge @!p0 [sflag:s0], s1  }
0x153: {  	s1 =	ssub.s32 @!p0 $0x0, s1;
	[sflag:s0] =	ssyncset.done @!p0 $0x0  }
0x154: {  	[sflag:s0] =	ssyncadd.s32 @!p0 s1  }
0x155: {  	[bflag:$0x3] =	sbarrier.arrive $0xFFFF  }
0x156: {  	_ =	shalt  }

// kernel: kernel.18.cloned.1.call-start
scs
__scs_entry_jumppad:
0x0: {  	(pc) =	sbr.rel $0x88, $3  }
0x1: {  	(tag) =	ssettag $0x0;
	lr =	simm.s32 $0x1  }
0x2: {  	[smem:$0x3F8C] =	sst lr;
	_ =	strace $0xD0000000  }
0x3: {  	_ = 	snop  }
0x4: {  	_ = 	snop  }
0x5: {  	_ = 	snop  }
0x6: {  	_ = 	snop  }
0x7: {  	_ = 	snop  }
__scs_overlays_trampoline_lowered:
0x8: {  	[smem:$0x3F9B] =	sst s0  }
0x9: {  	[smem:$0x3F9C] =	sst s1  }
0xa: {  	[smem:$0x3F9D] =	sst s2  }
0xb: {  	[smem:$0x3F9E] =	sst s3  }
0xc: {  	[smem:$0x3F9F] =	sst s4  }
0xd: {  	[smem:$0x3FA0] =	sst s5  }
0xe: {  	[smem:$0x3FA1] =	sst s6  }
0xf: {  	[smem:$0x3FA2] =	sst s7  }
0x10: {  	[smem:$0x3FA3] =	sst s8  }
0x11: {  	[smem:$0x3FA4] =	sst s9;
	s0 =	simm.s32 @!p0 $0x0  }
0x12: {  	s1 =	sld [smem:$0x3F8A];
	s0 =	simm.s32 @p0 $0x1  }
0x13: {  	[smem:$0x3FA5] =	sst s0;
	s0 =	simm.s32 @!p1 $0x0  }
0x14: {  	s2 =	sld [smem:$0x3F89];
	s0 =	simm.s32 @p1 $0x1  }
0x15: {  	[smem:$0x3FA6] =	sst s0;
	s0 =	simm.s32 @!p2 $0x0  }
0x16: {  	s3 =	sld [smem:$0x3FDB];
	s0 =	simm.s32 @p2 $0x1  }
0x17: {  	s4 =	simm.s32 $0x1BF5;
	[smem:$0x3FA8] =	sst s0  }
0x18: {  	s0 =	sld [smem:$0x3F8B];
	_ =	swait.ge [sflag:s4], $0x0  }
0x19: {  	s7 =	sld [smem:$0x3F8C]  }
0x1a: {  	s8 =	sadd.s32 $0xFFFFE003, lr  }
0x1b: {  	s9 =	sadd.s32 $0xFFFFFEF7, lr;
	s5 =	simm.s32 $0xFFFFFFFF;
	p2 =	slt.u32 s8, $0xFFFFF086  }
0x1c: {  	p1 =	slt.u32 s9, $0xF7A;
	s5 =	simm.s32 @!p2 $0x0  }
0x1d: {  	s5 =	simm.s32 @p1 $0x1;
	p0 =	seq.s32 s7, s2  }
0x1e: {  	s7 =	smul.u32 @!p0 $0xF7A, s2;
	p2 =	seq.s32 @!p0 s5, $0x0  }
0x1f: {  	s9 =	smul.u32 $0xF7A, s1;
	s8 =	simm.s32 @!p0 $0x1BF5;
	p2 =	por !p2, p0  }
0x20: {  	[sflag:s8] =	ssyncset.s32 @!p0 $0xFFFFF086;
	s6 =	sadd.s32 @!p0 s3, s7;
	s7 =	simm.s32 @!p0 $0x108  }
0x21: {  	s3 =	sadd.s32 s3, s9;
	s6 =	sadd.s32 @!p0 $0x88, s6;
	s7 =	simm.s32 @p2 $0x1082  }
0x22: {  	[simem:s7], [sflag:s8] =	dma.local @!p0 [hbm:s6], $0xF7A  }
0x23: {  	s9 =	sor.u32 $0xD0000000, s2;
	s6 =	simm.s32 $0x108;
	_ =	swait.ge @!p0 [sflag:s8], $0x0  }
0x24: {  	s3 =	sadd.s32 $0x88, s3;
	s6 =	simm.s32 @!p1 $0x1082;
	[sflag:s4] =	ssyncset.s32 $0xFFFFF086  }
0x25: {  	[simem:s6], [sflag:s4] =	dma.local [hbm:s3], $0xF7A  }
0x26: {  	[smem:$0x3F8C] =	sst s1;
	(tag) =	ssettag s2;
	_ =	strace s9  }
0x27: {  	s1 =	sld [smem:$0x3F9C]  }
0x28: {  	s2 =	sld [smem:$0x3F9D]  }
0x29: {  	s4 =	sld [smem:$0x3F9F]  }
0x2a: {  	p0 =	seq.s32 s5, $0x0;
	s5 =	sld [smem:$0x3FA0]  }
0x2b: {  	s6 =	sld [smem:$0x3FA1]  }
0x2c: {  	s7 =	sld [smem:$0x3FA2]  }
0x2d: {  	s3 =	simm.s32 $0x108;
	s8 =	sld [smem:$0x3FA3]  }
0x2e: {  	s3 =	simm.s32 @!p0 $0x1082;
	s9 =	sld [smem:$0x3FA4]  }
0x2f: {  	lr =	sadd.s32 s0, s3;
	s0 =	sld [smem:$0x3F9B]  }
0x30: {  	s3 =	sld [smem:$0x3F9E]  }
0x31: {  	[smem:$0x3FA7] =	sst s10  }
0x32: {  	s10 =	sld [smem:$0x3FA5];
	_ =	sdelay $0x3  }
0x33: {  	p0 =	seq.s32 s10, $0x1;
	s10 =	sld [smem:$0x3FA7];
	_ =	sdelay $0x3  }
0x34: {  	[smem:$0x3FA7] =	sst s10  }
0x35: {  	s10 =	sld [smem:$0x3FA6];
	_ =	sdelay $0x3  }
0x36: {  	p1 =	seq.s32 s10, $0x1;
	s10 =	sld [smem:$0x3FA7];
	_ =	sdelay $0x3  }
0x37: {  	[smem:$0x3FA7] =	sst s10  }
0x38: {  	s10 =	sld [smem:$0x3FA8]  }
0x39: {  	_ = 	snop;
	(pc) =	sbr.ind lr, $3  }
0x3a: {  	_ = 	snop  }
0x3b: {  	_ = 	snop  }
0x3c: {  	p2 =	seq.s32 s10, $0x1;
	s10 =	sld [smem:$0x3FA7]  }
0x3d: {  	_ =	shalt  }
0x3e: {  	_ =	shalt  }
0x3f: {  	_ =	shalt  }
0x40: {  	_ =	shalt  }
0x41: {  	_ =	shalt  }
0x42: {  	_ =	shalt  }
0x43: {  	_ =	shalt  }
0x44: {  	_ =	shalt  }
0x45: {  	_ =	shalt  }
0x46: {  	_ =	shalt  }
0x47: {  	_ =	shalt  }
0x48: {  	_ =	shalt  }
0x49: {  	_ =	shalt  }
0x4a: {  	_ =	shalt  }
0x4b: {  	_ =	shalt  }
0x4c: {  	_ =	shalt  }
0x4d: {  	_ =	shalt  }
0x4e: {  	_ =	shalt  }
0x4f: {  	_ =	shalt  }
0x50: {  	_ =	shalt  }
0x51: {  	_ =	shalt  }
0x52: {  	_ =	shalt  }
0x53: {  	_ =	shalt  }
0x54: {  	_ =	shalt  }
0x55: {  	_ =	shalt  }
0x56: {  	_ =	shalt  }
0x57: {  	_ =	shalt  }
0x58: {  	_ =	shalt  }
0x59: {  	_ =	shalt  }
0x5a: {  	_ =	shalt  }
0x5b: {  	_ =	shalt  }
0x5c: {  	_ =	shalt  }
0x5d: {  	_ =	shalt  }
0x5e: {  	_ =	shalt  }
0x5f: {  	_ =	shalt  }
0x60: {  	_ =	shalt  }
0x61: {  	_ =	shalt  }
0x62: {  	_ =	shalt  }
0x63: {  	_ =	shalt  }
0x64: {  	_ =	shalt  }
0x65: {  	_ =	shalt  }
0x66: {  	_ =	shalt  }
0x67: {  	_ =	shalt  }
0x68: {  	_ =	shalt  }
0x69: {  	_ =	shalt  }
0x6a: {  	_ =	shalt  }
0x6b: {  	_ =	shalt  }
0x6c: {  	_ =	shalt  }
0x6d: {  	_ =	shalt  }
0x6e: {  	_ =	shalt  }
0x6f: {  	_ =	shalt  }
0x70: {  	_ =	shalt  }
0x71: {  	_ =	shalt  }
0x72: {  	_ =	shalt  }
0x73: {  	_ =	shalt  }
0x74: {  	_ =	shalt  }
0x75: {  	_ =	shalt  }
0x76: {  	_ =	shalt  }
0x77: {  	_ =	shalt  }
0x78: {  	_ =	shalt  }
0x79: {  	_ =	shalt  }
0x7a: {  	_ =	shalt  }
0x7b: {  	_ =	shalt  }
0x7c: {  	_ =	shalt  }
0x7d: {  	_ =	shalt  }
0x7e: {  	_ =	shalt  }
0x7f: {  	_ =	shalt  }
0x80: {  	_ =	shalt  }
0x81: {  	_ =	shalt  }
0x82: {  	_ =	shalt  }
0x83: {  	_ =	shalt  }
0x84: {  	_ =	shalt  }
0x85: {  	_ =	shalt  }
0x86: {  	_ =	shalt  }
0x87: {  	_ =	shalt  }
.Lfunc_end0:
.L_simem_size_0:
called_computation.2_lowered:
.L_overlay_start_0:
0x88: {  	s2 =	sld [smem:$0x3FD9]  }
0x89: {  	s3 =	sld [smem:$0x3FFE];
	_ =	sdelay $0x1  }
0x8a: {  	s1 =	srdreg.scid  }
0x8b: {  	s0 =	sand.u32 $0x1, s1  }
0x8c: {  	s17 =	sshll.u32 s0, $0xA;
	s2 =	sadd.s32 s3, s2  }
0x8d: {  	s2 =	sadd.s32 s2, s17  }
0x8e: {  	[smem:$0x3FB3] =	sst s2  }
0x8f: {  	_ = 	snop  }
0x90: {  	(tm) =	ssettm $0x1  }
0x91: {  	s18 =	sld [smem:$0x3FFB];
	_ =	sdelay $0x3  }
0x92: {  	_ =	strace s18  }
0x93: {  	s2 =	sld [smem:$0x3FFC];
	_ =	sdelay $0x3  }
0x94: {  	_ =	strace s2  }
0x95: {  	s2 =	sld [smem:$0x3FFD];
	_ =	sdelay $0x3  }
0x96: {  	_ =	strace s2  }
0x97: {  	_ =	strace $0x8FFFFFFF  }
0x98: {  	s19 =	sld [smem:$0x3FDB];
	_ =	sdelay $0x1  }
0x99: {  	s20 =	simm.s32 $_scs_section_size  }
0x9a: {  	s4 =	simm.s32 $_size__tile_overlayer_lowered;
	s5 =	simm.s32 $_tile_overlayer_lowered  }
0x9b: {  	s6 =	simm.s32 $0x1BFF;
	s21 =	sshll.u32 s5, $0x1;
	s3 =	sadd.s32 s20, s19  }
0x9c: {  	s22 =	simm.s32 $0x0;
	s4 =	sshll.u32 s4, $0x1;
	s5 =	sadd.s32 s21, s3  }
0x9d: {  	[timem:s22], [sflag:s6] =	dma.local [hbm:s5], s4  }
0x9e: {  	_ =	swait.ge [sflag:s6], s4  }
0x9f: {  	s4 =	ssub.s32 $0x0, s4;
	[sflag:s6] =	ssyncset.done $0x0  }
0xa0: {  	[sflag:s6] =	ssyncadd.s32 s4;
	_ =	sdelay $0x1  }
0xa1: {  	s23 =	simm.s32 $0x1B8B  }
0xa2: {  	_ =	swait.ge [sflag:s23], $0x1  }
0xa3: {  	[sflag:s23] =	ssyncset.done $0x0  }
0xa4: {  	[sflag:s23] =	ssyncadd.s32 $0xFFFFFFFF  }
0xa5: {  	s4 =	sld [smem:$0x0]  }
0xa6: {  	s5 =	sand.u32 $0xFFFFFFFE, s1  }
0xa7: {  	p0 =	sne.s32 s1, s5  }
0xa8: {  	s5 =	sshll.u32 @p0 s5, $0xE  }
0xa9: {  	s5 =	sadd.s32 @p0 $0x11B8D, s5;
	s6 =	sshll.u32 @p0 s4, $0x11  }
0xaa: {  	s5 =	sor.u32 @p0 s6, s5  }
0xab: {  	[sflag:s5] =	ssyncadd.remote.s32 @p0 $0x1;
	_ =	sdelay $0x1  }
0xac: {  	s5 =	simm.s32 @p0 $0x1B8D  }
0xad: {  	_ =	swait.eq @p0 [sflag:s5], $0x1  }
0xae: {  	[sflag:s5] =	ssyncadd.s32 @p0 $0xFFFFFFFF  }
0xaf: {  	s6 =	sshll.u32 @!p0 s1, $0xE  }
0xb0: {  	s6 =	sor.u32 @!p0 $0x4000, s6;
	s5 =	simm.s32 @!p0 $0x1B8D  }
0xb1: {  	s4 =	sshll.u32 @!p0 s4, $0x11;
	s6 =	sadd.s32 @!p0 $0x11B8D, s6;
	_ =	swait.eq @!p0 [sflag:s5], $0x1  }
0xb2: {  	s4 =	sor.u32 @!p0 s4, s6;
	[sflag:s5] =	ssyncadd.s32 @!p0 $0xFFFFFFFF  }
0xb3: {  	s25 =	simm.s32 $0x1B8E;
	s24 =	sld [smem:$0x3FFE];
	[sflag:s4] =	ssyncadd.remote.s32 @!p0 $0x1  }
0xb4: {  	s26 =	simm.s32 $execute0_lowered;
	[smem:$0x3FD2] =	sst s25  }
0xb5: {  	s5 =	sshll.u32 s26, $0x1;
	_ =	strace $0x8000004C;
	[dreg:$0x1] =	wrdreg $0xFFFFFFFF  }
0xb6: {  	s28 =	simm.s32 $_size_execute0_lowered;
	s3 =	sadd.s32 s3, s5;
	[dreg:$0x0] =	wrdreg $0x0  }
0xb7: {  	s5 =	sshll.u32 s28, $0x1;
	[dreg:$0x2] =	wrdreg s3  }
0xb8: {  	[dreg:$0x3] =	wrdreg s5  }
0xb9: {  	[dreg:$0x4] =	wrdreg $0xC0  }
0xba: {  	_ =	task [dreg:s22], $0x5FFFF  }
0xbb: {  	[dreg:$0x1] =	wrdreg $0xFFFFFFFF  }
0xbc: {  	[dreg:$0x0] =	wrdreg $0x60  }
0xbd: {  	[dreg:$0x2] =	wrdreg s24  }
0xbe: {  	[dreg:$0x3] =	wrdreg $0xB  }
0xbf: {  	_ =	task.clear_ibuf [dreg:s22], $0x4FFFF;
	_ =	strace $0x9000004C  }
0xc0: {  	s29 =	simm.s32 $0xB;
	_ =	strace $0x8000004E  }
0xc1: {  	_ =	swait.ge [sflag:s29], $0x1  }
0xc2: {  	[sflag:s29] =	ssyncadd.s32 $0xFFFFFFFF  }
0xc3: {  	_ =	strace $0x9000004E  }
0xc4: {  	_ =	sfence  }
0xc5: {  	s30 =	sld [smem:$0x0];
	_ =	sdelay $0x2  }
0xc6: {  	s31 =	sshll.u32 s1, $0xD;
	s1 =	sshrl.u32 s1, $0x2  }
0xc7: {  	s4 =	sand.u32 $0x4000, s31;
	s1 =	sadd.s32 s1, s30  }
0xc8: {  	s0 =	sor.u32 s4, s0;
	s1 =	sshll.u32 s1, $0x11  }
0xc9: {  	s0 =	sor.u32 s1, s0  }
0xca: {  	s0 =	sadd.s32 $0x8F2B, s0  }
0xcb: {  	[sflag:s0] =	ssyncadd.remote.s32 $0x1  }
0xcc: {  	_ =	sfence.sel $0xFFFF  }
0xcd: {  	[dreg:$0x0] =	wrdreg $0xFFFFFFFF;
	(pc) =	sbr.abs _section_cstart, $3  }
0xce: {  	[dreg:$0x1] =	wrdreg $0xFFFFFFFF  }
0xcf: {  	_ =	task.clear_ibuf [dreg:s22], $0x2FFFF;
	_ =	strace $0x9FFFFFFF  }
0xd0: {  	(tm) =	ssettm $0x7FFFFFFF  }
0xd1: {  	_ =	shalt  }
tec
execute0_lowered:
.L_overlay_start_1:
0x0: {  	(tag) =	ssettag $0x1  }
0x1: {  	s0 =	rddreg [dreg:$0x0]  }
0x2: {  	s1 =	srdreg.scid;
	s3 =	stileid.u32  }
0x3: {  	s2 =	simm.s32 $0x0;
	s14 =	simm.s32 $0x7;
	s15 =	simm.s32 $0x980  }
0x4: {  	s16 =	simm.s32 $0x80;
	s17 =	simm.s32 $0x1300;
	s18 =	simm.s32 $0x5300  }
0x5: {  	s19 =	simm.s32 $0x9300;
	s21 =	simm.s32 $0xD300;
	s22 =	simm.s32 $0x1  }
0x6: {  	s23 =	simm.s32 $0x2;
	s28 =	simm.s32 $0x15300;
	s29 =	simm.s32 $0x5  }
0x7: {  	s30 =	simm.s32 $0x6;
	s1 =	sand.u32 $0x1, s1;
	[smem:$0x7FF] =	sst s2  }
0x8: {  	s3 =	sshll.u32 s3, $0x1;
	s11 =	sadd.s32 $0x16B400, s0;
	s12 =	sadd.s32 $0x168C00, s0  }
0x9: {  	s5 =	sadd.s32 $0x2AB400, s0;
	s10 =	sor.u32 s1, s3;
	_ =	strace $0x8000004D  }
0xa: {  	s3 =	sadd.s32 $0x4200, s0;
	s1 =	ssub.s32 $0x2, s1;
	s8 =	smul.u32 $0x980, s10  }
0xb: {  	s6 =	sshrl.u32 s1, $0x1;
	s4 =	smul.u32 $0x4C000, s10;
	s9 =	sshll.u32 s10, $0x7  }
0xc: {  	p0 =	sgt.u32 s10, $0x10;
	s24 =	ssub.s32 s1, s6;
	s13 =	sor.u32 $0x13000, s9  }
0xd: {  	s7 =	sshrl.u32 s8, $0x3;
	s25 =	sshrl.u32 s4, $0x3;
	s8 =	sadd.s32 $0x80, s8  }
0xe: {  	s26 =	sshrl.u32 s13, $0x3;
	s13 =	sshll.u32 s13, $0x4;
	s6 =	sadd.s32 s11, s7  }
.Ltmp0:
0xf: {  	s7 =	sadd.s32 s12, s7;
	s1 =	sadd.s32 s5, s25;
	(pc) =	sbr.rel .LBB2_1-.Ltmp0, $4  }
0x10: {  	s11 =	sadd.s32 s11, s26;
	s31 =	sadd.s32 s5, s13;
	s13 =	smax.u32 s24, $0x1  }
0x11: {  	s24 =	simm.s32 $0x11300;
	s25 =	simm.s32 $0x3;
	[dreg:$0x2] =	wrdreg s11  }
0x12: {  	s9 =	sadd.s32 $0x9000, s1;
	s1 =	sadd.s32 s12, s26;
	[dreg:$0x4] =	wrdreg s31  }
0x13: {  	s26 =	simm.s32 $0x4;
	[dreg:$0x3] =	wrdreg s1;
	s1 =	simm.s32 $0x0  }
.LBB2_14:
0x14: {  	s1 =	sadd.s32 $0x1, s1  }
0x15: {  	p1 =	sne.s32 s1, s13  }
.Ltmp1:
0x16: {  	_ = 	snop;
	(pc) =	sbr.rel @!p1 .LBB2_15-.Ltmp1, $1  }
0x17: {  	_ =	sdelay $0x3  }
.LBB2_1:
0x18: {  	[tilespmem:s2], [sflag:$0x7] =	stream.linear.gather [hbm4b:s6+s2], $0x980, $0x38;
	[tilespmem:$0x19400] =	vst v63  }
0x19: {  	_ =	swait.ge [sflag:s14], $0x980  }
0x1a: {  	[sflag:s14] =	ssyncset.done $0x0  }
0x1b: {  	[sflag:s14] =	ssyncadd.s32 $0xFFFFF680  }
0x1c: {  	[tilespmem:s15], [sflag:$0x7] =	stream.linear.gather [hbm4b:s7+s2], $0x980, $0x38;
	[tilespmem:$0x19400] =	vst v63  }
0x1d: {  	_ =	swait.ge [sflag:s14], $0x980  }
0x1e: {  	[sflag:s14] =	ssyncset.done $0x0  }
0x1f: {  	[sflag:s14] =	ssyncadd.s32 $0xFFFFF680  }
0x20: {  	[tilespmem:s17], [sflag:$0x1] =	stream.indirect.gather [hbm4b:s3+s16], $0x80, s2, s16, $0xb8;
	[tilespmem:$0x19400] =	vst v63  }
0x21: {  	_ = 	snop  }
0x22: {  	[tilespmem:s18], [sflag:$0x2] =	stream.indirect.gather [hbm4b:s3+s16], $0x80, s15, s16, $0xb8;
	[tilespmem:$0x19400] =	vst v63  }
0x23: {  	_ = 	snop  }
0x24: {  	[tilespmem:s19], [sflag:$0x3] =	stream.indirect.gather [hbm4b:s3+s16], $0x80, s16, s16, $0xb8;
	[tilespmem:$0x19400] =	vst v63  }
0x25: {  	s0 =	simm.s32 $0xA00;
	s20 =	simm.s32 $0x0  }
0x26: {  	[tilespmem:s21], [sflag:$0x4] =	stream.indirect.gather [hbm4b:s3+s16], $0x80, s0, s16, $0xb8;
	[tilespmem:$0x19400] =	vst v63  }
.LBB2_2:
0x27: {  	_ =	swait.ge [sflag:s22], $0x4000  }
0x28: {  	[sflag:s22] =	ssyncset.done $0x0  }
0x29: {  	[sflag:s22] =	ssyncadd.s32 $0xFFFFC000  }
0x2a: {  	_ =	swait.ge [sflag:s23], $0x4000  }
0x2b: {  	p1 =	seq.s32 s20, $0x0;
	[sflag:s23] =	ssyncset.done $0x0  }
0x2c: {  	s0 =	simm.s32 @!p1 $0x5;
	[sflag:s23] =	ssyncadd.s32 $0xFFFFC000  }
0x2d: {  	_ =	swait.ge @!p1 [sflag:s0], $0x4000  }
0x2e: {  	[sflag:s0] =	ssyncset.done @!p1 $0x0  }
0x2f: {  	s11 =	simm.s32 $0x0;
	[sflag:s0] =	ssyncadd.s32 @!p1 $0xFFFFC000  }
0x30: {  	v0 =	vld [tilespmem:s11+$0x1370]  }
0x31: {  	v1 =	vld [tilespmem:s11+$0x5370]  }
0x32: {  	v2 =	vld [tilespmem:s11+$0x1300]  }
0x33: {  	v3 =	vld [tilespmem:s11+$0x5300]  }
0x34: {  	v4 =	vld [tilespmem:s11+$0x1310]  }
0x35: {  	v5 =	vld [tilespmem:s11+$0x5310]  }
0x36: {  	v6 =	vld [tilespmem:s11+$0x1320]  }
0x37: {  	v7 =	vld [tilespmem:s11+$0x1330]  }
0x38: {  	v0 =	vadd.f32 v1, v0;
	v1 =	vld [tilespmem:s11+$0x5320]  }
0x39: {  	v8 =	vld [tilespmem:s11+$0x5330]  }
0x3a: {  	v9 =	vld [tilespmem:s11+$0x5340];
	v2 =	vadd.f32 v3, v2  }
0x3b: {  	[tilespmem:s11+$0x11370] =	vst v0;
	v0 =	vadd.f32 v5, v4;
	v5 =	vld [tilespmem:s11+$0x1340]  }
0x3c: {  	v3 =	vld [tilespmem:s11+$0x5350];
	[tilespmem:s11+$0x11300] =	vst v2  }
0x3d: {  	v2 =	vld [tilespmem:s11+$0x1350];
	[tilespmem:s11+$0x11310] =	vst v0;
	v0 =	vadd.f32 v1, v6  }
0x3e: {  	v4 =	vld [tilespmem:s11+$0x5360];
	v6 =	vadd.f32 v8, v7  }
0x3f: {  	s12 =	simm.s32 $0x80;
	[tilespmem:s11+$0x11320] =	vst v0;
	v0 =	vld [tilespmem:s11+$0x1360]  }
0x40: {  	s10 =	sshll.u32 s20, $0x8;
	s31 =	simm.s32 $0x400;
	v5 =	vadd.f32 v9, v5;
	v1 =	vld [tilespmem:s12+$0x1370];
	[tilespmem:s11+$0x11330] =	vst v6  }
.LBB2_3:
0x41: {  	p2 =	sne.s32 s31, $0xFE00;
	v6 =	vld [tilespmem:s12+$0x5370]  }
0x42: {  	v7 =	vld [tilespmem:s12+$0x1300];
	[tilespmem:s11+$0x11340] =	vst v5;
	v2 =	vadd.f32 v3, v2  }
0x43: {  	v3 =	vld [tilespmem:s12+$0x5300]  }
0x44: {  	v5 =	vld [tilespmem:s12+$0x1310];
	[tilespmem:s11+$0x11350] =	vst v2;
	v0 =	vadd.f32 v4, v0  }
0x45: {  	v2 =	vld [tilespmem:s12+$0x5310]  }
0x46: {  	v4 =	vld [tilespmem:s12+$0x1320];
	v1 =	vadd.f32 v6, v1;
	[tilespmem:s11+$0x11360] =	vst v0;
	s11 =	smov.u32 s12  }
0x47: {  	v0 =	vld [tilespmem:s11+$0x5320]  }
0x48: {  	v3 =	vadd.f32 v3, v7;
	v6 =	vld [tilespmem:s11+$0x1330];
	[tilespmem:s11+$0x11370] =	vst v1  }
0x49: {  	v1 =	vld [tilespmem:s11+$0x5330]  }
0x4a: {  	[tilespmem:s11+$0x11300] =	vst v3;
	v2 =	vadd.f32 v2, v5;
	v5 =	vld [tilespmem:s11+$0x1340]  }
0x4b: {  	v7 =	vld [tilespmem:s11+$0x5340]  }
.Ltmp2:
0x4c: {  	[tilespmem:s11+$0x11310] =	vst v2;
	v0 =	vadd.f32 v0, v4;
	v2 =	vld [tilespmem:s11+$0x1350];
	(pc) =	sbr.rel @p2 .LBB2_3-.Ltmp2, $4  }
0x4d: {  	v3 =	vld [tilespmem:s11+$0x5350]  }
0x4e: {  	[tilespmem:s11+$0x11320] =	vst v0;
	v6 =	vadd.f32 v1, v6;
	v0 =	vld [tilespmem:s11+$0x1360]  }
0x4f: {  	s12 =	sshra.s32 s31, $0x2;
	v4 =	vld [tilespmem:s11+$0x5360]  }
0x50: {  	s31 =	sadd.s32 $0x200, s31;
	v1 =	vld [tilespmem:s12+$0x1370];
	[tilespmem:s11+$0x11330] =	vst v6;
	v5 =	vadd.f32 v7, v5  }
0x51: {  	v6 =	vld [tilespmem:s12+$0x5370]  }
0x52: {  	v7 =	vld [tilespmem:s12+$0x1300];
	[tilespmem:s11+$0x11340] =	vst v5;
	v2 =	vadd.f32 v3, v2  }
0x53: {  	v3 =	vld [tilespmem:s12+$0x5300]  }
0x54: {  	v5 =	vld [tilespmem:s12+$0x1310];
	[tilespmem:s11+$0x11350] =	vst v2;
	v0 =	vadd.f32 v4, v0  }
0x55: {  	v2 =	vld [tilespmem:s12+$0x5310]  }
0x56: {  	v4 =	vld [tilespmem:s12+$0x1320];
	[tilespmem:s11+$0x11360] =	vst v0  }
0x57: {  	v0 =	vadd.f32 v6, v1;
	v1 =	vld [tilespmem:s12+$0x5320]  }
0x58: {  	v6 =	vld [tilespmem:s12+$0x1330]  }
0x59: {  	v3 =	vadd.f32 v3, v7;
	[tilespmem:s12+$0x11370] =	vst v0;
	v0 =	vld [tilespmem:s12+$0x5330]  }
0x5a: {  	v7 =	vld [tilespmem:s12+$0x5360]  }
0x5b: {  	[tilespmem:s12+$0x11300] =	vst v3;
	v2 =	vadd.f32 v2, v5;
	v3 =	vld [tilespmem:s12+$0x1340]  }
0x5c: {  	v5 =	vld [tilespmem:s12+$0x5340]  }
0x5d: {  	[tilespmem:s12+$0x11310] =	vst v2;
	v1 =	vadd.f32 v1, v4;
	v2 =	vld [tilespmem:s12+$0x1350]  }
0x5e: {  	v4 =	vld [tilespmem:s12+$0x5350]  }
0x5f: {  	[tilespmem:s12+$0x11320] =	vst v1;
	v1 =	vld [tilespmem:s12+$0x1360];
	_ =	sdelay $0x1  }
0x60: {  	v0 =	vadd.f32 v0, v6  }
0x61: {  	v3 =	vadd.f32 v5, v3  }
0x62: {  	s0 =	sshll.u32 s20, $0xF;
	[tilespmem:s12+$0x11330] =	vst v0;
	v0 =	vadd.f32 v4, v2  }
0x63: {  	s0 =	sadd.s32 s4, s0;
	[tilespmem:s12+$0x11340] =	vst v3;
	v1 =	vadd.f32 v7, v1  }
0x64: {  	s0 =	sshrl.u32 s0, $0x3;
	[tilespmem:s12+$0x11350] =	vst v0  }
0x65: {  	s0 =	sadd.s32 s5, s0;
	[tilespmem:s12+$0x11360] =	vst v1  }
0x66: {  	[hbm4b:s0+s2] =	stream.linear.scatter [tilespmem:s24], [sflag:$0x5], $0x4000, $0x38;
	[tilespmem:$0x19400] =	vst v63  }
0x67: {  	s11 =	sadd.s32 $0x100, s10  }
0x68: {  	[tilespmem:s17], [sflag:$0x1] =	stream.indirect.gather [hbm4b:s3+s16], $0x80, s11, s16, $0xb8;
	[tilespmem:$0x19400] =	vst v63  }
0x69: {  	s12 =	sadd.s32 $0xA80, s10  }
0x6a: {  	[tilespmem:s18], [sflag:$0x2] =	stream.indirect.gather [hbm4b:s3+s16], $0x80, s12, s16, $0xb8;
	[tilespmem:$0x19400] =	vst v63  }
0x6b: {  	_ =	swait.ge [sflag:s25], $0x4000  }
0x6c: {  	[sflag:s25] =	ssyncset.done $0x0  }
0x6d: {  	[sflag:s25] =	ssyncadd.s32 $0xFFFFC000  }
0x6e: {  	_ =	swait.ge [sflag:s26], $0x4000  }
0x6f: {  	[sflag:s26] =	ssyncset.done $0x0  }
0x70: {  	s0 =	simm.s32 @!p1 $0x6;
	[sflag:s26] =	ssyncadd.s32 $0xFFFFC000  }
0x71: {  	_ =	swait.ge @!p1 [sflag:s0], $0x4000  }
0x72: {  	[sflag:s0] =	ssyncset.done @!p1 $0x0  }
0x73: {  	s12 =	simm.s32 $0x0;
	[sflag:s0] =	ssyncadd.s32 @!p1 $0xFFFFC000  }
0x74: {  	v0 =	vld [tilespmem:s12+$0x9370]  }
0x75: {  	v1 =	vld [tilespmem:s12+$0xD370]  }
0x76: {  	v2 =	vld [tilespmem:s12+$0x9300]  }
0x77: {  	v3 =	vld [tilespmem:s12+$0xD300]  }
0x78: {  	v4 =	vld [tilespmem:s12+$0x9310]  }
0x79: {  	v5 =	vld [tilespmem:s12+$0xD310]  }
0x7a: {  	v6 =	vld [tilespmem:s12+$0x9320]  }
0x7b: {  	v7 =	vld [tilespmem:s12+$0x9330]  }
0x7c: {  	v0 =	vadd.f32 v1, v0;
	v1 =	vld [tilespmem:s12+$0xD320]  }
0x7d: {  	v8 =	vld [tilespmem:s12+$0xD330]  }
0x7e: {  	v9 =	vld [tilespmem:s12+$0xD340];
	v2 =	vadd.f32 v3, v2  }
0x7f: {  	[tilespmem:s12+$0x15370] =	vst v0;
	v0 =	vadd.f32 v5, v4;
	v5 =	vld [tilespmem:s12+$0x9340]  }
0x80: {  	v3 =	vld [tilespmem:s12+$0xD350];
	[tilespmem:s12+$0x15300] =	vst v2  }
0x81: {  	v2 =	vld [tilespmem:s12+$0x9350];
	[tilespmem:s12+$0x15310] =	vst v0;
	v0 =	vadd.f32 v1, v6  }
0x82: {  	v4 =	vld [tilespmem:s12+$0xD360];
	v6 =	vadd.f32 v8, v7  }
0x83: {  	s31 =	simm.s32 $0x80;
	[tilespmem:s12+$0x15320] =	vst v0;
	v0 =	vld [tilespmem:s12+$0x9360]  }
0x84: {  	s11 =	sadd.s32 $0x180, s10;
	s0 =	simm.s32 $0x400;
	v5 =	vadd.f32 v9, v5;
	v1 =	vld [tilespmem:s31+$0x9370];
	[tilespmem:s12+$0x15330] =	vst v6  }
.LBB2_5:
0x85: {  	p1 =	sne.s32 s0, $0xFE00;
	v6 =	vld [tilespmem:s31+$0xD370]  }
0x86: {  	v7 =	vld [tilespmem:s31+$0x9300];
	[tilespmem:s12+$0x15340] =	vst v5;
	v2 =	vadd.f32 v3, v2  }
0x87: {  	v3 =	vld [tilespmem:s31+$0xD300]  }
0x88: {  	v5 =	vld [tilespmem:s31+$0x9310];
	[tilespmem:s12+$0x15350] =	vst v2;
	v0 =	vadd.f32 v4, v0  }
0x89: {  	v2 =	vld [tilespmem:s31+$0xD310]  }
0x8a: {  	v4 =	vld [tilespmem:s31+$0x9320];
	v1 =	vadd.f32 v6, v1;
	[tilespmem:s12+$0x15360] =	vst v0;
	s12 =	smov.u32 s31  }
0x8b: {  	v0 =	vld [tilespmem:s12+$0xD320]  }
0x8c: {  	v3 =	vadd.f32 v3, v7;
	v6 =	vld [tilespmem:s12+$0x9330];
	[tilespmem:s12+$0x15370] =	vst v1  }
0x8d: {  	v1 =	vld [tilespmem:s12+$0xD330]  }
0x8e: {  	[tilespmem:s12+$0x15300] =	vst v3;
	v2 =	vadd.f32 v2, v5;
	v5 =	vld [tilespmem:s12+$0x9340]  }
0x8f: {  	v7 =	vld [tilespmem:s12+$0xD340]  }
.Ltmp3:
0x90: {  	[tilespmem:s12+$0x15310] =	vst v2;
	v0 =	vadd.f32 v0, v4;
	v2 =	vld [tilespmem:s12+$0x9350];
	(pc) =	sbr.rel @p1 .LBB2_5-.Ltmp3, $4  }
0x91: {  	v3 =	vld [tilespmem:s12+$0xD350]  }
0x92: {  	[tilespmem:s12+$0x15320] =	vst v0;
	v6 =	vadd.f32 v1, v6;
	v0 =	vld [tilespmem:s12+$0x9360]  }
0x93: {  	s31 =	sshra.s32 s0, $0x2;
	v4 =	vld [tilespmem:s12+$0xD360]  }
0x94: {  	s0 =	sadd.s32 $0x200, s0;
	v1 =	vld [tilespmem:s31+$0x9370];
	[tilespmem:s12+$0x15330] =	vst v6;
	v5 =	vadd.f32 v7, v5  }
0x95: {  	v6 =	vld [tilespmem:s31+$0xD370]  }
0x96: {  	v7 =	vld [tilespmem:s31+$0x9300];
	[tilespmem:s12+$0x15340] =	vst v5;
	v2 =	vadd.f32 v3, v2  }
0x97: {  	v51 =	vld [tilespmem:s31+$0xD300]  }
0x98: {  	v5 =	vld [tilespmem:s31+$0x9310];
	[tilespmem:s12+$0x15350] =	vst v2;
	v0 =	vadd.f32 v4, v0  }
0x99: {  	v2 =	vld [tilespmem:s31+$0xD310]  }
0x9a: {  	v52 =	vld [tilespmem:s31+$0x9320];
	[tilespmem:s12+$0x15360] =	vst v0  }
0x9b: {  	v54 =	vld [tilespmem:s31+$0xD320]  }
0x9c: {  	v55 =	vld [tilespmem:s31+$0x9330]  }
0x9d: {  	v56 =	vld [tilespmem:s31+$0xD330]  }
0x9e: {  	v57 =	vld [tilespmem:s31+$0x9340]  }
0x9f: {  	v58 =	vld [tilespmem:s31+$0xD340]  }
0xa0: {  	v59 =	vld [tilespmem:s31+$0x9350]  }
0xa1: {  	v53 =	vadd.f32 v6, v1;
	v60 =	vld [tilespmem:s31+$0xD350]  }
0xa2: {  	v61 =	vld [tilespmem:s31+$0x9360];
	v3 =	vadd.f32 v51, v7  }
0xa3: {  	v62 =	vld [tilespmem:s31+$0xD360];
	[tilespmem:s31+$0x15370] =	vst v53;
	v2 =	vadd.f32 v2, v5  }
0xa4: {  	[tilespmem:s31+$0x15300] =	vst v3;
	v1 =	vadd.f32 v54, v52  }
0xa5: {  	[tilespmem:s31+$0x15310] =	vst v2;
	v0 =	vadd.f32 v56, v55  }
0xa6: {  	p1 =	seq.s32 s20, $0x8;
	v3 =	vadd.f32 v58, v57;
	[tilespmem:s31+$0x15320] =	vst v1  }
.Ltmp4:
0xa7: {  	v63 =	vadd.f32 v60, v59;
	[tilespmem:s31+$0x15330] =	vst v0;
	(pc) =	sbr.rel @p1 .LBB2_8-.Ltmp4, $4  }
0xa8: {  	s0 =	sadd.s32 s10, s8;
	[tilespmem:s31+$0x15340] =	vst v3;
	v1 =	vadd.f32 v62, v61  }
0xa9: {  	s0 =	sshll.u32 s0, $0x4;
	[tilespmem:s31+$0x15350] =	vst v63  }
0xaa: {  	s0 =	sadd.s32 s5, s0;
	[tilespmem:s31+$0x15360] =	vst v1  }
0xab: {  	[hbm4b:s0+s2] =	stream.linear.scatter [tilespmem:s28], [sflag:$0x6], $0x4000, $0x38;
	[tilespmem:$0x19400] =	vst v63  }
.Ltmp5:
0xac: {  	(pc) =	sbr.rel .LBB2_2-.Ltmp5, $4  }
0xad: {  	_ = 	snop  }
0xae: {  	[tilespmem:s19], [sflag:$0x3] =	stream.indirect.gather [hbm4b:s3+s16], $0x80, s11, s16, $0xb8;
	[tilespmem:$0x19400] =	vst v63  }
0xaf: {  	s0 =	sadd.s32 $0x980, s11;
	s20 =	sadd.s32 $0x1, s20  }
0xb0: {  	[tilespmem:s21], [sflag:$0x4] =	stream.indirect.gather [hbm4b:s3+s16], $0x80, s0, s16, $0xb8;
	[tilespmem:$0x19400] =	vst v63  }
.LBB2_8:
0xb1: {  	_ =	swait.ge [sflag:s22], $0x4000  }
0xb2: {  	[sflag:s22] =	ssyncset.done $0x0  }
0xb3: {  	[sflag:s22] =	ssyncadd.s32 $0xFFFFC000  }
0xb4: {  	_ =	swait.ge [sflag:s23], $0x4000  }
0xb5: {  	[sflag:s23] =	ssyncset.done $0x0  }
0xb6: {  	[sflag:s23] =	ssyncadd.s32 $0xFFFFC000  }
0xb7: {  	_ =	swait.ge [sflag:s29], $0x4000  }
0xb8: {  	[sflag:s29] =	ssyncset.done $0x0  }
0xb9: {  	s10 =	simm.s32 $0x0;
	[sflag:s29] =	ssyncadd.s32 $0xFFFFC000  }
0xba: {  	v0 =	vld [tilespmem:s10+$0x1370]  }
0xbb: {  	v1 =	vld [tilespmem:s10+$0x5370]  }
0xbc: {  	v2 =	vld [tilespmem:s10+$0x1300]  }
0xbd: {  	v3 =	vld [tilespmem:s10+$0x5300]  }
0xbe: {  	v4 =	vld [tilespmem:s10+$0x1310]  }
0xbf: {  	v5 =	vld [tilespmem:s10+$0x5310]  }
0xc0: {  	v6 =	vld [tilespmem:s10+$0x1320]  }
0xc1: {  	v7 =	vld [tilespmem:s10+$0x1330]  }
0xc2: {  	v0 =	vadd.f32 v1, v0;
	v1 =	vld [tilespmem:s10+$0x5320]  }
0xc3: {  	v8 =	vld [tilespmem:s10+$0x5330]  }
0xc4: {  	v9 =	vld [tilespmem:s10+$0x5340];
	v2 =	vadd.f32 v3, v2  }
0xc5: {  	[tilespmem:s10+$0x11370] =	vst v0;
	v0 =	vadd.f32 v5, v4;
	v5 =	vld [tilespmem:s10+$0x1340]  }
0xc6: {  	v3 =	vld [tilespmem:s10+$0x5350];
	[tilespmem:s10+$0x11300] =	vst v2  }
0xc7: {  	v2 =	vld [tilespmem:s10+$0x1350];
	[tilespmem:s10+$0x11310] =	vst v0;
	v0 =	vadd.f32 v1, v6  }
0xc8: {  	v4 =	vld [tilespmem:s10+$0x5360];
	v6 =	vadd.f32 v8, v7  }
0xc9: {  	s11 =	simm.s32 $0x80;
	[tilespmem:s10+$0x11320] =	vst v0;
	v0 =	vld [tilespmem:s10+$0x1360]  }
0xca: {  	s0 =	simm.s32 $0x400;
	v5 =	vadd.f32 v9, v5;
	v1 =	vld [tilespmem:s11+$0x1370];
	[tilespmem:s10+$0x11330] =	vst v6  }
.LBB2_9:
0xcb: {  	p1 =	sne.s32 s0, $0xFE00;
	v6 =	vld [tilespmem:s11+$0x5370]  }
0xcc: {  	v7 =	vld [tilespmem:s11+$0x1300];
	[tilespmem:s10+$0x11340] =	vst v5;
	v2 =	vadd.f32 v3, v2  }
0xcd: {  	v3 =	vld [tilespmem:s11+$0x5300]  }
0xce: {  	v5 =	vld [tilespmem:s11+$0x1310];
	[tilespmem:s10+$0x11350] =	vst v2;
	v0 =	vadd.f32 v4, v0  }
0xcf: {  	v2 =	vld [tilespmem:s11+$0x5310]  }
0xd0: {  	v4 =	vld [tilespmem:s11+$0x1320];
	v1 =	vadd.f32 v6, v1;
	[tilespmem:s10+$0x11360] =	vst v0;
	s10 =	smov.u32 s11  }
0xd1: {  	v0 =	vld [tilespmem:s10+$0x5320]  }
0xd2: {  	v3 =	vadd.f32 v3, v7;
	v6 =	vld [tilespmem:s10+$0x1330];
	[tilespmem:s10+$0x11370] =	vst v1  }
0xd3: {  	v1 =	vld [tilespmem:s10+$0x5330]  }
0xd4: {  	[tilespmem:s10+$0x11300] =	vst v3;
	v2 =	vadd.f32 v2, v5;
	v5 =	vld [tilespmem:s10+$0x1340]  }
0xd5: {  	v7 =	vld [tilespmem:s10+$0x5340]  }
.Ltmp6:
0xd6: {  	[tilespmem:s10+$0x11310] =	vst v2;
	v0 =	vadd.f32 v0, v4;
	v2 =	vld [tilespmem:s10+$0x1350];
	(pc) =	sbr.rel @p1 .LBB2_9-.Ltmp6, $4  }
0xd7: {  	v3 =	vld [tilespmem:s10+$0x5350]  }
0xd8: {  	[tilespmem:s10+$0x11320] =	vst v0;
	v6 =	vadd.f32 v1, v6;
	v0 =	vld [tilespmem:s10+$0x1360]  }
0xd9: {  	s11 =	sshra.s32 s0, $0x2;
	v4 =	vld [tilespmem:s10+$0x5360]  }
0xda: {  	s0 =	sadd.s32 $0x200, s0;
	v1 =	vld [tilespmem:s11+$0x1370];
	[tilespmem:s10+$0x11330] =	vst v6;
	v5 =	vadd.f32 v7, v5  }
0xdb: {  	v6 =	vld [tilespmem:s11+$0x5370]  }
0xdc: {  	v7 =	vld [tilespmem:s11+$0x1300];
	[tilespmem:s10+$0x11340] =	vst v5;
	v2 =	vadd.f32 v3, v2  }
0xdd: {  	v51 =	vld [tilespmem:s11+$0x5300]  }
0xde: {  	v5 =	vld [tilespmem:s11+$0x1310];
	[tilespmem:s10+$0x11350] =	vst v2;
	v0 =	vadd.f32 v4, v0  }
0xdf: {  	v2 =	vld [tilespmem:s11+$0x5310]  }
0xe0: {  	v52 =	vld [tilespmem:s11+$0x1320];
	[tilespmem:s10+$0x11360] =	vst v0  }
0xe1: {  	v54 =	vld [tilespmem:s11+$0x5320]  }
0xe2: {  	v55 =	vld [tilespmem:s11+$0x1330]  }
0xe3: {  	v56 =	vld [tilespmem:s11+$0x5330]  }
0xe4: {  	v57 =	vld [tilespmem:s11+$0x1340]  }
0xe5: {  	v58 =	vld [tilespmem:s11+$0x5340]  }
0xe6: {  	v59 =	vld [tilespmem:s11+$0x1350]  }
0xe7: {  	v53 =	vadd.f32 v6, v1;
	v60 =	vld [tilespmem:s11+$0x5350]  }
0xe8: {  	v61 =	vld [tilespmem:s11+$0x1360];
	v3 =	vadd.f32 v51, v7  }
0xe9: {  	v62 =	vld [tilespmem:s11+$0x5360];
	[tilespmem:s11+$0x11370] =	vst v53;
	v2 =	vadd.f32 v2, v5  }
0xea: {  	[tilespmem:s11+$0x11300] =	vst v3;
	v1 =	vadd.f32 v54, v52  }
0xeb: {  	[tilespmem:s11+$0x11310] =	vst v2;
	v0 =	vadd.f32 v56, v55  }
0xec: {  	v3 =	vadd.f32 v58, v57;
	[tilespmem:s11+$0x11320] =	vst v1  }
0xed: {  	v63 =	vadd.f32 v60, v59;
	[tilespmem:s11+$0x11330] =	vst v0  }
0xee: {  	[tilespmem:s11+$0x11340] =	vst v3;
	v1 =	vadd.f32 v62, v61  }
0xef: {  	[tilespmem:s11+$0x11350] =	vst v63  }
0xf0: {  	[tilespmem:s11+$0x11360] =	vst v1  }
0xf1: {  	[hbm4b:s9+s2] =	stream.linear.scatter [tilespmem:s24], [sflag:$0x5], $0x4000, $0x38;
	[tilespmem:$0x19400] =	vst v63  }
0xf2: {  	_ =	swait.ge [sflag:s29], $0x4000  }
.Ltmp7:
0xf3: {  	[sflag:s29] =	ssyncset.done $0x0;
	(pc) =	sbr.rel @p0 .LBB2_14-.Ltmp7, $4  }
0xf4: {  	[sflag:s29] =	ssyncadd.s32 $0xFFFFC000  }
0xf5: {  	_ =	swait.ge [sflag:s30], $0x4000  }
0xf6: {  	[sflag:s30] =	ssyncset.done $0x0  }
0xf7: {  	[sflag:s30] =	ssyncadd.s32 $0xFFFFC000  }
0xf8: {  	s0 =	simm.s32 $0x0;
	s10 =	rddreg [dreg:$0x2];
	s11 =	simm.s32 $0x19300  }
0xf9: {  	[tilespmem:s11], [sflag:$0x7] =	stream.linear.gather [hbm4b:s10+s0], $0x80, $0x38;
	[tilespmem:$0x19400] =	vst v63  }
0xfa: {  	_ =	swait.ge [sflag:s14], $0x80  }
0xfb: {  	[sflag:s14] =	ssyncset.done $0x0  }
0xfc: {  	s12 =	simm.s32 $0x19380;
	s31 =	rddreg [dreg:$0x3];
	[sflag:s14] =	ssyncadd.s32 $0xFFFFFF80  }
0xfd: {  	[tilespmem:s12], [sflag:$0x7] =	stream.linear.gather [hbm4b:s31+s0], $0x80, $0x38;
	[tilespmem:$0x19400] =	vst v63  }
0xfe: {  	_ =	swait.ge [sflag:s14], $0x80  }
0xff: {  	[sflag:s14] =	ssyncset.done $0x0  }
0x100: {  	[sflag:s14] =	ssyncadd.s32 $0xFFFFFF80  }
0x101: {  	[tilespmem:s17], [sflag:$0x1] =	stream.indirect.gather [hbm4b:s3+s16], $0x80, s11, s16, $0xb8;
	[tilespmem:$0x19400] =	vst v63  }
0x102: {  	_ = 	snop  }
0x103: {  	[tilespmem:s18], [sflag:$0x2] =	stream.indirect.gather [hbm4b:s3+s16], $0x80, s12, s16, $0xb8;
	[tilespmem:$0x19400] =	vst v63  }
0x104: {  	_ =	swait.ge [sflag:s22], $0x4000  }
0x105: {  	[sflag:s22] =	ssyncset.done $0x0  }
0x106: {  	[sflag:s22] =	ssyncadd.s32 $0xFFFFC000  }
0x107: {  	_ =	swait.ge [sflag:s23], $0x4000  }
0x108: {  	[sflag:s23] =	ssyncset.done $0x0  }
0x109: {  	s10 =	simm.s32 $0x0;
	[sflag:s23] =	ssyncadd.s32 $0xFFFFC000  }
0x10a: {  	v0 =	vld [tilespmem:s10+$0x1370]  }
0x10b: {  	v1 =	vld [tilespmem:s10+$0x5370]  }
0x10c: {  	v2 =	vld [tilespmem:s10+$0x1300]  }
0x10d: {  	v3 =	vld [tilespmem:s10+$0x5300]  }
0x10e: {  	v4 =	vld [tilespmem:s10+$0x1310]  }
0x10f: {  	v5 =	vld [tilespmem:s10+$0x5310]  }
0x110: {  	v6 =	vld [tilespmem:s10+$0x1320]  }
0x111: {  	v7 =	vld [tilespmem:s10+$0x1330]  }
0x112: {  	v0 =	vadd.f32 v1, v0;
	v1 =	vld [tilespmem:s10+$0x5320]  }
0x113: {  	v8 =	vld [tilespmem:s10+$0x5330]  }
0x114: {  	v9 =	vld [tilespmem:s10+$0x5340];
	v2 =	vadd.f32 v3, v2  }
0x115: {  	[tilespmem:s10+$0x11370] =	vst v0;
	v0 =	vadd.f32 v5, v4;
	v5 =	vld [tilespmem:s10+$0x1340]  }
0x116: {  	v3 =	vld [tilespmem:s10+$0x5350];
	[tilespmem:s10+$0x11300] =	vst v2  }
0x117: {  	v2 =	vld [tilespmem:s10+$0x1350];
	[tilespmem:s10+$0x11310] =	vst v0;
	v0 =	vadd.f32 v1, v6  }
0x118: {  	v4 =	vld [tilespmem:s10+$0x5360];
	v6 =	vadd.f32 v8, v7  }
0x119: {  	s11 =	simm.s32 $0x80;
	[tilespmem:s10+$0x11320] =	vst v0;
	v0 =	vld [tilespmem:s10+$0x1360]  }
0x11a: {  	s0 =	simm.s32 $0x400;
	v5 =	vadd.f32 v9, v5;
	v1 =	vld [tilespmem:s11+$0x1370];
	[tilespmem:s10+$0x11330] =	vst v6  }
.LBB2_12:
0x11b: {  	p1 =	sne.s32 s0, $0xFE00;
	v6 =	vld [tilespmem:s11+$0x5370]  }
0x11c: {  	v7 =	vld [tilespmem:s11+$0x1300];
	[tilespmem:s10+$0x11340] =	vst v5;
	v2 =	vadd.f32 v3, v2  }
0x11d: {  	v3 =	vld [tilespmem:s11+$0x5300]  }
0x11e: {  	v5 =	vld [tilespmem:s11+$0x1310];
	[tilespmem:s10+$0x11350] =	vst v2;
	v0 =	vadd.f32 v4, v0  }
0x11f: {  	v2 =	vld [tilespmem:s11+$0x5310]  }
0x120: {  	v4 =	vld [tilespmem:s11+$0x1320];
	v1 =	vadd.f32 v6, v1;
	[tilespmem:s10+$0x11360] =	vst v0;
	s10 =	smov.u32 s11  }
0x121: {  	v0 =	vld [tilespmem:s10+$0x5320]  }
0x122: {  	v3 =	vadd.f32 v3, v7;
	v6 =	vld [tilespmem:s10+$0x1330];
	[tilespmem:s10+$0x11370] =	vst v1  }
0x123: {  	v1 =	vld [tilespmem:s10+$0x5330]  }
0x124: {  	[tilespmem:s10+$0x11300] =	vst v3;
	v2 =	vadd.f32 v2, v5;
	v5 =	vld [tilespmem:s10+$0x1340]  }
0x125: {  	v7 =	vld [tilespmem:s10+$0x5340]  }
.Ltmp8:
0x126: {  	[tilespmem:s10+$0x11310] =	vst v2;
	v0 =	vadd.f32 v0, v4;
	v2 =	vld [tilespmem:s10+$0x1350];
	(pc) =	sbr.rel @p1 .LBB2_12-.Ltmp8, $4  }
0x127: {  	v3 =	vld [tilespmem:s10+$0x5350]  }
0x128: {  	[tilespmem:s10+$0x11320] =	vst v0;
	v6 =	vadd.f32 v1, v6;
	v0 =	vld [tilespmem:s10+$0x1360]  }
0x129: {  	s11 =	sshra.s32 s0, $0x2;
	v4 =	vld [tilespmem:s10+$0x5360]  }
0x12a: {  	s0 =	sadd.s32 $0x200, s0;
	v1 =	vld [tilespmem:s11+$0x1370];
	[tilespmem:s10+$0x11330] =	vst v6;
	v5 =	vadd.f32 v7, v5  }
0x12b: {  	v6 =	vld [tilespmem:s11+$0x5370]  }
0x12c: {  	v7 =	vld [tilespmem:s11+$0x1300];
	[tilespmem:s10+$0x11340] =	vst v5;
	v2 =	vadd.f32 v3, v2  }
0x12d: {  	v51 =	vld [tilespmem:s11+$0x5300]  }
0x12e: {  	v5 =	vld [tilespmem:s11+$0x1310];
	[tilespmem:s10+$0x11350] =	vst v2;
	v0 =	vadd.f32 v4, v0  }
0x12f: {  	v2 =	vld [tilespmem:s11+$0x5310]  }
0x130: {  	v52 =	vld [tilespmem:s11+$0x1320];
	[tilespmem:s10+$0x11360] =	vst v0  }
0x131: {  	v54 =	vld [tilespmem:s11+$0x5320]  }
0x132: {  	v55 =	vld [tilespmem:s11+$0x1330]  }
0x133: {  	v56 =	vld [tilespmem:s11+$0x5330]  }
0x134: {  	v57 =	vld [tilespmem:s11+$0x1340]  }
0x135: {  	v58 =	vld [tilespmem:s11+$0x5340]  }
0x136: {  	v59 =	vld [tilespmem:s11+$0x1350]  }
0x137: {  	v53 =	vadd.f32 v6, v1;
	v60 =	vld [tilespmem:s11+$0x5350]  }
0x138: {  	v61 =	vld [tilespmem:s11+$0x1360];
	v3 =	vadd.f32 v51, v7  }
0x139: {  	v62 =	vld [tilespmem:s11+$0x5360];
	[tilespmem:s11+$0x11370] =	vst v53;
	v2 =	vadd.f32 v2, v5  }
0x13a: {  	[tilespmem:s11+$0x11300] =	vst v3;
	v1 =	vadd.f32 v54, v52  }
0x13b: {  	[tilespmem:s11+$0x11310] =	vst v2;
	v0 =	vadd.f32 v56, v55  }
0x13c: {  	v3 =	vadd.f32 v58, v57;
	[tilespmem:s11+$0x11320] =	vst v1  }
0x13d: {  	v63 =	vadd.f32 v60, v59;
	[tilespmem:s11+$0x11330] =	vst v0  }
0x13e: {  	[tilespmem:s11+$0x11340] =	vst v3;
	v1 =	vadd.f32 v62, v61  }
0x13f: {  	[tilespmem:s11+$0x11350] =	vst v63  }
.Ltmp9:
0x140: {  	s0 =	rddreg [dreg:$0x4];
	[tilespmem:s11+$0x11360] =	vst v1;
	(pc) =	sbr.rel .LBB2_14-.Ltmp9, $4  }
0x141: {  	[hbm4b:s0+s2] =	stream.linear.scatter [tilespmem:s24], [sflag:$0x7], $0x4000, $0x38;
	[tilespmem:$0x19400] =	vst v63  }
0x142: {  	_ =	swait.ge [sflag:s14], $0x4000  }
0x143: {  	[sflag:s14] =	ssyncset.done $0x0  }
0x144: {  	[sflag:s14] =	ssyncadd.s32 $0xFFFFC000  }
.LBB2_15:
0x145: {  	_ =	sfence.sel $0x180000  }
0x146: {  	[bflag:$0x0] =	sbarrier.arrive $0xFFFF  }
0x147: {  	_ =	strace $0x9000004D  }
0x148: {  	s0 =	stileid.u32;
	[bflag:$0x2] =	sbarrier.arrive $0xFFFF  }
0x149: {  	p0 =	sne.s32 s0, $0x0;
	s0 =	rddreg [dreg:$0x1]  }
0x14a: {  	s0 =	sadd.s32 @!p0 $0x100000, s0  }
0x14b: {  	[sflag:s0] =	ssyncadd.tile.s32 @!p0 $0x1;
	_ =	shalt  }
.Lfunc_end2:
_tile_overlayer_lowered:
.L_overlay_start_2:
0x14c: {  	(tag) =	ssettag $0x2  }
0x14d: {  	s0 =	rddreg [dreg:$0x0];
	s2 =	stileid.u32  }
0x14e: {  	s1 =	rddreg [dreg:$0x1];
	p0 =	sne.s32 s2, $0x0  }
0x14f: {  	s3 =	rddreg [dreg:$0x2];
	[bflag:$0x3] =	sbarrier.arrive $0xFFFF;
	s2 =	simm.s32 @!p0 $0x1C07  }
0x150: {  	[timem:s3], [sflag:s2] =	dma.local @!p0 [hbm:s0], s1  }
0x151: {  	s0 =	simm.s32 @!p0 $0x7  }
0x152: {  	_ =	swait.ge @!p0 [sflag:s0], s1  }
0x153: {  	s1 =	ssub.s32 @!p0 $0x0, s1;
	[sflag:s0] =	ssyncset.done @!p0 $0x0  }
0x154: {  	[sflag:s0] =	ssyncadd.s32 @!p0 s1  }
0x155: {  	[bflag:$0x3] =	sbarrier.arrive $0xFFFF  }
0x156: {  	_ =	shalt  }

// kernel: kernel.21.cloned.1.call-start
scs
__scs_entry_jumppad:
0x0: {  	(pc) =	sbr.rel $0x88, $3  }
0x1: {  	(tag) =	ssettag $0x0;
	lr =	simm.s32 $0x1  }
0x2: {  	[smem:$0x3F8C] =	sst lr;
	_ =	strace $0xD0000000  }
0x3: {  	_ = 	snop  }
0x4: {  	_ = 	snop  }
0x5: {  	_ = 	snop  }
0x6: {  	_ = 	snop  }
0x7: {  	_ = 	snop  }
__scs_overlays_trampoline_lowered:
0x8: {  	[smem:$0x3F9B] =	sst s0  }
0x9: {  	[smem:$0x3F9C] =	sst s1  }
0xa: {  	[smem:$0x3F9D] =	sst s2  }
0xb: {  	[smem:$0x3F9E] =	sst s3  }
0xc: {  	[smem:$0x3F9F] =	sst s4  }
0xd: {  	[smem:$0x3FA0] =	sst s5  }
0xe: {  	[smem:$0x3FA1] =	sst s6  }
0xf: {  	[smem:$0x3FA2] =	sst s7  }
0x10: {  	[smem:$0x3FA3] =	sst s8  }
0x11: {  	[smem:$0x3FA4] =	sst s9;
	s0 =	simm.s32 @!p0 $0x0  }
0x12: {  	s1 =	sld [smem:$0x3F8A];
	s0 =	simm.s32 @p0 $0x1  }
0x13: {  	[smem:$0x3FA5] =	sst s0;
	s0 =	simm.s32 @!p1 $0x0  }
0x14: {  	s2 =	sld [smem:$0x3F89];
	s0 =	simm.s32 @p1 $0x1  }
0x15: {  	[smem:$0x3FA6] =	sst s0;
	s0 =	simm.s32 @!p2 $0x0  }
0x16: {  	s3 =	sld [smem:$0x3FDB];
	s0 =	simm.s32 @p2 $0x1  }
0x17: {  	s4 =	simm.s32 $0x1BF5;
	[smem:$0x3FA8] =	sst s0  }
0x18: {  	s0 =	sld [smem:$0x3F8B];
	_ =	swait.ge [sflag:s4], $0x0  }
0x19: {  	s7 =	sld [smem:$0x3F8C]  }
0x1a: {  	s8 =	sadd.s32 $0xFFFFE003, lr  }
0x1b: {  	s9 =	sadd.s32 $0xFFFFFEF7, lr;
	s5 =	simm.s32 $0xFFFFFFFF;
	p2 =	slt.u32 s8, $0xFFFFF086  }
0x1c: {  	p1 =	slt.u32 s9, $0xF7A;
	s5 =	simm.s32 @!p2 $0x0  }
0x1d: {  	s5 =	simm.s32 @p1 $0x1;
	p0 =	seq.s32 s7, s2  }
0x1e: {  	s7 =	smul.u32 @!p0 $0xF7A, s2;
	p2 =	seq.s32 @!p0 s5, $0x0  }
0x1f: {  	s9 =	smul.u32 $0xF7A, s1;
	s8 =	simm.s32 @!p0 $0x1BF5;
	p2 =	por !p2, p0  }
0x20: {  	[sflag:s8] =	ssyncset.s32 @!p0 $0xFFFFF086;
	s6 =	sadd.s32 @!p0 s3, s7;
	s7 =	simm.s32 @!p0 $0x108  }
0x21: {  	s3 =	sadd.s32 s3, s9;
	s6 =	sadd.s32 @!p0 $0x88, s6;
	s7 =	simm.s32 @p2 $0x1082  }
0x22: {  	[simem:s7], [sflag:s8] =	dma.local @!p0 [hbm:s6], $0xF7A  }
0x23: {  	s9 =	sor.u32 $0xD0000000, s2;
	s6 =	simm.s32 $0x108;
	_ =	swait.ge @!p0 [sflag:s8], $0x0  }
0x24: {  	s3 =	sadd.s32 $0x88, s3;
	s6 =	simm.s32 @!p1 $0x1082;
	[sflag:s4] =	ssyncset.s32 $0xFFFFF086  }
0x25: {  	[simem:s6], [sflag:s4] =	dma.local [hbm:s3], $0xF7A  }
0x26: {  	[smem:$0x3F8C] =	sst s1;
	(tag) =	ssettag s2;
	_ =	strace s9  }
0x27: {  	s1 =	sld [smem:$0x3F9C]  }
0x28: {  	s2 =	sld [smem:$0x3F9D]  }
0x29: {  	s4 =	sld [smem:$0x3F9F]  }
0x2a: {  	p0 =	seq.s32 s5, $0x0;
	s5 =	sld [smem:$0x3FA0]  }
0x2b: {  	s6 =	sld [smem:$0x3FA1]  }
0x2c: {  	s7 =	sld [smem:$0x3FA2]  }
0x2d: {  	s3 =	simm.s32 $0x108;
	s8 =	sld [smem:$0x3FA3]  }
0x2e: {  	s3 =	simm.s32 @!p0 $0x1082;
	s9 =	sld [smem:$0x3FA4]  }
0x2f: {  	lr =	sadd.s32 s0, s3;
	s0 =	sld [smem:$0x3F9B]  }
0x30: {  	s3 =	sld [smem:$0x3F9E]  }
0x31: {  	[smem:$0x3FA7] =	sst s10  }
0x32: {  	s10 =	sld [smem:$0x3FA5];
	_ =	sdelay $0x3  }
0x33: {  	p0 =	seq.s32 s10, $0x1;
	s10 =	sld [smem:$0x3FA7];
	_ =	sdelay $0x3  }
0x34: {  	[smem:$0x3FA7] =	sst s10  }
0x35: {  	s10 =	sld [smem:$0x3FA6];
	_ =	sdelay $0x3  }
0x36: {  	p1 =	seq.s32 s10, $0x1;
	s10 =	sld [smem:$0x3FA7];
	_ =	sdelay $0x3  }
0x37: {  	[smem:$0x3FA7] =	sst s10  }
0x38: {  	s10 =	sld [smem:$0x3FA8]  }
0x39: {  	_ = 	snop;
	(pc) =	sbr.ind lr, $3  }
0x3a: {  	_ = 	snop  }
0x3b: {  	_ = 	snop  }
0x3c: {  	p2 =	seq.s32 s10, $0x1;
	s10 =	sld [smem:$0x3FA7]  }
0x3d: {  	_ =	shalt  }
0x3e: {  	_ =	shalt  }
0x3f: {  	_ =	shalt  }
0x40: {  	_ =	shalt  }
0x41: {  	_ =	shalt  }
0x42: {  	_ =	shalt  }
0x43: {  	_ =	shalt  }
0x44: {  	_ =	shalt  }
0x45: {  	_ =	shalt  }
0x46: {  	_ =	shalt  }
0x47: {  	_ =	shalt  }
0x48: {  	_ =	shalt  }
0x49: {  	_ =	shalt  }
0x4a: {  	_ =	shalt  }
0x4b: {  	_ =	shalt  }
0x4c: {  	_ =	shalt  }
0x4d: {  	_ =	shalt  }
0x4e: {  	_ =	shalt  }
0x4f: {  	_ =	shalt  }
0x50: {  	_ =	shalt  }
0x51: {  	_ =	shalt  }
0x52: {  	_ =	shalt  }
0x53: {  	_ =	shalt  }
0x54: {  	_ =	shalt  }
0x55: {  	_ =	shalt  }
0x56: {  	_ =	shalt  }
0x57: {  	_ =	shalt  }
0x58: {  	_ =	shalt  }
0x59: {  	_ =	shalt  }
0x5a: {  	_ =	shalt  }
0x5b: {  	_ =	shalt  }
0x5c: {  	_ =	shalt  }
0x5d: {  	_ =	shalt  }
0x5e: {  	_ =	shalt  }
0x5f: {  	_ =	shalt  }
0x60: {  	_ =	shalt  }
0x61: {  	_ =	shalt  }
0x62: {  	_ =	shalt  }
0x63: {  	_ =	shalt  }
0x64: {  	_ =	shalt  }
0x65: {  	_ =	shalt  }
0x66: {  	_ =	shalt  }
0x67: {  	_ =	shalt  }
0x68: {  	_ =	shalt  }
0x69: {  	_ =	shalt  }
0x6a: {  	_ =	shalt  }
0x6b: {  	_ =	shalt  }
0x6c: {  	_ =	shalt  }
0x6d: {  	_ =	shalt  }
0x6e: {  	_ =	shalt  }
0x6f: {  	_ =	shalt  }
0x70: {  	_ =	shalt  }
0x71: {  	_ =	shalt  }
0x72: {  	_ =	shalt  }
0x73: {  	_ =	shalt  }
0x74: {  	_ =	shalt  }
0x75: {  	_ =	shalt  }
0x76: {  	_ =	shalt  }
0x77: {  	_ =	shalt  }
0x78: {  	_ =	shalt  }
0x79: {  	_ =	shalt  }
0x7a: {  	_ =	shalt  }
0x7b: {  	_ =	shalt  }
0x7c: {  	_ =	shalt  }
0x7d: {  	_ =	shalt  }
0x7e: {  	_ =	shalt  }
0x7f: {  	_ =	shalt  }
0x80: {  	_ =	shalt  }
0x81: {  	_ =	shalt  }
0x82: {  	_ =	shalt  }
0x83: {  	_ =	shalt  }
0x84: {  	_ =	shalt  }
0x85: {  	_ =	shalt  }
0x86: {  	_ =	shalt  }
0x87: {  	_ =	shalt  }
.Lfunc_end0:
.L_simem_size_0:
called_computation.3_lowered:
.L_overlay_start_0:
0x88: {  	s2 =	sld [smem:$0x3FD9]  }
0x89: {  	s3 =	sld [smem:$0x3FFE];
	_ =	sdelay $0x1  }
0x8a: {  	s1 =	srdreg.scid  }
0x8b: {  	s0 =	sand.u32 $0x1, s1  }
0x8c: {  	s17 =	sshll.u32 s0, $0xA;
	s2 =	sadd.s32 s3, s2  }
0x8d: {  	s2 =	sadd.s32 s2, s17  }
0x8e: {  	[smem:$0x3FB3] =	sst s2  }
0x8f: {  	_ = 	snop  }
0x90: {  	(tm) =	ssettm $0x1  }
0x91: {  	s18 =	sld [smem:$0x3FFB];
	_ =	sdelay $0x3  }
0x92: {  	_ =	strace s18  }
0x93: {  	s2 =	sld [smem:$0x3FFC];
	_ =	sdelay $0x3  }
0x94: {  	_ =	strace s2  }
0x95: {  	s2 =	sld [smem:$0x3FFD];
	_ =	sdelay $0x3  }
0x96: {  	_ =	strace s2  }
0x97: {  	_ =	strace $0x8FFFFFFF  }
0x98: {  	s19 =	sld [smem:$0x3FDB];
	_ =	sdelay $0x1  }
0x99: {  	s20 =	simm.s32 $_scs_section_size  }
0x9a: {  	s4 =	simm.s32 $_size__tile_overlayer_lowered;
	s5 =	simm.s32 $_tile_overlayer_lowered  }
0x9b: {  	s6 =	simm.s32 $0x1BFF;
	s21 =	sshll.u32 s5, $0x1;
	s3 =	sadd.s32 s20, s19  }
0x9c: {  	s22 =	simm.s32 $0x0;
	s4 =	sshll.u32 s4, $0x1;
	s5 =	sadd.s32 s21, s3  }
0x9d: {  	[timem:s22], [sflag:s6] =	dma.local [hbm:s5], s4  }
0x9e: {  	_ =	swait.ge [sflag:s6], s4  }
0x9f: {  	s4 =	ssub.s32 $0x0, s4;
	[sflag:s6] =	ssyncset.done $0x0  }
0xa0: {  	[sflag:s6] =	ssyncadd.s32 s4;
	_ =	sdelay $0x1  }
0xa1: {  	s23 =	simm.s32 $0x1B8B  }
0xa2: {  	_ =	swait.ge [sflag:s23], $0x1  }
0xa3: {  	[sflag:s23] =	ssyncset.done $0x0  }
0xa4: {  	[sflag:s23] =	ssyncadd.s32 $0xFFFFFFFF  }
0xa5: {  	s4 =	sld [smem:$0x0]  }
0xa6: {  	s5 =	sand.u32 $0xFFFFFFFE, s1  }
0xa7: {  	p0 =	sne.s32 s1, s5  }
0xa8: {  	s5 =	sshll.u32 @p0 s5, $0xE  }
0xa9: {  	s5 =	sadd.s32 @p0 $0x11B8D, s5;
	s6 =	sshll.u32 @p0 s4, $0x11  }
0xaa: {  	s5 =	sor.u32 @p0 s6, s5  }
0xab: {  	[sflag:s5] =	ssyncadd.remote.s32 @p0 $0x1;
	_ =	sdelay $0x1  }
0xac: {  	s5 =	simm.s32 @p0 $0x1B8D  }
0xad: {  	_ =	swait.eq @p0 [sflag:s5], $0x1  }
0xae: {  	[sflag:s5] =	ssyncadd.s32 @p0 $0xFFFFFFFF  }
0xaf: {  	s6 =	sshll.u32 @!p0 s1, $0xE  }
0xb0: {  	s6 =	sor.u32 @!p0 $0x4000, s6;
	s5 =	simm.s32 @!p0 $0x1B8D  }
0xb1: {  	s4 =	sshll.u32 @!p0 s4, $0x11;
	s6 =	sadd.s32 @!p0 $0x11B8D, s6;
	_ =	swait.eq @!p0 [sflag:s5], $0x1  }
0xb2: {  	s4 =	sor.u32 @!p0 s4, s6;
	[sflag:s5] =	ssyncadd.s32 @!p0 $0xFFFFFFFF  }
0xb3: {  	s25 =	simm.s32 $0x1B8E;
	s24 =	sld [smem:$0x3FFE];
	[sflag:s4] =	ssyncadd.remote.s32 @!p0 $0x1  }
0xb4: {  	s26 =	simm.s32 $execute0_lowered;
	[smem:$0x3FD2] =	sst s25  }
0xb5: {  	s5 =	sshll.u32 s26, $0x1;
	_ =	strace $0x8000004F;
	[dreg:$0x1] =	wrdreg $0xFFFFFFFF  }
0xb6: {  	s28 =	simm.s32 $_size_execute0_lowered;
	s3 =	sadd.s32 s3, s5;
	[dreg:$0x0] =	wrdreg $0x0  }
0xb7: {  	s5 =	sshll.u32 s28, $0x1;
	[dreg:$0x2] =	wrdreg s3  }
0xb8: {  	[dreg:$0x3] =	wrdreg s5  }
0xb9: {  	[dreg:$0x4] =	wrdreg $0xC0  }
0xba: {  	_ =	task [dreg:s22], $0x5FFFF  }
0xbb: {  	[dreg:$0x1] =	wrdreg $0xFFFFFFFF  }
0xbc: {  	[dreg:$0x0] =	wrdreg $0x60  }
0xbd: {  	[dreg:$0x2] =	wrdreg s24  }
0xbe: {  	[dreg:$0x3] =	wrdreg $0xC  }
0xbf: {  	_ =	task.clear_ibuf [dreg:s22], $0x4FFFF;
	_ =	strace $0x9000004F  }
0xc0: {  	s29 =	simm.s32 $0xC;
	_ =	strace $0x80000051  }
0xc1: {  	_ =	swait.ge [sflag:s29], $0x1  }
0xc2: {  	[sflag:s29] =	ssyncadd.s32 $0xFFFFFFFF  }
0xc3: {  	_ =	strace $0x90000051  }
0xc4: {  	_ =	sfence  }
0xc5: {  	s30 =	sld [smem:$0x0];
	_ =	sdelay $0x2  }
0xc6: {  	s31 =	sshll.u32 s1, $0xD;
	s1 =	sshrl.u32 s1, $0x2  }
0xc7: {  	s4 =	sand.u32 $0x4000, s31;
	s1 =	sadd.s32 s1, s30  }
0xc8: {  	s0 =	sor.u32 s4, s0;
	s1 =	sshll.u32 s1, $0x11  }
0xc9: {  	s0 =	sor.u32 s1, s0  }
0xca: {  	s0 =	sadd.s32 $0x8F2B, s0  }
0xcb: {  	[sflag:s0] =	ssyncadd.remote.s32 $0x1  }
0xcc: {  	_ =	sfence.sel $0xFFFF  }
0xcd: {  	[dreg:$0x0] =	wrdreg $0xFFFFFFFF;
	(pc) =	sbr.abs _section_cstart, $3  }
0xce: {  	[dreg:$0x1] =	wrdreg $0xFFFFFFFF  }
0xcf: {  	_ =	task.clear_ibuf [dreg:s22], $0x2FFFF;
	_ =	strace $0x9FFFFFFF  }
0xd0: {  	(tm) =	ssettm $0x7FFFFFFF  }
0xd1: {  	_ =	shalt  }
tec
execute0_lowered:
.L_overlay_start_1:
0x0: {  	(tag) =	ssettag $0x1  }
0x1: {  	s0 =	rddreg [dreg:$0x0]  }
0x2: {  	s1 =	srdreg.scid;
	s3 =	stileid.u32  }
0x3: {  	s2 =	simm.s32 $0x0;
	s14 =	simm.s32 $0x7;
	s15 =	simm.s32 $0x980  }
0x4: {  	s16 =	simm.s32 $0x80;
	s17 =	simm.s32 $0x1300;
	s18 =	simm.s32 $0x5300  }
0x5: {  	s19 =	simm.s32 $0x9300;
	s21 =	simm.s32 $0xD300;
	s22 =	simm.s32 $0x1  }
0x6: {  	s23 =	simm.s32 $0x2;
	s28 =	simm.s32 $0x15300;
	s29 =	simm.s32 $0x5  }
0x7: {  	s30 =	simm.s32 $0x6;
	s1 =	sand.u32 $0x1, s1;
	[smem:$0x7FF] =	sst s2  }
0x8: {  	s3 =	sshll.u32 s3, $0x1;
	s11 =	sadd.s32 $0x170400, s0;
	s12 =	sadd.s32 $0x16DC00, s0  }
0x9: {  	s5 =	sadd.s32 $0x3E3C00, s0;
	s10 =	sor.u32 s1, s3;
	_ =	strace $0x80000050  }
0xa: {  	s3 =	sadd.s32 $0x4200, s0;
	s1 =	ssub.s32 $0x2, s1;
	s8 =	smul.u32 $0x980, s10  }
0xb: {  	s6 =	sshrl.u32 s1, $0x1;
	s4 =	smul.u32 $0x4C000, s10;
	s9 =	sshll.u32 s10, $0x7  }
0xc: {  	p0 =	sgt.u32 s10, $0x10;
	s24 =	ssub.s32 s1, s6;
	s13 =	sor.u32 $0x13000, s9  }
0xd: {  	s7 =	sshrl.u32 s8, $0x3;
	s25 =	sshrl.u32 s4, $0x3;
	s8 =	sadd.s32 $0x80, s8  }
0xe: {  	s26 =	sshrl.u32 s13, $0x3;
	s13 =	sshll.u32 s13, $0x4;
	s6 =	sadd.s32 s11, s7  }
.Ltmp0:
0xf: {  	s7 =	sadd.s32 s12, s7;
	s1 =	sadd.s32 s5, s25;
	(pc) =	sbr.rel .LBB2_1-.Ltmp0, $4  }
0x10: {  	s11 =	sadd.s32 s11, s26;
	s31 =	sadd.s32 s5, s13;
	s13 =	smax.u32 s24, $0x1  }
0x11: {  	s24 =	simm.s32 $0x11300;
	s25 =	simm.s32 $0x3;
	[dreg:$0x2] =	wrdreg s11  }
0x12: {  	s9 =	sadd.s32 $0x9000, s1;
	s1 =	sadd.s32 s12, s26;
	[dreg:$0x4] =	wrdreg s31  }
0x13: {  	s26 =	simm.s32 $0x4;
	[dreg:$0x3] =	wrdreg s1;
	s1 =	simm.s32 $0x0  }
.LBB2_14:
0x14: {  	s1 =	sadd.s32 $0x1, s1  }
0x15: {  	p1 =	sne.s32 s1, s13  }
.Ltmp1:
0x16: {  	_ = 	snop;
	(pc) =	sbr.rel @!p1 .LBB2_15-.Ltmp1, $1  }
0x17: {  	_ =	sdelay $0x3  }
.LBB2_1:
0x18: {  	[tilespmem:s2], [sflag:$0x7] =	stream.linear.gather [hbm4b:s6+s2], $0x980, $0x38;
	[tilespmem:$0x19400] =	vst v63  }
0x19: {  	_ =	swait.ge [sflag:s14], $0x980  }
0x1a: {  	[sflag:s14] =	ssyncset.done $0x0  }
0x1b: {  	[sflag:s14] =	ssyncadd.s32 $0xFFFFF680  }
0x1c: {  	[tilespmem:s15], [sflag:$0x7] =	stream.linear.gather [hbm4b:s7+s2], $0x980, $0x38;
	[tilespmem:$0x19400] =	vst v63  }
0x1d: {  	_ =	swait.ge [sflag:s14], $0x980  }
0x1e: {  	[sflag:s14] =	ssyncset.done $0x0  }
0x1f: {  	[sflag:s14] =	ssyncadd.s32 $0xFFFFF680  }
0x20: {  	[tilespmem:s17], [sflag:$0x1] =	stream.indirect.gather [hbm4b:s3+s16], $0x80, s2, s16, $0xb8;
	[tilespmem:$0x19400] =	vst v63  }
0x21: {  	_ = 	snop  }
0x22: {  	[tilespmem:s18], [sflag:$0x2] =	stream.indirect.gather [hbm4b:s3+s16], $0x80, s15, s16, $0xb8;
	[tilespmem:$0x19400] =	vst v63  }
0x23: {  	_ = 	snop  }
0x24: {  	[tilespmem:s19], [sflag:$0x3] =	stream.indirect.gather [hbm4b:s3+s16], $0x80, s16, s16, $0xb8;
	[tilespmem:$0x19400] =	vst v63  }
0x25: {  	s0 =	simm.s32 $0xA00;
	s20 =	simm.s32 $0x0  }
0x26: {  	[tilespmem:s21], [sflag:$0x4] =	stream.indirect.gather [hbm4b:s3+s16], $0x80, s0, s16, $0xb8;
	[tilespmem:$0x19400] =	vst v63  }
.LBB2_2:
0x27: {  	_ =	swait.ge [sflag:s22], $0x4000  }
0x28: {  	[sflag:s22] =	ssyncset.done $0x0  }
0x29: {  	[sflag:s22] =	ssyncadd.s32 $0xFFFFC000  }
0x2a: {  	_ =	swait.ge [sflag:s23], $0x4000  }
0x2b: {  	p1 =	seq.s32 s20, $0x0;
	[sflag:s23] =	ssyncset.done $0x0  }
0x2c: {  	s0 =	simm.s32 @!p1 $0x5;
	[sflag:s23] =	ssyncadd.s32 $0xFFFFC000  }
0x2d: {  	_ =	swait.ge @!p1 [sflag:s0], $0x4000  }
0x2e: {  	[sflag:s0] =	ssyncset.done @!p1 $0x0  }
0x2f: {  	s11 =	simm.s32 $0x0;
	[sflag:s0] =	ssyncadd.s32 @!p1 $0xFFFFC000  }
0x30: {  	v0 =	vld [tilespmem:s11+$0x1370]  }
0x31: {  	v1 =	vld [tilespmem:s11+$0x5370]  }
0x32: {  	v2 =	vld [tilespmem:s11+$0x1300]  }
0x33: {  	v3 =	vld [tilespmem:s11+$0x5300]  }
0x34: {  	v4 =	vld [tilespmem:s11+$0x1310]  }
0x35: {  	v5 =	vld [tilespmem:s11+$0x5310]  }
0x36: {  	v6 =	vld [tilespmem:s11+$0x1320]  }
0x37: {  	v7 =	vld [tilespmem:s11+$0x1330]  }
0x38: {  	v0 =	vadd.f32 v1, v0;
	v1 =	vld [tilespmem:s11+$0x5320]  }
0x39: {  	v8 =	vld [tilespmem:s11+$0x5330]  }
0x3a: {  	v9 =	vld [tilespmem:s11+$0x5340];
	v2 =	vadd.f32 v3, v2  }
0x3b: {  	[tilespmem:s11+$0x11370] =	vst v0;
	v0 =	vadd.f32 v5, v4;
	v5 =	vld [tilespmem:s11+$0x1340]  }
0x3c: {  	v3 =	vld [tilespmem:s11+$0x5350];
	[tilespmem:s11+$0x11300] =	vst v2  }
0x3d: {  	v2 =	vld [tilespmem:s11+$0x1350];
	[tilespmem:s11+$0x11310] =	vst v0;
	v0 =	vadd.f32 v1, v6  }
0x3e: {  	v4 =	vld [tilespmem:s11+$0x5360];
	v6 =	vadd.f32 v8, v7  }
0x3f: {  	s12 =	simm.s32 $0x80;
	[tilespmem:s11+$0x11320] =	vst v0;
	v0 =	vld [tilespmem:s11+$0x1360]  }
0x40: {  	s10 =	sshll.u32 s20, $0x8;
	s31 =	simm.s32 $0x400;
	v5 =	vadd.f32 v9, v5;
	v1 =	vld [tilespmem:s12+$0x1370];
	[tilespmem:s11+$0x11330] =	vst v6  }
.LBB2_3:
0x41: {  	p2 =	sne.s32 s31, $0xFE00;
	v6 =	vld [tilespmem:s12+$0x5370]  }
0x42: {  	v7 =	vld [tilespmem:s12+$0x1300];
	[tilespmem:s11+$0x11340] =	vst v5;
	v2 =	vadd.f32 v3, v2  }
0x43: {  	v3 =	vld [tilespmem:s12+$0x5300]  }
0x44: {  	v5 =	vld [tilespmem:s12+$0x1310];
	[tilespmem:s11+$0x11350] =	vst v2;
	v0 =	vadd.f32 v4, v0  }
0x45: {  	v2 =	vld [tilespmem:s12+$0x5310]  }
0x46: {  	v4 =	vld [tilespmem:s12+$0x1320];
	v1 =	vadd.f32 v6, v1;
	[tilespmem:s11+$0x11360] =	vst v0;
	s11 =	smov.u32 s12  }
0x47: {  	v0 =	vld [tilespmem:s11+$0x5320]  }
0x48: {  	v3 =	vadd.f32 v3, v7;
	v6 =	vld [tilespmem:s11+$0x1330];
	[tilespmem:s11+$0x11370] =	vst v1  }
0x49: {  	v1 =	vld [tilespmem:s11+$0x5330]  }
0x4a: {  	[tilespmem:s11+$0x11300] =	vst v3;
	v2 =	vadd.f32 v2, v5;
	v5 =	vld [tilespmem:s11+$0x1340]  }
0x4b: {  	v7 =	vld [tilespmem:s11+$0x5340]  }
.Ltmp2:
0x4c: {  	[tilespmem:s11+$0x11310] =	vst v2;
	v0 =	vadd.f32 v0, v4;
	v2 =	vld [tilespmem:s11+$0x1350];
	(pc) =	sbr.rel @p2 .LBB2_3-.Ltmp2, $4  }
0x4d: {  	v3 =	vld [tilespmem:s11+$0x5350]  }
0x4e: {  	[tilespmem:s11+$0x11320] =	vst v0;
	v6 =	vadd.f32 v1, v6;
	v0 =	vld [tilespmem:s11+$0x1360]  }
0x4f: {  	s12 =	sshra.s32 s31, $0x2;
	v4 =	vld [tilespmem:s11+$0x5360]  }
0x50: {  	s31 =	sadd.s32 $0x200, s31;
	v1 =	vld [tilespmem:s12+$0x1370];
	[tilespmem:s11+$0x11330] =	vst v6;
	v5 =	vadd.f32 v7, v5  }
0x51: {  	v6 =	vld [tilespmem:s12+$0x5370]  }
0x52: {  	v7 =	vld [tilespmem:s12+$0x1300];
	[tilespmem:s11+$0x11340] =	vst v5;
	v2 =	vadd.f32 v3, v2  }
0x53: {  	v3 =	vld [tilespmem:s12+$0x5300]  }
0x54: {  	v5 =	vld [tilespmem:s12+$0x1310];
	[tilespmem:s11+$0x11350] =	vst v2;
	v0 =	vadd.f32 v4, v0  }
0x55: {  	v2 =	vld [tilespmem:s12+$0x5310]  }
0x56: {  	v4 =	vld [tilespmem:s12+$0x1320];
	[tilespmem:s11+$0x11360] =	vst v0  }
0x57: {  	v0 =	vadd.f32 v6, v1;
	v1 =	vld [tilespmem:s12+$0x5320]  }
0x58: {  	v6 =	vld [tilespmem:s12+$0x1330]  }
0x59: {  	v3 =	vadd.f32 v3, v7;
	[tilespmem:s12+$0x11370] =	vst v0;
	v0 =	vld [tilespmem:s12+$0x5330]  }
0x5a: {  	v7 =	vld [tilespmem:s12+$0x5360]  }
0x5b: {  	[tilespmem:s12+$0x11300] =	vst v3;
	v2 =	vadd.f32 v2, v5;
	v3 =	vld [tilespmem:s12+$0x1340]  }
0x5c: {  	v5 =	vld [tilespmem:s12+$0x5340]  }
0x5d: {  	[tilespmem:s12+$0x11310] =	vst v2;
	v1 =	vadd.f32 v1, v4;
	v2 =	vld [tilespmem:s12+$0x1350]  }
0x5e: {  	v4 =	vld [tilespmem:s12+$0x5350]  }
0x5f: {  	[tilespmem:s12+$0x11320] =	vst v1;
	v1 =	vld [tilespmem:s12+$0x1360];
	_ =	sdelay $0x1  }
0x60: {  	v0 =	vadd.f32 v0, v6  }
0x61: {  	v3 =	vadd.f32 v5, v3  }
0x62: {  	s0 =	sshll.u32 s20, $0xF;
	[tilespmem:s12+$0x11330] =	vst v0;
	v0 =	vadd.f32 v4, v2  }
0x63: {  	s0 =	sadd.s32 s4, s0;
	[tilespmem:s12+$0x11340] =	vst v3;
	v1 =	vadd.f32 v7, v1  }
0x64: {  	s0 =	sshrl.u32 s0, $0x3;
	[tilespmem:s12+$0x11350] =	vst v0  }
0x65: {  	s0 =	sadd.s32 s5, s0;
	[tilespmem:s12+$0x11360] =	vst v1  }
0x66: {  	[hbm4b:s0+s2] =	stream.linear.scatter [tilespmem:s24], [sflag:$0x5], $0x4000, $0x38;
	[tilespmem:$0x19400] =	vst v63  }
0x67: {  	s11 =	sadd.s32 $0x100, s10  }
0x68: {  	[tilespmem:s17], [sflag:$0x1] =	stream.indirect.gather [hbm4b:s3+s16], $0x80, s11, s16, $0xb8;
	[tilespmem:$0x19400] =	vst v63  }
0x69: {  	s12 =	sadd.s32 $0xA80, s10  }
0x6a: {  	[tilespmem:s18], [sflag:$0x2] =	stream.indirect.gather [hbm4b:s3+s16], $0x80, s12, s16, $0xb8;
	[tilespmem:$0x19400] =	vst v63  }
0x6b: {  	_ =	swait.ge [sflag:s25], $0x4000  }
0x6c: {  	[sflag:s25] =	ssyncset.done $0x0  }
0x6d: {  	[sflag:s25] =	ssyncadd.s32 $0xFFFFC000  }
0x6e: {  	_ =	swait.ge [sflag:s26], $0x4000  }
0x6f: {  	[sflag:s26] =	ssyncset.done $0x0  }
0x70: {  	s0 =	simm.s32 @!p1 $0x6;
	[sflag:s26] =	ssyncadd.s32 $0xFFFFC000  }
0x71: {  	_ =	swait.ge @!p1 [sflag:s0], $0x4000  }
0x72: {  	[sflag:s0] =	ssyncset.done @!p1 $0x0  }
0x73: {  	s12 =	simm.s32 $0x0;
	[sflag:s0] =	ssyncadd.s32 @!p1 $0xFFFFC000  }
0x74: {  	v0 =	vld [tilespmem:s12+$0x9370]  }
0x75: {  	v1 =	vld [tilespmem:s12+$0xD370]  }
0x76: {  	v2 =	vld [tilespmem:s12+$0x9300]  }
0x77: {  	v3 =	vld [tilespmem:s12+$0xD300]  }
0x78: {  	v4 =	vld [tilespmem:s12+$0x9310]  }
0x79: {  	v5 =	vld [tilespmem:s12+$0xD310]  }
0x7a: {  	v6 =	vld [tilespmem:s12+$0x9320]  }
0x7b: {  	v7 =	vld [tilespmem:s12+$0x9330]  }
0x7c: {  	v0 =	vadd.f32 v1, v0;
	v1 =	vld [tilespmem:s12+$0xD320]  }
0x7d: {  	v8 =	vld [tilespmem:s12+$0xD330]  }
0x7e: {  	v9 =	vld [tilespmem:s12+$0xD340];
	v2 =	vadd.f32 v3, v2  }
0x7f: {  	[tilespmem:s12+$0x15370] =	vst v0;
	v0 =	vadd.f32 v5, v4;
	v5 =	vld [tilespmem:s12+$0x9340]  }
0x80: {  	v3 =	vld [tilespmem:s12+$0xD350];
	[tilespmem:s12+$0x15300] =	vst v2  }
0x81: {  	v2 =	vld [tilespmem:s12+$0x9350];
	[tilespmem:s12+$0x15310] =	vst v0;
	v0 =	vadd.f32 v1, v6  }
0x82: {  	v4 =	vld [tilespmem:s12+$0xD360];
	v6 =	vadd.f32 v8, v7  }
0x83: {  	s31 =	simm.s32 $0x80;
	[tilespmem:s12+$0x15320] =	vst v0;
	v0 =	vld [tilespmem:s12+$0x9360]  }
0x84: {  	s11 =	sadd.s32 $0x180, s10;
	s0 =	simm.s32 $0x400;
	v5 =	vadd.f32 v9, v5;
	v1 =	vld [tilespmem:s31+$0x9370];
	[tilespmem:s12+$0x15330] =	vst v6  }
.LBB2_5:
0x85: {  	p1 =	sne.s32 s0, $0xFE00;
	v6 =	vld [tilespmem:s31+$0xD370]  }
0x86: {  	v7 =	vld [tilespmem:s31+$0x9300];
	[tilespmem:s12+$0x15340] =	vst v5;
	v2 =	vadd.f32 v3, v2  }
0x87: {  	v3 =	vld [tilespmem:s31+$0xD300]  }
0x88: {  	v5 =	vld [tilespmem:s31+$0x9310];
	[tilespmem:s12+$0x15350] =	vst v2;
	v0 =	vadd.f32 v4, v0  }
0x89: {  	v2 =	vld [tilespmem:s31+$0xD310]  }
0x8a: {  	v4 =	vld [tilespmem:s31+$0x9320];
	v1 =	vadd.f32 v6, v1;
	[tilespmem:s12+$0x15360] =	vst v0;
	s12 =	smov.u32 s31  }
0x8b: {  	v0 =	vld [tilespmem:s12+$0xD320]  }
0x8c: {  	v3 =	vadd.f32 v3, v7;
	v6 =	vld [tilespmem:s12+$0x9330];
	[tilespmem:s12+$0x15370] =	vst v1  }
0x8d: {  	v1 =	vld [tilespmem:s12+$0xD330]  }
0x8e: {  	[tilespmem:s12+$0x15300] =	vst v3;
	v2 =	vadd.f32 v2, v5;
	v5 =	vld [tilespmem:s12+$0x9340]  }
0x8f: {  	v7 =	vld [tilespmem:s12+$0xD340]  }
.Ltmp3:
0x90: {  	[tilespmem:s12+$0x15310] =	vst v2;
	v0 =	vadd.f32 v0, v4;
	v2 =	vld [tilespmem:s12+$0x9350];
	(pc) =	sbr.rel @p1 .LBB2_5-.Ltmp3, $4  }
0x91: {  	v3 =	vld [tilespmem:s12+$0xD350]  }
0x92: {  	[tilespmem:s12+$0x15320] =	vst v0;
	v6 =	vadd.f32 v1, v6;
	v0 =	vld [tilespmem:s12+$0x9360]  }
0x93: {  	s31 =	sshra.s32 s0, $0x2;
	v4 =	vld [tilespmem:s12+$0xD360]  }
0x94: {  	s0 =	sadd.s32 $0x200, s0;
	v1 =	vld [tilespmem:s31+$0x9370];
	[tilespmem:s12+$0x15330] =	vst v6;
	v5 =	vadd.f32 v7, v5  }
0x95: {  	v6 =	vld [tilespmem:s31+$0xD370]  }
0x96: {  	v7 =	vld [tilespmem:s31+$0x9300];
	[tilespmem:s12+$0x15340] =	vst v5;
	v2 =	vadd.f32 v3, v2  }
0x97: {  	v51 =	vld [tilespmem:s31+$0xD300]  }
0x98: {  	v5 =	vld [tilespmem:s31+$0x9310];
	[tilespmem:s12+$0x15350] =	vst v2;
	v0 =	vadd.f32 v4, v0  }
0x99: {  	v2 =	vld [tilespmem:s31+$0xD310]  }
0x9a: {  	v52 =	vld [tilespmem:s31+$0x9320];
	[tilespmem:s12+$0x15360] =	vst v0  }
0x9b: {  	v54 =	vld [tilespmem:s31+$0xD320]  }
0x9c: {  	v55 =	vld [tilespmem:s31+$0x9330]  }
0x9d: {  	v56 =	vld [tilespmem:s31+$0xD330]  }
0x9e: {  	v57 =	vld [tilespmem:s31+$0x9340]  }
0x9f: {  	v58 =	vld [tilespmem:s31+$0xD340]  }
0xa0: {  	v59 =	vld [tilespmem:s31+$0x9350]  }
0xa1: {  	v53 =	vadd.f32 v6, v1;
	v60 =	vld [tilespmem:s31+$0xD350]  }
0xa2: {  	v61 =	vld [tilespmem:s31+$0x9360];
	v3 =	vadd.f32 v51, v7  }
0xa3: {  	v62 =	vld [tilespmem:s31+$0xD360];
	[tilespmem:s31+$0x15370] =	vst v53;
	v2 =	vadd.f32 v2, v5  }
0xa4: {  	[tilespmem:s31+$0x15300] =	vst v3;
	v1 =	vadd.f32 v54, v52  }
0xa5: {  	[tilespmem:s31+$0x15310] =	vst v2;
	v0 =	vadd.f32 v56, v55  }
0xa6: {  	p1 =	seq.s32 s20, $0x8;
	v3 =	vadd.f32 v58, v57;
	[tilespmem:s31+$0x15320] =	vst v1  }
.Ltmp4:
0xa7: {  	v63 =	vadd.f32 v60, v59;
	[tilespmem:s31+$0x15330] =	vst v0;
	(pc) =	sbr.rel @p1 .LBB2_8-.Ltmp4, $4  }
0xa8: {  	s0 =	sadd.s32 s10, s8;
	[tilespmem:s31+$0x15340] =	vst v3;
	v1 =	vadd.f32 v62, v61  }
0xa9: {  	s0 =	sshll.u32 s0, $0x4;
	[tilespmem:s31+$0x15350] =	vst v63  }
0xaa: {  	s0 =	sadd.s32 s5, s0;
	[tilespmem:s31+$0x15360] =	vst v1  }
0xab: {  	[hbm4b:s0+s2] =	stream.linear.scatter [tilespmem:s28], [sflag:$0x6], $0x4000, $0x38;
	[tilespmem:$0x19400] =	vst v63  }
.Ltmp5:
0xac: {  	(pc) =	sbr.rel .LBB2_2-.Ltmp5, $4  }
0xad: {  	_ = 	snop  }
0xae: {  	[tilespmem:s19], [sflag:$0x3] =	stream.indirect.gather [hbm4b:s3+s16], $0x80, s11, s16, $0xb8;
	[tilespmem:$0x19400] =	vst v63  }
0xaf: {  	s0 =	sadd.s32 $0x980, s11;
	s20 =	sadd.s32 $0x1, s20  }
0xb0: {  	[tilespmem:s21], [sflag:$0x4] =	stream.indirect.gather [hbm4b:s3+s16], $0x80, s0, s16, $0xb8;
	[tilespmem:$0x19400] =	vst v63  }
.LBB2_8:
0xb1: {  	_ =	swait.ge [sflag:s22], $0x4000  }
0xb2: {  	[sflag:s22] =	ssyncset.done $0x0  }
0xb3: {  	[sflag:s22] =	ssyncadd.s32 $0xFFFFC000  }
0xb4: {  	_ =	swait.ge [sflag:s23], $0x4000  }
0xb5: {  	[sflag:s23] =	ssyncset.done $0x0  }
0xb6: {  	[sflag:s23] =	ssyncadd.s32 $0xFFFFC000  }
0xb7: {  	_ =	swait.ge [sflag:s29], $0x4000  }
0xb8: {  	[sflag:s29] =	ssyncset.done $0x0  }
0xb9: {  	s10 =	simm.s32 $0x0;
	[sflag:s29] =	ssyncadd.s32 $0xFFFFC000  }
0xba: {  	v0 =	vld [tilespmem:s10+$0x1370]  }
0xbb: {  	v1 =	vld [tilespmem:s10+$0x5370]  }
0xbc: {  	v2 =	vld [tilespmem:s10+$0x1300]  }
0xbd: {  	v3 =	vld [tilespmem:s10+$0x5300]  }
0xbe: {  	v4 =	vld [tilespmem:s10+$0x1310]  }
0xbf: {  	v5 =	vld [tilespmem:s10+$0x5310]  }
0xc0: {  	v6 =	vld [tilespmem:s10+$0x1320]  }
0xc1: {  	v7 =	vld [tilespmem:s10+$0x1330]  }
0xc2: {  	v0 =	vadd.f32 v1, v0;
	v1 =	vld [tilespmem:s10+$0x5320]  }
0xc3: {  	v8 =	vld [tilespmem:s10+$0x5330]  }
0xc4: {  	v9 =	vld [tilespmem:s10+$0x5340];
	v2 =	vadd.f32 v3, v2  }
0xc5: {  	[tilespmem:s10+$0x11370] =	vst v0;
	v0 =	vadd.f32 v5, v4;
	v5 =	vld [tilespmem:s10+$0x1340]  }
0xc6: {  	v3 =	vld [tilespmem:s10+$0x5350];
	[tilespmem:s10+$0x11300] =	vst v2  }
0xc7: {  	v2 =	vld [tilespmem:s10+$0x1350];
	[tilespmem:s10+$0x11310] =	vst v0;
	v0 =	vadd.f32 v1, v6  }
0xc8: {  	v4 =	vld [tilespmem:s10+$0x5360];
	v6 =	vadd.f32 v8, v7  }
0xc9: {  	s11 =	simm.s32 $0x80;
	[tilespmem:s10+$0x11320] =	vst v0;
	v0 =	vld [tilespmem:s10+$0x1360]  }
0xca: {  	s0 =	simm.s32 $0x400;
	v5 =	vadd.f32 v9, v5;
	v1 =	vld [tilespmem:s11+$0x1370];
	[tilespmem:s10+$0x11330] =	vst v6  }
.LBB2_9:
0xcb: {  	p1 =	sne.s32 s0, $0xFE00;
	v6 =	vld [tilespmem:s11+$0x5370]  }
0xcc: {  	v7 =	vld [tilespmem:s11+$0x1300];
	[tilespmem:s10+$0x11340] =	vst v5;
	v2 =	vadd.f32 v3, v2  }
0xcd: {  	v3 =	vld [tilespmem:s11+$0x5300]  }
0xce: {  	v5 =	vld [tilespmem:s11+$0x1310];
	[tilespmem:s10+$0x11350] =	vst v2;
	v0 =	vadd.f32 v4, v0  }
0xcf: {  	v2 =	vld [tilespmem:s11+$0x5310]  }
0xd0: {  	v4 =	vld [tilespmem:s11+$0x1320];
	v1 =	vadd.f32 v6, v1;
	[tilespmem:s10+$0x11360] =	vst v0;
	s10 =	smov.u32 s11  }
0xd1: {  	v0 =	vld [tilespmem:s10+$0x5320]  }
0xd2: {  	v3 =	vadd.f32 v3, v7;
	v6 =	vld [tilespmem:s10+$0x1330];
	[tilespmem:s10+$0x11370] =	vst v1  }
0xd3: {  	v1 =	vld [tilespmem:s10+$0x5330]  }
0xd4: {  	[tilespmem:s10+$0x11300] =	vst v3;
	v2 =	vadd.f32 v2, v5;
	v5 =	vld [tilespmem:s10+$0x1340]  }
0xd5: {  	v7 =	vld [tilespmem:s10+$0x5340]  }
.Ltmp6:
0xd6: {  	[tilespmem:s10+$0x11310] =	vst v2;
	v0 =	vadd.f32 v0, v4;
	v2 =	vld [tilespmem:s10+$0x1350];
	(pc) =	sbr.rel @p1 .LBB2_9-.Ltmp6, $4  }
0xd7: {  	v3 =	vld [tilespmem:s10+$0x5350]  }
0xd8: {  	[tilespmem:s10+$0x11320] =	vst v0;
	v6 =	vadd.f32 v1, v6;
	v0 =	vld [tilespmem:s10+$0x1360]  }
0xd9: {  	s11 =	sshra.s32 s0, $0x2;
	v4 =	vld [tilespmem:s10+$0x5360]  }
0xda: {  	s0 =	sadd.s32 $0x200, s0;
	v1 =	vld [tilespmem:s11+$0x1370];
	[tilespmem:s10+$0x11330] =	vst v6;
	v5 =	vadd.f32 v7, v5  }
0xdb: {  	v6 =	vld [tilespmem:s11+$0x5370]  }
0xdc: {  	v7 =	vld [tilespmem:s11+$0x1300];
	[tilespmem:s10+$0x11340] =	vst v5;
	v2 =	vadd.f32 v3, v2  }
0xdd: {  	v51 =	vld [tilespmem:s11+$0x5300]  }
0xde: {  	v5 =	vld [tilespmem:s11+$0x1310];
	[tilespmem:s10+$0x11350] =	vst v2;
	v0 =	vadd.f32 v4, v0  }
0xdf: {  	v2 =	vld [tilespmem:s11+$0x5310]  }
0xe0: {  	v52 =	vld [tilespmem:s11+$0x1320];
	[tilespmem:s10+$0x11360] =	vst v0  }
0xe1: {  	v54 =	vld [tilespmem:s11+$0x5320]  }
0xe2: {  	v55 =	vld [tilespmem:s11+$0x1330]  }
0xe3: {  	v56 =	vld [tilespmem:s11+$0x5330]  }
0xe4: {  	v57 =	vld [tilespmem:s11+$0x1340]  }
0xe5: {  	v58 =	vld [tilespmem:s11+$0x5340]  }
0xe6: {  	v59 =	vld [tilespmem:s11+$0x1350]  }
0xe7: {  	v53 =	vadd.f32 v6, v1;
	v60 =	vld [tilespmem:s11+$0x5350]  }
0xe8: {  	v61 =	vld [tilespmem:s11+$0x1360];
	v3 =	vadd.f32 v51, v7  }
0xe9: {  	v62 =	vld [tilespmem:s11+$0x5360];
	[tilespmem:s11+$0x11370] =	vst v53;
	v2 =	vadd.f32 v2, v5  }
0xea: {  	[tilespmem:s11+$0x11300] =	vst v3;
	v1 =	vadd.f32 v54, v52  }
0xeb: {  	[tilespmem:s11+$0x11310] =	vst v2;
	v0 =	vadd.f32 v56, v55  }
0xec: {  	v3 =	vadd.f32 v58, v57;
	[tilespmem:s11+$0x11320] =	vst v1  }
0xed: {  	v63 =	vadd.f32 v60, v59;
	[tilespmem:s11+$0x11330] =	vst v0  }
0xee: {  	[tilespmem:s11+$0x11340] =	vst v3;
	v1 =	vadd.f32 v62, v61  }
0xef: {  	[tilespmem:s11+$0x11350] =	vst v63  }
0xf0: {  	[tilespmem:s11+$0x11360] =	vst v1  }
0xf1: {  	[hbm4b:s9+s2] =	stream.linear.scatter [tilespmem:s24], [sflag:$0x5], $0x4000, $0x38;
	[tilespmem:$0x19400] =	vst v63  }
0xf2: {  	_ =	swait.ge [sflag:s29], $0x4000  }
.Ltmp7:
0xf3: {  	[sflag:s29] =	ssyncset.done $0x0;
	(pc) =	sbr.rel @p0 .LBB2_14-.Ltmp7, $4  }
0xf4: {  	[sflag:s29] =	ssyncadd.s32 $0xFFFFC000  }
0xf5: {  	_ =	swait.ge [sflag:s30], $0x4000  }
0xf6: {  	[sflag:s30] =	ssyncset.done $0x0  }
0xf7: {  	[sflag:s30] =	ssyncadd.s32 $0xFFFFC000  }
0xf8: {  	s0 =	simm.s32 $0x0;
	s10 =	rddreg [dreg:$0x2];
	s11 =	simm.s32 $0x19300  }
0xf9: {  	[tilespmem:s11], [sflag:$0x7] =	stream.linear.gather [hbm4b:s10+s0], $0x80, $0x38;
	[tilespmem:$0x19400] =	vst v63  }
0xfa: {  	_ =	swait.ge [sflag:s14], $0x80  }
0xfb: {  	[sflag:s14] =	ssyncset.done $0x0  }
0xfc: {  	s12 =	simm.s32 $0x19380;
	s31 =	rddreg [dreg:$0x3];
	[sflag:s14] =	ssyncadd.s32 $0xFFFFFF80  }
0xfd: {  	[tilespmem:s12], [sflag:$0x7] =	stream.linear.gather [hbm4b:s31+s0], $0x80, $0x38;
	[tilespmem:$0x19400] =	vst v63  }
0xfe: {  	_ =	swait.ge [sflag:s14], $0x80  }
0xff: {  	[sflag:s14] =	ssyncset.done $0x0  }
0x100: {  	[sflag:s14] =	ssyncadd.s32 $0xFFFFFF80  }
0x101: {  	[tilespmem:s17], [sflag:$0x1] =	stream.indirect.gather [hbm4b:s3+s16], $0x80, s11, s16, $0xb8;
	[tilespmem:$0x19400] =	vst v63  }
0x102: {  	_ = 	snop  }
0x103: {  	[tilespmem:s18], [sflag:$0x2] =	stream.indirect.gather [hbm4b:s3+s16], $0x80, s12, s16, $0xb8;
	[tilespmem:$0x19400] =	vst v63  }
0x104: {  	_ =	swait.ge [sflag:s22], $0x4000  }
0x105: {  	[sflag:s22] =	ssyncset.done $0x0  }
0x106: {  	[sflag:s22] =	ssyncadd.s32 $0xFFFFC000  }
0x107: {  	_ =	swait.ge [sflag:s23], $0x4000  }
0x108: {  	[sflag:s23] =	ssyncset.done $0x0  }
0x109: {  	s10 =	simm.s32 $0x0;
	[sflag:s23] =	ssyncadd.s32 $0xFFFFC000  }
0x10a: {  	v0 =	vld [tilespmem:s10+$0x1370]  }
0x10b: {  	v1 =	vld [tilespmem:s10+$0x5370]  }
0x10c: {  	v2 =	vld [tilespmem:s10+$0x1300]  }
0x10d: {  	v3 =	vld [tilespmem:s10+$0x5300]  }
0x10e: {  	v4 =	vld [tilespmem:s10+$0x1310]  }
0x10f: {  	v5 =	vld [tilespmem:s10+$0x5310]  }
0x110: {  	v6 =	vld [tilespmem:s10+$0x1320]  }
0x111: {  	v7 =	vld [tilespmem:s10+$0x1330]  }
0x112: {  	v0 =	vadd.f32 v1, v0;
	v1 =	vld [tilespmem:s10+$0x5320]  }
0x113: {  	v8 =	vld [tilespmem:s10+$0x5330]  }
0x114: {  	v9 =	vld [tilespmem:s10+$0x5340];
	v2 =	vadd.f32 v3, v2  }
0x115: {  	[tilespmem:s10+$0x11370] =	vst v0;
	v0 =	vadd.f32 v5, v4;
	v5 =	vld [tilespmem:s10+$0x1340]  }
0x116: {  	v3 =	vld [tilespmem:s10+$0x5350];
	[tilespmem:s10+$0x11300] =	vst v2  }
0x117: {  	v2 =	vld [tilespmem:s10+$0x1350];
	[tilespmem:s10+$0x11310] =	vst v0;
	v0 =	vadd.f32 v1, v6  }
0x118: {  	v4 =	vld [tilespmem:s10+$0x5360];
	v6 =	vadd.f32 v8, v7  }
0x119: {  	s11 =	simm.s32 $0x80;
	[tilespmem:s10+$0x11320] =	vst v0;
	v0 =	vld [tilespmem:s10+$0x1360]  }
0x11a: {  	s0 =	simm.s32 $0x400;
	v5 =	vadd.f32 v9, v5;
	v1 =	vld [tilespmem:s11+$0x1370];
	[tilespmem:s10+$0x11330] =	vst v6  }
.LBB2_12:
0x11b: {  	p1 =	sne.s32 s0, $0xFE00;
	v6 =	vld [tilespmem:s11+$0x5370]  }
0x11c: {  	v7 =	vld [tilespmem:s11+$0x1300];
	[tilespmem:s10+$0x11340] =	vst v5;
	v2 =	vadd.f32 v3, v2  }
0x11d: {  	v3 =	vld [tilespmem:s11+$0x5300]  }
0x11e: {  	v5 =	vld [tilespmem:s11+$0x1310];
	[tilespmem:s10+$0x11350] =	vst v2;
	v0 =	vadd.f32 v4, v0  }
0x11f: {  	v2 =	vld [tilespmem:s11+$0x5310]  }
0x120: {  	v4 =	vld [tilespmem:s11+$0x1320];
	v1 =	vadd.f32 v6, v1;
	[tilespmem:s10+$0x11360] =	vst v0;
	s10 =	smov.u32 s11  }
0x121: {  	v0 =	vld [tilespmem:s10+$0x5320]  }
0x122: {  	v3 =	vadd.f32 v3, v7;
	v6 =	vld [tilespmem:s10+$0x1330];
	[tilespmem:s10+$0x11370] =	vst v1  }
0x123: {  	v1 =	vld [tilespmem:s10+$0x5330]  }
0x124: {  	[tilespmem:s10+$0x11300] =	vst v3;
	v2 =	vadd.f32 v2, v5;
	v5 =	vld [tilespmem:s10+$0x1340]  }
0x125: {  	v7 =	vld [tilespmem:s10+$0x5340]  }
.Ltmp8:
0x126: {  	[tilespmem:s10+$0x11310] =	vst v2;
	v0 =	vadd.f32 v0, v4;
	v2 =	vld [tilespmem:s10+$0x1350];
	(pc) =	sbr.rel @p1 .LBB2_12-.Ltmp8, $4  }
0x127: {  	v3 =	vld [tilespmem:s10+$0x5350]  }
0x128: {  	[tilespmem:s10+$0x11320] =	vst v0;
	v6 =	vadd.f32 v1, v6;
	v0 =	vld [tilespmem:s10+$0x1360]  }
0x129: {  	s11 =	sshra.s32 s0, $0x2;
	v4 =	vld [tilespmem:s10+$0x5360]  }
0x12a: {  	s0 =	sadd.s32 $0x200, s0;
	v1 =	vld [tilespmem:s11+$0x1370];
	[tilespmem:s10+$0x11330] =	vst v6;
	v5 =	vadd.f32 v7, v5  }
0x12b: {  	v6 =	vld [tilespmem:s11+$0x5370]  }
0x12c: {  	v7 =	vld [tilespmem:s11+$0x1300];
	[tilespmem:s10+$0x11340] =	vst v5;
	v2 =	vadd.f32 v3, v2  }
0x12d: {  	v51 =	vld [tilespmem:s11+$0x5300]  }
0x12e: {  	v5 =	vld [tilespmem:s11+$0x1310];
	[tilespmem:s10+$0x11350] =	vst v2;
	v0 =	vadd.f32 v4, v0  }
0x12f: {  	v2 =	vld [tilespmem:s11+$0x5310]  }
0x130: {  	v52 =	vld [tilespmem:s11+$0x1320];
	[tilespmem:s10+$0x11360] =	vst v0  }
0x131: {  	v54 =	vld [tilespmem:s11+$0x5320]  }
0x132: {  	v55 =	vld [tilespmem:s11+$0x1330]  }
0x133: {  	v56 =	vld [tilespmem:s11+$0x5330]  }
0x134: {  	v57 =	vld [tilespmem:s11+$0x1340]  }
0x135: {  	v58 =	vld [tilespmem:s11+$0x5340]  }
0x136: {  	v59 =	vld [tilespmem:s11+$0x1350]  }
0x137: {  	v53 =	vadd.f32 v6, v1;
	v60 =	vld [tilespmem:s11+$0x5350]  }
0x138: {  	v61 =	vld [tilespmem:s11+$0x1360];
	v3 =	vadd.f32 v51, v7  }
0x139: {  	v62 =	vld [tilespmem:s11+$0x5360];
	[tilespmem:s11+$0x11370] =	vst v53;
	v2 =	vadd.f32 v2, v5  }
0x13a: {  	[tilespmem:s11+$0x11300] =	vst v3;
	v1 =	vadd.f32 v54, v52  }
0x13b: {  	[tilespmem:s11+$0x11310] =	vst v2;
	v0 =	vadd.f32 v56, v55  }
0x13c: {  	v3 =	vadd.f32 v58, v57;
	[tilespmem:s11+$0x11320] =	vst v1  }
0x13d: {  	v63 =	vadd.f32 v60, v59;
	[tilespmem:s11+$0x11330] =	vst v0  }
0x13e: {  	[tilespmem:s11+$0x11340] =	vst v3;
	v1 =	vadd.f32 v62, v61  }
0x13f: {  	[tilespmem:s11+$0x11350] =	vst v63  }
.Ltmp9:
0x140: {  	s0 =	rddreg [dreg:$0x4];
	[tilespmem:s11+$0x11360] =	vst v1;
	(pc) =	sbr.rel .LBB2_14-.Ltmp9, $4  }
0x141: {  	[hbm4b:s0+s2] =	stream.linear.scatter [tilespmem:s24], [sflag:$0x7], $0x4000, $0x38;
	[tilespmem:$0x19400] =	vst v63  }
0x142: {  	_ =	swait.ge [sflag:s14], $0x4000  }
0x143: {  	[sflag:s14] =	ssyncset.done $0x0  }
0x144: {  	[sflag:s14] =	ssyncadd.s32 $0xFFFFC000  }
.LBB2_15:
0x145: {  	_ =	sfence.sel $0x180000  }
0x146: {  	[bflag:$0x0] =	sbarrier.arrive $0xFFFF  }
0x147: {  	_ =	strace $0x90000050  }
0x148: {  	s0 =	stileid.u32;
	[bflag:$0x2] =	sbarrier.arrive $0xFFFF  }
0x149: {  	p0 =	sne.s32 s0, $0x0;
	s0 =	rddreg [dreg:$0x1]  }
0x14a: {  	s0 =	sadd.s32 @!p0 $0x100000, s0  }
0x14b: {  	[sflag:s0] =	ssyncadd.tile.s32 @!p0 $0x1;
	_ =	shalt  }
.Lfunc_end2:
_tile_overlayer_lowered:
.L_overlay_start_2:
0x14c: {  	(tag) =	ssettag $0x2  }
0x14d: {  	s0 =	rddreg [dreg:$0x0];
	s2 =	stileid.u32  }
0x14e: {  	s1 =	rddreg [dreg:$0x1];
	p0 =	sne.s32 s2, $0x0  }
0x14f: {  	s3 =	rddreg [dreg:$0x2];
	[bflag:$0x3] =	sbarrier.arrive $0xFFFF;
	s2 =	simm.s32 @!p0 $0x1C07  }
0x150: {  	[timem:s3], [sflag:s2] =	dma.local @!p0 [hbm:s0], s1  }
0x151: {  	s0 =	simm.s32 @!p0 $0x7  }
0x152: {  	_ =	swait.ge @!p0 [sflag:s0], s1  }
0x153: {  	s1 =	ssub.s32 @!p0 $0x0, s1;
	[sflag:s0] =	ssyncset.done @!p0 $0x0  }
0x154: {  	[sflag:s0] =	ssyncadd.s32 @!p0 s1  }
0x155: {  	[bflag:$0x3] =	sbarrier.arrive $0xFFFF  }
0x156: {  	_ =	shalt  }

</sc_bundles>
